<compile_context>
chip_gen: v7x
topology: tpu7x:2x2x1
jax: 0.10.2.dev20260603
libtpu: 0.0.44.dev20260713+nightly
codegen_flags: <defaults>
</compile_context>

<pallas_src>
import functools

import jax
import jax.numpy as jnp
from jax import lax
from jax.experimental import pallas as pl
from jax.experimental.pallas import tpu as pltpu
from jax.experimental.pallas import tpu_sc as plsc

NC = 2
NS = 16
NW = NC * NS
CH = 80


def _lin_body(x_ref, w_ref, b_ref, h_ref, hn_ref):
    h = lax.dot_general(x_ref[...], w_ref[...],
                        (((1,), (1,)), ((), ())),
                        preferred_element_type=jnp.float32) + b_ref[...]
    h_ref[...] = h
    norm = jnp.sqrt(jnp.sum(h * h, axis=1, keepdims=True))
    hn_ref[...] = h / jnp.maximum(norm, 1e-12)


def _linear_norm(x, W1, b1):
    n, d = x.shape
    br = 1000
    return pl.pallas_call(
        _lin_body,
        grid=(n // br,),
        in_specs=[pl.BlockSpec((br, d), lambda i: (i, 0)),
                  pl.BlockSpec((d, d), lambda i: (0, 0)),
                  pl.BlockSpec((1, d), lambda i: (0, 0))],
        out_specs=[pl.BlockSpec((br, d), lambda i: (i, 0)),
                   pl.BlockSpec((br, d), lambda i: (i, 0))],
        out_shape=[jax.ShapeDtypeStruct((n, d), jnp.float32)] * 2,
    )(x, W1, b1.reshape(1, d))


def _merge_norm_body(num_ref, den0_ref, den1_ref, h_ref, hn_ref):
    numer = num_ref[0] + num_ref[1]
    den = den0_ref[...] + den1_ref[...]
    out = numer / (den + 1e-16)
    h_ref[...] = out
    norm = jnp.sqrt(jnp.sum(out * out, axis=1, keepdims=True))
    hn_ref[...] = out / jnp.maximum(norm, 1e-12)


def _merge_norm(num, den0, den1, n):
    d = num.shape[2]
    br = 1000
    return pl.pallas_call(
        _merge_norm_body,
        grid=(n // br,),
        in_specs=[pl.BlockSpec((NC, br, d), lambda i: (0, i, 0)),
                  pl.BlockSpec((br, 1), lambda i: (i, 0)),
                  pl.BlockSpec((br, 1), lambda i: (i, 0))],
        out_specs=[pl.BlockSpec((br, d), lambda i: (i, 0)),
                   pl.BlockSpec((br, d), lambda i: (i, 0))],
        out_shape=[jax.ShapeDtypeStruct((n, d), jnp.float32)] * 2,
    )(num, den0, den1)


def _merge_lsm_body(num_ref, den0_ref, den1_ref, o_ref):
    numer = num_ref[0] + num_ref[1]
    den = den0_ref[...] + den1_ref[...]
    h = numer / (den + 1e-16)
    m = jnp.max(h, axis=1, keepdims=True)
    ex = jnp.exp(h - m)
    lse = jnp.log(jnp.sum(ex, axis=1, keepdims=True))
    o_ref[...] = h - m - lse


def _merge_lsm(num, den0, den1, n):
    d = num.shape[2]
    br = 1000
    return pl.pallas_call(
        _merge_lsm_body,
        grid=(n // br,),
        in_specs=[pl.BlockSpec((NC, br, d), lambda i: (0, i, 0)),
                  pl.BlockSpec((br, 1), lambda i: (i, 0)),
                  pl.BlockSpec((br, 1), lambda i: (i, 0))],
        out_specs=pl.BlockSpec((br, d), lambda i: (i, 0)),
        out_shape=jax.ShapeDtypeStruct((n, d), jnp.float32),
    )(num, den0, den1)


def _sc_conv(h, hn, src, dst, beta16, n_pad):
    n, d = h.shape
    e = src.shape[0]
    per_w = e // NW
    n_chunks = per_w // CH
    rows_t = n_pad // NS
    mesh = plsc.VectorSubcoreMesh(core_axis_name="c", subcore_axis_name="s",
                                  num_cores=NC, num_subcores=NS)

    @functools.partial(
        pl.kernel,
        out_type=(jax.ShapeDtypeStruct((NC, n_pad, d), jnp.float32),
                  jax.ShapeDtypeStruct((n_pad,), jnp.float32),
                  jax.ShapeDtypeStruct((n_pad,), jnp.float32)),
        mesh=mesh,
        compiler_params=pltpu.CompilerParams(needs_layout_passes=False),
        scratch_types=[
            pltpu.VMEM((CH,), jnp.int32),
            pltpu.VMEM((CH,), jnp.int32),
            pltpu.VMEM((CH, d), jnp.float32),
            pltpu.VMEM((CH, d), jnp.float32),
            pltpu.VMEM((CH, d), jnp.float32),
            pltpu.VMEM((CH * 16,), jnp.float32),
            pltpu.VMEM((CH,), jnp.float32),
            pltpu.VMEM((n_pad // NS,), jnp.float32),
            pltpu.VMEM((16,), jnp.float32),
            pltpu.VMEM_SHARED((n_pad, d), jnp.float32),
            pltpu.VMEM_SHARED((n_pad,), jnp.float32),
            pltpu.SemaphoreType.DMA,
            pltpu.SemaphoreType.DMA,
            pltpu.SemaphoreType.DMA,
        ],
    )
    def conv(h_hbm, hn_hbm, src_hbm, dst_hbm, beta_hbm,
             num_hbm, den0_hbm, den1_hbm,
             src_v, dst_v, a_rows, b_rows, h_rows, pb, ew, dzb, beta_v,
             num_sh, den_sh, sem1, sem2, sem3):
        cid = lax.axis_index("c")
        sid = lax.axis_index("s")
        wid = sid * NC + cid
        lanes = lax.iota(jnp.int32, 16)
        zeros16f = jnp.zeros((16,), jnp.float32)

        pltpu.sync_copy(beta_hbm, beta_v)

        @pl.loop(0, CH)
        def _z0(i):
            for k in range(d // 16):
                a_rows[i, pl.ds(16 * k, 16)] = zeros16f

        @pl.loop(0, rows_t // 16)
        def _z0b(i):
            dzb[pl.ds(i * 16, 16)] = zeros16f

        pltpu.sync_copy(dzb, den_sh.at[pl.ds(sid * rows_t, rows_t)])

        @pl.loop(0, rows_t // CH)
        def _z1(i):
            base = sid * rows_t + i * CH
            pltpu.sync_copy(a_rows, num_sh.at[pl.ds(base, CH)])

        plsc.subcore_barrier()

        @pl.loop(0, n_chunks)
        def _chunk(ci):
            base = wid * per_w + ci * CH
            pltpu.sync_copy(src_hbm.at[pl.ds(base, CH)], src_v)
            pltpu.sync_copy(dst_hbm.at[pl.ds(base, CH)], dst_v)
            cp1 = pltpu.async_copy(hn_hbm.at[dst_v], a_rows, sem1)
            cp2 = pltpu.async_copy(hn_hbm.at[src_v], b_rows, sem2)
            cp3 = pltpu.async_copy(h_hbm.at[src_v], h_rows, sem3)
            cp1.wait()
            cp2.wait()

            @pl.loop(0, CH)
            def _dot(i):
                acc = a_rows[i, pl.ds(0, 16)] * b_rows[i, pl.ds(0, 16)]
                for k in range(1, d // 16):
                    acc = acc + (a_rows[i, pl.ds(16 * k, 16)]
                                 * b_rows[i, pl.ds(16 * k, 16)])
                pb[pl.ds(i * 16, 16)] = acc

            cp3.wait()

            @pl.loop(0, CH // 16)
            def _red(g):
                rowbase = (g * 16 + lanes) * 16
                t = plsc.load_gather(pb, [rowbase])
                for c in range(1, 16):
                    t = t + plsc.load_gather(pb, [rowbase + c])
                e16 = jnp.exp(t * beta_v[...])
                ew[pl.ds(g * 16, 16)] = e16
                for j in range(16):
                    w = e16[j]
                    row = g * 16 + j
                    for k in range(d // 16):
                        h_rows[row, pl.ds(16 * k, 16)] = (
                            h_rows[row, pl.ds(16 * k, 16)] * w)

            pltpu.sync_copy(h_rows, num_sh.at[dst_v], add=True)
            pltpu.sync_copy(ew, den_sh.at[dst_v], add=True)

        plsc.subcore_barrier()

        @pl.loop(0, rows_t // CH)
        def _out(i):
            base = sid * rows_t + i * CH
            pltpu.sync_copy(num_sh.at[pl.ds(base, CH)], a_rows)
            pltpu.sync_copy(a_rows, num_hbm.at[cid, pl.ds(base, CH)])

        pltpu.sync_copy(den_sh.at[pl.ds(sid * rows_t, rows_t)], dzb)

        @pl.when(cid == 0)
        def _d0():
            pltpu.sync_copy(dzb, den0_hbm.at[pl.ds(sid * rows_t, rows_t)])

        @pl.when(cid == 1)
        def _d1():
            pltpu.sync_copy(dzb, den1_hbm.at[pl.ds(sid * rows_t, rows_t)])

    return conv(h, hn, src, dst, beta16)


def kernel(x, edge_index, W1, b1, beta2):
    n, d = x.shape
    n_pad = ((n + NS * CH - 1) // (NS * CH)) * (NS * CH)
    src = edge_index[0]
    dst = edge_index[1]

    h, hn = _linear_norm(x, W1, b1)
    one16 = jnp.ones((16,), jnp.float32)
    beta16 = jnp.broadcast_to(beta2.astype(jnp.float32), (16,))

    num1, den1a, den1b = _sc_conv(h, hn, src, dst, one16, n_pad)
    h1, hn1 = _merge_norm(num1, den1a.reshape(n_pad, 1),
                          den1b.reshape(n_pad, 1), n)
    num2, den2a, den2b = _sc_conv(h1, hn1, src, dst, beta16, n_pad)
    return _merge_lsm(num2, den2a.reshape(n_pad, 1),
                      den2b.reshape(n_pad, 1), n)

# --- scband reference (transcript-rebuilt; emitter-appended) ---
"""Pipeline reference for scband-agnnnet-6356551598697 (READ-ONLY COPY).

The authoritative reference and input builder live on the scoring server;
editing this copy changes nothing except your own understanding.
"""

import jax, jax.numpy as jnp
import numpy as np

N = 10000
E = 320000
D = 128
H = 128


def setup_inputs(seed: int = 0) -> dict:
    key = jax.random.key(seed)
    k1, k2, k3, k4 = jax.random.split(key, 4)
    x = jax.random.normal(k1, (N, D), dtype=jnp.float32)
    edge_index = jax.random.randint(k2, (2, E), 0, N, dtype=jnp.int32)
    # lin1: Linear(num_features=128 -> width[0]=128)
    W1 = jax.random.normal(k3, (H, D), dtype=jnp.float32) * 0.05
    b1 = jax.random.normal(k4, (H,), dtype=jnp.float32) * 0.05
    # prop1 beta is fixed (requires_grad=False, value 1.0); prop2 beta learnable, init 1.0
    beta2 = jnp.array(1.0, dtype=jnp.float32)
    return {"x": x, "edge_index": edge_index, "W1": W1, "b1": b1, "beta2": beta2}


def _agnn_conv(x, src, dst, beta, num_nodes):
    # L2-normalize rows (F.normalize p=2, eps=1e-12)
    norm = jnp.sqrt(jnp.sum(x * x, axis=1, keepdims=True))
    xn = x / jnp.maximum(norm, 1e-12)
    # attention logits per edge: beta * <x_norm_i, x_norm_j>
    logits = beta * jnp.sum(xn[dst] * xn[src], axis=-1)
    # segment softmax over destination nodes
    m = jax.ops.segment_max(logits, dst, num_segments=num_nodes)
    m = jax.lax.stop_gradient(m)
    e = jnp.exp(logits - m[dst])
    denom = jax.ops.segment_sum(e, dst, num_segments=num_nodes)
    alpha = e / (denom[dst] + 1e-16)
    # out_i = sum_j alpha_ij * x_j
    return jax.ops.segment_sum(alpha[:, None] * x[src], dst, num_segments=num_nodes)


def reference(x, edge_index, W1, b1, beta2):
    # eval mode: dropout is identity
    src = edge_index[0]
    dst = edge_index[1]
    n = x.shape[0]
    h = x @ W1.T + b1
    h = _agnn_conv(h, src, dst, jnp.float32(1.0), n)  # prop1, beta fixed = 1
    h = _agnn_conv(h, src, dst, beta2, n)             # prop2, learnable beta
    # self.layers was reset to an empty ModuleList, so the hidden loop is skipped
    return jax.nn.log_softmax(h, axis=1)

if __name__ == "__main__":
    import jax
    _d = setup_inputs()
    print(jax.jit(kernel)(*tuple(_d.values())))

</pallas_src>

<mosaic_0001>
#map = affine_map<(d0, d1) -> (0, 0)>
#map1 = affine_map<(d0, d1) -> (0)>
#map2 = affine_map<(d0, d1) -> (0, 0, 0)>
module attributes {stable_mosaic.version = 14 : i64} {
  func.func @conv(%arg0: i32, %arg1: i32, %arg2: memref<10000x128xf32, #tpu.memory_space<hbm>>, %arg3: memref<10000x128xf32, #tpu.memory_space<hbm>>, %arg4: memref<320000xi32, #tpu.memory_space<hbm>>, %arg5: memref<320000xi32, #tpu.memory_space<hbm>>, %arg6: memref<16xf32, #tpu.memory_space<hbm>>, %arg7: memref<2x10240x128xf32, #tpu.memory_space<hbm>>, %arg8: memref<10240xf32, #tpu.memory_space<hbm>>, %arg9: memref<10240xf32, #tpu.memory_space<hbm>>, %arg10: memref<80xi32, #tpu.memory_space<vmem>>, %arg11: memref<80xi32, #tpu.memory_space<vmem>>, %arg12: memref<80x128xf32, #tpu.memory_space<vmem>>, %arg13: memref<80x128xf32, #tpu.memory_space<vmem>>, %arg14: memref<80x128xf32, #tpu.memory_space<vmem>>, %arg15: memref<1280xf32, #tpu.memory_space<vmem>>, %arg16: memref<80xf32, #tpu.memory_space<vmem>>, %arg17: memref<640xf32, #tpu.memory_space<vmem>>, %arg18: memref<16xf32, #tpu.memory_space<vmem>>, %arg19: memref<10240x128xf32, #tpu.memory_space<vmem_shared>>, %arg20: memref<10240xf32, #tpu.memory_space<vmem_shared>>, %arg21: memref<!tpu.dma_semaphore, #tpu.memory_space<semaphore_mem>>, %arg22: memref<!tpu.dma_semaphore, #tpu.memory_space<semaphore_mem>>, %arg23: memref<!tpu.dma_semaphore, #tpu.memory_space<semaphore_mem>>) attributes {dimension_semantics = [#tpu.dimension_semantics<core_parallel>, #tpu.dimension_semantics<subcore_parallel>], iteration_bounds = array<i64: 2, 16>, scalar_prefetch = 0 : i64, scratch_operands = 14 : i64, tpu.core_type = #tpu.core_type<sc_vector_subcore>, window_params = [{transform_indices = #map}, {transform_indices = #map}, {transform_indices = #map1}, {transform_indices = #map1}, {transform_indices = #map1}, {transform_indices = #map2}, {transform_indices = #map1}, {transform_indices = #map1}]} {
    %mul3A = arith.constant 2 : i32
    %mul3A_0 = arith.muli %arg1, %mul3A : i32
    %add3A = arith.addi %mul3A_0, %arg0 : i32
    %iota3A = tpu.iota {dimensions = array<i32: 0>} : vector<16xi32>
    %broadcast_in_dim3A = arith.constant 0.000000e+00 : f32
    %broadcast_in_dim3A_1 = vector.broadcast %broadcast_in_dim3A : f32 to vector<16xf32>
    "tpu.region"() ({
      %run_scoped3A = tpu.sem_alloc : memref<!tpu.dma_semaphore, #tpu.memory_space<semaphore_mem>>
      tpu.enqueue_dma source(%arg6 : memref<16xf32, #tpu.memory_space<hbm>>) target(%arg18 : memref<16xf32, #tpu.memory_space<vmem>>) target_semaphore(%run_scoped3A : memref<!tpu.dma_semaphore, #tpu.memory_space<semaphore_mem>>)
      tpu.wait_dma2 semaphore(%run_scoped3A : memref<!tpu.dma_semaphore, #tpu.memory_space<semaphore_mem>>) src(%arg6 : memref<16xf32, #tpu.memory_space<hbm>>) dst(%arg18 : memref<16xf32, #tpu.memory_space<vmem>>)
      tpu.yield
    }) : () -> ()
    %scan3A = arith.constant 0 : i32
    %scan3A_2 = arith.constant 80 : i32
    %scan3A_3 = arith.addi %scan3A, %scan3A_2 : i32
    %scan3A_4 = arith.constant 1 : i32
    scf.for %scan3A_38 = %scan3A to %scan3A_3 step %scan3A_4  : i32 {
      %mul3A_39 = arith.constant 1 : i32
      %mul3A_40 = arith.muli %scan3A_38, %mul3A_39 : i32
      %add3A_41 = arith.constant 0 : i32
      %add3A_42 = arith.addi %add3A_41, %mul3A_40 : i32
      %swap3A = arith.index_cast %add3A_42 : i32 to index
      %swap3A_43 = arith.constant 0 : index
      %swap3A_44 = tpu.vector_load %arg12[%swap3A, %swap3A_43] {strides = array<i32>} : memref<80x128xf32, #tpu.memory_space<vmem>>, vector<16xf32>,
      tpu.vector_store %arg12[%swap3A, %swap3A_43], %broadcast_in_dim3A_1 {strides = array<i32>} : memref<80x128xf32, #tpu.memory_space<vmem>>, vector<16xf32>,
      %swap3A_45 = arith.index_cast %add3A_42 : i32 to index
      %swap3A_46 = arith.constant 16 : index
      %swap3A_47 = tpu.vector_load %arg12[%swap3A_45, %swap3A_46] {strides = array<i32>} : memref<80x128xf32, #tpu.memory_space<vmem>>, vector<16xf32>,
      tpu.vector_store %arg12[%swap3A_45, %swap3A_46], %broadcast_in_dim3A_1 {strides = array<i32>} : memref<80x128xf32, #tpu.memory_space<vmem>>, vector<16xf32>,
      %swap3A_48 = arith.index_cast %add3A_42 : i32 to index
      %swap3A_49 = arith.constant 32 : index
      %swap3A_50 = tpu.vector_load %arg12[%swap3A_48, %swap3A_49] {strides = array<i32>} : memref<80x128xf32, #tpu.memory_space<vmem>>, vector<16xf32>,
      tpu.vector_store %arg12[%swap3A_48, %swap3A_49], %broadcast_in_dim3A_1 {strides = array<i32>} : memref<80x128xf32, #tpu.memory_space<vmem>>, vector<16xf32>,
      %swap3A_51 = arith.index_cast %add3A_42 : i32 to index
      %swap3A_52 = arith.constant 48 : index
      %swap3A_53 = tpu.vector_load %arg12[%swap3A_51, %swap3A_52] {strides = array<i32>} : memref<80x128xf32, #tpu.memory_space<vmem>>, vector<16xf32>,
      tpu.vector_store %arg12[%swap3A_51, %swap3A_52], %broadcast_in_dim3A_1 {strides = array<i32>} : memref<80x128xf32, #tpu.memory_space<vmem>>, vector<16xf32>,
      %swap3A_54 = arith.index_cast %add3A_42 : i32 to index
      %swap3A_55 = arith.constant 64 : index
      %swap3A_56 = tpu.vector_load %arg12[%swap3A_54, %swap3A_55] {strides = array<i32>} : memref<80x128xf32, #tpu.memory_space<vmem>>, vector<16xf32>,
      tpu.vector_store %arg12[%swap3A_54, %swap3A_55], %broadcast_in_dim3A_1 {strides = array<i32>} : memref<80x128xf32, #tpu.memory_space<vmem>>, vector<16xf32>,
      %swap3A_57 = arith.index_cast %add3A_42 : i32 to index
      %swap3A_58 = arith.constant 80 : index
      %swap3A_59 = tpu.vector_load %arg12[%swap3A_57, %swap3A_58] {strides = array<i32>} : memref<80x128xf32, #tpu.memory_space<vmem>>, vector<16xf32>,
      tpu.vector_store %arg12[%swap3A_57, %swap3A_58], %broadcast_in_dim3A_1 {strides = array<i32>} : memref<80x128xf32, #tpu.memory_space<vmem>>, vector<16xf32>,
      %swap3A_60 = arith.index_cast %add3A_42 : i32 to index
      %swap3A_61 = arith.constant 96 : index
      %swap3A_62 = tpu.vector_load %arg12[%swap3A_60, %swap3A_61] {strides = array<i32>} : memref<80x128xf32, #tpu.memory_space<vmem>>, vector<16xf32>,
      tpu.vector_store %arg12[%swap3A_60, %swap3A_61], %broadcast_in_dim3A_1 {strides = array<i32>} : memref<80x128xf32, #tpu.memory_space<vmem>>, vector<16xf32>,
      %swap3A_63 = arith.index_cast %add3A_42 : i32 to index
      %swap3A_64 = arith.constant 112 : index
      %swap3A_65 = tpu.vector_load %arg12[%swap3A_63, %swap3A_64] {strides = array<i32>} : memref<80x128xf32, #tpu.memory_space<vmem>>, vector<16xf32>,
      tpu.vector_store %arg12[%swap3A_63, %swap3A_64], %broadcast_in_dim3A_1 {strides = array<i32>} : memref<80x128xf32, #tpu.memory_space<vmem>>, vector<16xf32>,
    }
    %scan3A_5 = arith.constant 80 : i32
    %scan3A_6 = arith.constant 0 : i32
    %scan3A_7 = arith.constant 40 : i32
    %scan3A_8 = arith.addi %scan3A_6, %scan3A_7 : i32
    %scan3A_9 = arith.constant 1 : i32
    scf.for %scan3A_38 = %scan3A_6 to %scan3A_8 step %scan3A_9  : i32 {
      %mul3A_39 = arith.constant 1 : i32
      %mul3A_40 = arith.muli %scan3A_38, %mul3A_39 : i32
      %add3A_41 = arith.constant 0 : i32
      %add3A_42 = arith.addi %add3A_41, %mul3A_40 : i32
      %mul3A_43 = arith.constant 16 : i32
      %mul3A_44 = arith.muli %add3A_42, %mul3A_43 : i32
      %swap3A = arith.index_cast %mul3A_44 : i32 to index
      %swap3A_45 = tpu.vector_load %arg17[%swap3A] {strides = array<i32>} : memref<640xf32, #tpu.memory_space<vmem>>, vector<16xf32>,
      tpu.vector_store %arg17[%swap3A], %broadcast_in_dim3A_1 {strides = array<i32>} : memref<640xf32, #tpu.memory_space<vmem>>, vector<16xf32>,
    }
    %scan3A_10 = arith.constant 40 : i32
    %mul3A_11 = arith.constant 640 : i32
    %mul3A_12 = arith.muli %arg1, %mul3A_11 : i32
    "tpu.region"() ({
      %run_scoped3A = tpu.sem_alloc : memref<!tpu.dma_semaphore, #tpu.memory_space<semaphore_mem>>
      %dma_start3A = tpu.memref_slice %arg20[%mul3A_12] : memref<10240xf32, #tpu.memory_space<vmem_shared>> -> memref<640xf32, #tpu.memory_space<vmem_shared>>
      %dma_start3A_38 = tpu.memref_slice %arg20[%mul3A_12] : memref<10240xf32, #tpu.memory_space<vmem_shared>> -> memref<640xf32, #tpu.memory_space<vmem_shared>>
      tpu.enqueue_dma source(%arg17 : memref<640xf32, #tpu.memory_space<vmem>>) target(%dma_start3A_38 : memref<640xf32, #tpu.memory_space<vmem_shared>>) target_semaphore(%run_scoped3A : memref<!tpu.dma_semaphore, #tpu.memory_space<semaphore_mem>>)
      %dma_wait3A = tpu.memref_slice %arg20[%mul3A_12] : memref<10240xf32, #tpu.memory_space<vmem_shared>> -> memref<640xf32, #tpu.memory_space<vmem_shared>>
      %dma_wait3A_39 = tpu.memref_slice %arg20[%mul3A_12] : memref<10240xf32, #tpu.memory_space<vmem_shared>> -> memref<640xf32, #tpu.memory_space<vmem_shared>>
      tpu.wait_dma2 semaphore(%run_scoped3A : memref<!tpu.dma_semaphore, #tpu.memory_space<semaphore_mem>>) src(%arg17 : memref<640xf32, #tpu.memory_space<vmem>>) dst(%dma_wait3A_39 : memref<640xf32, #tpu.memory_space<vmem_shared>>)
      tpu.yield
    }) : () -> ()
    %scan3A_13 = arith.constant 0 : i32
    %scan3A_14 = arith.constant 8 : i32
    %scan3A_15 = arith.addi %scan3A_13, %scan3A_14 : i32
    %scan3A_16 = arith.constant 1 : i32
    scf.for %scan3A_38 = %scan3A_13 to %scan3A_15 step %scan3A_16  : i32 {
      %mul3A_39 = arith.constant 1 : i32
      %mul3A_40 = arith.muli %scan3A_38, %mul3A_39 : i32
      %add3A_41 = arith.constant 0 : i32
      %add3A_42 = arith.addi %add3A_41, %mul3A_40 : i32
      %mul3A_43 = arith.constant 640 : i32
      %mul3A_44 = arith.muli %arg1, %mul3A_43 : i32
      %mul3A_45 = arith.constant 80 : i32
      %mul3A_46 = arith.muli %add3A_42, %mul3A_45 : i32
      %add3A_47 = arith.addi %mul3A_44, %mul3A_46 : i32
      "tpu.region"() ({
        %run_scoped3A = tpu.sem_alloc : memref<!tpu.dma_semaphore, #tpu.memory_space<semaphore_mem>>
        %dma_start3A = arith.constant 0 : i32
        %dma_start3A_48 = tpu.memref_slice %arg19[%add3A_47, %dma_start3A] : memref<10240x128xf32, #tpu.memory_space<vmem_shared>> -> memref<80x128xf32, #tpu.memory_space<vmem_shared>>
        %dma_start3A_49 = arith.constant 0 : i32
        %dma_start3A_50 = tpu.memref_slice %arg19[%add3A_47, %dma_start3A_49] : memref<10240x128xf32, #tpu.memory_space<vmem_shared>> -> memref<80x128xf32, #tpu.memory_space<vmem_shared>>
        tpu.enqueue_dma source(%arg12 : memref<80x128xf32, #tpu.memory_space<vmem>>) target(%dma_start3A_50 : memref<80x128xf32, #tpu.memory_space<vmem_shared>>) target_semaphore(%run_scoped3A : memref<!tpu.dma_semaphore, #tpu.memory_space<semaphore_mem>>)
        %dma_wait3A = arith.constant 0 : i32
        %dma_wait3A_51 = tpu.memref_slice %arg19[%add3A_47, %dma_wait3A] : memref<10240x128xf32, #tpu.memory_space<vmem_shared>> -> memref<80x128xf32, #tpu.memory_space<vmem_shared>>
        %dma_wait3A_52 = arith.constant 0 : i32
        %dma_wait3A_53 = tpu.memref_slice %arg19[%add3A_47, %dma_wait3A_52] : memref<10240x128xf32, #tpu.memory_space<vmem_shared>> -> memref<80x128xf32, #tpu.memory_space<vmem_shared>>
        tpu.wait_dma2 semaphore(%run_scoped3A : memref<!tpu.dma_semaphore, #tpu.memory_space<semaphore_mem>>) src(%arg12 : memref<80x128xf32, #tpu.memory_space<vmem>>) dst(%dma_wait3A_53 : memref<80x128xf32, #tpu.memory_space<vmem_shared>>)
        tpu.yield
      }) : () -> ()
    }
    %scan3A_17 = arith.constant 8 : i32
    %barrier3A = arith.constant 0 : index
    tpu.barrier barrier_id(%barrier3A)
    %scan3A_18 = arith.constant 0 : i32
    %scan3A_19 = arith.constant 125 : i32
    %scan3A_20 = arith.addi %scan3A_18, %scan3A_19 : i32
    %scan3A_21 = arith.constant 1 : i32
    scf.for %scan3A_38 = %scan3A_18 to %scan3A_20 step %scan3A_21  : i32 {
      %mul3A_39 = arith.constant 1 : i32
      %mul3A_40 = arith.muli %scan3A_38, %mul3A_39 : i32
      %add3A_41 = arith.constant 0 : i32
      %add3A_42 = arith.addi %add3A_41, %mul3A_40 : i32
      %mul3A_43 = arith.constant 10000 : i32
      %mul3A_44 = arith.muli %add3A, %mul3A_43 : i32
      %mul3A_45 = arith.constant 80 : i32
      %mul3A_46 = arith.muli %add3A_42, %mul3A_45 : i32
      %add3A_47 = arith.addi %mul3A_44, %mul3A_46 : i32
      "tpu.region"() ({
        %run_scoped3A = tpu.sem_alloc : memref<!tpu.dma_semaphore, #tpu.memory_space<semaphore_mem>>
        %dma_start3A_74 = tpu.memref_slice %arg4[%add3A_47] : memref<320000xi32, #tpu.memory_space<hbm>> -> memref<80xi32, #tpu.memory_space<hbm>>
        %dma_start3A_75 = tpu.memref_slice %arg4[%add3A_47] : memref<320000xi32, #tpu.memory_space<hbm>> -> memref<80xi32, #tpu.memory_space<hbm>>
        tpu.enqueue_dma source(%dma_start3A_75 : memref<80xi32, #tpu.memory_space<hbm>>) target(%arg10 : memref<80xi32, #tpu.memory_space<vmem>>) target_semaphore(%run_scoped3A : memref<!tpu.dma_semaphore, #tpu.memory_space<semaphore_mem>>)
        %dma_wait3A_76 = tpu.memref_slice %arg4[%add3A_47] : memref<320000xi32, #tpu.memory_space<hbm>> -> memref<80xi32, #tpu.memory_space<hbm>>
        %dma_wait3A_77 = tpu.memref_slice %arg4[%add3A_47] : memref<320000xi32, #tpu.memory_space<hbm>> -> memref<80xi32, #tpu.memory_space<hbm>>
        tpu.wait_dma2 semaphore(%run_scoped3A : memref<!tpu.dma_semaphore, #tpu.memory_space<semaphore_mem>>) src(%dma_wait3A_77 : memref<80xi32, #tpu.memory_space<hbm>>) dst(%arg10 : memref<80xi32, #tpu.memory_space<vmem>>)
        tpu.yield
      }) : () -> ()
      "tpu.region"() ({
        %run_scoped3A = tpu.sem_alloc : memref<!tpu.dma_semaphore, #tpu.memory_space<semaphore_mem>>
        %dma_start3A_74 = tpu.memref_slice %arg5[%add3A_47] : memref<320000xi32, #tpu.memory_space<hbm>> -> memref<80xi32, #tpu.memory_space<hbm>>
        %dma_start3A_75 = tpu.memref_slice %arg5[%add3A_47] : memref<320000xi32, #tpu.memory_space<hbm>> -> memref<80xi32, #tpu.memory_space<hbm>>
        tpu.enqueue_dma source(%dma_start3A_75 : memref<80xi32, #tpu.memory_space<hbm>>) target(%arg11 : memref<80xi32, #tpu.memory_space<vmem>>) target_semaphore(%run_scoped3A : memref<!tpu.dma_semaphore, #tpu.memory_space<semaphore_mem>>)
        %dma_wait3A_76 = tpu.memref_slice %arg5[%add3A_47] : memref<320000xi32, #tpu.memory_space<hbm>> -> memref<80xi32, #tpu.memory_space<hbm>>
        %dma_wait3A_77 = tpu.memref_slice %arg5[%add3A_47] : memref<320000xi32, #tpu.memory_space<hbm>> -> memref<80xi32, #tpu.memory_space<hbm>>
        tpu.wait_dma2 semaphore(%run_scoped3A : memref<!tpu.dma_semaphore, #tpu.memory_space<semaphore_mem>>) src(%dma_wait3A_77 : memref<80xi32, #tpu.memory_space<hbm>>) dst(%arg11 : memref<80xi32, #tpu.memory_space<vmem>>)
        tpu.yield
      }) : () -> ()
      %dma_start3A = arith.constant 0 : i32
      %dma_start3A_48 = arith.constant 0 : i32
      %dma_start3A_49 = tpu.memref_slice %arg3[%dma_start3A, %dma_start3A_48] : memref<10000x128xf32, #tpu.memory_space<hbm>> -> memref<10000x128xf32, #tpu.memory_space<hbm>>
      tpu.enqueue_indirect_dma source(%dma_start3A_49 : memref<10000x128xf32, #tpu.memory_space<hbm>>) target(%arg12 : memref<80x128xf32, #tpu.memory_space<vmem>>) offsets(%arg11 : memref<80xi32, #tpu.memory_space<vmem>>) semaphore(%arg21 : memref<!tpu.dma_semaphore, #tpu.memory_space<semaphore_mem>>)
      %dma_start3A_50 = arith.constant 0 : i32
      %dma_start3A_51 = arith.constant 0 : i32
      %dma_start3A_52 = tpu.memref_slice %arg3[%dma_start3A_50, %dma_start3A_51] : memref<10000x128xf32, #tpu.memory_space<hbm>> -> memref<10000x128xf32, #tpu.memory_space<hbm>>
      tpu.enqueue_indirect_dma source(%dma_start3A_52 : memref<10000x128xf32, #tpu.memory_space<hbm>>) target(%arg13 : memref<80x128xf32, #tpu.memory_space<vmem>>) offsets(%arg10 : memref<80xi32, #tpu.memory_space<vmem>>) semaphore(%arg22 : memref<!tpu.dma_semaphore, #tpu.memory_space<semaphore_mem>>)
      %dma_start3A_53 = arith.constant 0 : i32
      %dma_start3A_54 = arith.constant 0 : i32
      %dma_start3A_55 = tpu.memref_slice %arg2[%dma_start3A_53, %dma_start3A_54] : memref<10000x128xf32, #tpu.memory_space<hbm>> -> memref<10000x128xf32, #tpu.memory_space<hbm>>
      tpu.enqueue_indirect_dma source(%dma_start3A_55 : memref<10000x128xf32, #tpu.memory_space<hbm>>) target(%arg14 : memref<80x128xf32, #tpu.memory_space<vmem>>) offsets(%arg10 : memref<80xi32, #tpu.memory_space<vmem>>) semaphore(%arg23 : memref<!tpu.dma_semaphore, #tpu.memory_space<semaphore_mem>>)
      %dma_wait3A = arith.constant 0 : i32
      %dma_wait3A_56 = arith.constant 0 : i32
      %dma_wait3A_57 = tpu.memref_slice %arg3[%dma_wait3A, %dma_wait3A_56] : memref<10000x128xf32, #tpu.memory_space<hbm>> -> memref<10000x128xf32, #tpu.memory_space<hbm>>
      tpu.wait_indirect_dma semaphore(%arg21 : memref<!tpu.dma_semaphore, #tpu.memory_space<semaphore_mem>>) src(%dma_wait3A_57 : memref<10000x128xf32, #tpu.memory_space<hbm>>) dst(%arg12 : memref<80x128xf32, #tpu.memory_space<vmem>>)
      %dma_wait3A_58 = arith.constant 0 : i32
      %dma_wait3A_59 = arith.constant 0 : i32
      %dma_wait3A_60 = tpu.memref_slice %arg3[%dma_wait3A_58, %dma_wait3A_59] : memref<10000x128xf32, #tpu.memory_space<hbm>> -> memref<10000x128xf32, #tpu.memory_space<hbm>>
      tpu.wait_indirect_dma semaphore(%arg22 : memref<!tpu.dma_semaphore, #tpu.memory_space<semaphore_mem>>) src(%dma_wait3A_60 : memref<10000x128xf32, #tpu.memory_space<hbm>>) dst(%arg13 : memref<80x128xf32, #tpu.memory_space<vmem>>)
      %scan3A_61 = arith.constant 0 : i32
      %scan3A_62 = arith.constant 80 : i32
      %scan3A_63 = arith.addi %scan3A_61, %scan3A_62 : i32
      %scan3A_64 = arith.constant 1 : i32
      scf.for %scan3A_74 = %scan3A_61 to %scan3A_63 step %scan3A_64  : i32 {
        %mul3A_75 = arith.constant 1 : i32
        %mul3A_76 = arith.muli %scan3A_74, %mul3A_75 : i32
        %add3A_77 = arith.constant 0 : i32
        %add3A_78 = arith.addi %add3A_77, %mul3A_76 : i32
        %get3A = arith.index_cast %add3A_78 : i32 to index
        %get3A_79 = arith.constant 0 : index
        %get3A_80 = tpu.vector_load %arg12[%get3A, %get3A_79] {strides = array<i32>} : memref<80x128xf32, #tpu.memory_space<vmem>>, vector<16xf32>,
        %get3A_81 = arith.index_cast %add3A_78 : i32 to index
        %get3A_82 = arith.constant 0 : index
        %get3A_83 = tpu.vector_load %arg13[%get3A_81, %get3A_82] {strides = array<i32>} : memref<80x128xf32, #tpu.memory_space<vmem>>, vector<16xf32>,
        %mul3A_84 = arith.mulf %get3A_80, %get3A_83 : vector<16xf32>
        %get3A_85 = arith.index_cast %add3A_78 : i32 to index
        %get3A_86 = arith.constant 16 : index
        %get3A_87 = tpu.vector_load %arg12[%get3A_85, %get3A_86] {strides = array<i32>} : memref<80x128xf32, #tpu.memory_space<vmem>>, vector<16xf32>,
        %get3A_88 = arith.index_cast %add3A_78 : i32 to index
        %get3A_89 = arith.constant 16 : index
        %get3A_90 = tpu.vector_load %arg13[%get3A_88, %get3A_89] {strides = array<i32>} : memref<80x128xf32, #tpu.memory_space<vmem>>, vector<16xf32>,
        %mul3A_91 = arith.mulf %get3A_87, %get3A_90 : vector<16xf32>
        %add3A_92 = arith.addf %mul3A_84, %mul3A_91 : vector<16xf32>
        %get3A_93 = arith.index_cast %add3A_78 : i32 to index
        %get3A_94 = arith.constant 32 : index
        %get3A_95 = tpu.vector_load %arg12[%get3A_93, %get3A_94] {strides = array<i32>} : memref<80x128xf32, #tpu.memory_space<vmem>>, vector<16xf32>,
        %get3A_96 = arith.index_cast %add3A_78 : i32 to index
        %get3A_97 = arith.constant 32 : index
        %get3A_98 = tpu.vector_load %arg13[%get3A_96, %get3A_97] {strides = array<i32>} : memref<80x128xf32, #tpu.memory_space<vmem>>, vector<16xf32>,
        %mul3A_99 = arith.mulf %get3A_95, %get3A_98 : vector<16xf32>
        %add3A_100 = arith.addf %add3A_92, %mul3A_99 : vector<16xf32>
        %get3A_101 = arith.index_cast %add3A_78 : i32 to index
        %get3A_102 = arith.constant 48 : index
        %get3A_103 = tpu.vector_load %arg12[%get3A_101, %get3A_102] {strides = array<i32>} : memref<80x128xf32, #tpu.memory_space<vmem>>, vector<16xf32>,
        %get3A_104 = arith.index_cast %add3A_78 : i32 to index
        %get3A_105 = arith.constant 48 : index
        %get3A_106 = tpu.vector_load %arg13[%get3A_104, %get3A_105] {strides = array<i32>} : memref<80x128xf32, #tpu.memory_space<vmem>>, vector<16xf32>,
        %mul3A_107 = arith.mulf %get3A_103, %get3A_106 : vector<16xf32>
        %add3A_108 = arith.addf %add3A_100, %mul3A_107 : vector<16xf32>
        %get3A_109 = arith.index_cast %add3A_78 : i32 to index
        %get3A_110 = arith.constant 64 : index
        %get3A_111 = tpu.vector_load %arg12[%get3A_109, %get3A_110] {strides = array<i32>} : memref<80x128xf32, #tpu.memory_space<vmem>>, vector<16xf32>,
        %get3A_112 = arith.index_cast %add3A_78 : i32 to index
        %get3A_113 = arith.constant 64 : index
        %get3A_114 = tpu.vector_load %arg13[%get3A_112, %get3A_113] {strides = array<i32>} : memref<80x128xf32, #tpu.memory_space<vmem>>, vector<16xf32>,
        %mul3A_115 = arith.mulf %get3A_111, %get3A_114 : vector<16xf32>
        %add3A_116 = arith.addf %add3A_108, %mul3A_115 : vector<16xf32>
        %get3A_117 = arith.index_cast %add3A_78 : i32 to index
        %get3A_118 = arith.constant 80 : index
        %get3A_119 = tpu.vector_load %arg12[%get3A_117, %get3A_118] {strides = array<i32>} : memref<80x128xf32, #tpu.memory_space<vmem>>, vector<16xf32>,
        %get3A_120 = arith.index_cast %add3A_78 : i32 to index
        %get3A_121 = arith.constant 80 : index
        %get3A_122 = tpu.vector_load %arg13[%get3A_120, %get3A_121] {strides = array<i32>} : memref<80x128xf32, #tpu.memory_space<vmem>>, vector<16xf32>,
        %mul3A_123 = arith.mulf %get3A_119, %get3A_122 : vector<16xf32>
        %add3A_124 = arith.addf %add3A_116, %mul3A_123 : vector<16xf32>
        %get3A_125 = arith.index_cast %add3A_78 : i32 to index
        %get3A_126 = arith.constant 96 : index
        %get3A_127 = tpu.vector_load %arg12[%get3A_125, %get3A_126] {strides = array<i32>} : memref<80x128xf32, #tpu.memory_space<vmem>>, vector<16xf32>,
        %get3A_128 = arith.index_cast %add3A_78 : i32 to index
        %get3A_129 = arith.constant 96 : index
        %get3A_130 = tpu.vector_load %arg13[%get3A_128, %get3A_129] {strides = array<i32>} : memref<80x128xf32, #tpu.memory_space<vmem>>, vector<16xf32>,
        %mul3A_131 = arith.mulf %get3A_127, %get3A_130 : vector<16xf32>
        %add3A_132 = arith.addf %add3A_124, %mul3A_131 : vector<16xf32>
        %get3A_133 = arith.index_cast %add3A_78 : i32 to index
        %get3A_134 = arith.constant 112 : index
        %get3A_135 = tpu.vector_load %arg12[%get3A_133, %get3A_134] {strides = array<i32>} : memref<80x128xf32, #tpu.memory_space<vmem>>, vector<16xf32>,
        %get3A_136 = arith.index_cast %add3A_78 : i32 to index
        %get3A_137 = arith.constant 112 : index
        %get3A_138 = tpu.vector_load %arg13[%get3A_136, %get3A_137] {strides = array<i32>} : memref<80x128xf32, #tpu.memory_space<vmem>>, vector<16xf32>,
        %mul3A_139 = arith.mulf %get3A_135, %get3A_138 : vector<16xf32>
        %add3A_140 = arith.addf %add3A_132, %mul3A_139 : vector<16xf32>
        %mul3A_141 = arith.constant 16 : i32
        %mul3A_142 = arith.muli %add3A_78, %mul3A_141 : i32
        %swap3A = arith.index_cast %mul3A_142 : i32 to index
        %swap3A_143 = tpu.vector_load %arg15[%swap3A] {strides = array<i32>} : memref<1280xf32, #tpu.memory_space<vmem>>, vector<16xf32>,
        tpu.vector_store %arg15[%swap3A], %add3A_140 {strides = array<i32>} : memref<1280xf32, #tpu.memory_space<vmem>>, vector<16xf32>,
      }
      %scan3A_65 = arith.constant 80 : i32
      %dma_wait3A_66 = arith.constant 0 : i32
      %dma_wait3A_67 = arith.constant 0 : i32
      %dma_wait3A_68 = tpu.memref_slice %arg2[%dma_wait3A_66, %dma_wait3A_67] : memref<10000x128xf32, #tpu.memory_space<hbm>> -> memref<10000x128xf32, #tpu.memory_space<hbm>>
      tpu.wait_indirect_dma semaphore(%arg23 : memref<!tpu.dma_semaphore, #tpu.memory_space<semaphore_mem>>) src(%dma_wait3A_68 : memref<10000x128xf32, #tpu.memory_space<hbm>>) dst(%arg14 : memref<80x128xf32, #tpu.memory_space<vmem>>)
      %scan3A_69 = arith.constant 0 : i32
      %scan3A_70 = arith.constant 5 : i32
      %scan3A_71 = arith.addi %scan3A_69, %scan3A_70 : i32
      %scan3A_72 = arith.constant 1 : i32
      scf.for %scan3A_74 = %scan3A_69 to %scan3A_71 step %scan3A_72  : i32 {
        %mul3A_75 = arith.constant 1 : i32
        %mul3A_76 = arith.muli %scan3A_74, %mul3A_75 : i32
        %add3A_77 = arith.constant 0 : i32
        %add3A_78 = arith.addi %add3A_77, %mul3A_76 : i32
        %mul3A_79 = arith.constant 16 : i32
        %mul3A_80 = arith.muli %add3A_78, %mul3A_79 : i32
        %add3A_81 = vector.broadcast %mul3A_80 : i32 to vector<16xi32>
        %add3A_82 = arith.addi %add3A_81, %iota3A : vector<16xi32>
        %mul3A_83 = arith.constant 16 : i32
        %mul3A_84 = vector.broadcast %mul3A_83 : i32 to vector<16xi32>
        %mul3A_85 = arith.muli %add3A_82, %mul3A_84 : vector<16xi32>
        %gather3A = tpu.vector_load_idx %arg15[%mul3A_85] : memref<1280xf32, #tpu.memory_space<vmem>>[vector<16xi32>], vector<16xf32>,
        %add3A_86 = arith.constant 1 : i32
        %add3A_87 = vector.broadcast %add3A_86 : i32 to vector<16xi32>
        %add3A_88 = arith.addi %mul3A_85, %add3A_87 : vector<16xi32>
        %gather3A_89 = tpu.vector_load_idx %arg15[%add3A_88] : memref<1280xf32, #tpu.memory_space<vmem>>[vector<16xi32>], vector<16xf32>,
        %add3A_90 = arith.addf %gather3A, %gather3A_89 : vector<16xf32>
        %add3A_91 = arith.constant 2 : i32
        %add3A_92 = vector.broadcast %add3A_91 : i32 to vector<16xi32>
        %add3A_93 = arith.addi %mul3A_85, %add3A_92 : vector<16xi32>
        %gather3A_94 = tpu.vector_load_idx %arg15[%add3A_93] : memref<1280xf32, #tpu.memory_space<vmem>>[vector<16xi32>], vector<16xf32>,
        %add3A_95 = arith.addf %add3A_90, %gather3A_94 : vector<16xf32>
        %add3A_96 = arith.constant 3 : i32
        %add3A_97 = vector.broadcast %add3A_96 : i32 to vector<16xi32>
        %add3A_98 = arith.addi %mul3A_85, %add3A_97 : vector<16xi32>
        %gather3A_99 = tpu.vector_load_idx %arg15[%add3A_98] : memref<1280xf32, #tpu.memory_space<vmem>>[vector<16xi32>], vector<16xf32>,
        %add3A_100 = arith.addf %add3A_95, %gather3A_99 : vector<16xf32>
        %add3A_101 = arith.constant 4 : i32
        %add3A_102 = vector.broadcast %add3A_101 : i32 to vector<16xi32>
        %add3A_103 = arith.addi %mul3A_85, %add3A_102 : vector<16xi32>
        %gather3A_104 = tpu.vector_load_idx %arg15[%add3A_103] : memref<1280xf32, #tpu.memory_space<vmem>>[vector<16xi32>], vector<16xf32>,
        %add3A_105 = arith.addf %add3A_100, %gather3A_104 : vector<16xf32>
        %add3A_106 = arith.constant 5 : i32
        %add3A_107 = vector.broadcast %add3A_106 : i32 to vector<16xi32>
        %add3A_108 = arith.addi %mul3A_85, %add3A_107 : vector<16xi32>
        %gather3A_109 = tpu.vector_load_idx %arg15[%add3A_108] : memref<1280xf32, #tpu.memory_space<vmem>>[vector<16xi32>], vector<16xf32>,
        %add3A_110 = arith.addf %add3A_105, %gather3A_109 : vector<16xf32>
        %add3A_111 = arith.constant 6 : i32
        %add3A_112 = vector.broadcast %add3A_111 : i32 to vector<16xi32>
        %add3A_113 = arith.addi %mul3A_85, %add3A_112 : vector<16xi32>
        %gather3A_114 = tpu.vector_load_idx %arg15[%add3A_113] : memref<1280xf32, #tpu.memory_space<vmem>>[vector<16xi32>], vector<16xf32>,
        %add3A_115 = arith.addf %add3A_110, %gather3A_114 : vector<16xf32>
        %add3A_116 = arith.constant 7 : i32
        %add3A_117 = vector.broadcast %add3A_116 : i32 to vector<16xi32>
        %add3A_118 = arith.addi %mul3A_85, %add3A_117 : vector<16xi32>
        %gather3A_119 = tpu.vector_load_idx %arg15[%add3A_118] : memref<1280xf32, #tpu.memory_space<vmem>>[vector<16xi32>], vector<16xf32>,
        %add3A_120 = arith.addf %add3A_115, %gather3A_119 : vector<16xf32>
        %add3A_121 = arith.constant 8 : i32
        %add3A_122 = vector.broadcast %add3A_121 : i32 to vector<16xi32>
        %add3A_123 = arith.addi %mul3A_85, %add3A_122 : vector<16xi32>
        %gather3A_124 = tpu.vector_load_idx %arg15[%add3A_123] : memref<1280xf32, #tpu.memory_space<vmem>>[vector<16xi32>], vector<16xf32>,
        %add3A_125 = arith.addf %add3A_120, %gather3A_124 : vector<16xf32>
        %add3A_126 = arith.constant 9 : i32
        %add3A_127 = vector.broadcast %add3A_126 : i32 to vector<16xi32>
        %add3A_128 = arith.addi %mul3A_85, %add3A_127 : vector<16xi32>
        %gather3A_129 = tpu.vector_load_idx %arg15[%add3A_128] : memref<1280xf32, #tpu.memory_space<vmem>>[vector<16xi32>], vector<16xf32>,
        %add3A_130 = arith.addf %add3A_125, %gather3A_129 : vector<16xf32>
        %add3A_131 = arith.constant 10 : i32
        %add3A_132 = vector.broadcast %add3A_131 : i32 to vector<16xi32>
        %add3A_133 = arith.addi %mul3A_85, %add3A_132 : vector<16xi32>
        %gather3A_134 = tpu.vector_load_idx %arg15[%add3A_133] : memref<1280xf32, #tpu.memory_space<vmem>>[vector<16xi32>], vector<16xf32>,
        %add3A_135 = arith.addf %add3A_130, %gather3A_134 : vector<16xf32>
        %add3A_136 = arith.constant 11 : i32
        %add3A_137 = vector.broadcast %add3A_136 : i32 to vector<16xi32>
        %add3A_138 = arith.addi %mul3A_85, %add3A_137 : vector<16xi32>
        %gather3A_139 = tpu.vector_load_idx %arg15[%add3A_138] : memref<1280xf32, #tpu.memory_space<vmem>>[vector<16xi32>], vector<16xf32>,
        %add3A_140 = arith.addf %add3A_135, %gather3A_139 : vector<16xf32>
        %add3A_141 = arith.constant 12 : i32
        %add3A_142 = vector.broadcast %add3A_141 : i32 to vector<16xi32>
        %add3A_143 = arith.addi %mul3A_85, %add3A_142 : vector<16xi32>
        %gather3A_144 = tpu.vector_load_idx %arg15[%add3A_143] : memref<1280xf32, #tpu.memory_space<vmem>>[vector<16xi32>], vector<16xf32>,
        %add3A_145 = arith.addf %add3A_140, %gather3A_144 : vector<16xf32>
        %add3A_146 = arith.constant 13 : i32
        %add3A_147 = vector.broadcast %add3A_146 : i32 to vector<16xi32>
        %add3A_148 = arith.addi %mul3A_85, %add3A_147 : vector<16xi32>
        %gather3A_149 = tpu.vector_load_idx %arg15[%add3A_148] : memref<1280xf32, #tpu.memory_space<vmem>>[vector<16xi32>], vector<16xf32>,
        %add3A_150 = arith.addf %add3A_145, %gather3A_149 : vector<16xf32>
        %add3A_151 = arith.constant 14 : i32
        %add3A_152 = vector.broadcast %add3A_151 : i32 to vector<16xi32>
        %add3A_153 = arith.addi %mul3A_85, %add3A_152 : vector<16xi32>
        %gather3A_154 = tpu.vector_load_idx %arg15[%add3A_153] : memref<1280xf32, #tpu.memory_space<vmem>>[vector<16xi32>], vector<16xf32>,
        %add3A_155 = arith.addf %add3A_150, %gather3A_154 : vector<16xf32>
        %add3A_156 = arith.constant 15 : i32
        %add3A_157 = vector.broadcast %add3A_156 : i32 to vector<16xi32>
        %add3A_158 = arith.addi %mul3A_85, %add3A_157 : vector<16xi32>
        %gather3A_159 = tpu.vector_load_idx %arg15[%add3A_158] : memref<1280xf32, #tpu.memory_space<vmem>>[vector<16xi32>], vector<16xf32>,
        %add3A_160 = arith.addf %add3A_155, %gather3A_159 : vector<16xf32>
        %get3A = arith.constant 0 : index
        %get3A_161 = tpu.vector_load %arg18[%get3A] {strides = array<i32>} : memref<16xf32, #tpu.memory_space<vmem>>, vector<16xf32>,
        %mul3A_162 = arith.mulf %add3A_160, %get3A_161 : vector<16xf32>
        %exp3A = math.exp %mul3A_162 : vector<16xf32>
        %mul3A_163 = arith.constant 16 : i32
        %mul3A_164 = arith.muli %add3A_78, %mul3A_163 : i32
        %swap3A = arith.index_cast %mul3A_164 : i32 to index
        %swap3A_165 = tpu.vector_load %arg16[%swap3A] {strides = array<i32>} : memref<80xf32, #tpu.memory_space<vmem>>, vector<16xf32>,
        tpu.vector_store %arg16[%swap3A], %exp3A {strides = array<i32>} : memref<80xf32, #tpu.memory_space<vmem>>, vector<16xf32>,
        %slice3A = vector.extract_strided_slice %exp3A {offsets = [0], sizes = [1], strides = [1]} : vector<16xf32> to vector<1xf32>
        %squeeze3A = vector.extract %slice3A[0] : f32 from vector<1xf32>
        %mul3A_166 = arith.constant 16 : i32
        %mul3A_167 = arith.muli %add3A_78, %mul3A_166 : i32
        %add3A_168 = arith.constant 0 : i32
        %add3A_169 = arith.addi %mul3A_167, %add3A_168 : i32
        %get3A_170 = arith.index_cast %add3A_169 : i32 to index
        %get3A_171 = arith.constant 0 : index
        %get3A_172 = tpu.vector_load %arg14[%get3A_170, %get3A_171] {strides = array<i32>} : memref<80x128xf32, #tpu.memory_space<vmem>>, vector<16xf32>,
        %mul3A_173 = vector.broadcast %squeeze3A : f32 to vector<16xf32>
        %mul3A_174 = arith.mulf %get3A_172, %mul3A_173 : vector<16xf32>
        %swap3A_175 = arith.index_cast %add3A_169 : i32 to index
        %swap3A_176 = arith.constant 0 : index
        %swap3A_177 = tpu.vector_load %arg14[%swap3A_175, %swap3A_176] {strides = array<i32>} : memref<80x128xf32, #tpu.memory_space<vmem>>, vector<16xf32>,
        tpu.vector_store %arg14[%swap3A_175, %swap3A_176], %mul3A_174 {strides = array<i32>} : memref<80x128xf32, #tpu.memory_space<vmem>>, vector<16xf32>,
        %get3A_178 = arith.index_cast %add3A_169 : i32 to index
        %get3A_179 = arith.constant 16 : index
        %get3A_180 = tpu.vector_load %arg14[%get3A_178, %get3A_179] {strides = array<i32>} : memref<80x128xf32, #tpu.memory_space<vmem>>, vector<16xf32>,
        %mul3A_181 = vector.broadcast %squeeze3A : f32 to vector<16xf32>
        %mul3A_182 = arith.mulf %get3A_180, %mul3A_181 : vector<16xf32>
        %swap3A_183 = arith.index_cast %add3A_169 : i32 to index
        %swap3A_184 = arith.constant 16 : index
        %swap3A_185 = tpu.vector_load %arg14[%swap3A_183, %swap3A_184] {strides = array<i32>} : memref<80x128xf32, #tpu.memory_space<vmem>>, vector<16xf32>,
        tpu.vector_store %arg14[%swap3A_183, %swap3A_184], %mul3A_182 {strides = array<i32>} : memref<80x128xf32, #tpu.memory_space<vmem>>, vector<16xf32>,
        %get3A_186 = arith.index_cast %add3A_169 : i32 to index
        %get3A_187 = arith.constant 32 : index
        %get3A_188 = tpu.vector_load %arg14[%get3A_186, %get3A_187] {strides = array<i32>} : memref<80x128xf32, #tpu.memory_space<vmem>>, vector<16xf32>,
        %mul3A_189 = vector.broadcast %squeeze3A : f32 to vector<16xf32>
        %mul3A_190 = arith.mulf %get3A_188, %mul3A_189 : vector<16xf32>
        %swap3A_191 = arith.index_cast %add3A_169 : i32 to index
        %swap3A_192 = arith.constant 32 : index
        %swap3A_193 = tpu.vector_load %arg14[%swap3A_191, %swap3A_192] {strides = array<i32>} : memref<80x128xf32, #tpu.memory_space<vmem>>, vector<16xf32>,
        tpu.vector_store %arg14[%swap3A_191, %swap3A_192], %mul3A_190 {strides = array<i32>} : memref<80x128xf32, #tpu.memory_space<vmem>>, vector<16xf32>,
        %get3A_194 = arith.index_cast %add3A_169 : i32 to index
        %get3A_195 = arith.constant 48 : index
        %get3A_196 = tpu.vector_load %arg14[%get3A_194, %get3A_195] {strides = array<i32>} : memref<80x128xf32, #tpu.memory_space<vmem>>, vector<16xf32>,
        %mul3A_197 = vector.broadcast %squeeze3A : f32 to vector<16xf32>
        %mul3A_198 = arith.mulf %get3A_196, %mul3A_197 : vector<16xf32>
        %swap3A_199 = arith.index_cast %add3A_169 : i32 to index
        %swap3A_200 = arith.constant 48 : index
        %swap3A_201 = tpu.vector_load %arg14[%swap3A_199, %swap3A_200] {strides = array<i32>} : memref<80x128xf32, #tpu.memory_space<vmem>>, vector<16xf32>,
        tpu.vector_store %arg14[%swap3A_199, %swap3A_200], %mul3A_198 {strides = array<i32>} : memref<80x128xf32, #tpu.memory_space<vmem>>, vector<16xf32>,
        %get3A_202 = arith.index_cast %add3A_169 : i32 to index
        %get3A_203 = arith.constant 64 : index
        %get3A_204 = tpu.vector_load %arg14[%get3A_202, %get3A_203] {strides = array<i32>} : memref<80x128xf32, #tpu.memory_space<vmem>>, vector<16xf32>,
        %mul3A_205 = vector.broadcast %squeeze3A : f32 to vector<16xf32>
        %mul3A_206 = arith.mulf %get3A_204, %mul3A_205 : vector<16xf32>
        %swap3A_207 = arith.index_cast %add3A_169 : i32 to index
        %swap3A_208 = arith.constant 64 : index
        %swap3A_209 = tpu.vector_load %arg14[%swap3A_207, %swap3A_208] {strides = array<i32>} : memref<80x128xf32, #tpu.memory_space<vmem>>, vector<16xf32>,
        tpu.vector_store %arg14[%swap3A_207, %swap3A_208], %mul3A_206 {strides = array<i32>} : memref<80x128xf32, #tpu.memory_space<vmem>>, vector<16xf32>,
        %get3A_210 = arith.index_cast %add3A_169 : i32 to index
        %get3A_211 = arith.constant 80 : index
        %get3A_212 = tpu.vector_load %arg14[%get3A_210, %get3A_211] {strides = array<i32>} : memref<80x128xf32, #tpu.memory_space<vmem>>, vector<16xf32>,
        %mul3A_213 = vector.broadcast %squeeze3A : f32 to vector<16xf32>
        %mul3A_214 = arith.mulf %get3A_212, %mul3A_213 : vector<16xf32>
        %swap3A_215 = arith.index_cast %add3A_169 : i32 to index
        %swap3A_216 = arith.constant 80 : index
        %swap3A_217 = tpu.vector_load %arg14[%swap3A_215, %swap3A_216] {strides = array<i32>} : memref<80x128xf32, #tpu.memory_space<vmem>>, vector<16xf32>,
        tpu.vector_store %arg14[%swap3A_215, %swap3A_216], %mul3A_214 {strides = array<i32>} : memref<80x128xf32, #tpu.memory_space<vmem>>, vector<16xf32>,
        %get3A_218 = arith.index_cast %add3A_169 : i32 to index
        %get3A_219 = arith.constant 96 : index
        %get3A_220 = tpu.vector_load %arg14[%get3A_218, %get3A_219] {strides = array<i32>} : memref<80x128xf32, #tpu.memory_space<vmem>>, vector<16xf32>,
        %mul3A_221 = vector.broadcast %squeeze3A : f32 to vector<16xf32>
        %mul3A_222 = arith.mulf %get3A_220, %mul3A_221 : vector<16xf32>
        %swap3A_223 = arith.index_cast %add3A_169 : i32 to index
        %swap3A_224 = arith.constant 96 : index
        %swap3A_225 = tpu.vector_load %arg14[%swap3A_223, %swap3A_224] {strides = array<i32>} : memref<80x128xf32, #tpu.memory_space<vmem>>, vector<16xf32>,
        tpu.vector_store %arg14[%swap3A_223, %swap3A_224], %mul3A_222 {strides = array<i32>} : memref<80x128xf32, #tpu.memory_space<vmem>>, vector<16xf32>,
        %get3A_226 = arith.index_cast %add3A_169 : i32 to index
        %get3A_227 = arith.constant 112 : index
        %get3A_228 = tpu.vector_load %arg14[%get3A_226, %get3A_227] {strides = array<i32>} : memref<80x128xf32, #tpu.memory_space<vmem>>, vector<16xf32>,
        %mul3A_229 = vector.broadcast %squeeze3A : f32 to vector<16xf32>
        %mul3A_230 = arith.mulf %get3A_228, %mul3A_229 : vector<16xf32>
        %swap3A_231 = arith.index_cast %add3A_169 : i32 to index
        %swap3A_232 = arith.constant 112 : index
        %swap3A_233 = tpu.vector_load %arg14[%swap3A_231, %swap3A_232] {strides = array<i32>} : memref<80x128xf32, #tpu.memory_space<vmem>>, vector<16xf32>,
        tpu.vector_store %arg14[%swap3A_231, %swap3A_232], %mul3A_230 {strides = array<i32>} : memref<80x128xf32, #tpu.memory_space<vmem>>, vector<16xf32>,
        %slice3A_234 = vector.extract_strided_slice %exp3A {offsets = [1], sizes = [1], strides = [1]} : vector<16xf32> to vector<1xf32>
        %squeeze3A_235 = vector.extract %slice3A_234[0] : f32 from vector<1xf32>
        %mul3A_236 = arith.constant 16 : i32
        %mul3A_237 = arith.muli %add3A_78, %mul3A_236 : i32
        %add3A_238 = arith.constant 1 : i32
        %add3A_239 = arith.addi %mul3A_237, %add3A_238 : i32
        %get3A_240 = arith.index_cast %add3A_239 : i32 to index
        %get3A_241 = arith.constant 0 : index
        %get3A_242 = tpu.vector_load %arg14[%get3A_240, %get3A_241] {strides = array<i32>} : memref<80x128xf32, #tpu.memory_space<vmem>>, vector<16xf32>,
        %mul3A_243 = vector.broadcast %squeeze3A_235 : f32 to vector<16xf32>
        %mul3A_244 = arith.mulf %get3A_242, %mul3A_243 : vector<16xf32>
        %swap3A_245 = arith.index_cast %add3A_239 : i32 to index
        %swap3A_246 = arith.constant 0 : index
        %swap3A_247 = tpu.vector_load %arg14[%swap3A_245, %swap3A_246] {strides = array<i32>} : memref<80x128xf32, #tpu.memory_space<vmem>>, vector<16xf32>,
        tpu.vector_store %arg14[%swap3A_245, %swap3A_246], %mul3A_244 {strides = array<i32>} : memref<80x128xf32, #tpu.memory_space<vmem>>, vector<16xf32>,
        %get3A_248 = arith.index_cast %add3A_239 : i32 to index
        %get3A_249 = arith.constant 16 : index
        %get3A_250 = tpu.vector_load %arg14[%get3A_248, %get3A_249] {strides = array<i32>} : memref<80x128xf32, #tpu.memory_space<vmem>>, vector<16xf32>,
        %mul3A_251 = vector.broadcast %squeeze3A_235 : f32 to vector<16xf32>
        %mul3A_252 = arith.mulf %get3A_250, %mul3A_251 : vector<16xf32>
        %swap3A_253 = arith.index_cast %add3A_239 : i32 to index
        %swap3A_254 = arith.constant 16 : index
        %swap3A_255 = tpu.vector_load %arg14[%swap3A_253, %swap3A_254] {strides = array<i32>} : memref<80x128xf32, #tpu.memory_space<vmem>>, vector<16xf32>,
        tpu.vector_store %arg14[%swap3A_253, %swap3A_254], %mul3A_252 {strides = array<i32>} : memref<80x128xf32, #tpu.memory_space<vmem>>, vector<16xf32>,
        %get3A_256 = arith.index_cast %add3A_239 : i32 to index
        %get3A_257 = arith.constant 32 : index
        %get3A_258 = tpu.vector_load %arg14[%get3A_256, %get3A_257] {strides = array<i32>} : memref<80x128xf32, #tpu.memory_space<vmem>>, vector<16xf32>,
        %mul3A_259 = vector.broadcast %squeeze3A_235 : f32 to vector<16xf32>
        %mul3A_260 = arith.mulf %get3A_258, %mul3A_259 : vector<16xf32>
        %swap3A_261 = arith.index_cast %add3A_239 : i32 to index
        %swap3A_262 = arith.constant 32 : index
        %swap3A_263 = tpu.vector_load %arg14[%swap3A_261, %swap3A_262] {strides = array<i32>} : memref<80x128xf32, #tpu.memory_space<vmem>>, vector<16xf32>,
        tpu.vector_store %arg14[%swap3A_261, %swap3A_262], %mul3A_260 {strides = array<i32>} : memref<80x128xf32, #tpu.memory_space<vmem>>, vector<16xf32>,
        %get3A_264 = arith.index_cast %add3A_239 : i32 to index
        %get3A_265 = arith.constant 48 : index
        %get3A_266 = tpu.vector_load %arg14[%get3A_264, %get3A_265] {strides = array<i32>} : memref<80x128xf32, #tpu.memory_space<vmem>>, vector<16xf32>,
        %mul3A_267 = vector.broadcast %squeeze3A_235 : f32 to vector<16xf32>
        %mul3A_268 = arith.mulf %get3A_266, %mul3A_267 : vector<16xf32>
        %swap3A_269 = arith.index_cast %add3A_239 : i32 to index
        %swap3A_270 = arith.constant 48 : index
        %swap3A_271 = tpu.vector_load %arg14[%swap3A_269, %swap3A_270] {strides = array<i32>} : memref<80x128xf32, #tpu.memory_space<vmem>>, vector<16xf32>,
        tpu.vector_store %arg14[%swap3A_269, %swap3A_270], %mul3A_268 {strides = array<i32>} : memref<80x128xf32, #tpu.memory_space<vmem>>, vector<16xf32>,
        %get3A_272 = arith.index_cast %add3A_239 : i32 to index
        %get3A_273 = arith.constant 64 : index
        %get3A_274 = tpu.vector_load %arg14[%get3A_272, %get3A_273] {strides = array<i32>} : memref<80x128xf32, #tpu.memory_space<vmem>>, vector<16xf32>,
        %mul3A_275 = vector.broadcast %squeeze3A_235 : f32 to vector<16xf32>
        %mul3A_276 = arith.mulf %get3A_274, %mul3A_275 : vector<16xf32>
        %swap3A_277 = arith.index_cast %add3A_239 : i32 to index
        %swap3A_278 = arith.constant 64 : index
        %swap3A_279 = tpu.vector_load %arg14[%swap3A_277, %swap3A_278] {strides = array<i32>} : memref<80x128xf32, #tpu.memory_space<vmem>>, vector<16xf32>,
        tpu.vector_store %arg14[%swap3A_277, %swap3A_278], %mul3A_276 {strides = array<i32>} : memref<80x128xf32, #tpu.memory_space<vmem>>, vector<16xf32>,
        %get3A_280 = arith.index_cast %add3A_239 : i32 to index
        %get3A_281 = arith.constant 80 : index
        %get3A_282 = tpu.vector_load %arg14[%get3A_280, %get3A_281] {strides = array<i32>} : memref<80x128xf32, #tpu.memory_space<vmem>>, vector<16xf32>,
        %mul3A_283 = vector.broadcast %squeeze3A_235 : f32 to vector<16xf32>
        %mul3A_284 = arith.mulf %get3A_282, %mul3A_283 : vector<16xf32>
        %swap3A_285 = arith.index_cast %add3A_239 : i32 to index
        %swap3A_286 = arith.constant 80 : index
        %swap3A_287 = tpu.vector_load %arg14[%swap3A_285, %swap3A_286] {strides = array<i32>} : memref<80x128xf32, #tpu.memory_space<vmem>>, vector<16xf32>,
        tpu.vector_store %arg14[%swap3A_285, %swap3A_286], %mul3A_284 {strides = array<i32>} : memref<80x128xf32, #tpu.memory_space<vmem>>, vector<16xf32>,
        %get3A_288 = arith.index_cast %add3A_239 : i32 to index
        %get3A_289 = arith.constant 96 : index
        %get3A_290 = tpu.vector_load %arg14[%get3A_288, %get3A_289] {strides = array<i32>} : memref<80x128xf32, #tpu.memory_space<vmem>>, vector<16xf32>,
        %mul3A_291 = vector.broadcast %squeeze3A_235 : f32 to vector<16xf32>
        %mul3A_292 = arith.mulf %get3A_290, %mul3A_291 : vector<16xf32>
        %swap3A_293 = arith.index_cast %add3A_239 : i32 to index
        %swap3A_294 = arith.constant 96 : index
        %swap3A_295 = tpu.vector_load %arg14[%swap3A_293, %swap3A_294] {strides = array<i32>} : memref<80x128xf32, #tpu.memory_space<vmem>>, vector<16xf32>,
        tpu.vector_store %arg14[%swap3A_293, %swap3A_294], %mul3A_292 {strides = array<i32>} : memref<80x128xf32, #tpu.memory_space<vmem>>, vector<16xf32>,
        %get3A_296 = arith.index_cast %add3A_239 : i32 to index
        %get3A_297 = arith.constant 112 : index
        %get3A_298 = tpu.vector_load %arg14[%get3A_296, %get3A_297] {strides = array<i32>} : memref<80x128xf32, #tpu.memory_space<vmem>>, vector<16xf32>,
        %mul3A_299 = vector.broadcast %squeeze3A_235 : f32 to vector<16xf32>
        %mul3A_300 = arith.mulf %get3A_298, %mul3A_299 : vector<16xf32>
        %swap3A_301 = arith.index_cast %add3A_239 : i32 to index
        %swap3A_302 = arith.constant 112 : index
        %swap3A_303 = tpu.vector_load %arg14[%swap3A_301, %swap3A_302] {strides = array<i32>} : memref<80x128xf32, #tpu.memory_space<vmem>>, vector<16xf32>,
        tpu.vector_store %arg14[%swap3A_301, %swap3A_302], %mul3A_300 {strides = array<i32>} : memref<80x128xf32, #tpu.memory_space<vmem>>, vector<16xf32>,
        %slice3A_304 = vector.extract_strided_slice %exp3A {offsets = [2], sizes = [1], strides = [1]} : vector<16xf32> to vector<1xf32>
        %squeeze3A_305 = vector.extract %slice3A_304[0] : f32 from vector<1xf32>
        %mul3A_306 = arith.constant 16 : i32
        %mul3A_307 = arith.muli %add3A_78, %mul3A_306 : i32
        %add3A_308 = arith.constant 2 : i32
        %add3A_309 = arith.addi %mul3A_307, %add3A_308 : i32
        %get3A_310 = arith.index_cast %add3A_309 : i32 to index
        %get3A_311 = arith.constant 0 : index
        %get3A_312 = tpu.vector_load %arg14[%get3A_310, %get3A_311] {strides = array<i32>} : memref<80x128xf32, #tpu.memory_space<vmem>>, vector<16xf32>,
        %mul3A_313 = vector.broadcast %squeeze3A_305 : f32 to vector<16xf32>
        %mul3A_314 = arith.mulf %get3A_312, %mul3A_313 : vector<16xf32>
        %swap3A_315 = arith.index_cast %add3A_309 : i32 to index
        %swap3A_316 = arith.constant 0 : index
        %swap3A_317 = tpu.vector_load %arg14[%swap3A_315, %swap3A_316] {strides = array<i32>} : memref<80x128xf32, #tpu.memory_space<vmem>>, vector<16xf32>,
        tpu.vector_store %arg14[%swap3A_315, %swap3A_316], %mul3A_314 {strides = array<i32>} : memref<80x128xf32, #tpu.memory_space<vmem>>, vector<16xf32>,
        %get3A_318 = arith.index_cast %add3A_309 : i32 to index
        %get3A_319 = arith.constant 16 : index
        %get3A_320 = tpu.vector_load %arg14[%get3A_318, %get3A_319] {strides = array<i32>} : memref<80x128xf32, #tpu.memory_space<vmem>>, vector<16xf32>,
        %mul3A_321 = vector.broadcast %squeeze3A_305 : f32 to vector<16xf32>
        %mul3A_322 = arith.mulf %get3A_320, %mul3A_321 : vector<16xf32>
        %swap3A_323 = arith.index_cast %add3A_309 : i32 to index
        %swap3A_324 = arith.constant 16 : index
        %swap3A_325 = tpu.vector_load %arg14[%swap3A_323, %swap3A_324] {strides = array<i32>} : memref<80x128xf32, #tpu.memory_space<vmem>>, vector<16xf32>,
        tpu.vector_store %arg14[%swap3A_323, %swap3A_324], %mul3A_322 {strides = array<i32>} : memref<80x128xf32, #tpu.memory_space<vmem>>, vector<16xf32>,
        %get3A_326 = arith.index_cast %add3A_309 : i32 to index
        %get3A_327 = arith.constant 32 : index
        %get3A_328 = tpu.vector_load %arg14[%get3A_326, %get3A_327] {strides = array<i32>} : memref<80x128xf32, #tpu.memory_space<vmem>>, vector<16xf32>,
        %mul3A_329 = vector.broadcast %squeeze3A_305 : f32 to vector<16xf32>
        %mul3A_330 = arith.mulf %get3A_328, %mul3A_329 : vector<16xf32>
        %swap3A_331 = arith.index_cast %add3A_309 : i32 to index
        %swap3A_332 = arith.constant 32 : index
        %swap3A_333 = tpu.vector_load %arg14[%swap3A_331, %swap3A_332] {strides = array<i32>} : memref<80x128xf32, #tpu.memory_space<vmem>>, vector<16xf32>,
        tpu.vector_store %arg14[%swap3A_331, %swap3A_332], %mul3A_330 {strides = array<i32>} : memref<80x128xf32, #tpu.memory_space<vmem>>, vector<16xf32>,
        %get3A_334 = arith.index_cast %add3A_309 : i32 to index
        %get3A_335 = arith.constant 48 : index
        %get3A_336 = tpu.vector_load %arg14[%get3A_334, %get3A_335] {strides = array<i32>} : memref<80x128xf32, #tpu.memory_space<vmem>>, vector<16xf32>,
        %mul3A_337 = vector.broadcast %squeeze3A_305 : f32 to vector<16xf32>
        %mul3A_338 = arith.mulf %get3A_336, %mul3A_337 : vector<16xf32>
        %swap3A_339 = arith.index_cast %add3A_309 : i32 to index
        %swap3A_340 = arith.constant 48 : index
        %swap3A_341 = tpu.vector_load %arg14[%swap3A_339, %swap3A_340] {strides = array<i32>} : memref<80x128xf32, #tpu.memory_space<vmem>>, vector<16xf32>,
        tpu.vector_store %arg14[%swap3A_339, %swap3A_340], %mul3A_338 {strides = array<i32>} : memref<80x128xf32, #tpu.memory_space<vmem>>, vector<16xf32>,
        %get3A_342 = arith.index_cast %add3A_309 : i32 to index
        %get3A_343 = arith.constant 64 : index
        %get3A_344 = tpu.vector_load %arg14[%get3A_342, %get3A_343] {strides = array<i32>} : memref<80x128xf32, #tpu.memory_space<vmem>>, vector<16xf32>,
        %mul3A_345 = vector.broadcast %squeeze3A_305 : f32 to vector<16xf32>
        %mul3A_346 = arith.mulf %get3A_344, %mul3A_345 : vector<16xf32>
        %swap3A_347 = arith.index_cast %add3A_309 : i32 to index
        %swap3A_348 = arith.constant 64 : index
        %swap3A_349 = tpu.vector_load %arg14[%swap3A_347, %swap3A_348] {strides = array<i32>} : memref<80x128xf32, #tpu.memory_space<vmem>>, vector<16xf32>,
        tpu.vector_store %arg14[%swap3A_347, %swap3A_348], %mul3A_346 {strides = array<i32>} : memref<80x128xf32, #tpu.memory_space<vmem>>, vector<16xf32>,
        %get3A_350 = arith.index_cast %add3A_309 : i32 to index
        %get3A_351 = arith.constant 80 : index
        %get3A_352 = tpu.vector_load %arg14[%get3A_350, %get3A_351] {strides = array<i32>} : memref<80x128xf32, #tpu.memory_space<vmem>>, vector<16xf32>,
        %mul3A_353 = vector.broadcast %squeeze3A_305 : f32 to vector<16xf32>
        %mul3A_354 = arith.mulf %get3A_352, %mul3A_353 : vector<16xf32>
        %swap3A_355 = arith.index_cast %add3A_309 : i32 to index
        %swap3A_356 = arith.constant 80 : index
        %swap3A_357 = tpu.vector_load %arg14[%swap3A_355, %swap3A_356] {strides = array<i32>} : memref<80x128xf32, #tpu.memory_space<vmem>>, vector<16xf32>,
        tpu.vector_store %arg14[%swap3A_355, %swap3A_356], %mul3A_354 {strides = array<i32>} : memref<80x128xf32, #tpu.memory_space<vmem>>, vector<16xf32>,
        %get3A_358 = arith.index_cast %add3A_309 : i32 to index
        %get3A_359 = arith.constant 96 : index
        %get3A_360 = tpu.vector_load %arg14[%get3A_358, %get3A_359] {strides = array<i32>} : memref<80x128xf32, #tpu.memory_space<vmem>>, vector<16xf32>,
        %mul3A_361 = vector.broadcast %squeeze3A_305 : f32 to vector<16xf32>
        %mul3A_362 = arith.mulf %get3A_360, %mul3A_361 : vector<16xf32>
        %swap3A_363 = arith.index_cast %add3A_309 : i32 to index
        %swap3A_364 = arith.constant 96 : index
        %swap3A_365 = tpu.vector_load %arg14[%swap3A_363, %swap3A_364] {strides = array<i32>} : memref<80x128xf32, #tpu.memory_space<vmem>>, vector<16xf32>,
        tpu.vector_store %arg14[%swap3A_363, %swap3A_364], %mul3A_362 {strides = array<i32>} : memref<80x128xf32, #tpu.memory_space<vmem>>, vector<16xf32>,
        %get3A_366 = arith.index_cast %add3A_309 : i32 to index
        %get3A_367 = arith.constant 112 : index
        %get3A_368 = tpu.vector_load %arg14[%get3A_366, %get3A_367] {strides = array<i32>} : memref<80x128xf32, #tpu.memory_space<vmem>>, vector<16xf32>,
        %mul3A_369 = vector.broadcast %squeeze3A_305 : f32 to vector<16xf32>
        %mul3A_370 = arith.mulf %get3A_368, %mul3A_369 : vector<16xf32>
        %swap3A_371 = arith.index_cast %add3A_309 : i32 to index
        %swap3A_372 = arith.constant 112 : index
        %swap3A_373 = tpu.vector_load %arg14[%swap3A_371, %swap3A_372] {strides = array<i32>} : memref<80x128xf32, #tpu.memory_space<vmem>>, vector<16xf32>,
        tpu.vector_store %arg14[%swap3A_371, %swap3A_372], %mul3A_370 {strides = array<i32>} : memref<80x128xf32, #tpu.memory_space<vmem>>, vector<16xf32>,
        %slice3A_374 = vector.extract_strided_slice %exp3A {offsets = [3], sizes = [1], strides = [1]} : vector<16xf32> to vector<1xf32>
        %squeeze3A_375 = vector.extract %slice3A_374[0] : f32 from vector<1xf32>
        %mul3A_376 = arith.constant 16 : i32
        %mul3A_377 = arith.muli %add3A_78, %mul3A_376 : i32
        %add3A_378 = arith.constant 3 : i32
        %add3A_379 = arith.addi %mul3A_377, %add3A_378 : i32
        %get3A_380 = arith.index_cast %add3A_379 : i32 to index
        %get3A_381 = arith.constant 0 : index
        %get3A_382 = tpu.vector_load %arg14[%get3A_380, %get3A_381] {strides = array<i32>} : memref<80x128xf32, #tpu.memory_space<vmem>>, vector<16xf32>,
        %mul3A_383 = vector.broadcast %squeeze3A_375 : f32 to vector<16xf32>
        %mul3A_384 = arith.mulf %get3A_382, %mul3A_383 : vector<16xf32>
        %swap3A_385 = arith.index_cast %add3A_379 : i32 to index
        %swap3A_386 = arith.constant 0 : index
        %swap3A_387 = tpu.vector_load %arg14[%swap3A_385, %swap3A_386] {strides = array<i32>} : memref<80x128xf32, #tpu.memory_space<vmem>>, vector<16xf32>,
        tpu.vector_store %arg14[%swap3A_385, %swap3A_386], %mul3A_384 {strides = array<i32>} : memref<80x128xf32, #tpu.memory_space<vmem>>, vector<16xf32>,
        %get3A_388 = arith.index_cast %add3A_379 : i32 to index
        %get3A_389 = arith.constant 16 : index
        %get3A_390 = tpu.vector_load %arg14[%get3A_388, %get3A_389] {strides = array<i32>} : memref<80x128xf32, #tpu.memory_space<vmem>>, vector<16xf32>,
        %mul3A_391 = vector.broadcast %squeeze3A_375 : f32 to vector<16xf32>
        %mul3A_392 = arith.mulf %get3A_390, %mul3A_391 : vector<16xf32>
        %swap3A_393 = arith.index_cast %add3A_379 : i32 to index
        %swap3A_394 = arith.constant 16 : index
        %swap3A_395 = tpu.vector_load %arg14[%swap3A_393, %swap3A_394] {strides = array<i32>} : memref<80x128xf32, #tpu.memory_space<vmem>>, vector<16xf32>,
        tpu.vector_store %arg14[%swap3A_393, %swap3A_394], %mul3A_392 {strides = array<i32>} : memref<80x128xf32, #tpu.memory_space<vmem>>, vector<16xf32>,
        %get3A_396 = arith.index_cast %add3A_379 : i32 to index
        %get3A_397 = arith.constant 32 : index
        %get3A_398 = tpu.vector_load %arg14[%get3A_396, %get3A_397] {strides = array<i32>} : memref<80x128xf32, #tpu.memory_space<vmem>>, vector<16xf32>,
        %mul3A_399 = vector.broadcast %squeeze3A_375 : f32 to vector<16xf32>
        %mul3A_400 = arith.mulf %get3A_398, %mul3A_399 : vector<16xf32>
        %swap3A_401 = arith.index_cast %add3A_379 : i32 to index
        %swap3A_402 = arith.constant 32 : index
        %swap3A_403 = tpu.vector_load %arg14[%swap3A_401, %swap3A_402] {strides = array<i32>} : memref<80x128xf32, #tpu.memory_space<vmem>>, vector<16xf32>,
        tpu.vector_store %arg14[%swap3A_401, %swap3A_402], %mul3A_400 {strides = array<i32>} : memref<80x128xf32, #tpu.memory_space<vmem>>, vector<16xf32>,
        %get3A_404 = arith.index_cast %add3A_379 : i32 to index
        %get3A_405 = arith.constant 48 : index
        %get3A_406 = tpu.vector_load %arg14[%get3A_404, %get3A_405] {strides = array<i32>} : memref<80x128xf32, #tpu.memory_space<vmem>>, vector<16xf32>,
        %mul3A_407 = vector.broadcast %squeeze3A_375 : f32 to vector<16xf32>
        %mul3A_408 = arith.mulf %get3A_406, %mul3A_407 : vector<16xf32>
        %swap3A_409 = arith.index_cast %add3A_379 : i32 to index
        %swap3A_410 = arith.constant 48 : index
        %swap3A_411 = tpu.vector_load %arg14[%swap3A_409, %swap3A_410] {strides = array<i32>} : memref<80x128xf32, #tpu.memory_space<vmem>>, vector<16xf32>,
        tpu.vector_store %arg14[%swap3A_409, %swap3A_410], %mul3A_408 {strides = array<i32>} : memref<80x128xf32, #tpu.memory_space<vmem>>, vector<16xf32>,
        %get3A_412 = arith.index_cast %add3A_379 : i32 to index
        %get3A_413 = arith.constant 64 : index
        %get3A_414 = tpu.vector_load %arg14[%get3A_412, %get3A_413] {strides = array<i32>} : memref<80x128xf32, #tpu.memory_space<vmem>>, vector<16xf32>,
        %mul3A_415 = vector.broadcast %squeeze3A_375 : f32 to vector<16xf32>
        %mul3A_416 = arith.mulf %get3A_414, %mul3A_415 : vector<16xf32>
        %swap3A_417 = arith.index_cast %add3A_379 : i32 to index
        %swap3A_418 = arith.constant 64 : index
        %swap3A_419 = tpu.vector_load %arg14[%swap3A_417, %swap3A_418] {strides = array<i32>} : memref<80x128xf32, #tpu.memory_space<vmem>>, vector<16xf32>,
        tpu.vector_store %arg14[%swap3A_417, %swap3A_418], %mul3A_416 {strides = array<i32>} : memref<80x128xf32, #tpu.memory_space<vmem>>, vector<16xf32>,
        %get3A_420 = arith.index_cast %add3A_379 : i32 to index
        %get3A_421 = arith.constant 80 : index
        %get3A_422 = tpu.vector_load %arg14[%get3A_420, %get3A_421] {strides = array<i32>} : memref<80x128xf32, #tpu.memory_space<vmem>>, vector<16xf32>,
        %mul3A_423 = vector.broadcast %squeeze3A_375 : f32 to vector<16xf32>
        %mul3A_424 = arith.mulf %get3A_422, %mul3A_423 : vector<16xf32>
        %swap3A_425 = arith.index_cast %add3A_379 : i32 to index
        %swap3A_426 = arith.constant 80 : index
        %swap3A_427 = tpu.vector_load %arg14[%swap3A_425, %swap3A_426] {strides = array<i32>} : memref<80x128xf32, #tpu.memory_space<vmem>>, vector<16xf32>,
        tpu.vector_store %arg14[%swap3A_425, %swap3A_426], %mul3A_424 {strides = array<i32>} : memref<80x128xf32, #tpu.memory_space<vmem>>, vector<16xf32>,
        %get3A_428 = arith.index_cast %add3A_379 : i32 to index
        %get3A_429 = arith.constant 96 : index
        %get3A_430 = tpu.vector_load %arg14[%get3A_428, %get3A_429] {strides = array<i32>} : memref<80x128xf32, #tpu.memory_space<vmem>>, vector<16xf32>,
        %mul3A_431 = vector.broadcast %squeeze3A_375 : f32 to vector<16xf32>
        %mul3A_432 = arith.mulf %get3A_430, %mul3A_431 : vector<16xf32>
        %swap3A_433 = arith.index_cast %add3A_379 : i32 to index
        %swap3A_434 = arith.constant 96 : index
        %swap3A_435 = tpu.vector_load %arg14[%swap3A_433, %swap3A_434] {strides = array<i32>} : memref<80x128xf32, #tpu.memory_space<vmem>>, vector<16xf32>,
        tpu.vector_store %arg14[%swap3A_433, %swap3A_434], %mul3A_432 {strides = array<i32>} : memref<80x128xf32, #tpu.memory_space<vmem>>, vector<16xf32>,
        %get3A_436 = arith.index_cast %add3A_379 : i32 to index
        %get3A_437 = arith.constant 112 : index
        %get3A_438 = tpu.vector_load %arg14[%get3A_436, %get3A_437] {strides = array<i32>} : memref<80x128xf32, #tpu.memory_space<vmem>>, vector<16xf32>,
        %mul3A_439 = vector.broadcast %squeeze3A_375 : f32 to vector<16xf32>
        %mul3A_440 = arith.mulf %get3A_438, %mul3A_439 : vector<16xf32>
        %swap3A_441 = arith.index_cast %add3A_379 : i32 to index
        %swap3A_442 = arith.constant 112 : index
        %swap3A_443 = tpu.vector_load %arg14[%swap3A_441, %swap3A_442] {strides = array<i32>} : memref<80x128xf32, #tpu.memory_space<vmem>>, vector<16xf32>,
        tpu.vector_store %arg14[%swap3A_441, %swap3A_442], %mul3A_440 {strides = array<i32>} : memref<80x128xf32, #tpu.memory_space<vmem>>, vector<16xf32>,
        %slice3A_444 = vector.extract_strided_slice %exp3A {offsets = [4], sizes = [1], strides = [1]} : vector<16xf32> to vector<1xf32>
        %squeeze3A_445 = vector.extract %slice3A_444[0] : f32 from vector<1xf32>
        %mul3A_446 = arith.constant 16 : i32
        %mul3A_447 = arith.muli %add3A_78, %mul3A_446 : i32
        %add3A_448 = arith.constant 4 : i32
        %add3A_449 = arith.addi %mul3A_447, %add3A_448 : i32
        %get3A_450 = arith.index_cast %add3A_449 : i32 to index
        %get3A_451 = arith.constant 0 : index
        %get3A_452 = tpu.vector_load %arg14[%get3A_450, %get3A_451] {strides = array<i32>} : memref<80x128xf32, #tpu.memory_space<vmem>>, vector<16xf32>,
        %mul3A_453 = vector.broadcast %squeeze3A_445 : f32 to vector<16xf32>
        %mul3A_454 = arith.mulf %get3A_452, %mul3A_453 : vector<16xf32>
        %swap3A_455 = arith.index_cast %add3A_449 : i32 to index
        %swap3A_456 = arith.constant 0 : index
        %swap3A_457 = tpu.vector_load %arg14[%swap3A_455, %swap3A_456] {strides = array<i32>} : memref<80x128xf32, #tpu.memory_space<vmem>>, vector<16xf32>,
        tpu.vector_store %arg14[%swap3A_455, %swap3A_456], %mul3A_454 {strides = array<i32>} : memref<80x128xf32, #tpu.memory_space<vmem>>, vector<16xf32>,
        %get3A_458 = arith.index_cast %add3A_449 : i32 to index
        %get3A_459 = arith.constant 16 : index
        %get3A_460 = tpu.vector_load %arg14[%get3A_458, %get3A_459] {strides = array<i32>} : memref<80x128xf32, #tpu.memory_space<vmem>>, vector<16xf32>,
        %mul3A_461 = vector.broadcast %squeeze3A_445 : f32 to vector<16xf32>
        %mul3A_462 = arith.mulf %get3A_460, %mul3A_461 : vector<16xf32>
        %swap3A_463 = arith.index_cast %add3A_449 : i32 to index
        %swap3A_464 = arith.constant 16 : index
        %swap3A_465 = tpu.vector_load %arg14[%swap3A_463, %swap3A_464] {strides = array<i32>} : memref<80x128xf32, #tpu.memory_space<vmem>>, vector<16xf32>,
        tpu.vector_store %arg14[%swap3A_463, %swap3A_464], %mul3A_462 {strides = array<i32>} : memref<80x128xf32, #tpu.memory_space<vmem>>, vector<16xf32>,
        %get3A_466 = arith.index_cast %add3A_449 : i32 to index
        %get3A_467 = arith.constant 32 : index
        %get3A_468 = tpu.vector_load %arg14[%get3A_466, %get3A_467] {strides = array<i32>} : memref<80x128xf32, #tpu.memory_space<vmem>>, vector<16xf32>,
        %mul3A_469 = vector.broadcast %squeeze3A_445 : f32 to vector<16xf32>
        %mul3A_470 = arith.mulf %get3A_468, %mul3A_469 : vector<16xf32>
        %swap3A_471 = arith.index_cast %add3A_449 : i32 to index
        %swap3A_472 = arith.constant 32 : index
        %swap3A_473 = tpu.vector_load %arg14[%swap3A_471, %swap3A_472] {strides = array<i32>} : memref<80x128xf32, #tpu.memory_space<vmem>>, vector<16xf32>,
        tpu.vector_store %arg14[%swap3A_471, %swap3A_472], %mul3A_470 {strides = array<i32>} : memref<80x128xf32, #tpu.memory_space<vmem>>, vector<16xf32>,
        %get3A_474 = arith.index_cast %add3A_449 : i32 to index
        %get3A_475 = arith.constant 48 : index
        %get3A_476 = tpu.vector_load %arg14[%get3A_474, %get3A_475] {strides = array<i32>} : memref<80x128xf32, #tpu.memory_space<vmem>>, vector<16xf32>,
        %mul3A_477 = vector.broadcast %squeeze3A_445 : f32 to vector<16xf32>
        %mul3A_478 = arith.mulf %get3A_476, %mul3A_477 : vector<16xf32>
        %swap3A_479 = arith.index_cast %add3A_449 : i32 to index
        %swap3A_480 = arith.constant 48 : index
        %swap3A_481 = tpu.vector_load %arg14[%swap3A_479, %swap3A_480] {strides = array<i32>} : memref<80x128xf32, #tpu.memory_space<vmem>>, vector<16xf32>,
        tpu.vector_store %arg14[%swap3A_479, %swap3A_480], %mul3A_478 {strides = array<i32>} : memref<80x128xf32, #tpu.memory_space<vmem>>, vector<16xf32>,
        %get3A_482 = arith.index_cast %add3A_449 : i32 to index
        %get3A_483 = arith.constant 64 : index
        %get3A_484 = tpu.vector_load %arg14[%get3A_482, %get3A_483] {strides = array<i32>} : memref<80x128xf32, #tpu.memory_space<vmem>>, vector<16xf32>,
        %mul3A_485 = vector.broadcast %squeeze3A_445 : f32 to vector<16xf32>
        %mul3A_486 = arith.mulf %get3A_484, %mul3A_485 : vector<16xf32>
        %swap3A_487 = arith.index_cast %add3A_449 : i32 to index
        %swap3A_488 = arith.constant 64 : index
        %swap3A_489 = tpu.vector_load %arg14[%swap3A_487, %swap3A_488] {strides = array<i32>} : memref<80x128xf32, #tpu.memory_space<vmem>>, vector<16xf32>,
        tpu.vector_store %arg14[%swap3A_487, %swap3A_488], %mul3A_486 {strides = array<i32>} : memref<80x128xf32, #tpu.memory_space<vmem>>, vector<16xf32>,
        %get3A_490 = arith.index_cast %add3A_449 : i32 to index
        %get3A_491 = arith.constant 80 : index
        %get3A_492 = tpu.vector_load %arg14[%get3A_490, %get3A_491] {strides = array<i32>} : memref<80x128xf32, #tpu.memory_space<vmem>>, vector<16xf32>,
        %mul3A_493 = vector.broadcast %squeeze3A_445 : f32 to vector<16xf32>
        %mul3A_494 = arith.mulf %get3A_492, %mul3A_493 : vector<16xf32>
        %swap3A_495 = arith.index_cast %add3A_449 : i32 to index
        %swap3A_496 = arith.constant 80 : index
        %swap3A_497 = tpu.vector_load %arg14[%swap3A_495, %swap3A_496] {strides = array<i32>} : memref<80x128xf32, #tpu.memory_space<vmem>>, vector<16xf32>,
        tpu.vector_store %arg14[%swap3A_495, %swap3A_496], %mul3A_494 {strides = array<i32>} : memref<80x128xf32, #tpu.memory_space<vmem>>, vector<16xf32>,
        %get3A_498 = arith.index_cast %add3A_449 : i32 to index
        %get3A_499 = arith.constant 96 : index
        %get3A_500 = tpu.vector_load %arg14[%get3A_498, %get3A_499] {strides = array<i32>} : memref<80x128xf32, #tpu.memory_space<vmem>>, vector<16xf32>,
        %mul3A_501 = vector.broadcast %squeeze3A_445 : f32 to vector<16xf32>
        %mul3A_502 = arith.mulf %get3A_500, %mul3A_501 : vector<16xf32>
        %swap3A_503 = arith.index_cast %add3A_449 : i32 to index
        %swap3A_504 = arith.constant 96 : index
        %swap3A_505 = tpu.vector_load %arg14[%swap3A_503, %swap3A_504] {strides = array<i32>} : memref<80x128xf32, #tpu.memory_space<vmem>>, vector<16xf32>,
        tpu.vector_store %arg14[%swap3A_503, %swap3A_504], %mul3A_502 {strides = array<i32>} : memref<80x128xf32, #tpu.memory_space<vmem>>, vector<16xf32>,
        %get3A_506 = arith.index_cast %add3A_449 : i32 to index
        %get3A_507 = arith.constant 112 : index
        %get3A_508 = tpu.vector_load %arg14[%get3A_506, %get3A_507] {strides = array<i32>} : memref<80x128xf32, #tpu.memory_space<vmem>>, vector<16xf32>,
        %mul3A_509 = vector.broadcast %squeeze3A_445 : f32 to vector<16xf32>
        %mul3A_510 = arith.mulf %get3A_508, %mul3A_509 : vector<16xf32>
        %swap3A_511 = arith.index_cast %add3A_449 : i32 to index
        %swap3A_512 = arith.constant 112 : index
        %swap3A_513 = tpu.vector_load %arg14[%swap3A_511, %swap3A_512] {strides = array<i32>} : memref<80x128xf32, #tpu.memory_space<vmem>>, vector<16xf32>,
        tpu.vector_store %arg14[%swap3A_511, %swap3A_512], %mul3A_510 {strides = array<i32>} : memref<80x128xf32, #tpu.memory_space<vmem>>, vector<16xf32>,
        %slice3A_514 = vector.extract_strided_slice %exp3A {offsets = [5], sizes = [1], strides = [1]} : vector<16xf32> to vector<1xf32>
        %squeeze3A_515 = vector.extract %slice3A_514[0] : f32 from vector<1xf32>
        %mul3A_516 = arith.constant 16 : i32
        %mul3A_517 = arith.muli %add3A_78, %mul3A_516 : i32
        %add3A_518 = arith.constant 5 : i32
        %add3A_519 = arith.addi %mul3A_517, %add3A_518 : i32
        %get3A_520 = arith.index_cast %add3A_519 : i32 to index
        %get3A_521 = arith.constant 0 : index
        %get3A_522 = tpu.vector_load %arg14[%get3A_520, %get3A_521] {strides = array<i32>} : memref<80x128xf32, #tpu.memory_space<vmem>>, vector<16xf32>,
        %mul3A_523 = vector.broadcast %squeeze3A_515 : f32 to vector<16xf32>
        %mul3A_524 = arith.mulf %get3A_522, %mul3A_523 : vector<16xf32>
        %swap3A_525 = arith.index_cast %add3A_519 : i32 to index
        %swap3A_526 = arith.constant 0 : index
        %swap3A_527 = tpu.vector_load %arg14[%swap3A_525, %swap3A_526] {strides = array<i32>} : memref<80x128xf32, #tpu.memory_space<vmem>>, vector<16xf32>,
        tpu.vector_store %arg14[%swap3A_525, %swap3A_526], %mul3A_524 {strides = array<i32>} : memref<80x128xf32, #tpu.memory_space<vmem>>, vector<16xf32>,
        %get3A_528 = arith.index_cast %add3A_519 : i32 to index
        %get3A_529 = arith.constant 16 : index
        %get3A_530 = tpu.vector_load %arg14[%get3A_528, %get3A_529] {strides = array<i32>} : memref<80x128xf32, #tpu.memory_space<vmem>>, vector<16xf32>,
        %mul3A_531 = vector.broadcast %squeeze3A_515 : f32 to vector<16xf32>
        %mul3A_532 = arith.mulf %get3A_530, %mul3A_531 : vector<16xf32>
        %swap3A_533 = arith.index_cast %add3A_519 : i32 to index
        %swap3A_534 = arith.constant 16 : index
        %swap3A_535 = tpu.vector_load %arg14[%swap3A_533, %swap3A_534] {strides = array<i32>} : memref<80x128xf32, #tpu.memory_space<vmem>>, vector<16xf32>,
        tpu.vector_store %arg14[%swap3A_533, %swap3A_534], %mul3A_532 {strides = array<i32>} : memref<80x128xf32, #tpu.memory_space<vmem>>, vector<16xf32>,
        %get3A_536 = arith.index_cast %add3A_519 : i32 to index
        %get3A_537 = arith.constant 32 : index
        %get3A_538 = tpu.vector_load %arg14[%get3A_536, %get3A_537] {strides = array<i32>} : memref<80x128xf32, #tpu.memory_space<vmem>>, vector<16xf32>,
        %mul3A_539 = vector.broadcast %squeeze3A_515 : f32 to vector<16xf32>
        %mul3A_540 = arith.mulf %get3A_538, %mul3A_539 : vector<16xf32>
        %swap3A_541 = arith.index_cast %add3A_519 : i32 to index
        %swap3A_542 = arith.constant 32 : index
        %swap3A_543 = tpu.vector_load %arg14[%swap3A_541, %swap3A_542] {strides = array<i32>} : memref<80x128xf32, #tpu.memory_space<vmem>>, vector<16xf32>,
        tpu.vector_store %arg14[%swap3A_541, %swap3A_542], %mul3A_540 {strides = array<i32>} : memref<80x128xf32, #tpu.memory_space<vmem>>, vector<16xf32>,
        %get3A_544 = arith.index_cast %add3A_519 : i32 to index
        %get3A_545 = arith.constant 48 : index
        %get3A_546 = tpu.vector_load %arg14[%get3A_544, %get3A_545] {strides = array<i32>} : memref<80x128xf32, #tpu.memory_space<vmem>>, vector<16xf32>,
        %mul3A_547 = vector.broadcast %squeeze3A_515 : f32 to vector<16xf32>
        %mul3A_548 = arith.mulf %get3A_546, %mul3A_547 : vector<16xf32>
        %swap3A_549 = arith.index_cast %add3A_519 : i32 to index
        %swap3A_550 = arith.constant 48 : index
        %swap3A_551 = tpu.vector_load %arg14[%swap3A_549, %swap3A_550] {strides = array<i32>} : memref<80x128xf32, #tpu.memory_space<vmem>>, vector<16xf32>,
        tpu.vector_store %arg14[%swap3A_549, %swap3A_550], %mul3A_548 {strides = array<i32>} : memref<80x128xf32, #tpu.memory_space<vmem>>, vector<16xf32>,
        %get3A_552 = arith.index_cast %add3A_519 : i32 to index
        %get3A_553 = arith.constant 64 : index
        %get3A_554 = tpu.vector_load %arg14[%get3A_552, %get3A_553] {strides = array<i32>} : memref<80x128xf32, #tpu.memory_space<vmem>>, vector<16xf32>,
        %mul3A_555 = vector.broadcast %squeeze3A_515 : f32 to vector<16xf32>
        %mul3A_556 = arith.mulf %get3A_554, %mul3A_555 : vector<16xf32>
        %swap3A_557 = arith.index_cast %add3A_519 : i32 to index
        %swap3A_558 = arith.constant 64 : index
        %swap3A_559 = tpu.vector_load %arg14[%swap3A_557, %swap3A_558] {strides = array<i32>} : memref<80x128xf32, #tpu.memory_space<vmem>>, vector<16xf32>,
        tpu.vector_store %arg14[%swap3A_557, %swap3A_558], %mul3A_556 {strides = array<i32>} : memref<80x128xf32, #tpu.memory_space<vmem>>, vector<16xf32>,
        %get3A_560 = arith.index_cast %add3A_519 : i32 to index
        %get3A_561 = arith.constant 80 : index
        %get3A_562 = tpu.vector_load %arg14[%get3A_560, %get3A_561] {strides = array<i32>} : memref<80x128xf32, #tpu.memory_space<vmem>>, vector<16xf32>,
        %mul3A_563 = vector.broadcast %squeeze3A_515 : f32 to vector<16xf32>
        %mul3A_564 = arith.mulf %get3A_562, %mul3A_563 : vector<16xf32>
        %swap3A_565 = arith.index_cast %add3A_519 : i32 to index
        %swap3A_566 = arith.constant 80 : index
        %swap3A_567 = tpu.vector_load %arg14[%swap3A_565, %swap3A_566] {strides = array<i32>} : memref<80x128xf32, #tpu.memory_space<vmem>>, vector<16xf32>,
        tpu.vector_store %arg14[%swap3A_565, %swap3A_566], %mul3A_564 {strides = array<i32>} : memref<80x128xf32, #tpu.memory_space<vmem>>, vector<16xf32>,
        %get3A_568 = arith.index_cast %add3A_519 : i32 to index
        %get3A_569 = arith.constant 96 : index
        %get3A_570 = tpu.vector_load %arg14[%get3A_568, %get3A_569] {strides = array<i32>} : memref<80x128xf32, #tpu.memory_space<vmem>>, vector<16xf32>,
        %mul3A_571 = vector.broadcast %squeeze3A_515 : f32 to vector<16xf32>
        %mul3A_572 = arith.mulf %get3A_570, %mul3A_571 : vector<16xf32>
        %swap3A_573 = arith.index_cast %add3A_519 : i32 to index
        %swap3A_574 = arith.constant 96 : index
        %swap3A_575 = tpu.vector_load %arg14[%swap3A_573, %swap3A_574] {strides = array<i32>} : memref<80x128xf32, #tpu.memory_space<vmem>>, vector<16xf32>,
        tpu.vector_store %arg14[%swap3A_573, %swap3A_574], %mul3A_572 {strides = array<i32>} : memref<80x128xf32, #tpu.memory_space<vmem>>, vector<16xf32>,
        %get3A_576 = arith.index_cast %add3A_519 : i32 to index
        %get3A_577 = arith.constant 112 : index
        %get3A_578 = tpu.vector_load %arg14[%get3A_576, %get3A_577] {strides = array<i32>} : memref<80x128xf32, #tpu.memory_space<vmem>>, vector<16xf32>,
        %mul3A_579 = vector.broadcast %squeeze3A_515 : f32 to vector<16xf32>
        %mul3A_580 = arith.mulf %get3A_578, %mul3A_579 : vector<16xf32>
        %swap3A_581 = arith.index_cast %add3A_519 : i32 to index
        %swap3A_582 = arith.constant 112 : index
        %swap3A_583 = tpu.vector_load %arg14[%swap3A_581, %swap3A_582] {strides = array<i32>} : memref<80x128xf32, #tpu.memory_space<vmem>>, vector<16xf32>,
        tpu.vector_store %arg14[%swap3A_581, %swap3A_582], %mul3A_580 {strides = array<i32>} : memref<80x128xf32, #tpu.memory_space<vmem>>, vector<16xf32>,
        %slice3A_584 = vector.extract_strided_slice %exp3A {offsets = [6], sizes = [1], strides = [1]} : vector<16xf32> to vector<1xf32>
        %squeeze3A_585 = vector.extract %slice3A_584[0] : f32 from vector<1xf32>
        %mul3A_586 = arith.constant 16 : i32
        %mul3A_587 = arith.muli %add3A_78, %mul3A_586 : i32
        %add3A_588 = arith.constant 6 : i32
        %add3A_589 = arith.addi %mul3A_587, %add3A_588 : i32
        %get3A_590 = arith.index_cast %add3A_589 : i32 to index
        %get3A_591 = arith.constant 0 : index
        %get3A_592 = tpu.vector_load %arg14[%get3A_590, %get3A_591] {strides = array<i32>} : memref<80x128xf32, #tpu.memory_space<vmem>>, vector<16xf32>,
        %mul3A_593 = vector.broadcast %squeeze3A_585 : f32 to vector<16xf32>
        %mul3A_594 = arith.mulf %get3A_592, %mul3A_593 : vector<16xf32>
        %swap3A_595 = arith.index_cast %add3A_589 : i32 to index
        %swap3A_596 = arith.constant 0 : index
        %swap3A_597 = tpu.vector_load %arg14[%swap3A_595, %swap3A_596] {strides = array<i32>} : memref<80x128xf32, #tpu.memory_space<vmem>>, vector<16xf32>,
        tpu.vector_store %arg14[%swap3A_595, %swap3A_596], %mul3A_594 {strides = array<i32>} : memref<80x128xf32, #tpu.memory_space<vmem>>, vector<16xf32>,
        %get3A_598 = arith.index_cast %add3A_589 : i32 to index
        %get3A_599 = arith.constant 16 : index
        %get3A_600 = tpu.vector_load %arg14[%get3A_598, %get3A_599] {strides = array<i32>} : memref<80x128xf32, #tpu.memory_space<vmem>>, vector<16xf32>,
        %mul3A_601 = vector.broadcast %squeeze3A_585 : f32 to vector<16xf32>
        %mul3A_602 = arith.mulf %get3A_600, %mul3A_601 : vector<16xf32>
        %swap3A_603 = arith.index_cast %add3A_589 : i32 to index
        %swap3A_604 = arith.constant 16 : index
        %swap3A_605 = tpu.vector_load %arg14[%swap3A_603, %swap3A_604] {strides = array<i32>} : memref<80x128xf32, #tpu.memory_space<vmem>>, vector<16xf32>,
        tpu.vector_store %arg14[%swap3A_603, %swap3A_604], %mul3A_602 {strides = array<i32>} : memref<80x128xf32, #tpu.memory_space<vmem>>, vector<16xf32>,
        %get3A_606 = arith.index_cast %add3A_589 : i32 to index
        %get3A_607 = arith.constant 32 : index
        %get3A_608 = tpu.vector_load %arg14[%get3A_606, %get3A_607] {strides = array<i32>} : memref<80x128xf32, #tpu.memory_space<vmem>>, vector<16xf32>,
        %mul3A_609 = vector.broadcast %squeeze3A_585 : f32 to vector<16xf32>
        %mul3A_610 = arith.mulf %get3A_608, %mul3A_609 : vector<16xf32>
        %swap3A_611 = arith.index_cast %add3A_589 : i32 to index
        %swap3A_612 = arith.constant 32 : index
        %swap3A_613 = tpu.vector_load %arg14[%swap3A_611, %swap3A_612] {strides = array<i32>} : memref<80x128xf32, #tpu.memory_space<vmem>>, vector<16xf32>,
        tpu.vector_store %arg14[%swap3A_611, %swap3A_612], %mul3A_610 {strides = array<i32>} : memref<80x128xf32, #tpu.memory_space<vmem>>, vector<16xf32>,
        %get3A_614 = arith.index_cast %add3A_589 : i32 to index
        %get3A_615 = arith.constant 48 : index
        %get3A_616 = tpu.vector_load %arg14[%get3A_614, %get3A_615] {strides = array<i32>} : memref<80x128xf32, #tpu.memory_space<vmem>>, vector<16xf32>,
        %mul3A_617 = vector.broadcast %squeeze3A_585 : f32 to vector<16xf32>
        %mul3A_618 = arith.mulf %get3A_616, %mul3A_617 : vector<16xf32>
        %swap3A_619 = arith.index_cast %add3A_589 : i32 to index
        %swap3A_620 = arith.constant 48 : index
        %swap3A_621 = tpu.vector_load %arg14[%swap3A_619, %swap3A_620] {strides = array<i32>} : memref<80x128xf32, #tpu.memory_space<vmem>>, vector<16xf32>,
        tpu.vector_store %arg14[%swap3A_619, %swap3A_620], %mul3A_618 {strides = array<i32>} : memref<80x128xf32, #tpu.memory_space<vmem>>, vector<16xf32>,
        %get3A_622 = arith.index_cast %add3A_589 : i32 to index
        %get3A_623 = arith.constant 64 : index
        %get3A_624 = tpu.vector_load %arg14[%get3A_622, %get3A_623] {strides = array<i32>} : memref<80x128xf32, #tpu.memory_space<vmem>>, vector<16xf32>,
        %mul3A_625 = vector.broadcast %squeeze3A_585 : f32 to vector<16xf32>
        %mul3A_626 = arith.mulf %get3A_624, %mul3A_625 : vector<16xf32>
        %swap3A_627 = arith.index_cast %add3A_589 : i32 to index
        %swap3A_628 = arith.constant 64 : index
        %swap3A_629 = tpu.vector_load %arg14[%swap3A_627, %swap3A_628] {strides = array<i32>} : memref<80x128xf32, #tpu.memory_space<vmem>>, vector<16xf32>,
        tpu.vector_store %arg14[%swap3A_627, %swap3A_628], %mul3A_626 {strides = array<i32>} : memref<80x128xf32, #tpu.memory_space<vmem>>, vector<16xf32>,
        %get3A_630 = arith.index_cast %add3A_589 : i32 to index
        %get3A_631 = arith.constant 80 : index
        %get3A_632 = tpu.vector_load %arg14[%get3A_630, %get3A_631] {strides = array<i32>} : memref<80x128xf32, #tpu.memory_space<vmem>>, vector<16xf32>,
        %mul3A_633 = vector.broadcast %squeeze3A_585 : f32 to vector<16xf32>
        %mul3A_634 = arith.mulf %get3A_632, %mul3A_633 : vector<16xf32>
        %swap3A_635 = arith.index_cast %add3A_589 : i32 to index
        %swap3A_636 = arith.constant 80 : index
        %swap3A_637 = tpu.vector_load %arg14[%swap3A_635, %swap3A_636] {strides = array<i32>} : memref<80x128xf32, #tpu.memory_space<vmem>>, vector<16xf32>,
        tpu.vector_store %arg14[%swap3A_635, %swap3A_636], %mul3A_634 {strides = array<i32>} : memref<80x128xf32, #tpu.memory_space<vmem>>, vector<16xf32>,
        %get3A_638 = arith.index_cast %add3A_589 : i32 to index
        %get3A_639 = arith.constant 96 : index
        %get3A_640 = tpu.vector_load %arg14[%get3A_638, %get3A_639] {strides = array<i32>} : memref<80x128xf32, #tpu.memory_space<vmem>>, vector<16xf32>,
        %mul3A_641 = vector.broadcast %squeeze3A_585 : f32 to vector<16xf32>
        %mul3A_642 = arith.mulf %get3A_640, %mul3A_641 : vector<16xf32>
        %swap3A_643 = arith.index_cast %add3A_589 : i32 to index
        %swap3A_644 = arith.constant 96 : index
        %swap3A_645 = tpu.vector_load %arg14[%swap3A_643, %swap3A_644] {strides = array<i32>} : memref<80x128xf32, #tpu.memory_space<vmem>>, vector<16xf32>,
        tpu.vector_store %arg14[%swap3A_643, %swap3A_644], %mul3A_642 {strides = array<i32>} : memref<80x128xf32, #tpu.memory_space<vmem>>, vector<16xf32>,
        %get3A_646 = arith.index_cast %add3A_589 : i32 to index
        %get3A_647 = arith.constant 112 : index
        %get3A_648 = tpu.vector_load %arg14[%get3A_646, %get3A_647] {strides = array<i32>} : memref<80x128xf32, #tpu.memory_space<vmem>>, vector<16xf32>,
        %mul3A_649 = vector.broadcast %squeeze3A_585 : f32 to vector<16xf32>
        %mul3A_650 = arith.mulf %get3A_648, %mul3A_649 : vector<16xf32>
        %swap3A_651 = arith.index_cast %add3A_589 : i32 to index
        %swap3A_652 = arith.constant 112 : index
        %swap3A_653 = tpu.vector_load %arg14[%swap3A_651, %swap3A_652] {strides = array<i32>} : memref<80x128xf32, #tpu.memory_space<vmem>>, vector<16xf32>,
        tpu.vector_store %arg14[%swap3A_651, %swap3A_652], %mul3A_650 {strides = array<i32>} : memref<80x128xf32, #tpu.memory_space<vmem>>, vector<16xf32>,
        %slice3A_654 = vector.extract_strided_slice %exp3A {offsets = [7], sizes = [1], strides = [1]} : vector<16xf32> to vector<1xf32>
        %squeeze3A_655 = vector.extract %slice3A_654[0] : f32 from vector<1xf32>
        %mul3A_656 = arith.constant 16 : i32
        %mul3A_657 = arith.muli %add3A_78, %mul3A_656 : i32
        %add3A_658 = arith.constant 7 : i32
        %add3A_659 = arith.addi %mul3A_657, %add3A_658 : i32
        %get3A_660 = arith.index_cast %add3A_659 : i32 to index
        %get3A_661 = arith.constant 0 : index
        %get3A_662 = tpu.vector_load %arg14[%get3A_660, %get3A_661] {strides = array<i32>} : memref<80x128xf32, #tpu.memory_space<vmem>>, vector<16xf32>,
        %mul3A_663 = vector.broadcast %squeeze3A_655 : f32 to vector<16xf32>
        %mul3A_664 = arith.mulf %get3A_662, %mul3A_663 : vector<16xf32>
        %swap3A_665 = arith.index_cast %add3A_659 : i32 to index
        %swap3A_666 = arith.constant 0 : index
        %swap3A_667 = tpu.vector_load %arg14[%swap3A_665, %swap3A_666] {strides = array<i32>} : memref<80x128xf32, #tpu.memory_space<vmem>>, vector<16xf32>,
        tpu.vector_store %arg14[%swap3A_665, %swap3A_666], %mul3A_664 {strides = array<i32>} : memref<80x128xf32, #tpu.memory_space<vmem>>, vector<16xf32>,
        %get3A_668 = arith.index_cast %add3A_659 : i32 to index
        %get3A_669 = arith.constant 16 : index
        %get3A_670 = tpu.vector_load %arg14[%get3A_668, %get3A_669] {strides = array<i32>} : memref<80x128xf32, #tpu.memory_space<vmem>>, vector<16xf32>,
        %mul3A_671 = vector.broadcast %squeeze3A_655 : f32 to vector<16xf32>
        %mul3A_672 = arith.mulf %get3A_670, %mul3A_671 : vector<16xf32>
        %swap3A_673 = arith.index_cast %add3A_659 : i32 to index
        %swap3A_674 = arith.constant 16 : index
        %swap3A_675 = tpu.vector_load %arg14[%swap3A_673, %swap3A_674] {strides = array<i32>} : memref<80x128xf32, #tpu.memory_space<vmem>>, vector<16xf32>,
        tpu.vector_store %arg14[%swap3A_673, %swap3A_674], %mul3A_672 {strides = array<i32>} : memref<80x128xf32, #tpu.memory_space<vmem>>, vector<16xf32>,
        %get3A_676 = arith.index_cast %add3A_659 : i32 to index
        %get3A_677 = arith.constant 32 : index
        %get3A_678 = tpu.vector_load %arg14[%get3A_676, %get3A_677] {strides = array<i32>} : memref<80x128xf32, #tpu.memory_space<vmem>>, vector<16xf32>,
        %mul3A_679 = vector.broadcast %squeeze3A_655 : f32 to vector<16xf32>
        %mul3A_680 = arith.mulf %get3A_678, %mul3A_679 : vector<16xf32>
        %swap3A_681 = arith.index_cast %add3A_659 : i32 to index
        %swap3A_682 = arith.constant 32 : index
        %swap3A_683 = tpu.vector_load %arg14[%swap3A_681, %swap3A_682] {strides = array<i32>} : memref<80x128xf32, #tpu.memory_space<vmem>>, vector<16xf32>,
        tpu.vector_store %arg14[%swap3A_681, %swap3A_682], %mul3A_680 {strides = array<i32>} : memref<80x128xf32, #tpu.memory_space<vmem>>, vector<16xf32>,
        %get3A_684 = arith.index_cast %add3A_659 : i32 to index
        %get3A_685 = arith.constant 48 : index
        %get3A_686 = tpu.vector_load %arg14[%get3A_684, %get3A_685] {strides = array<i32>} : memref<80x128xf32, #tpu.memory_space<vmem>>, vector<16xf32>,
        %mul3A_687 = vector.broadcast %squeeze3A_655 : f32 to vector<16xf32>
        %mul3A_688 = arith.mulf %get3A_686, %mul3A_687 : vector<16xf32>
        %swap3A_689 = arith.index_cast %add3A_659 : i32 to index
        %swap3A_690 = arith.constant 48 : index
        %swap3A_691 = tpu.vector_load %arg14[%swap3A_689, %swap3A_690] {strides = array<i32>} : memref<80x128xf32, #tpu.memory_space<vmem>>, vector<16xf32>,
        tpu.vector_store %arg14[%swap3A_689, %swap3A_690], %mul3A_688 {strides = array<i32>} : memref<80x128xf32, #tpu.memory_space<vmem>>, vector<16xf32>,
        %get3A_692 = arith.index_cast %add3A_659 : i32 to index
        %get3A_693 = arith.constant 64 : index
        %get3A_694 = tpu.vector_load %arg14[%get3A_692, %get3A_693] {strides = array<i32>} : memref<80x128xf32, #tpu.memory_space<vmem>>, vector<16xf32>,
        %mul3A_695 = vector.broadcast %squeeze3A_655 : f32 to vector<16xf32>
        %mul3A_696 = arith.mulf %get3A_694, %mul3A_695 : vector<16xf32>
        %swap3A_697 = arith.index_cast %add3A_659 : i32 to index
        %swap3A_698 = arith.constant 64 : index
        %swap3A_699 = tpu.vector_load %arg14[%swap3A_697, %swap3A_698] {strides = array<i32>} : memref<80x128xf32, #tpu.memory_space<vmem>>, vector<16xf32>,
        tpu.vector_store %arg14[%swap3A_697, %swap3A_698], %mul3A_696 {strides = array<i32>} : memref<80x128xf32, #tpu.memory_space<vmem>>, vector<16xf32>,
        %get3A_700 = arith.index_cast %add3A_659 : i32 to index
        %get3A_701 = arith.constant 80 : index
        %get3A_702 = tpu.vector_load %arg14[%get3A_700, %get3A_701] {strides = array<i32>} : memref<80x128xf32, #tpu.memory_space<vmem>>, vector<16xf32>,
        %mul3A_703 = vector.broadcast %squeeze3A_655 : f32 to vector<16xf32>
        %mul3A_704 = arith.mulf %get3A_702, %mul3A_703 : vector<16xf32>
        %swap3A_705 = arith.index_cast %add3A_659 : i32 to index
        %swap3A_706 = arith.constant 80 : index
        %swap3A_707 = tpu.vector_load %arg14[%swap3A_705, %swap3A_706] {strides = array<i32>} : memref<80x128xf32, #tpu.memory_space<vmem>>, vector<16xf32>,
        tpu.vector_store %arg14[%swap3A_705, %swap3A_706], %mul3A_704 {strides = array<i32>} : memref<80x128xf32, #tpu.memory_space<vmem>>, vector<16xf32>,
        %get3A_708 = arith.index_cast %add3A_659 : i32 to index
        %get3A_709 = arith.constant 96 : index
        %get3A_710 = tpu.vector_load %arg14[%get3A_708, %get3A_709] {strides = array<i32>} : memref<80x128xf32, #tpu.memory_space<vmem>>, vector<16xf32>,
        %mul3A_711 = vector.broadcast %squeeze3A_655 : f32 to vector<16xf32>
        %mul3A_712 = arith.mulf %get3A_710, %mul3A_711 : vector<16xf32>
        %swap3A_713 = arith.index_cast %add3A_659 : i32 to index
        %swap3A_714 = arith.constant 96 : index
        %swap3A_715 = tpu.vector_load %arg14[%swap3A_713, %swap3A_714] {strides = array<i32>} : memref<80x128xf32, #tpu.memory_space<vmem>>, vector<16xf32>,
        tpu.vector_store %arg14[%swap3A_713, %swap3A_714], %mul3A_712 {strides = array<i32>} : memref<80x128xf32, #tpu.memory_space<vmem>>, vector<16xf32>,
        %get3A_716 = arith.index_cast %add3A_659 : i32 to index
        %get3A_717 = arith.constant 112 : index
        %get3A_718 = tpu.vector_load %arg14[%get3A_716, %get3A_717] {strides = array<i32>} : memref<80x128xf32, #tpu.memory_space<vmem>>, vector<16xf32>,
        %mul3A_719 = vector.broadcast %squeeze3A_655 : f32 to vector<16xf32>
        %mul3A_720 = arith.mulf %get3A_718, %mul3A_719 : vector<16xf32>
        %swap3A_721 = arith.index_cast %add3A_659 : i32 to index
        %swap3A_722 = arith.constant 112 : index
        %swap3A_723 = tpu.vector_load %arg14[%swap3A_721, %swap3A_722] {strides = array<i32>} : memref<80x128xf32, #tpu.memory_space<vmem>>, vector<16xf32>,
        tpu.vector_store %arg14[%swap3A_721, %swap3A_722], %mul3A_720 {strides = array<i32>} : memref<80x128xf32, #tpu.memory_space<vmem>>, vector<16xf32>,
        %slice3A_724 = vector.extract_strided_slice %exp3A {offsets = [8], sizes = [1], strides = [1]} : vector<16xf32> to vector<1xf32>
        %squeeze3A_725 = vector.extract %slice3A_724[0] : f32 from vector<1xf32>
        %mul3A_726 = arith.constant 16 : i32
        %mul3A_727 = arith.muli %add3A_78, %mul3A_726 : i32
        %add3A_728 = arith.constant 8 : i32
        %add3A_729 = arith.addi %mul3A_727, %add3A_728 : i32
        %get3A_730 = arith.index_cast %add3A_729 : i32 to index
        %get3A_731 = arith.constant 0 : index
        %get3A_732 = tpu.vector_load %arg14[%get3A_730, %get3A_731] {strides = array<i32>} : memref<80x128xf32, #tpu.memory_space<vmem>>, vector<16xf32>,
        %mul3A_733 = vector.broadcast %squeeze3A_725 : f32 to vector<16xf32>
        %mul3A_734 = arith.mulf %get3A_732, %mul3A_733 : vector<16xf32>
        %swap3A_735 = arith.index_cast %add3A_729 : i32 to index
        %swap3A_736 = arith.constant 0 : index
        %swap3A_737 = tpu.vector_load %arg14[%swap3A_735, %swap3A_736] {strides = array<i32>} : memref<80x128xf32, #tpu.memory_space<vmem>>, vector<16xf32>,
        tpu.vector_store %arg14[%swap3A_735, %swap3A_736], %mul3A_734 {strides = array<i32>} : memref<80x128xf32, #tpu.memory_space<vmem>>, vector<16xf32>,
        %get3A_738 = arith.index_cast %add3A_729 : i32 to index
        %get3A_739 = arith.constant 16 : index
        %get3A_740 = tpu.vector_load %arg14[%get3A_738, %get3A_739] {strides = array<i32>} : memref<80x128xf32, #tpu.memory_space<vmem>>, vector<16xf32>,
        %mul3A_741 = vector.broadcast %squeeze3A_725 : f32 to vector<16xf32>
        %mul3A_742 = arith.mulf %get3A_740, %mul3A_741 : vector<16xf32>
        %swap3A_743 = arith.index_cast %add3A_729 : i32 to index
        %swap3A_744 = arith.constant 16 : index
        %swap3A_745 = tpu.vector_load %arg14[%swap3A_743, %swap3A_744] {strides = array<i32>} : memref<80x128xf32, #tpu.memory_space<vmem>>, vector<16xf32>,
        tpu.vector_store %arg14[%swap3A_743, %swap3A_744], %mul3A_742 {strides = array<i32>} : memref<80x128xf32, #tpu.memory_space<vmem>>, vector<16xf32>,
        %get3A_746 = arith.index_cast %add3A_729 : i32 to index
        %get3A_747 = arith.constant 32 : index
        %get3A_748 = tpu.vector_load %arg14[%get3A_746, %get3A_747] {strides = array<i32>} : memref<80x128xf32, #tpu.memory_space<vmem>>, vector<16xf32>,
        %mul3A_749 = vector.broadcast %squeeze3A_725 : f32 to vector<16xf32>
        %mul3A_750 = arith.mulf %get3A_748, %mul3A_749 : vector<16xf32>
        %swap3A_751 = arith.index_cast %add3A_729 : i32 to index
        %swap3A_752 = arith.constant 32 : index
        %swap3A_753 = tpu.vector_load %arg14[%swap3A_751, %swap3A_752] {strides = array<i32>} : memref<80x128xf32, #tpu.memory_space<vmem>>, vector<16xf32>,
        tpu.vector_store %arg14[%swap3A_751, %swap3A_752], %mul3A_750 {strides = array<i32>} : memref<80x128xf32, #tpu.memory_space<vmem>>, vector<16xf32>,
        %get3A_754 = arith.index_cast %add3A_729 : i32 to index
        %get3A_755 = arith.constant 48 : index
        %get3A_756 = tpu.vector_load %arg14[%get3A_754, %get3A_755] {strides = array<i32>} : memref<80x128xf32, #tpu.memory_space<vmem>>, vector<16xf32>,
        %mul3A_757 = vector.broadcast %squeeze3A_725 : f32 to vector<16xf32>
        %mul3A_758 = arith.mulf %get3A_756, %mul3A_757 : vector<16xf32>
        %swap3A_759 = arith.index_cast %add3A_729 : i32 to index
        %swap3A_760 = arith.constant 48 : index
        %swap3A_761 = tpu.vector_load %arg14[%swap3A_759, %swap3A_760] {strides = array<i32>} : memref<80x128xf32, #tpu.memory_space<vmem>>, vector<16xf32>,
        tpu.vector_store %arg14[%swap3A_759, %swap3A_760], %mul3A_758 {strides = array<i32>} : memref<80x128xf32, #tpu.memory_space<vmem>>, vector<16xf32>,
        %get3A_762 = arith.index_cast %add3A_729 : i32 to index
        %get3A_763 = arith.constant 64 : index
        %get3A_764 = tpu.vector_load %arg14[%get3A_762, %get3A_763] {strides = array<i32>} : memref<80x128xf32, #tpu.memory_space<vmem>>, vector<16xf32>,
        %mul3A_765 = vector.broadcast %squeeze3A_725 : f32 to vector<16xf32>
        %mul3A_766 = arith.mulf %get3A_764, %mul3A_765 : vector<16xf32>
        %swap3A_767 = arith.index_cast %add3A_729 : i32 to index
        %swap3A_768 = arith.constant 64 : index
        %swap3A_769 = tpu.vector_load %arg14[%swap3A_767, %swap3A_768] {strides = array<i32>} : memref<80x128xf32, #tpu.memory_space<vmem>>, vector<16xf32>,
        tpu.vector_store %arg14[%swap3A_767, %swap3A_768], %mul3A_766 {strides = array<i32>} : memref<80x128xf32, #tpu.memory_space<vmem>>, vector<16xf32>,
        %get3A_770 = arith.index_cast %add3A_729 : i32 to index
        %get3A_771 = arith.constant 80 : index
        %get3A_772 = tpu.vector_load %arg14[%get3A_770, %get3A_771] {strides = array<i32>} : memref<80x128xf32, #tpu.memory_space<vmem>>, vector<16xf32>,
        %mul3A_773 = vector.broadcast %squeeze3A_725 : f32 to vector<16xf32>
        %mul3A_774 = arith.mulf %get3A_772, %mul3A_773 : vector<16xf32>
        %swap3A_775 = arith.index_cast %add3A_729 : i32 to index
        %swap3A_776 = arith.constant 80 : index
        %swap3A_777 = tpu.vector_load %arg14[%swap3A_775, %swap3A_776] {strides = array<i32>} : memref<80x128xf32, #tpu.memory_space<vmem>>, vector<16xf32>,
        tpu.vector_store %arg14[%swap3A_775, %swap3A_776], %mul3A_774 {strides = array<i32>} : memref<80x128xf32, #tpu.memory_space<vmem>>, vector<16xf32>,
        %get3A_778 = arith.index_cast %add3A_729 : i32 to index
        %get3A_779 = arith.constant 96 : index
        %get3A_780 = tpu.vector_load %arg14[%get3A_778, %get3A_779] {strides = array<i32>} : memref<80x128xf32, #tpu.memory_space<vmem>>, vector<16xf32>,
        %mul3A_781 = vector.broadcast %squeeze3A_725 : f32 to vector<16xf32>
        %mul3A_782 = arith.mulf %get3A_780, %mul3A_781 : vector<16xf32>
        %swap3A_783 = arith.index_cast %add3A_729 : i32 to index
        %swap3A_784 = arith.constant 96 : index
        %swap3A_785 = tpu.vector_load %arg14[%swap3A_783, %swap3A_784] {strides = array<i32>} : memref<80x128xf32, #tpu.memory_space<vmem>>, vector<16xf32>,
        tpu.vector_store %arg14[%swap3A_783, %swap3A_784], %mul3A_782 {strides = array<i32>} : memref<80x128xf32, #tpu.memory_space<vmem>>, vector<16xf32>,
        %get3A_786 = arith.index_cast %add3A_729 : i32 to index
        %get3A_787 = arith.constant 112 : index
        %get3A_788 = tpu.vector_load %arg14[%get3A_786, %get3A_787] {strides = array<i32>} : memref<80x128xf32, #tpu.memory_space<vmem>>, vector<16xf32>,
        %mul3A_789 = vector.broadcast %squeeze3A_725 : f32 to vector<16xf32>
        %mul3A_790 = arith.mulf %get3A_788, %mul3A_789 : vector<16xf32>
        %swap3A_791 = arith.index_cast %add3A_729 : i32 to index
        %swap3A_792 = arith.constant 112 : index
        %swap3A_793 = tpu.vector_load %arg14[%swap3A_791, %swap3A_792] {strides = array<i32>} : memref<80x128xf32, #tpu.memory_space<vmem>>, vector<16xf32>,
        tpu.vector_store %arg14[%swap3A_791, %swap3A_792], %mul3A_790 {strides = array<i32>} : memref<80x128xf32, #tpu.memory_space<vmem>>, vector<16xf32>,
        %slice3A_794 = vector.extract_strided_slice %exp3A {offsets = [9], sizes = [1], strides = [1]} : vector<16xf32> to vector<1xf32>
        %squeeze3A_795 = vector.extract %slice3A_794[0] : f32 from vector<1xf32>
        %mul3A_796 = arith.constant 16 : i32
        %mul3A_797 = arith.muli %add3A_78, %mul3A_796 : i32
        %add3A_798 = arith.constant 9 : i32
        %add3A_799 = arith.addi %mul3A_797, %add3A_798 : i32
        %get3A_800 = arith.index_cast %add3A_799 : i32 to index
        %get3A_801 = arith.constant 0 : index
        %get3A_802 = tpu.vector_load %arg14[%get3A_800, %get3A_801] {strides = array<i32>} : memref<80x128xf32, #tpu.memory_space<vmem>>, vector<16xf32>,
        %mul3A_803 = vector.broadcast %squeeze3A_795 : f32 to vector<16xf32>
        %mul3A_804 = arith.mulf %get3A_802, %mul3A_803 : vector<16xf32>
        %swap3A_805 = arith.index_cast %add3A_799 : i32 to index
        %swap3A_806 = arith.constant 0 : index
        %swap3A_807 = tpu.vector_load %arg14[%swap3A_805, %swap3A_806] {strides = array<i32>} : memref<80x128xf32, #tpu.memory_space<vmem>>, vector<16xf32>,
        tpu.vector_store %arg14[%swap3A_805, %swap3A_806], %mul3A_804 {strides = array<i32>} : memref<80x128xf32, #tpu.memory_space<vmem>>, vector<16xf32>,
        %get3A_808 = arith.index_cast %add3A_799 : i32 to index
        %get3A_809 = arith.constant 16 : index
        %get3A_810 = tpu.vector_load %arg14[%get3A_808, %get3A_809] {strides = array<i32>} : memref<80x128xf32, #tpu.memory_space<vmem>>, vector<16xf32>,
        %mul3A_811 = vector.broadcast %squeeze3A_795 : f32 to vector<16xf32>
        %mul3A_812 = arith.mulf %get3A_810, %mul3A_811 : vector<16xf32>
        %swap3A_813 = arith.index_cast %add3A_799 : i32 to index
        %swap3A_814 = arith.constant 16 : index
        %swap3A_815 = tpu.vector_load %arg14[%swap3A_813, %swap3A_814] {strides = array<i32>} : memref<80x128xf32, #tpu.memory_space<vmem>>, vector<16xf32>,
        tpu.vector_store %arg14[%swap3A_813, %swap3A_814], %mul3A_812 {strides = array<i32>} : memref<80x128xf32, #tpu.memory_space<vmem>>, vector<16xf32>,
        %get3A_816 = arith.index_cast %add3A_799 : i32 to index
        %get3A_817 = arith.constant 32 : index
        %get3A_818 = tpu.vector_load %arg14[%get3A_816, %get3A_817] {strides = array<i32>} : memref<80x128xf32, #tpu.memory_space<vmem>>, vector<16xf32>,
        %mul3A_819 = vector.broadcast %squeeze3A_795 : f32 to vector<16xf32>
        %mul3A_820 = arith.mulf %get3A_818, %mul3A_819 : vector<16xf32>
        %swap3A_821 = arith.index_cast %add3A_799 : i32 to index
        %swap3A_822 = arith.constant 32 : index
        %swap3A_823 = tpu.vector_load %arg14[%swap3A_821, %swap3A_822] {strides = array<i32>} : memref<80x128xf32, #tpu.memory_space<vmem>>, vector<16xf32>,
        tpu.vector_store %arg14[%swap3A_821, %swap3A_822], %mul3A_820 {strides = array<i32>} : memref<80x128xf32, #tpu.memory_space<vmem>>, vector<16xf32>,
        %get3A_824 = arith.index_cast %add3A_799 : i32 to index
        %get3A_825 = arith.constant 48 : index
        %get3A_826 = tpu.vector_load %arg14[%get3A_824, %get3A_825] {strides = array<i32>} : memref<80x128xf32, #tpu.memory_space<vmem>>, vector<16xf32>,
        %mul3A_827 = vector.broadcast %squeeze3A_795 : f32 to vector<16xf32>
        %mul3A_828 = arith.mulf %get3A_826, %mul3A_827 : vector<16xf32>
        %swap3A_829 = arith.index_cast %add3A_799 : i32 to index
        %swap3A_830 = arith.constant 48 : index
        %swap3A_831 = tpu.vector_load %arg14[%swap3A_829, %swap3A_830] {strides = array<i32>} : memref<80x128xf32, #tpu.memory_space<vmem>>, vector<16xf32>,
        tpu.vector_store %arg14[%swap3A_829, %swap3A_830], %mul3A_828 {strides = array<i32>} : memref<80x128xf32, #tpu.memory_space<vmem>>, vector<16xf32>,
        %get3A_832 = arith.index_cast %add3A_799 : i32 to index
        %get3A_833 = arith.constant 64 : index
        %get3A_834 = tpu.vector_load %arg14[%get3A_832, %get3A_833] {strides = array<i32>} : memref<80x128xf32, #tpu.memory_space<vmem>>, vector<16xf32>,
        %mul3A_835 = vector.broadcast %squeeze3A_795 : f32 to vector<16xf32>
        %mul3A_836 = arith.mulf %get3A_834, %mul3A_835 : vector<16xf32>
        %swap3A_837 = arith.index_cast %add3A_799 : i32 to index
        %swap3A_838 = arith.constant 64 : index
        %swap3A_839 = tpu.vector_load %arg14[%swap3A_837, %swap3A_838] {strides = array<i32>} : memref<80x128xf32, #tpu.memory_space<vmem>>, vector<16xf32>,
        tpu.vector_store %arg14[%swap3A_837, %swap3A_838], %mul3A_836 {strides = array<i32>} : memref<80x128xf32, #tpu.memory_space<vmem>>, vector<16xf32>,
        %get3A_840 = arith.index_cast %add3A_799 : i32 to index
        %get3A_841 = arith.constant 80 : index
        %get3A_842 = tpu.vector_load %arg14[%get3A_840, %get3A_841] {strides = array<i32>} : memref<80x128xf32, #tpu.memory_space<vmem>>, vector<16xf32>,
        %mul3A_843 = vector.broadcast %squeeze3A_795 : f32 to vector<16xf32>
        %mul3A_844 = arith.mulf %get3A_842, %mul3A_843 : vector<16xf32>
        %swap3A_845 = arith.index_cast %add3A_799 : i32 to index
        %swap3A_846 = arith.constant 80 : index
        %swap3A_847 = tpu.vector_load %arg14[%swap3A_845, %swap3A_846] {strides = array<i32>} : memref<80x128xf32, #tpu.memory_space<vmem>>, vector<16xf32>,
        tpu.vector_store %arg14[%swap3A_845, %swap3A_846], %mul3A_844 {strides = array<i32>} : memref<80x128xf32, #tpu.memory_space<vmem>>, vector<16xf32>,
        %get3A_848 = arith.index_cast %add3A_799 : i32 to index
        %get3A_849 = arith.constant 96 : index
        %get3A_850 = tpu.vector_load %arg14[%get3A_848, %get3A_849] {strides = array<i32>} : memref<80x128xf32, #tpu.memory_space<vmem>>, vector<16xf32>,
        %mul3A_851 = vector.broadcast %squeeze3A_795 : f32 to vector<16xf32>
        %mul3A_852 = arith.mulf %get3A_850, %mul3A_851 : vector<16xf32>
        %swap3A_853 = arith.index_cast %add3A_799 : i32 to index
        %swap3A_854 = arith.constant 96 : index
        %swap3A_855 = tpu.vector_load %arg14[%swap3A_853, %swap3A_854] {strides = array<i32>} : memref<80x128xf32, #tpu.memory_space<vmem>>, vector<16xf32>,
        tpu.vector_store %arg14[%swap3A_853, %swap3A_854], %mul3A_852 {strides = array<i32>} : memref<80x128xf32, #tpu.memory_space<vmem>>, vector<16xf32>,
        %get3A_856 = arith.index_cast %add3A_799 : i32 to index
        %get3A_857 = arith.constant 112 : index
        %get3A_858 = tpu.vector_load %arg14[%get3A_856, %get3A_857] {strides = array<i32>} : memref<80x128xf32, #tpu.memory_space<vmem>>, vector<16xf32>,
        %mul3A_859 = vector.broadcast %squeeze3A_795 : f32 to vector<16xf32>
        %mul3A_860 = arith.mulf %get3A_858, %mul3A_859 : vector<16xf32>
        %swap3A_861 = arith.index_cast %add3A_799 : i32 to index
        %swap3A_862 = arith.constant 112 : index
        %swap3A_863 = tpu.vector_load %arg14[%swap3A_861, %swap3A_862] {strides = array<i32>} : memref<80x128xf32, #tpu.memory_space<vmem>>, vector<16xf32>,
        tpu.vector_store %arg14[%swap3A_861, %swap3A_862], %mul3A_860 {strides = array<i32>} : memref<80x128xf32, #tpu.memory_space<vmem>>, vector<16xf32>,
        %slice3A_864 = vector.extract_strided_slice %exp3A {offsets = [10], sizes = [1], strides = [1]} : vector<16xf32> to vector<1xf32>
        %squeeze3A_865 = vector.extract %slice3A_864[0] : f32 from vector<1xf32>
        %mul3A_866 = arith.constant 16 : i32
        %mul3A_867 = arith.muli %add3A_78, %mul3A_866 : i32
        %add3A_868 = arith.constant 10 : i32
        %add3A_869 = arith.addi %mul3A_867, %add3A_868 : i32
        %get3A_870 = arith.index_cast %add3A_869 : i32 to index
        %get3A_871 = arith.constant 0 : index
        %get3A_872 = tpu.vector_load %arg14[%get3A_870, %get3A_871] {strides = array<i32>} : memref<80x128xf32, #tpu.memory_space<vmem>>, vector<16xf32>,
        %mul3A_873 = vector.broadcast %squeeze3A_865 : f32 to vector<16xf32>
        %mul3A_874 = arith.mulf %get3A_872, %mul3A_873 : vector<16xf32>
        %swap3A_875 = arith.index_cast %add3A_869 : i32 to index
        %swap3A_876 = arith.constant 0 : index
        %swap3A_877 = tpu.vector_load %arg14[%swap3A_875, %swap3A_876] {strides = array<i32>} : memref<80x128xf32, #tpu.memory_space<vmem>>, vector<16xf32>,
        tpu.vector_store %arg14[%swap3A_875, %swap3A_876], %mul3A_874 {strides = array<i32>} : memref<80x128xf32, #tpu.memory_space<vmem>>, vector<16xf32>,
        %get3A_878 = arith.index_cast %add3A_869 : i32 to index
        %get3A_879 = arith.constant 16 : index
        %get3A_880 = tpu.vector_load %arg14[%get3A_878, %get3A_879] {strides = array<i32>} : memref<80x128xf32, #tpu.memory_space<vmem>>, vector<16xf32>,
        %mul3A_881 = vector.broadcast %squeeze3A_865 : f32 to vector<16xf32>
        %mul3A_882 = arith.mulf %get3A_880, %mul3A_881 : vector<16xf32>
        %swap3A_883 = arith.index_cast %add3A_869 : i32 to index
        %swap3A_884 = arith.constant 16 : index
        %swap3A_885 = tpu.vector_load %arg14[%swap3A_883, %swap3A_884] {strides = array<i32>} : memref<80x128xf32, #tpu.memory_space<vmem>>, vector<16xf32>,
        tpu.vector_store %arg14[%swap3A_883, %swap3A_884], %mul3A_882 {strides = array<i32>} : memref<80x128xf32, #tpu.memory_space<vmem>>, vector<16xf32>,
        %get3A_886 = arith.index_cast %add3A_869 : i32 to index
        %get3A_887 = arith.constant 32 : index
        %get3A_888 = tpu.vector_load %arg14[%get3A_886, %get3A_887] {strides = array<i32>} : memref<80x128xf32, #tpu.memory_space<vmem>>, vector<16xf32>,
        %mul3A_889 = vector.broadcast %squeeze3A_865 : f32 to vector<16xf32>
        %mul3A_890 = arith.mulf %get3A_888, %mul3A_889 : vector<16xf32>
        %swap3A_891 = arith.index_cast %add3A_869 : i32 to index
        %swap3A_892 = arith.constant 32 : index
        %swap3A_893 = tpu.vector_load %arg14[%swap3A_891, %swap3A_892] {strides = array<i32>} : memref<80x128xf32, #tpu.memory_space<vmem>>, vector<16xf32>,
        tpu.vector_store %arg14[%swap3A_891, %swap3A_892], %mul3A_890 {strides = array<i32>} : memref<80x128xf32, #tpu.memory_space<vmem>>, vector<16xf32>,
        %get3A_894 = arith.index_cast %add3A_869 : i32 to index
        %get3A_895 = arith.constant 48 : index
        %get3A_896 = tpu.vector_load %arg14[%get3A_894, %get3A_895] {strides = array<i32>} : memref<80x128xf32, #tpu.memory_space<vmem>>, vector<16xf32>,
        %mul3A_897 = vector.broadcast %squeeze3A_865 : f32 to vector<16xf32>
        %mul3A_898 = arith.mulf %get3A_896, %mul3A_897 : vector<16xf32>
        %swap3A_899 = arith.index_cast %add3A_869 : i32 to index
        %swap3A_900 = arith.constant 48 : index
        %swap3A_901 = tpu.vector_load %arg14[%swap3A_899, %swap3A_900] {strides = array<i32>} : memref<80x128xf32, #tpu.memory_space<vmem>>, vector<16xf32>,
        tpu.vector_store %arg14[%swap3A_899, %swap3A_900], %mul3A_898 {strides = array<i32>} : memref<80x128xf32, #tpu.memory_space<vmem>>, vector<16xf32>,
        %get3A_902 = arith.index_cast %add3A_869 : i32 to index
        %get3A_903 = arith.constant 64 : index
        %get3A_904 = tpu.vector_load %arg14[%get3A_902, %get3A_903] {strides = array<i32>} : memref<80x128xf32, #tpu.memory_space<vmem>>, vector<16xf32>,
        %mul3A_905 = vector.broadcast %squeeze3A_865 : f32 to vector<16xf32>
        %mul3A_906 = arith.mulf %get3A_904, %mul3A_905 : vector<16xf32>
        %swap3A_907 = arith.index_cast %add3A_869 : i32 to index
        %swap3A_908 = arith.constant 64 : index
        %swap3A_909 = tpu.vector_load %arg14[%swap3A_907, %swap3A_908] {strides = array<i32>} : memref<80x128xf32, #tpu.memory_space<vmem>>, vector<16xf32>,
        tpu.vector_store %arg14[%swap3A_907, %swap3A_908], %mul3A_906 {strides = array<i32>} : memref<80x128xf32, #tpu.memory_space<vmem>>, vector<16xf32>,
        %get3A_910 = arith.index_cast %add3A_869 : i32 to index
        %get3A_911 = arith.constant 80 : index
        %get3A_912 = tpu.vector_load %arg14[%get3A_910, %get3A_911] {strides = array<i32>} : memref<80x128xf32, #tpu.memory_space<vmem>>, vector<16xf32>,
        %mul3A_913 = vector.broadcast %squeeze3A_865 : f32 to vector<16xf32>
        %mul3A_914 = arith.mulf %get3A_912, %mul3A_913 : vector<16xf32>
        %swap3A_915 = arith.index_cast %add3A_869 : i32 to index
        %swap3A_916 = arith.constant 80 : index
        %swap3A_917 = tpu.vector_load %arg14[%swap3A_915, %swap3A_916] {strides = array<i32>} : memref<80x128xf32, #tpu.memory_space<vmem>>, vector<16xf32>,
        tpu.vector_store %arg14[%swap3A_915, %swap3A_916], %mul3A_914 {strides = array<i32>} : memref<80x128xf32, #tpu.memory_space<vmem>>, vector<16xf32>,
        %get3A_918 = arith.index_cast %add3A_869 : i32 to index
        %get3A_919 = arith.constant 96 : index
        %get3A_920 = tpu.vector_load %arg14[%get3A_918, %get3A_919] {strides = array<i32>} : memref<80x128xf32, #tpu.memory_space<vmem>>, vector<16xf32>,
        %mul3A_921 = vector.broadcast %squeeze3A_865 : f32 to vector<16xf32>
        %mul3A_922 = arith.mulf %get3A_920, %mul3A_921 : vector<16xf32>
        %swap3A_923 = arith.index_cast %add3A_869 : i32 to index
        %swap3A_924 = arith.constant 96 : index
        %swap3A_925 = tpu.vector_load %arg14[%swap3A_923, %swap3A_924] {strides = array<i32>} : memref<80x128xf32, #tpu.memory_space<vmem>>, vector<16xf32>,
        tpu.vector_store %arg14[%swap3A_923, %swap3A_924], %mul3A_922 {strides = array<i32>} : memref<80x128xf32, #tpu.memory_space<vmem>>, vector<16xf32>,
        %get3A_926 = arith.index_cast %add3A_869 : i32 to index
        %get3A_927 = arith.constant 112 : index
        %get3A_928 = tpu.vector_load %arg14[%get3A_926, %get3A_927] {strides = array<i32>} : memref<80x128xf32, #tpu.memory_space<vmem>>, vector<16xf32>,
        %mul3A_929 = vector.broadcast %squeeze3A_865 : f32 to vector<16xf32>
        %mul3A_930 = arith.mulf %get3A_928, %mul3A_929 : vector<16xf32>
        %swap3A_931 = arith.index_cast %add3A_869 : i32 to index
        %swap3A_932 = arith.constant 112 : index
        %swap3A_933 = tpu.vector_load %arg14[%swap3A_931, %swap3A_932] {strides = array<i32>} : memref<80x128xf32, #tpu.memory_space<vmem>>, vector<16xf32>,
        tpu.vector_store %arg14[%swap3A_931, %swap3A_932], %mul3A_930 {strides = array<i32>} : memref<80x128xf32, #tpu.memory_space<vmem>>, vector<16xf32>,
        %slice3A_934 = vector.extract_strided_slice %exp3A {offsets = [11], sizes = [1], strides = [1]} : vector<16xf32> to vector<1xf32>
        %squeeze3A_935 = vector.extract %slice3A_934[0] : f32 from vector<1xf32>
        %mul3A_936 = arith.constant 16 : i32
        %mul3A_937 = arith.muli %add3A_78, %mul3A_936 : i32
        %add3A_938 = arith.constant 11 : i32
        %add3A_939 = arith.addi %mul3A_937, %add3A_938 : i32
        %get3A_940 = arith.index_cast %add3A_939 : i32 to index
        %get3A_941 = arith.constant 0 : index
        %get3A_942 = tpu.vector_load %arg14[%get3A_940, %get3A_941] {strides = array<i32>} : memref<80x128xf32, #tpu.memory_space<vmem>>, vector<16xf32>,
        %mul3A_943 = vector.broadcast %squeeze3A_935 : f32 to vector<16xf32>
        %mul3A_944 = arith.mulf %get3A_942, %mul3A_943 : vector<16xf32>
        %swap3A_945 = arith.index_cast %add3A_939 : i32 to index
        %swap3A_946 = arith.constant 0 : index
        %swap3A_947 = tpu.vector_load %arg14[%swap3A_945, %swap3A_946] {strides = array<i32>} : memref<80x128xf32, #tpu.memory_space<vmem>>, vector<16xf32>,
        tpu.vector_store %arg14[%swap3A_945, %swap3A_946], %mul3A_944 {strides = array<i32>} : memref<80x128xf32, #tpu.memory_space<vmem>>, vector<16xf32>,
        %get3A_948 = arith.index_cast %add3A_939 : i32 to index
        %get3A_949 = arith.constant 16 : index
        %get3A_950 = tpu.vector_load %arg14[%get3A_948, %get3A_949] {strides = array<i32>} : memref<80x128xf32, #tpu.memory_space<vmem>>, vector<16xf32>,
        %mul3A_951 = vector.broadcast %squeeze3A_935 : f32 to vector<16xf32>
        %mul3A_952 = arith.mulf %get3A_950, %mul3A_951 : vector<16xf32>
        %swap3A_953 = arith.index_cast %add3A_939 : i32 to index
        %swap3A_954 = arith.constant 16 : index
        %swap3A_955 = tpu.vector_load %arg14[%swap3A_953, %swap3A_954] {strides = array<i32>} : memref<80x128xf32, #tpu.memory_space<vmem>>, vector<16xf32>,
        tpu.vector_store %arg14[%swap3A_953, %swap3A_954], %mul3A_952 {strides = array<i32>} : memref<80x128xf32, #tpu.memory_space<vmem>>, vector<16xf32>,
        %get3A_956 = arith.index_cast %add3A_939 : i32 to index
        %get3A_957 = arith.constant 32 : index
        %get3A_958 = tpu.vector_load %arg14[%get3A_956, %get3A_957] {strides = array<i32>} : memref<80x128xf32, #tpu.memory_space<vmem>>, vector<16xf32>,
        %mul3A_959 = vector.broadcast %squeeze3A_935 : f32 to vector<16xf32>
        %mul3A_960 = arith.mulf %get3A_958, %mul3A_959 : vector<16xf32>
        %swap3A_961 = arith.index_cast %add3A_939 : i32 to index
        %swap3A_962 = arith.constant 32 : index
        %swap3A_963 = tpu.vector_load %arg14[%swap3A_961, %swap3A_962] {strides = array<i32>} : memref<80x128xf32, #tpu.memory_space<vmem>>, vector<16xf32>,
        tpu.vector_store %arg14[%swap3A_961, %swap3A_962], %mul3A_960 {strides = array<i32>} : memref<80x128xf32, #tpu.memory_space<vmem>>, vector<16xf32>,
        %get3A_964 = arith.index_cast %add3A_939 : i32 to index
        %get3A_965 = arith.constant 48 : index
        %get3A_966 = tpu.vector_load %arg14[%get3A_964, %get3A_965] {strides = array<i32>} : memref<80x128xf32, #tpu.memory_space<vmem>>, vector<16xf32>,
        %mul3A_967 = vector.broadcast %squeeze3A_935 : f32 to vector<16xf32>
        %mul3A_968 = arith.mulf %get3A_966, %mul3A_967 : vector<16xf32>
        %swap3A_969 = arith.index_cast %add3A_939 : i32 to index
        %swap3A_970 = arith.constant 48 : index
        %swap3A_971 = tpu.vector_load %arg14[%swap3A_969, %swap3A_970] {strides = array<i32>} : memref<80x128xf32, #tpu.memory_space<vmem>>, vector<16xf32>,
        tpu.vector_store %arg14[%swap3A_969, %swap3A_970], %mul3A_968 {strides = array<i32>} : memref<80x128xf32, #tpu.memory_space<vmem>>, vector<16xf32>,
        %get3A_972 = arith.index_cast %add3A_939 : i32 to index
        %get3A_973 = arith.constant 64 : index
        %get3A_974 = tpu.vector_load %arg14[%get3A_972, %get3A_973] {strides = array<i32>} : memref<80x128xf32, #tpu.memory_space<vmem>>, vector<16xf32>,
        %mul3A_975 = vector.broadcast %squeeze3A_935 : f32 to vector<16xf32>
        %mul3A_976 = arith.mulf %get3A_974, %mul3A_975 : vector<16xf32>
        %swap3A_977 = arith.index_cast %add3A_939 : i32 to index
        %swap3A_978 = arith.constant 64 : index
        %swap3A_979 = tpu.vector_load %arg14[%swap3A_977, %swap3A_978] {strides = array<i32>} : memref<80x128xf32, #tpu.memory_space<vmem>>, vector<16xf32>,
        tpu.vector_store %arg14[%swap3A_977, %swap3A_978], %mul3A_976 {strides = array<i32>} : memref<80x128xf32, #tpu.memory_space<vmem>>, vector<16xf32>,
        %get3A_980 = arith.index_cast %add3A_939 : i32 to index
        %get3A_981 = arith.constant 80 : index
        %get3A_982 = tpu.vector_load %arg14[%get3A_980, %get3A_981] {strides = array<i32>} : memref<80x128xf32, #tpu.memory_space<vmem>>, vector<16xf32>,
        %mul3A_983 = vector.broadcast %squeeze3A_935 : f32 to vector<16xf32>
        %mul3A_984 = arith.mulf %get3A_982, %mul3A_983 : vector<16xf32>
        %swap3A_985 = arith.index_cast %add3A_939 : i32 to index
        %swap3A_986 = arith.constant 80 : index
        %swap3A_987 = tpu.vector_load %arg14[%swap3A_985, %swap3A_986] {strides = array<i32>} : memref<80x128xf32, #tpu.memory_space<vmem>>, vector<16xf32>,
        tpu.vector_store %arg14[%swap3A_985, %swap3A_986], %mul3A_984 {strides = array<i32>} : memref<80x128xf32, #tpu.memory_space<vmem>>, vector<16xf32>,
        %get3A_988 = arith.index_cast %add3A_939 : i32 to index
        %get3A_989 = arith.constant 96 : index
        %get3A_990 = tpu.vector_load %arg14[%get3A_988, %get3A_989] {strides = array<i32>} : memref<80x128xf32, #tpu.memory_space<vmem>>, vector<16xf32>,
        %mul3A_991 = vector.broadcast %squeeze3A_935 : f32 to vector<16xf32>
        %mul3A_992 = arith.mulf %get3A_990, %mul3A_991 : vector<16xf32>
        %swap3A_993 = arith.index_cast %add3A_939 : i32 to index
        %swap3A_994 = arith.constant 96 : index
        %swap3A_995 = tpu.vector_load %arg14[%swap3A_993, %swap3A_994] {strides = array<i32>} : memref<80x128xf32, #tpu.memory_space<vmem>>, vector<16xf32>,
        tpu.vector_store %arg14[%swap3A_993, %swap3A_994], %mul3A_992 {strides = array<i32>} : memref<80x128xf32, #tpu.memory_space<vmem>>, vector<16xf32>,
        %get3A_996 = arith.index_cast %add3A_939 : i32 to index
        %get3A_997 = arith.constant 112 : index
        %get3A_998 = tpu.vector_load %arg14[%get3A_996, %get3A_997] {strides = array<i32>} : memref<80x128xf32, #tpu.memory_space<vmem>>, vector<16xf32>,
        %mul3A_999 = vector.broadcast %squeeze3A_935 : f32 to vector<16xf32>
        %mul3A_1000 = arith.mulf %get3A_998, %mul3A_999 : vector<16xf32>
        %swap3A_1001 = arith.index_cast %add3A_939 : i32 to index
        %swap3A_1002 = arith.constant 112 : index
        %swap3A_1003 = tpu.vector_load %arg14[%swap3A_1001, %swap3A_1002] {strides = array<i32>} : memref<80x128xf32, #tpu.memory_space<vmem>>, vector<16xf32>,
        tpu.vector_store %arg14[%swap3A_1001, %swap3A_1002], %mul3A_1000 {strides = array<i32>} : memref<80x128xf32, #tpu.memory_space<vmem>>, vector<16xf32>,
        %slice3A_1004 = vector.extract_strided_slice %exp3A {offsets = [12], sizes = [1], strides = [1]} : vector<16xf32> to vector<1xf32>
        %squeeze3A_1005 = vector.extract %slice3A_1004[0] : f32 from vector<1xf32>
        %mul3A_1006 = arith.constant 16 : i32
        %mul3A_1007 = arith.muli %add3A_78, %mul3A_1006 : i32
        %add3A_1008 = arith.constant 12 : i32
        %add3A_1009 = arith.addi %mul3A_1007, %add3A_1008 : i32
        %get3A_1010 = arith.index_cast %add3A_1009 : i32 to index
        %get3A_1011 = arith.constant 0 : index
        %get3A_1012 = tpu.vector_load %arg14[%get3A_1010, %get3A_1011] {strides = array<i32>} : memref<80x128xf32, #tpu.memory_space<vmem>>, vector<16xf32>,
        %mul3A_1013 = vector.broadcast %squeeze3A_1005 : f32 to vector<16xf32>
        %mul3A_1014 = arith.mulf %get3A_1012, %mul3A_1013 : vector<16xf32>
        %swap3A_1015 = arith.index_cast %add3A_1009 : i32 to index
        %swap3A_1016 = arith.constant 0 : index
        %swap3A_1017 = tpu.vector_load %arg14[%swap3A_1015, %swap3A_1016] {strides = array<i32>} : memref<80x128xf32, #tpu.memory_space<vmem>>, vector<16xf32>,
        tpu.vector_store %arg14[%swap3A_1015, %swap3A_1016], %mul3A_1014 {strides = array<i32>} : memref<80x128xf32, #tpu.memory_space<vmem>>, vector<16xf32>,
        %get3A_1018 = arith.index_cast %add3A_1009 : i32 to index
        %get3A_1019 = arith.constant 16 : index
        %get3A_1020 = tpu.vector_load %arg14[%get3A_1018, %get3A_1019] {strides = array<i32>} : memref<80x128xf32, #tpu.memory_space<vmem>>, vector<16xf32>,
        %mul3A_1021 = vector.broadcast %squeeze3A_1005 : f32 to vector<16xf32>
        %mul3A_1022 = arith.mulf %get3A_1020, %mul3A_1021 : vector<16xf32>
        %swap3A_1023 = arith.index_cast %add3A_1009 : i32 to index
        %swap3A_1024 = arith.constant 16 : index
        %swap3A_1025 = tpu.vector_load %arg14[%swap3A_1023, %swap3A_1024] {strides = array<i32>} : memref<80x128xf32, #tpu.memory_space<vmem>>, vector<16xf32>,
        tpu.vector_store %arg14[%swap3A_1023, %swap3A_1024], %mul3A_1022 {strides = array<i32>} : memref<80x128xf32, #tpu.memory_space<vmem>>, vector<16xf32>,
        %get3A_1026 = arith.index_cast %add3A_1009 : i32 to index
        %get3A_1027 = arith.constant 32 : index
        %get3A_1028 = tpu.vector_load %arg14[%get3A_1026, %get3A_1027] {strides = array<i32>} : memref<80x128xf32, #tpu.memory_space<vmem>>, vector<16xf32>,
        %mul3A_1029 = vector.broadcast %squeeze3A_1005 : f32 to vector<16xf32>
        %mul3A_1030 = arith.mulf %get3A_1028, %mul3A_1029 : vector<16xf32>
        %swap3A_1031 = arith.index_cast %add3A_1009 : i32 to index
        %swap3A_1032 = arith.constant 32 : index
        %swap3A_1033 = tpu.vector_load %arg14[%swap3A_1031, %swap3A_1032] {strides = array<i32>} : memref<80x128xf32, #tpu.memory_space<vmem>>, vector<16xf32>,
        tpu.vector_store %arg14[%swap3A_1031, %swap3A_1032], %mul3A_1030 {strides = array<i32>} : memref<80x128xf32, #tpu.memory_space<vmem>>, vector<16xf32>,
        %get3A_1034 = arith.index_cast %add3A_1009 : i32 to index
        %get3A_1035 = arith.constant 48 : index
        %get3A_1036 = tpu.vector_load %arg14[%get3A_1034, %get3A_1035] {strides = array<i32>} : memref<80x128xf32, #tpu.memory_space<vmem>>, vector<16xf32>,
        %mul3A_1037 = vector.broadcast %squeeze3A_1005 : f32 to vector<16xf32>
        %mul3A_1038 = arith.mulf %get3A_1036, %mul3A_1037 : vector<16xf32>
        %swap3A_1039 = arith.index_cast %add3A_1009 : i32 to index
        %swap3A_1040 = arith.constant 48 : index
        %swap3A_1041 = tpu.vector_load %arg14[%swap3A_1039, %swap3A_1040] {strides = array<i32>} : memref<80x128xf32, #tpu.memory_space<vmem>>, vector<16xf32>,
        tpu.vector_store %arg14[%swap3A_1039, %swap3A_1040], %mul3A_1038 {strides = array<i32>} : memref<80x128xf32, #tpu.memory_space<vmem>>, vector<16xf32>,
        %get3A_1042 = arith.index_cast %add3A_1009 : i32 to index
        %get3A_1043 = arith.constant 64 : index
        %get3A_1044 = tpu.vector_load %arg14[%get3A_1042, %get3A_1043] {strides = array<i32>} : memref<80x128xf32, #tpu.memory_space<vmem>>, vector<16xf32>,
        %mul3A_1045 = vector.broadcast %squeeze3A_1005 : f32 to vector<16xf32>
        %mul3A_1046 = arith.mulf %get3A_1044, %mul3A_1045 : vector<16xf32>
        %swap3A_1047 = arith.index_cast %add3A_1009 : i32 to index
        %swap3A_1048 = arith.constant 64 : index
        %swap3A_1049 = tpu.vector_load %arg14[%swap3A_1047, %swap3A_1048] {strides = array<i32>} : memref<80x128xf32, #tpu.memory_space<vmem>>, vector<16xf32>,
        tpu.vector_store %arg14[%swap3A_1047, %swap3A_1048], %mul3A_1046 {strides = array<i32>} : memref<80x128xf32, #tpu.memory_space<vmem>>, vector<16xf32>,
        %get3A_1050 = arith.index_cast %add3A_1009 : i32 to index
        %get3A_1051 = arith.constant 80 : index
        %get3A_1052 = tpu.vector_load %arg14[%get3A_1050, %get3A_1051] {strides = array<i32>} : memref<80x128xf32, #tpu.memory_space<vmem>>, vector<16xf32>,
        %mul3A_1053 = vector.broadcast %squeeze3A_1005 : f32 to vector<16xf32>
        %mul3A_1054 = arith.mulf %get3A_1052, %mul3A_1053 : vector<16xf32>
        %swap3A_1055 = arith.index_cast %add3A_1009 : i32 to index
        %swap3A_1056 = arith.constant 80 : index
        %swap3A_1057 = tpu.vector_load %arg14[%swap3A_1055, %swap3A_1056] {strides = array<i32>} : memref<80x128xf32, #tpu.memory_space<vmem>>, vector<16xf32>,
        tpu.vector_store %arg14[%swap3A_1055, %swap3A_1056], %mul3A_1054 {strides = array<i32>} : memref<80x128xf32, #tpu.memory_space<vmem>>, vector<16xf32>,
        %get3A_1058 = arith.index_cast %add3A_1009 : i32 to index
        %get3A_1059 = arith.constant 96 : index
        %get3A_1060 = tpu.vector_load %arg14[%get3A_1058, %get3A_1059] {strides = array<i32>} : memref<80x128xf32, #tpu.memory_space<vmem>>, vector<16xf32>,
        %mul3A_1061 = vector.broadcast %squeeze3A_1005 : f32 to vector<16xf32>
        %mul3A_1062 = arith.mulf %get3A_1060, %mul3A_1061 : vector<16xf32>
        %swap3A_1063 = arith.index_cast %add3A_1009 : i32 to index
        %swap3A_1064 = arith.constant 96 : index
        %swap3A_1065 = tpu.vector_load %arg14[%swap3A_1063, %swap3A_1064] {strides = array<i32>} : memref<80x128xf32, #tpu.memory_space<vmem>>, vector<16xf32>,
        tpu.vector_store %arg14[%swap3A_1063, %swap3A_1064], %mul3A_1062 {strides = array<i32>} : memref<80x128xf32, #tpu.memory_space<vmem>>, vector<16xf32>,
        %get3A_1066 = arith.index_cast %add3A_1009 : i32 to index
        %get3A_1067 = arith.constant 112 : index
        %get3A_1068 = tpu.vector_load %arg14[%get3A_1066, %get3A_1067] {strides = array<i32>} : memref<80x128xf32, #tpu.memory_space<vmem>>, vector<16xf32>,
        %mul3A_1069 = vector.broadcast %squeeze3A_1005 : f32 to vector<16xf32>
        %mul3A_1070 = arith.mulf %get3A_1068, %mul3A_1069 : vector<16xf32>
        %swap3A_1071 = arith.index_cast %add3A_1009 : i32 to index
        %swap3A_1072 = arith.constant 112 : index
        %swap3A_1073 = tpu.vector_load %arg14[%swap3A_1071, %swap3A_1072] {strides = array<i32>} : memref<80x128xf32, #tpu.memory_space<vmem>>, vector<16xf32>,
        tpu.vector_store %arg14[%swap3A_1071, %swap3A_1072], %mul3A_1070 {strides = array<i32>} : memref<80x128xf32, #tpu.memory_space<vmem>>, vector<16xf32>,
        %slice3A_1074 = vector.extract_strided_slice %exp3A {offsets = [13], sizes = [1], strides = [1]} : vector<16xf32> to vector<1xf32>
        %squeeze3A_1075 = vector.extract %slice3A_1074[0] : f32 from vector<1xf32>
        %mul3A_1076 = arith.constant 16 : i32
        %mul3A_1077 = arith.muli %add3A_78, %mul3A_1076 : i32
        %add3A_1078 = arith.constant 13 : i32
        %add3A_1079 = arith.addi %mul3A_1077, %add3A_1078 : i32
        %get3A_1080 = arith.index_cast %add3A_1079 : i32 to index
        %get3A_1081 = arith.constant 0 : index
        %get3A_1082 = tpu.vector_load %arg14[%get3A_1080, %get3A_1081] {strides = array<i32>} : memref<80x128xf32, #tpu.memory_space<vmem>>, vector<16xf32>,
        %mul3A_1083 = vector.broadcast %squeeze3A_1075 : f32 to vector<16xf32>
        %mul3A_1084 = arith.mulf %get3A_1082, %mul3A_1083 : vector<16xf32>
        %swap3A_1085 = arith.index_cast %add3A_1079 : i32 to index
        %swap3A_1086 = arith.constant 0 : index
        %swap3A_1087 = tpu.vector_load %arg14[%swap3A_1085, %swap3A_1086] {strides = array<i32>} : memref<80x128xf32, #tpu.memory_space<vmem>>, vector<16xf32>,
        tpu.vector_store %arg14[%swap3A_1085, %swap3A_1086], %mul3A_1084 {strides = array<i32>} : memref<80x128xf32, #tpu.memory_space<vmem>>, vector<16xf32>,
        %get3A_1088 = arith.index_cast %add3A_1079 : i32 to index
        %get3A_1089 = arith.constant 16 : index
        %get3A_1090 = tpu.vector_load %arg14[%get3A_1088, %get3A_1089] {strides = array<i32>} : memref<80x128xf32, #tpu.memory_space<vmem>>, vector<16xf32>,
        %mul3A_1091 = vector.broadcast %squeeze3A_1075 : f32 to vector<16xf32>
        %mul3A_1092 = arith.mulf %get3A_1090, %mul3A_1091 : vector<16xf32>
        %swap3A_1093 = arith.index_cast %add3A_1079 : i32 to index
        %swap3A_1094 = arith.constant 16 : index
        %swap3A_1095 = tpu.vector_load %arg14[%swap3A_1093, %swap3A_1094] {strides = array<i32>} : memref<80x128xf32, #tpu.memory_space<vmem>>, vector<16xf32>,
        tpu.vector_store %arg14[%swap3A_1093, %swap3A_1094], %mul3A_1092 {strides = array<i32>} : memref<80x128xf32, #tpu.memory_space<vmem>>, vector<16xf32>,
        %get3A_1096 = arith.index_cast %add3A_1079 : i32 to index
        %get3A_1097 = arith.constant 32 : index
        %get3A_1098 = tpu.vector_load %arg14[%get3A_1096, %get3A_1097] {strides = array<i32>} : memref<80x128xf32, #tpu.memory_space<vmem>>, vector<16xf32>,
        %mul3A_1099 = vector.broadcast %squeeze3A_1075 : f32 to vector<16xf32>
        %mul3A_1100 = arith.mulf %get3A_1098, %mul3A_1099 : vector<16xf32>
        %swap3A_1101 = arith.index_cast %add3A_1079 : i32 to index
        %swap3A_1102 = arith.constant 32 : index
        %swap3A_1103 = tpu.vector_load %arg14[%swap3A_1101, %swap3A_1102] {strides = array<i32>} : memref<80x128xf32, #tpu.memory_space<vmem>>, vector<16xf32>,
        tpu.vector_store %arg14[%swap3A_1101, %swap3A_1102], %mul3A_1100 {strides = array<i32>} : memref<80x128xf32, #tpu.memory_space<vmem>>, vector<16xf32>,
        %get3A_1104 = arith.index_cast %add3A_1079 : i32 to index
        %get3A_1105 = arith.constant 48 : index
        %get3A_1106 = tpu.vector_load %arg14[%get3A_1104, %get3A_1105] {strides = array<i32>} : memref<80x128xf32, #tpu.memory_space<vmem>>, vector<16xf32>,
        %mul3A_1107 = vector.broadcast %squeeze3A_1075 : f32 to vector<16xf32>
        %mul3A_1108 = arith.mulf %get3A_1106, %mul3A_1107 : vector<16xf32>
        %swap3A_1109 = arith.index_cast %add3A_1079 : i32 to index
        %swap3A_1110 = arith.constant 48 : index
        %swap3A_1111 = tpu.vector_load %arg14[%swap3A_1109, %swap3A_1110] {strides = array<i32>} : memref<80x128xf32, #tpu.memory_space<vmem>>, vector<16xf32>,
        tpu.vector_store %arg14[%swap3A_1109, %swap3A_1110], %mul3A_1108 {strides = array<i32>} : memref<80x128xf32, #tpu.memory_space<vmem>>, vector<16xf32>,
        %get3A_1112 = arith.index_cast %add3A_1079 : i32 to index
        %get3A_1113 = arith.constant 64 : index
        %get3A_1114 = tpu.vector_load %arg14[%get3A_1112, %get3A_1113] {strides = array<i32>} : memref<80x128xf32, #tpu.memory_space<vmem>>, vector<16xf32>,
        %mul3A_1115 = vector.broadcast %squeeze3A_1075 : f32 to vector<16xf32>
        %mul3A_1116 = arith.mulf %get3A_1114, %mul3A_1115 : vector<16xf32>
        %swap3A_1117 = arith.index_cast %add3A_1079 : i32 to index
        %swap3A_1118 = arith.constant 64 : index
        %swap3A_1119 = tpu.vector_load %arg14[%swap3A_1117, %swap3A_1118] {strides = array<i32>} : memref<80x128xf32, #tpu.memory_space<vmem>>, vector<16xf32>,
        tpu.vector_store %arg14[%swap3A_1117, %swap3A_1118], %mul3A_1116 {strides = array<i32>} : memref<80x128xf32, #tpu.memory_space<vmem>>, vector<16xf32>,
        %get3A_1120 = arith.index_cast %add3A_1079 : i32 to index
        %get3A_1121 = arith.constant 80 : index
        %get3A_1122 = tpu.vector_load %arg14[%get3A_1120, %get3A_1121] {strides = array<i32>} : memref<80x128xf32, #tpu.memory_space<vmem>>, vector<16xf32>,
        %mul3A_1123 = vector.broadcast %squeeze3A_1075 : f32 to vector<16xf32>
        %mul3A_1124 = arith.mulf %get3A_1122, %mul3A_1123 : vector<16xf32>
        %swap3A_1125 = arith.index_cast %add3A_1079 : i32 to index
        %swap3A_1126 = arith.constant 80 : index
        %swap3A_1127 = tpu.vector_load %arg14[%swap3A_1125, %swap3A_1126] {strides = array<i32>} : memref<80x128xf32, #tpu.memory_space<vmem>>, vector<16xf32>,
        tpu.vector_store %arg14[%swap3A_1125, %swap3A_1126], %mul3A_1124 {strides = array<i32>} : memref<80x128xf32, #tpu.memory_space<vmem>>, vector<16xf32>,
        %get3A_1128 = arith.index_cast %add3A_1079 : i32 to index
        %get3A_1129 = arith.constant 96 : index
        %get3A_1130 = tpu.vector_load %arg14[%get3A_1128, %get3A_1129] {strides = array<i32>} : memref<80x128xf32, #tpu.memory_space<vmem>>, vector<16xf32>,
        %mul3A_1131 = vector.broadcast %squeeze3A_1075 : f32 to vector<16xf32>
        %mul3A_1132 = arith.mulf %get3A_1130, %mul3A_1131 : vector<16xf32>
        %swap3A_1133 = arith.index_cast %add3A_1079 : i32 to index
        %swap3A_1134 = arith.constant 96 : index
        %swap3A_1135 = tpu.vector_load %arg14[%swap3A_1133, %swap3A_1134] {strides = array<i32>} : memref<80x128xf32, #tpu.memory_space<vmem>>, vector<16xf32>,
        tpu.vector_store %arg14[%swap3A_1133, %swap3A_1134], %mul3A_1132 {strides = array<i32>} : memref<80x128xf32, #tpu.memory_space<vmem>>, vector<16xf32>,
        %get3A_1136 = arith.index_cast %add3A_1079 : i32 to index
        %get3A_1137 = arith.constant 112 : index
        %get3A_1138 = tpu.vector_load %arg14[%get3A_1136, %get3A_1137] {strides = array<i32>} : memref<80x128xf32, #tpu.memory_space<vmem>>, vector<16xf32>,
        %mul3A_1139 = vector.broadcast %squeeze3A_1075 : f32 to vector<16xf32>
        %mul3A_1140 = arith.mulf %get3A_1138, %mul3A_1139 : vector<16xf32>
        %swap3A_1141 = arith.index_cast %add3A_1079 : i32 to index
        %swap3A_1142 = arith.constant 112 : index
        %swap3A_1143 = tpu.vector_load %arg14[%swap3A_1141, %swap3A_1142] {strides = array<i32>} : memref<80x128xf32, #tpu.memory_space<vmem>>, vector<16xf32>,
        tpu.vector_store %arg14[%swap3A_1141, %swap3A_1142], %mul3A_1140 {strides = array<i32>} : memref<80x128xf32, #tpu.memory_space<vmem>>, vector<16xf32>,
        %slice3A_1144 = vector.extract_strided_slice %exp3A {offsets = [14], sizes = [1], strides = [1]} : vector<16xf32> to vector<1xf32>
        %squeeze3A_1145 = vector.extract %slice3A_1144[0] : f32 from vector<1xf32>
        %mul3A_1146 = arith.constant 16 : i32
        %mul3A_1147 = arith.muli %add3A_78, %mul3A_1146 : i32
        %add3A_1148 = arith.constant 14 : i32
        %add3A_1149 = arith.addi %mul3A_1147, %add3A_1148 : i32
        %get3A_1150 = arith.index_cast %add3A_1149 : i32 to index
        %get3A_1151 = arith.constant 0 : index
        %get3A_1152 = tpu.vector_load %arg14[%get3A_1150, %get3A_1151] {strides = array<i32>} : memref<80x128xf32, #tpu.memory_space<vmem>>, vector<16xf32>,
        %mul3A_1153 = vector.broadcast %squeeze3A_1145 : f32 to vector<16xf32>
        %mul3A_1154 = arith.mulf %get3A_1152, %mul3A_1153 : vector<16xf32>
        %swap3A_1155 = arith.index_cast %add3A_1149 : i32 to index
        %swap3A_1156 = arith.constant 0 : index
        %swap3A_1157 = tpu.vector_load %arg14[%swap3A_1155, %swap3A_1156] {strides = array<i32>} : memref<80x128xf32, #tpu.memory_space<vmem>>, vector<16xf32>,
        tpu.vector_store %arg14[%swap3A_1155, %swap3A_1156], %mul3A_1154 {strides = array<i32>} : memref<80x128xf32, #tpu.memory_space<vmem>>, vector<16xf32>,
        %get3A_1158 = arith.index_cast %add3A_1149 : i32 to index
        %get3A_1159 = arith.constant 16 : index
        %get3A_1160 = tpu.vector_load %arg14[%get3A_1158, %get3A_1159] {strides = array<i32>} : memref<80x128xf32, #tpu.memory_space<vmem>>, vector<16xf32>,
        %mul3A_1161 = vector.broadcast %squeeze3A_1145 : f32 to vector<16xf32>
        %mul3A_1162 = arith.mulf %get3A_1160, %mul3A_1161 : vector<16xf32>
        %swap3A_1163 = arith.index_cast %add3A_1149 : i32 to index
        %swap3A_1164 = arith.constant 16 : index
        %swap3A_1165 = tpu.vector_load %arg14[%swap3A_1163, %swap3A_1164] {strides = array<i32>} : memref<80x128xf32, #tpu.memory_space<vmem>>, vector<16xf32>,
        tpu.vector_store %arg14[%swap3A_1163, %swap3A_1164], %mul3A_1162 {strides = array<i32>} : memref<80x128xf32, #tpu.memory_space<vmem>>, vector<16xf32>,
        %get3A_1166 = arith.index_cast %add3A_1149 : i32 to index
        %get3A_1167 = arith.constant 32 : index
        %get3A_1168 = tpu.vector_load %arg14[%get3A_1166, %get3A_1167] {strides = array<i32>} : memref<80x128xf32, #tpu.memory_space<vmem>>, vector<16xf32>,
        %mul3A_1169 = vector.broadcast %squeeze3A_1145 : f32 to vector<16xf32>
        %mul3A_1170 = arith.mulf %get3A_1168, %mul3A_1169 : vector<16xf32>
        %swap3A_1171 = arith.index_cast %add3A_1149 : i32 to index
        %swap3A_1172 = arith.constant 32 : index
        %swap3A_1173 = tpu.vector_load %arg14[%swap3A_1171, %swap3A_1172] {strides = array<i32>} : memref<80x128xf32, #tpu.memory_space<vmem>>, vector<16xf32>,
        tpu.vector_store %arg14[%swap3A_1171, %swap3A_1172], %mul3A_1170 {strides = array<i32>} : memref<80x128xf32, #tpu.memory_space<vmem>>, vector<16xf32>,
        %get3A_1174 = arith.index_cast %add3A_1149 : i32 to index
        %get3A_1175 = arith.constant 48 : index
        %get3A_1176 = tpu.vector_load %arg14[%get3A_1174, %get3A_1175] {strides = array<i32>} : memref<80x128xf32, #tpu.memory_space<vmem>>, vector<16xf32>,
        %mul3A_1177 = vector.broadcast %squeeze3A_1145 : f32 to vector<16xf32>
        %mul3A_1178 = arith.mulf %get3A_1176, %mul3A_1177 : vector<16xf32>
        %swap3A_1179 = arith.index_cast %add3A_1149 : i32 to index
        %swap3A_1180 = arith.constant 48 : index
        %swap3A_1181 = tpu.vector_load %arg14[%swap3A_1179, %swap3A_1180] {strides = array<i32>} : memref<80x128xf32, #tpu.memory_space<vmem>>, vector<16xf32>,
        tpu.vector_store %arg14[%swap3A_1179, %swap3A_1180], %mul3A_1178 {strides = array<i32>} : memref<80x128xf32, #tpu.memory_space<vmem>>, vector<16xf32>,
        %get3A_1182 = arith.index_cast %add3A_1149 : i32 to index
        %get3A_1183 = arith.constant 64 : index
        %get3A_1184 = tpu.vector_load %arg14[%get3A_1182, %get3A_1183] {strides = array<i32>} : memref<80x128xf32, #tpu.memory_space<vmem>>, vector<16xf32>,
        %mul3A_1185 = vector.broadcast %squeeze3A_1145 : f32 to vector<16xf32>
        %mul3A_1186 = arith.mulf %get3A_1184, %mul3A_1185 : vector<16xf32>
        %swap3A_1187 = arith.index_cast %add3A_1149 : i32 to index
        %swap3A_1188 = arith.constant 64 : index
        %swap3A_1189 = tpu.vector_load %arg14[%swap3A_1187, %swap3A_1188] {strides = array<i32>} : memref<80x128xf32, #tpu.memory_space<vmem>>, vector<16xf32>,
        tpu.vector_store %arg14[%swap3A_1187, %swap3A_1188], %mul3A_1186 {strides = array<i32>} : memref<80x128xf32, #tpu.memory_space<vmem>>, vector<16xf32>,
        %get3A_1190 = arith.index_cast %add3A_1149 : i32 to index
        %get3A_1191 = arith.constant 80 : index
        %get3A_1192 = tpu.vector_load %arg14[%get3A_1190, %get3A_1191] {strides = array<i32>} : memref<80x128xf32, #tpu.memory_space<vmem>>, vector<16xf32>,
        %mul3A_1193 = vector.broadcast %squeeze3A_1145 : f32 to vector<16xf32>
        %mul3A_1194 = arith.mulf %get3A_1192, %mul3A_1193 : vector<16xf32>
        %swap3A_1195 = arith.index_cast %add3A_1149 : i32 to index
        %swap3A_1196 = arith.constant 80 : index
        %swap3A_1197 = tpu.vector_load %arg14[%swap3A_1195, %swap3A_1196] {strides = array<i32>} : memref<80x128xf32, #tpu.memory_space<vmem>>, vector<16xf32>,
        tpu.vector_store %arg14[%swap3A_1195, %swap3A_1196], %mul3A_1194 {strides = array<i32>} : memref<80x128xf32, #tpu.memory_space<vmem>>, vector<16xf32>,
        %get3A_1198 = arith.index_cast %add3A_1149 : i32 to index
        %get3A_1199 = arith.constant 96 : index
        %get3A_1200 = tpu.vector_load %arg14[%get3A_1198, %get3A_1199] {strides = array<i32>} : memref<80x128xf32, #tpu.memory_space<vmem>>, vector<16xf32>,
        %mul3A_1201 = vector.broadcast %squeeze3A_1145 : f32 to vector<16xf32>
        %mul3A_1202 = arith.mulf %get3A_1200, %mul3A_1201 : vector<16xf32>
        %swap3A_1203 = arith.index_cast %add3A_1149 : i32 to index
        %swap3A_1204 = arith.constant 96 : index
        %swap3A_1205 = tpu.vector_load %arg14[%swap3A_1203, %swap3A_1204] {strides = array<i32>} : memref<80x128xf32, #tpu.memory_space<vmem>>, vector<16xf32>,
        tpu.vector_store %arg14[%swap3A_1203, %swap3A_1204], %mul3A_1202 {strides = array<i32>} : memref<80x128xf32, #tpu.memory_space<vmem>>, vector<16xf32>,
        %get3A_1206 = arith.index_cast %add3A_1149 : i32 to index
        %get3A_1207 = arith.constant 112 : index
        %get3A_1208 = tpu.vector_load %arg14[%get3A_1206, %get3A_1207] {strides = array<i32>} : memref<80x128xf32, #tpu.memory_space<vmem>>, vector<16xf32>,
        %mul3A_1209 = vector.broadcast %squeeze3A_1145 : f32 to vector<16xf32>
        %mul3A_1210 = arith.mulf %get3A_1208, %mul3A_1209 : vector<16xf32>
        %swap3A_1211 = arith.index_cast %add3A_1149 : i32 to index
        %swap3A_1212 = arith.constant 112 : index
        %swap3A_1213 = tpu.vector_load %arg14[%swap3A_1211, %swap3A_1212] {strides = array<i32>} : memref<80x128xf32, #tpu.memory_space<vmem>>, vector<16xf32>,
        tpu.vector_store %arg14[%swap3A_1211, %swap3A_1212], %mul3A_1210 {strides = array<i32>} : memref<80x128xf32, #tpu.memory_space<vmem>>, vector<16xf32>,
        %slice3A_1214 = vector.extract_strided_slice %exp3A {offsets = [15], sizes = [1], strides = [1]} : vector<16xf32> to vector<1xf32>
        %squeeze3A_1215 = vector.extract %slice3A_1214[0] : f32 from vector<1xf32>
        %mul3A_1216 = arith.constant 16 : i32
        %mul3A_1217 = arith.muli %add3A_78, %mul3A_1216 : i32
        %add3A_1218 = arith.constant 15 : i32
        %add3A_1219 = arith.addi %mul3A_1217, %add3A_1218 : i32
        %get3A_1220 = arith.index_cast %add3A_1219 : i32 to index
        %get3A_1221 = arith.constant 0 : index
        %get3A_1222 = tpu.vector_load %arg14[%get3A_1220, %get3A_1221] {strides = array<i32>} : memref<80x128xf32, #tpu.memory_space<vmem>>, vector<16xf32>,
        %mul3A_1223 = vector.broadcast %squeeze3A_1215 : f32 to vector<16xf32>
        %mul3A_1224 = arith.mulf %get3A_1222, %mul3A_1223 : vector<16xf32>
        %swap3A_1225 = arith.index_cast %add3A_1219 : i32 to index
        %swap3A_1226 = arith.constant 0 : index
        %swap3A_1227 = tpu.vector_load %arg14[%swap3A_1225, %swap3A_1226] {strides = array<i32>} : memref<80x128xf32, #tpu.memory_space<vmem>>, vector<16xf32>,
        tpu.vector_store %arg14[%swap3A_1225, %swap3A_1226], %mul3A_1224 {strides = array<i32>} : memref<80x128xf32, #tpu.memory_space<vmem>>, vector<16xf32>,
        %get3A_1228 = arith.index_cast %add3A_1219 : i32 to index
        %get3A_1229 = arith.constant 16 : index
        %get3A_1230 = tpu.vector_load %arg14[%get3A_1228, %get3A_1229] {strides = array<i32>} : memref<80x128xf32, #tpu.memory_space<vmem>>, vector<16xf32>,
        %mul3A_1231 = vector.broadcast %squeeze3A_1215 : f32 to vector<16xf32>
        %mul3A_1232 = arith.mulf %get3A_1230, %mul3A_1231 : vector<16xf32>
        %swap3A_1233 = arith.index_cast %add3A_1219 : i32 to index
        %swap3A_1234 = arith.constant 16 : index
        %swap3A_1235 = tpu.vector_load %arg14[%swap3A_1233, %swap3A_1234] {strides = array<i32>} : memref<80x128xf32, #tpu.memory_space<vmem>>, vector<16xf32>,
        tpu.vector_store %arg14[%swap3A_1233, %swap3A_1234], %mul3A_1232 {strides = array<i32>} : memref<80x128xf32, #tpu.memory_space<vmem>>, vector<16xf32>,
        %get3A_1236 = arith.index_cast %add3A_1219 : i32 to index
        %get3A_1237 = arith.constant 32 : index
        %get3A_1238 = tpu.vector_load %arg14[%get3A_1236, %get3A_1237] {strides = array<i32>} : memref<80x128xf32, #tpu.memory_space<vmem>>, vector<16xf32>,
        %mul3A_1239 = vector.broadcast %squeeze3A_1215 : f32 to vector<16xf32>
        %mul3A_1240 = arith.mulf %get3A_1238, %mul3A_1239 : vector<16xf32>
        %swap3A_1241 = arith.index_cast %add3A_1219 : i32 to index
        %swap3A_1242 = arith.constant 32 : index
        %swap3A_1243 = tpu.vector_load %arg14[%swap3A_1241, %swap3A_1242] {strides = array<i32>} : memref<80x128xf32, #tpu.memory_space<vmem>>, vector<16xf32>,
        tpu.vector_store %arg14[%swap3A_1241, %swap3A_1242], %mul3A_1240 {strides = array<i32>} : memref<80x128xf32, #tpu.memory_space<vmem>>, vector<16xf32>,
        %get3A_1244 = arith.index_cast %add3A_1219 : i32 to index
        %get3A_1245 = arith.constant 48 : index
        %get3A_1246 = tpu.vector_load %arg14[%get3A_1244, %get3A_1245] {strides = array<i32>} : memref<80x128xf32, #tpu.memory_space<vmem>>, vector<16xf32>,
        %mul3A_1247 = vector.broadcast %squeeze3A_1215 : f32 to vector<16xf32>
        %mul3A_1248 = arith.mulf %get3A_1246, %mul3A_1247 : vector<16xf32>
        %swap3A_1249 = arith.index_cast %add3A_1219 : i32 to index
        %swap3A_1250 = arith.constant 48 : index
        %swap3A_1251 = tpu.vector_load %arg14[%swap3A_1249, %swap3A_1250] {strides = array<i32>} : memref<80x128xf32, #tpu.memory_space<vmem>>, vector<16xf32>,
        tpu.vector_store %arg14[%swap3A_1249, %swap3A_1250], %mul3A_1248 {strides = array<i32>} : memref<80x128xf32, #tpu.memory_space<vmem>>, vector<16xf32>,
        %get3A_1252 = arith.index_cast %add3A_1219 : i32 to index
        %get3A_1253 = arith.constant 64 : index
        %get3A_1254 = tpu.vector_load %arg14[%get3A_1252, %get3A_1253] {strides = array<i32>} : memref<80x128xf32, #tpu.memory_space<vmem>>, vector<16xf32>,
        %mul3A_1255 = vector.broadcast %squeeze3A_1215 : f32 to vector<16xf32>
        %mul3A_1256 = arith.mulf %get3A_1254, %mul3A_1255 : vector<16xf32>
        %swap3A_1257 = arith.index_cast %add3A_1219 : i32 to index
        %swap3A_1258 = arith.constant 64 : index
        %swap3A_1259 = tpu.vector_load %arg14[%swap3A_1257, %swap3A_1258] {strides = array<i32>} : memref<80x128xf32, #tpu.memory_space<vmem>>, vector<16xf32>,
        tpu.vector_store %arg14[%swap3A_1257, %swap3A_1258], %mul3A_1256 {strides = array<i32>} : memref<80x128xf32, #tpu.memory_space<vmem>>, vector<16xf32>,
        %get3A_1260 = arith.index_cast %add3A_1219 : i32 to index
        %get3A_1261 = arith.constant 80 : index
        %get3A_1262 = tpu.vector_load %arg14[%get3A_1260, %get3A_1261] {strides = array<i32>} : memref<80x128xf32, #tpu.memory_space<vmem>>, vector<16xf32>,
        %mul3A_1263 = vector.broadcast %squeeze3A_1215 : f32 to vector<16xf32>
        %mul3A_1264 = arith.mulf %get3A_1262, %mul3A_1263 : vector<16xf32>
        %swap3A_1265 = arith.index_cast %add3A_1219 : i32 to index
        %swap3A_1266 = arith.constant 80 : index
        %swap3A_1267 = tpu.vector_load %arg14[%swap3A_1265, %swap3A_1266] {strides = array<i32>} : memref<80x128xf32, #tpu.memory_space<vmem>>, vector<16xf32>,
        tpu.vector_store %arg14[%swap3A_1265, %swap3A_1266], %mul3A_1264 {strides = array<i32>} : memref<80x128xf32, #tpu.memory_space<vmem>>, vector<16xf32>,
        %get3A_1268 = arith.index_cast %add3A_1219 : i32 to index
        %get3A_1269 = arith.constant 96 : index
        %get3A_1270 = tpu.vector_load %arg14[%get3A_1268, %get3A_1269] {strides = array<i32>} : memref<80x128xf32, #tpu.memory_space<vmem>>, vector<16xf32>,
        %mul3A_1271 = vector.broadcast %squeeze3A_1215 : f32 to vector<16xf32>
        %mul3A_1272 = arith.mulf %get3A_1270, %mul3A_1271 : vector<16xf32>
        %swap3A_1273 = arith.index_cast %add3A_1219 : i32 to index
        %swap3A_1274 = arith.constant 96 : index
        %swap3A_1275 = tpu.vector_load %arg14[%swap3A_1273, %swap3A_1274] {strides = array<i32>} : memref<80x128xf32, #tpu.memory_space<vmem>>, vector<16xf32>,
        tpu.vector_store %arg14[%swap3A_1273, %swap3A_1274], %mul3A_1272 {strides = array<i32>} : memref<80x128xf32, #tpu.memory_space<vmem>>, vector<16xf32>,
        %get3A_1276 = arith.index_cast %add3A_1219 : i32 to index
        %get3A_1277 = arith.constant 112 : index
        %get3A_1278 = tpu.vector_load %arg14[%get3A_1276, %get3A_1277] {strides = array<i32>} : memref<80x128xf32, #tpu.memory_space<vmem>>, vector<16xf32>,
        %mul3A_1279 = vector.broadcast %squeeze3A_1215 : f32 to vector<16xf32>
        %mul3A_1280 = arith.mulf %get3A_1278, %mul3A_1279 : vector<16xf32>
        %swap3A_1281 = arith.index_cast %add3A_1219 : i32 to index
        %swap3A_1282 = arith.constant 112 : index
        %swap3A_1283 = tpu.vector_load %arg14[%swap3A_1281, %swap3A_1282] {strides = array<i32>} : memref<80x128xf32, #tpu.memory_space<vmem>>, vector<16xf32>,
        tpu.vector_store %arg14[%swap3A_1281, %swap3A_1282], %mul3A_1280 {strides = array<i32>} : memref<80x128xf32, #tpu.memory_space<vmem>>, vector<16xf32>,
      }
      %scan3A_73 = arith.constant 5 : i32
      "tpu.region"() ({
        %run_scoped3A = tpu.sem_alloc : memref<!tpu.dma_semaphore, #tpu.memory_space<semaphore_mem>>
        %dma_start3A_74 = arith.constant 0 : i32
        %dma_start3A_75 = arith.constant 0 : i32
        %dma_start3A_76 = tpu.memref_slice %arg19[%dma_start3A_74, %dma_start3A_75] : memref<10240x128xf32, #tpu.memory_space<vmem_shared>> -> memref<10240x128xf32, #tpu.memory_space<vmem_shared>>
        tpu.enqueue_indirect_dma source(%arg14 : memref<80x128xf32, #tpu.memory_space<vmem>>) target(%dma_start3A_76 : memref<10240x128xf32, #tpu.memory_space<vmem_shared>>) offsets(%arg11 : memref<80xi32, #tpu.memory_space<vmem>>) semaphore(%run_scoped3A : memref<!tpu.dma_semaphore, #tpu.memory_space<semaphore_mem>>) {add = true}
        %dma_wait3A_77 = arith.constant 0 : i32
        %dma_wait3A_78 = arith.constant 0 : i32
        %dma_wait3A_79 = tpu.memref_slice %arg19[%dma_wait3A_77, %dma_wait3A_78] : memref<10240x128xf32, #tpu.memory_space<vmem_shared>> -> memref<10240x128xf32, #tpu.memory_space<vmem_shared>>
        tpu.wait_indirect_dma semaphore(%run_scoped3A : memref<!tpu.dma_semaphore, #tpu.memory_space<semaphore_mem>>) src(%arg14 : memref<80x128xf32, #tpu.memory_space<vmem>>) dst(%dma_wait3A_79 : memref<10240x128xf32, #tpu.memory_space<vmem_shared>>)
        tpu.yield
      }) : () -> ()
      "tpu.region"() ({
        %run_scoped3A = tpu.sem_alloc : memref<!tpu.dma_semaphore, #tpu.memory_space<semaphore_mem>>
        %dma_start3A_74 = arith.constant 0 : i32
        %dma_start3A_75 = tpu.memref_slice %arg20[%dma_start3A_74] : memref<10240xf32, #tpu.memory_space<vmem_shared>> -> memref<10240xf32, #tpu.memory_space<vmem_shared>>
        tpu.enqueue_indirect_dma source(%arg16 : memref<80xf32, #tpu.memory_space<vmem>>) target(%dma_start3A_75 : memref<10240xf32, #tpu.memory_space<vmem_shared>>) offsets(%arg11 : memref<80xi32, #tpu.memory_space<vmem>>) semaphore(%run_scoped3A : memref<!tpu.dma_semaphore, #tpu.memory_space<semaphore_mem>>) {add = true}
        %dma_wait3A_76 = arith.constant 0 : i32
        %dma_wait3A_77 = tpu.memref_slice %arg20[%dma_wait3A_76] : memref<10240xf32, #tpu.memory_space<vmem_shared>> -> memref<10240xf32, #tpu.memory_space<vmem_shared>>
        tpu.wait_indirect_dma semaphore(%run_scoped3A : memref<!tpu.dma_semaphore, #tpu.memory_space<semaphore_mem>>) src(%arg16 : memref<80xf32, #tpu.memory_space<vmem>>) dst(%dma_wait3A_77 : memref<10240xf32, #tpu.memory_space<vmem_shared>>)
        tpu.yield
      }) : () -> ()
    }
    %scan3A_22 = arith.constant 125 : i32
    %barrier3A_23 = arith.constant 0 : index
    tpu.barrier barrier_id(%barrier3A_23)
    %scan3A_24 = arith.constant 0 : i32
    %scan3A_25 = arith.constant 8 : i32
    %scan3A_26 = arith.addi %scan3A_24, %scan3A_25 : i32
    %scan3A_27 = arith.constant 1 : i32
    scf.for %scan3A_38 = %scan3A_24 to %scan3A_26 step %scan3A_27  : i32 {
      %mul3A_39 = arith.constant 1 : i32
      %mul3A_40 = arith.muli %scan3A_38, %mul3A_39 : i32
      %add3A_41 = arith.constant 0 : i32
      %add3A_42 = arith.addi %add3A_41, %mul3A_40 : i32
      %mul3A_43 = arith.constant 640 : i32
      %mul3A_44 = arith.muli %arg1, %mul3A_43 : i32
      %mul3A_45 = arith.constant 80 : i32
      %mul3A_46 = arith.muli %add3A_42, %mul3A_45 : i32
      %add3A_47 = arith.addi %mul3A_44, %mul3A_46 : i32
      "tpu.region"() ({
        %run_scoped3A = tpu.sem_alloc : memref<!tpu.dma_semaphore, #tpu.memory_space<semaphore_mem>>
        %dma_start3A = arith.constant 0 : i32
        %dma_start3A_48 = tpu.memref_slice %arg19[%add3A_47, %dma_start3A] : memref<10240x128xf32, #tpu.memory_space<vmem_shared>> -> memref<80x128xf32, #tpu.memory_space<vmem_shared>>
        %dma_start3A_49 = arith.constant 0 : i32
        %dma_start3A_50 = tpu.memref_slice %arg19[%add3A_47, %dma_start3A_49] : memref<10240x128xf32, #tpu.memory_space<vmem_shared>> -> memref<80x128xf32, #tpu.memory_space<vmem_shared>>
        tpu.enqueue_dma source(%dma_start3A_50 : memref<80x128xf32, #tpu.memory_space<vmem_shared>>) target(%arg12 : memref<80x128xf32, #tpu.memory_space<vmem>>) target_semaphore(%run_scoped3A : memref<!tpu.dma_semaphore, #tpu.memory_space<semaphore_mem>>)
        %dma_wait3A = arith.constant 0 : i32
        %dma_wait3A_51 = tpu.memref_slice %arg19[%add3A_47, %dma_wait3A] : memref<10240x128xf32, #tpu.memory_space<vmem_shared>> -> memref<80x128xf32, #tpu.memory_space<vmem_shared>>
        %dma_wait3A_52 = arith.constant 0 : i32
        %dma_wait3A_53 = tpu.memref_slice %arg19[%add3A_47, %dma_wait3A_52] : memref<10240x128xf32, #tpu.memory_space<vmem_shared>> -> memref<80x128xf32, #tpu.memory_space<vmem_shared>>
        tpu.wait_dma2 semaphore(%run_scoped3A : memref<!tpu.dma_semaphore, #tpu.memory_space<semaphore_mem>>) src(%dma_wait3A_53 : memref<80x128xf32, #tpu.memory_space<vmem_shared>>) dst(%arg12 : memref<80x128xf32, #tpu.memory_space<vmem>>)
        tpu.yield
      }) : () -> ()
      "tpu.region"() ({
        %run_scoped3A = tpu.sem_alloc : memref<!tpu.dma_semaphore, #tpu.memory_space<semaphore_mem>>
        %dma_start3A = arith.constant 0 : i32
        %dma_start3A_48 = tpu.memref_slice %arg7[%arg0, %add3A_47, %dma_start3A] : memref<2x10240x128xf32, #tpu.memory_space<hbm>> -> memref<1x80x128xf32, #tpu.memory_space<hbm>>
        %dma_start3A_49 = tpu.memref_squeeze %dma_start3A_48 : memref<1x80x128xf32, #tpu.memory_space<hbm>> -> memref<80x128xf32, #tpu.memory_space<hbm>>
        %dma_start3A_50 = arith.constant 0 : i32
        %dma_start3A_51 = tpu.memref_slice %arg7[%arg0, %add3A_47, %dma_start3A_50] : memref<2x10240x128xf32, #tpu.memory_space<hbm>> -> memref<1x80x128xf32, #tpu.memory_space<hbm>>
        %dma_start3A_52 = tpu.memref_squeeze %dma_start3A_51 : memref<1x80x128xf32, #tpu.memory_space<hbm>> -> memref<80x128xf32, #tpu.memory_space<hbm>>
        tpu.enqueue_dma source(%arg12 : memref<80x128xf32, #tpu.memory_space<vmem>>) target(%dma_start3A_52 : memref<80x128xf32, #tpu.memory_space<hbm>>) target_semaphore(%run_scoped3A : memref<!tpu.dma_semaphore, #tpu.memory_space<semaphore_mem>>)
        %dma_wait3A = arith.constant 0 : i32
        %dma_wait3A_53 = tpu.memref_slice %arg7[%arg0, %add3A_47, %dma_wait3A] : memref<2x10240x128xf32, #tpu.memory_space<hbm>> -> memref<1x80x128xf32, #tpu.memory_space<hbm>>
        %dma_wait3A_54 = tpu.memref_squeeze %dma_wait3A_53 : memref<1x80x128xf32, #tpu.memory_space<hbm>> -> memref<80x128xf32, #tpu.memory_space<hbm>>
        %dma_wait3A_55 = arith.constant 0 : i32
        %dma_wait3A_56 = tpu.memref_slice %arg7[%arg0, %add3A_47, %dma_wait3A_55] : memref<2x10240x128xf32, #tpu.memory_space<hbm>> -> memref<1x80x128xf32, #tpu.memory_space<hbm>>
        %dma_wait3A_57 = tpu.memref_squeeze %dma_wait3A_56 : memref<1x80x128xf32, #tpu.memory_space<hbm>> -> memref<80x128xf32, #tpu.memory_space<hbm>>
        tpu.wait_dma2 semaphore(%run_scoped3A : memref<!tpu.dma_semaphore, #tpu.memory_space<semaphore_mem>>) src(%arg12 : memref<80x128xf32, #tpu.memory_space<vmem>>) dst(%dma_wait3A_57 : memref<80x128xf32, #tpu.memory_space<hbm>>)
        tpu.yield
      }) : () -> ()
    }
    %scan3A_28 = arith.constant 8 : i32
    %mul3A_29 = arith.constant 640 : i32
    %mul3A_30 = arith.muli %arg1, %mul3A_29 : i32
    "tpu.region"() ({
      %run_scoped3A = tpu.sem_alloc : memref<!tpu.dma_semaphore, #tpu.memory_space<semaphore_mem>>
      %dma_start3A = tpu.memref_slice %arg20[%mul3A_30] : memref<10240xf32, #tpu.memory_space<vmem_shared>> -> memref<640xf32, #tpu.memory_space<vmem_shared>>
      %dma_start3A_38 = tpu.memref_slice %arg20[%mul3A_30] : memref<10240xf32, #tpu.memory_space<vmem_shared>> -> memref<640xf32, #tpu.memory_space<vmem_shared>>
      tpu.enqueue_dma source(%dma_start3A_38 : memref<640xf32, #tpu.memory_space<vmem_shared>>) target(%arg17 : memref<640xf32, #tpu.memory_space<vmem>>) target_semaphore(%run_scoped3A : memref<!tpu.dma_semaphore, #tpu.memory_space<semaphore_mem>>)
      %dma_wait3A = tpu.memref_slice %arg20[%mul3A_30] : memref<10240xf32, #tpu.memory_space<vmem_shared>> -> memref<640xf32, #tpu.memory_space<vmem_shared>>
      %dma_wait3A_39 = tpu.memref_slice %arg20[%mul3A_30] : memref<10240xf32, #tpu.memory_space<vmem_shared>> -> memref<640xf32, #tpu.memory_space<vmem_shared>>
      tpu.wait_dma2 semaphore(%run_scoped3A : memref<!tpu.dma_semaphore, #tpu.memory_space<semaphore_mem>>) src(%dma_wait3A_39 : memref<640xf32, #tpu.memory_space<vmem_shared>>) dst(%arg17 : memref<640xf32, #tpu.memory_space<vmem>>)
      tpu.yield
    }) : () -> ()
    %eq3A = arith.constant 0 : i32
    %eq3A_31 = arith.cmpi eq, %arg0, %eq3A : i32
    %convert_element_type3A = arith.extui %eq3A_31 : i1 to i32
    %cond3A = arith.constant 0 : i32
    %cond3A_32 = arith.cmpi ne, %convert_element_type3A, %cond3A : i32
    scf.if %cond3A_32 {
      %mul3A_38 = arith.constant 640 : i32
      %mul3A_39 = arith.muli %arg1, %mul3A_38 : i32
      "tpu.region"() ({
        %run_scoped3A = tpu.sem_alloc : memref<!tpu.dma_semaphore, #tpu.memory_space<semaphore_mem>>
        %dma_start3A = tpu.memref_slice %arg8[%mul3A_39] : memref<10240xf32, #tpu.memory_space<hbm>> -> memref<640xf32, #tpu.memory_space<hbm>>
        %dma_start3A_40 = tpu.memref_slice %arg8[%mul3A_39] : memref<10240xf32, #tpu.memory_space<hbm>> -> memref<640xf32, #tpu.memory_space<hbm>>
        tpu.enqueue_dma source(%arg17 : memref<640xf32, #tpu.memory_space<vmem>>) target(%dma_start3A_40 : memref<640xf32, #tpu.memory_space<hbm>>) target_semaphore(%run_scoped3A : memref<!tpu.dma_semaphore, #tpu.memory_space<semaphore_mem>>)
        %dma_wait3A = tpu.memref_slice %arg8[%mul3A_39] : memref<10240xf32, #tpu.memory_space<hbm>> -> memref<640xf32, #tpu.memory_space<hbm>>
        %dma_wait3A_41 = tpu.memref_slice %arg8[%mul3A_39] : memref<10240xf32, #tpu.memory_space<hbm>> -> memref<640xf32, #tpu.memory_space<hbm>>
        tpu.wait_dma2 semaphore(%run_scoped3A : memref<!tpu.dma_semaphore, #tpu.memory_space<semaphore_mem>>) src(%arg17 : memref<640xf32, #tpu.memory_space<vmem>>) dst(%dma_wait3A_41 : memref<640xf32, #tpu.memory_space<hbm>>)
        tpu.yield
      }) : () -> ()
    } else {
    }
    %eq3A_33 = arith.constant 1 : i32
    %eq3A_34 = arith.cmpi eq, %arg0, %eq3A_33 : i32
    %convert_element_type3A_35 = arith.extui %eq3A_34 : i1 to i32
    %cond3A_36 = arith.constant 0 : i32
    %cond3A_37 = arith.cmpi ne, %convert_element_type3A_35, %cond3A_36 : i32
    scf.if %cond3A_37 {
      %mul3A_38 = arith.constant 640 : i32
      %mul3A_39 = arith.muli %arg1, %mul3A_38 : i32
      "tpu.region"() ({
        %run_scoped3A = tpu.sem_alloc : memref<!tpu.dma_semaphore, #tpu.memory_space<semaphore_mem>>
        %dma_start3A = tpu.memref_slice %arg9[%mul3A_39] : memref<10240xf32, #tpu.memory_space<hbm>> -> memref<640xf32, #tpu.memory_space<hbm>>
        %dma_start3A_40 = tpu.memref_slice %arg9[%mul3A_39] : memref<10240xf32, #tpu.memory_space<hbm>> -> memref<640xf32, #tpu.memory_space<hbm>>
        tpu.enqueue_dma source(%arg17 : memref<640xf32, #tpu.memory_space<vmem>>) target(%dma_start3A_40 : memref<640xf32, #tpu.memory_space<hbm>>) target_semaphore(%run_scoped3A : memref<!tpu.dma_semaphore, #tpu.memory_space<semaphore_mem>>)
        %dma_wait3A = tpu.memref_slice %arg9[%mul3A_39] : memref<10240xf32, #tpu.memory_space<hbm>> -> memref<640xf32, #tpu.memory_space<hbm>>
        %dma_wait3A_41 = tpu.memref_slice %arg9[%mul3A_39] : memref<10240xf32, #tpu.memory_space<hbm>> -> memref<640xf32, #tpu.memory_space<hbm>>
        tpu.wait_dma2 semaphore(%run_scoped3A : memref<!tpu.dma_semaphore, #tpu.memory_space<semaphore_mem>>) src(%arg17 : memref<640xf32, #tpu.memory_space<vmem>>) dst(%dma_wait3A_41 : memref<640xf32, #tpu.memory_space<hbm>>)
        tpu.yield
      }) : () -> ()
    } else {
    }
    return
  }
}

#map = affine_map<(d0, d1) -> (0, 0)>
#map1 = affine_map<(d0, d1) -> (0)>
#map2 = affine_map<(d0, d1) -> (0, 0, 0)>
module attributes {stable_mosaic.version = 14 : i64} {
  func.func @conv(%arg0: i32, %arg1: i32, %arg2: memref<10000x128xf32, #tpu.memory_space<hbm>>, %arg3: memref<10000x128xf32, #tpu.memory_space<hbm>>, %arg4: memref<320000xi32, #tpu.memory_space<hbm>>, %arg5: memref<320000xi32, #tpu.memory_space<hbm>>, %arg6: memref<16xf32, #tpu.memory_space<hbm>>, %arg7: memref<2x10240x128xf32, #tpu.memory_space<hbm>>, %arg8: memref<10240xf32, #tpu.memory_space<hbm>>, %arg9: memref<10240xf32, #tpu.memory_space<hbm>>, %arg10: memref<80xi32, #tpu.memory_space<vmem>>, %arg11: memref<80xi32, #tpu.memory_space<vmem>>, %arg12: memref<80x128xf32, #tpu.memory_space<vmem>>, %arg13: memref<80x128xf32, #tpu.memory_space<vmem>>, %arg14: memref<80x128xf32, #tpu.memory_space<vmem>>, %arg15: memref<1280xf32, #tpu.memory_space<vmem>>, %arg16: memref<80xf32, #tpu.memory_space<vmem>>, %arg17: memref<640xf32, #tpu.memory_space<vmem>>, %arg18: memref<16xf32, #tpu.memory_space<vmem>>, %arg19: memref<10240x128xf32, #tpu.memory_space<vmem_shared>>, %arg20: memref<10240xf32, #tpu.memory_space<vmem_shared>>, %arg21: memref<!tpu.dma_semaphore, #tpu.memory_space<semaphore_mem>>, %arg22: memref<!tpu.dma_semaphore, #tpu.memory_space<semaphore_mem>>, %arg23: memref<!tpu.dma_semaphore, #tpu.memory_space<semaphore_mem>>) attributes {dimension_semantics = [#tpu.dimension_semantics<core_parallel>, #tpu.dimension_semantics<subcore_parallel>], iteration_bounds = array<i64: 2, 16>, scalar_prefetch = 0 : i64, scratch_operands = 14 : i64, tpu.core_type = #tpu.core_type<sc_vector_subcore>, window_params = [{transform_indices = #map}, {transform_indices = #map}, {transform_indices = #map1}, {transform_indices = #map1}, {transform_indices = #map1}, {transform_indices = #map2}, {transform_indices = #map1}, {transform_indices = #map1}]} {
    %mul3A = arith.constant 2 : i32
    %mul3A_0 = arith.muli %arg1, %mul3A : i32
    %add3A = arith.addi %mul3A_0, %arg0 : i32
    %iota3A = tpu.iota {dimensions = array<i32: 0>} : vector<16xi32>
    %broadcast_in_dim3A = arith.constant 0.000000e+00 : f32
    %broadcast_in_dim3A_1 = vector.broadcast %broadcast_in_dim3A : f32 to vector<16xf32>
    "tpu.region"() ({
      %run_scoped3A = tpu.sem_alloc : memref<!tpu.dma_semaphore, #tpu.memory_space<semaphore_mem>>
      tpu.enqueue_dma source(%arg6 : memref<16xf32, #tpu.memory_space<hbm>>) target(%arg18 : memref<16xf32, #tpu.memory_space<vmem>>) target_semaphore(%run_scoped3A : memref<!tpu.dma_semaphore, #tpu.memory_space<semaphore_mem>>)
      tpu.wait_dma2 semaphore(%run_scoped3A : memref<!tpu.dma_semaphore, #tpu.memory_space<semaphore_mem>>) src(%arg6 : memref<16xf32, #tpu.memory_space<hbm>>) dst(%arg18 : memref<16xf32, #tpu.memory_space<vmem>>)
      tpu.yield
    }) : () -> ()
    %scan3A = arith.constant 0 : i32
    %scan3A_2 = arith.constant 80 : i32
    %scan3A_3 = arith.addi %scan3A, %scan3A_2 : i32
    %scan3A_4 = arith.constant 1 : i32
    scf.for %scan3A_38 = %scan3A to %scan3A_3 step %scan3A_4  : i32 {
      %mul3A_39 = arith.constant 1 : i32
      %mul3A_40 = arith.muli %scan3A_38, %mul3A_39 : i32
      %add3A_41 = arith.constant 0 : i32
      %add3A_42 = arith.addi %add3A_41, %mul3A_40 : i32
      %swap3A = arith.index_cast %add3A_42 : i32 to index
      %swap3A_43 = arith.constant 0 : index
      %swap3A_44 = tpu.vector_load %arg12[%swap3A, %swap3A_43] {strides = array<i32>} : memref<80x128xf32, #tpu.memory_space<vmem>>, vector<16xf32>,
      tpu.vector_store %arg12[%swap3A, %swap3A_43], %broadcast_in_dim3A_1 {strides = array<i32>} : memref<80x128xf32, #tpu.memory_space<vmem>>, vector<16xf32>,
      %swap3A_45 = arith.index_cast %add3A_42 : i32 to index
      %swap3A_46 = arith.constant 16 : index
      %swap3A_47 = tpu.vector_load %arg12[%swap3A_45, %swap3A_46] {strides = array<i32>} : memref<80x128xf32, #tpu.memory_space<vmem>>, vector<16xf32>,
      tpu.vector_store %arg12[%swap3A_45, %swap3A_46], %broadcast_in_dim3A_1 {strides = array<i32>} : memref<80x128xf32, #tpu.memory_space<vmem>>, vector<16xf32>,
      %swap3A_48 = arith.index_cast %add3A_42 : i32 to index
      %swap3A_49 = arith.constant 32 : index
      %swap3A_50 = tpu.vector_load %arg12[%swap3A_48, %swap3A_49] {strides = array<i32>} : memref<80x128xf32, #tpu.memory_space<vmem>>, vector<16xf32>,
      tpu.vector_store %arg12[%swap3A_48, %swap3A_49], %broadcast_in_dim3A_1 {strides = array<i32>} : memref<80x128xf32, #tpu.memory_space<vmem>>, vector<16xf32>,
      %swap3A_51 = arith.index_cast %add3A_42 : i32 to index
      %swap3A_52 = arith.constant 48 : index
      %swap3A_53 = tpu.vector_load %arg12[%swap3A_51, %swap3A_52] {strides = array<i32>} : memref<80x128xf32, #tpu.memory_space<vmem>>, vector<16xf32>,
      tpu.vector_store %arg12[%swap3A_51, %swap3A_52], %broadcast_in_dim3A_1 {strides = array<i32>} : memref<80x128xf32, #tpu.memory_space<vmem>>, vector<16xf32>,
      %swap3A_54 = arith.index_cast %add3A_42 : i32 to index
      %swap3A_55 = arith.constant 64 : index
      %swap3A_56 = tpu.vector_load %arg12[%swap3A_54, %swap3A_55] {strides = array<i32>} : memref<80x128xf32, #tpu.memory_space<vmem>>, vector<16xf32>,
      tpu.vector_store %arg12[%swap3A_54, %swap3A_55], %broadcast_in_dim3A_1 {strides = array<i32>} : memref<80x128xf32, #tpu.memory_space<vmem>>, vector<16xf32>,
      %swap3A_57 = arith.index_cast %add3A_42 : i32 to index
      %swap3A_58 = arith.constant 80 : index
      %swap3A_59 = tpu.vector_load %arg12[%swap3A_57, %swap3A_58] {strides = array<i32>} : memref<80x128xf32, #tpu.memory_space<vmem>>, vector<16xf32>,
      tpu.vector_store %arg12[%swap3A_57, %swap3A_58], %broadcast_in_dim3A_1 {strides = array<i32>} : memref<80x128xf32, #tpu.memory_space<vmem>>, vector<16xf32>,
      %swap3A_60 = arith.index_cast %add3A_42 : i32 to index
      %swap3A_61 = arith.constant 96 : index
      %swap3A_62 = tpu.vector_load %arg12[%swap3A_60, %swap3A_61] {strides = array<i32>} : memref<80x128xf32, #tpu.memory_space<vmem>>, vector<16xf32>,
      tpu.vector_store %arg12[%swap3A_60, %swap3A_61], %broadcast_in_dim3A_1 {strides = array<i32>} : memref<80x128xf32, #tpu.memory_space<vmem>>, vector<16xf32>,
      %swap3A_63 = arith.index_cast %add3A_42 : i32 to index
      %swap3A_64 = arith.constant 112 : index
      %swap3A_65 = tpu.vector_load %arg12[%swap3A_63, %swap3A_64] {strides = array<i32>} : memref<80x128xf32, #tpu.memory_space<vmem>>, vector<16xf32>,
      tpu.vector_store %arg12[%swap3A_63, %swap3A_64], %broadcast_in_dim3A_1 {strides = array<i32>} : memref<80x128xf32, #tpu.memory_space<vmem>>, vector<16xf32>,
    }
    %scan3A_5 = arith.constant 80 : i32
    %scan3A_6 = arith.constant 0 : i32
    %scan3A_7 = arith.constant 40 : i32
    %scan3A_8 = arith.addi %scan3A_6, %scan3A_7 : i32
    %scan3A_9 = arith.constant 1 : i32
    scf.for %scan3A_38 = %scan3A_6 to %scan3A_8 step %scan3A_9  : i32 {
      %mul3A_39 = arith.constant 1 : i32
      %mul3A_40 = arith.muli %scan3A_38, %mul3A_39 : i32
      %add3A_41 = arith.constant 0 : i32
      %add3A_42 = arith.addi %add3A_41, %mul3A_40 : i32
      %mul3A_43 = arith.constant 16 : i32
      %mul3A_44 = arith.muli %add3A_42, %mul3A_43 : i32
      %swap3A = arith.index_cast %mul3A_44 : i32 to index
      %swap3A_45 = tpu.vector_load %arg17[%swap3A] {strides = array<i32>} : memref<640xf32, #tpu.memory_space<vmem>>, vector<16xf32>,
      tpu.vector_store %arg17[%swap3A], %broadcast_in_dim3A_1 {strides = array<i32>} : memref<640xf32, #tpu.memory_space<vmem>>, vector<16xf32>,
    }
    %scan3A_10 = arith.constant 40 : i32
    %mul3A_11 = arith.constant 640 : i32
    %mul3A_12 = arith.muli %arg1, %mul3A_11 : i32
    "tpu.region"() ({
      %run_scoped3A = tpu.sem_alloc : memref<!tpu.dma_semaphore, #tpu.memory_space<semaphore_mem>>
      %dma_start3A = tpu.memref_slice %arg20[%mul3A_12] : memref<10240xf32, #tpu.memory_space<vmem_shared>> -> memref<640xf32, #tpu.memory_space<vmem_shared>>
      %dma_start3A_38 = tpu.memref_slice %arg20[%mul3A_12] : memref<10240xf32, #tpu.memory_space<vmem_shared>> -> memref<640xf32, #tpu.memory_space<vmem_shared>>
      tpu.enqueue_dma source(%arg17 : memref<640xf32, #tpu.memory_space<vmem>>) target(%dma_start3A_38 : memref<640xf32, #tpu.memory_space<vmem_shared>>) target_semaphore(%run_scoped3A : memref<!tpu.dma_semaphore, #tpu.memory_space<semaphore_mem>>)
      %dma_wait3A = tpu.memref_slice %arg20[%mul3A_12] : memref<10240xf32, #tpu.memory_space<vmem_shared>> -> memref<640xf32, #tpu.memory_space<vmem_shared>>
      %dma_wait3A_39 = tpu.memref_slice %arg20[%mul3A_12] : memref<10240xf32, #tpu.memory_space<vmem_shared>> -> memref<640xf32, #tpu.memory_space<vmem_shared>>
      tpu.wait_dma2 semaphore(%run_scoped3A : memref<!tpu.dma_semaphore, #tpu.memory_space<semaphore_mem>>) src(%arg17 : memref<640xf32, #tpu.memory_space<vmem>>) dst(%dma_wait3A_39 : memref<640xf32, #tpu.memory_space<vmem_shared>>)
      tpu.yield
    }) : () -> ()
    %scan3A_13 = arith.constant 0 : i32
    %scan3A_14 = arith.constant 8 : i32
    %scan3A_15 = arith.addi %scan3A_13, %scan3A_14 : i32
    %scan3A_16 = arith.constant 1 : i32
    scf.for %scan3A_38 = %scan3A_13 to %scan3A_15 step %scan3A_16  : i32 {
      %mul3A_39 = arith.constant 1 : i32
      %mul3A_40 = arith.muli %scan3A_38, %mul3A_39 : i32
      %add3A_41 = arith.constant 0 : i32
      %add3A_42 = arith.addi %add3A_41, %mul3A_40 : i32
      %mul3A_43 = arith.constant 640 : i32
      %mul3A_44 = arith.muli %arg1, %mul3A_43 : i32
      %mul3A_45 = arith.constant 80 : i32
      %mul3A_46 = arith.muli %add3A_42, %mul3A_45 : i32
      %add3A_47 = arith.addi %mul3A_44, %mul3A_46 : i32
      "tpu.region"() ({
        %run_scoped3A = tpu.sem_alloc : memref<!tpu.dma_semaphore, #tpu.memory_space<semaphore_mem>>
        %dma_start3A = arith.constant 0 : i32
        %dma_start3A_48 = tpu.memref_slice %arg19[%add3A_47, %dma_start3A] : memref<10240x128xf32, #tpu.memory_space<vmem_shared>> -> memref<80x128xf32, #tpu.memory_space<vmem_shared>>
        %dma_start3A_49 = arith.constant 0 : i32
        %dma_start3A_50 = tpu.memref_slice %arg19[%add3A_47, %dma_start3A_49] : memref<10240x128xf32, #tpu.memory_space<vmem_shared>> -> memref<80x128xf32, #tpu.memory_space<vmem_shared>>
        tpu.enqueue_dma source(%arg12 : memref<80x128xf32, #tpu.memory_space<vmem>>) target(%dma_start3A_50 : memref<80x128xf32, #tpu.memory_space<vmem_shared>>) target_semaphore(%run_scoped3A : memref<!tpu.dma_semaphore, #tpu.memory_space<semaphore_mem>>)
        %dma_wait3A = arith.constant 0 : i32
        %dma_wait3A_51 = tpu.memref_slice %arg19[%add3A_47, %dma_wait3A] : memref<10240x128xf32, #tpu.memory_space<vmem_shared>> -> memref<80x128xf32, #tpu.memory_space<vmem_shared>>
        %dma_wait3A_52 = arith.constant 0 : i32
        %dma_wait3A_53 = tpu.memref_slice %arg19[%add3A_47, %dma_wait3A_52] : memref<10240x128xf32, #tpu.memory_space<vmem_shared>> -> memref<80x128xf32, #tpu.memory_space<vmem_shared>>
        tpu.wait_dma2 semaphore(%run_scoped3A : memref<!tpu.dma_semaphore, #tpu.memory_space<semaphore_mem>>) src(%arg12 : memref<80x128xf32, #tpu.memory_space<vmem>>) dst(%dma_wait3A_53 : memref<80x128xf32, #tpu.memory_space<vmem_shared>>)
        tpu.yield
      }) : () -> ()
    }
    %scan3A_17 = arith.constant 8 : i32
    %barrier3A = arith.constant 0 : index
    tpu.barrier barrier_id(%barrier3A)
    %scan3A_18 = arith.constant 0 : i32
    %scan3A_19 = arith.constant 125 : i32
    %scan3A_20 = arith.addi %scan3A_18, %scan3A_19 : i32
    %scan3A_21 = arith.constant 1 : i32
    scf.for %scan3A_38 = %scan3A_18 to %scan3A_20 step %scan3A_21  : i32 {
      %mul3A_39 = arith.constant 1 : i32
      %mul3A_40 = arith.muli %scan3A_38, %mul3A_39 : i32
      %add3A_41 = arith.constant 0 : i32
      %add3A_42 = arith.addi %add3A_41, %mul3A_40 : i32
      %mul3A_43 = arith.constant 10000 : i32
      %mul3A_44 = arith.muli %add3A, %mul3A_43 : i32
      %mul3A_45 = arith.constant 80 : i32
      %mul3A_46 = arith.muli %add3A_42, %mul3A_45 : i32
      %add3A_47 = arith.addi %mul3A_44, %mul3A_46 : i32
      "tpu.region"() ({
        %run_scoped3A = tpu.sem_alloc : memref<!tpu.dma_semaphore, #tpu.memory_space<semaphore_mem>>
        %dma_start3A_74 = tpu.memref_slice %arg4[%add3A_47] : memref<320000xi32, #tpu.memory_space<hbm>> -> memref<80xi32, #tpu.memory_space<hbm>>
        %dma_start3A_75 = tpu.memref_slice %arg4[%add3A_47] : memref<320000xi32, #tpu.memory_space<hbm>> -> memref<80xi32, #tpu.memory_space<hbm>>
        tpu.enqueue_dma source(%dma_start3A_75 : memref<80xi32, #tpu.memory_space<hbm>>) target(%arg10 : memref<80xi32, #tpu.memory_space<vmem>>) target_semaphore(%run_scoped3A : memref<!tpu.dma_semaphore, #tpu.memory_space<semaphore_mem>>)
        %dma_wait3A_76 = tpu.memref_slice %arg4[%add3A_47] : memref<320000xi32, #tpu.memory_space<hbm>> -> memref<80xi32, #tpu.memory_space<hbm>>
        %dma_wait3A_77 = tpu.memref_slice %arg4[%add3A_47] : memref<320000xi32, #tpu.memory_space<hbm>> -> memref<80xi32, #tpu.memory_space<hbm>>
        tpu.wait_dma2 semaphore(%run_scoped3A : memref<!tpu.dma_semaphore, #tpu.memory_space<semaphore_mem>>) src(%dma_wait3A_77 : memref<80xi32, #tpu.memory_space<hbm>>) dst(%arg10 : memref<80xi32, #tpu.memory_space<vmem>>)
        tpu.yield
      }) : () -> ()
      "tpu.region"() ({
        %run_scoped3A = tpu.sem_alloc : memref<!tpu.dma_semaphore, #tpu.memory_space<semaphore_mem>>
        %dma_start3A_74 = tpu.memref_slice %arg5[%add3A_47] : memref<320000xi32, #tpu.memory_space<hbm>> -> memref<80xi32, #tpu.memory_space<hbm>>
        %dma_start3A_75 = tpu.memref_slice %arg5[%add3A_47] : memref<320000xi32, #tpu.memory_space<hbm>> -> memref<80xi32, #tpu.memory_space<hbm>>
        tpu.enqueue_dma source(%dma_start3A_75 : memref<80xi32, #tpu.memory_space<hbm>>) target(%arg11 : memref<80xi32, #tpu.memory_space<vmem>>) target_semaphore(%run_scoped3A : memref<!tpu.dma_semaphore, #tpu.memory_space<semaphore_mem>>)
        %dma_wait3A_76 = tpu.memref_slice %arg5[%add3A_47] : memref<320000xi32, #tpu.memory_space<hbm>> -> memref<80xi32, #tpu.memory_space<hbm>>
        %dma_wait3A_77 = tpu.memref_slice %arg5[%add3A_47] : memref<320000xi32, #tpu.memory_space<hbm>> -> memref<80xi32, #tpu.memory_space<hbm>>
        tpu.wait_dma2 semaphore(%run_scoped3A : memref<!tpu.dma_semaphore, #tpu.memory_space<semaphore_mem>>) src(%dma_wait3A_77 : memref<80xi32, #tpu.memory_space<hbm>>) dst(%arg11 : memref<80xi32, #tpu.memory_space<vmem>>)
        tpu.yield
      }) : () -> ()
      %dma_start3A = arith.constant 0 : i32
      %dma_start3A_48 = arith.constant 0 : i32
      %dma_start3A_49 = tpu.memref_slice %arg3[%dma_start3A, %dma_start3A_48] : memref<10000x128xf32, #tpu.memory_space<hbm>> -> memref<10000x128xf32, #tpu.memory_space<hbm>>
      tpu.enqueue_indirect_dma source(%dma_start3A_49 : memref<10000x128xf32, #tpu.memory_space<hbm>>) target(%arg12 : memref<80x128xf32, #tpu.memory_space<vmem>>) offsets(%arg11 : memref<80xi32, #tpu.memory_space<vmem>>) semaphore(%arg21 : memref<!tpu.dma_semaphore, #tpu.memory_space<semaphore_mem>>)
      %dma_start3A_50 = arith.constant 0 : i32
      %dma_start3A_51 = arith.constant 0 : i32
      %dma_start3A_52 = tpu.memref_slice %arg3[%dma_start3A_50, %dma_start3A_51] : memref<10000x128xf32, #tpu.memory_space<hbm>> -> memref<10000x128xf32, #tpu.memory_space<hbm>>
      tpu.enqueue_indirect_dma source(%dma_start3A_52 : memref<10000x128xf32, #tpu.memory_space<hbm>>) target(%arg13 : memref<80x128xf32, #tpu.memory_space<vmem>>) offsets(%arg10 : memref<80xi32, #tpu.memory_space<vmem>>) semaphore(%arg22 : memref<!tpu.dma_semaphore, #tpu.memory_space<semaphore_mem>>)
      %dma_start3A_53 = arith.constant 0 : i32
      %dma_start3A_54 = arith.constant 0 : i32
      %dma_start3A_55 = tpu.memref_slice %arg2[%dma_start3A_53, %dma_start3A_54] : memref<10000x128xf32, #tpu.memory_space<hbm>> -> memref<10000x128xf32, #tpu.memory_space<hbm>>
      tpu.enqueue_indirect_dma source(%dma_start3A_55 : memref<10000x128xf32, #tpu.memory_space<hbm>>) target(%arg14 : memref<80x128xf32, #tpu.memory_space<vmem>>) offsets(%arg10 : memref<80xi32, #tpu.memory_space<vmem>>) semaphore(%arg23 : memref<!tpu.dma_semaphore, #tpu.memory_space<semaphore_mem>>)
      %dma_wait3A = arith.constant 0 : i32
      %dma_wait3A_56 = arith.constant 0 : i32
      %dma_wait3A_57 = tpu.memref_slice %arg3[%dma_wait3A, %dma_wait3A_56] : memref<10000x128xf32, #tpu.memory_space<hbm>> -> memref<10000x128xf32, #tpu.memory_space<hbm>>
      tpu.wait_indirect_dma semaphore(%arg21 : memref<!tpu.dma_semaphore, #tpu.memory_space<semaphore_mem>>) src(%dma_wait3A_57 : memref<10000x128xf32, #tpu.memory_space<hbm>>) dst(%arg12 : memref<80x128xf32, #tpu.memory_space<vmem>>)
      %dma_wait3A_58 = arith.constant 0 : i32
      %dma_wait3A_59 = arith.constant 0 : i32
      %dma_wait3A_60 = tpu.memref_slice %arg3[%dma_wait3A_58, %dma_wait3A_59] : memref<10000x128xf32, #tpu.memory_space<hbm>> -> memref<10000x128xf32, #tpu.memory_space<hbm>>
      tpu.wait_indirect_dma semaphore(%arg22 : memref<!tpu.dma_semaphore, #tpu.memory_space<semaphore_mem>>) src(%dma_wait3A_60 : memref<10000x128xf32, #tpu.memory_space<hbm>>) dst(%arg13 : memref<80x128xf32, #tpu.memory_space<vmem>>)
      %scan3A_61 = arith.constant 0 : i32
      %scan3A_62 = arith.constant 80 : i32
      %scan3A_63 = arith.addi %scan3A_61, %scan3A_62 : i32
      %scan3A_64 = arith.constant 1 : i32
      scf.for %scan3A_74 = %scan3A_61 to %scan3A_63 step %scan3A_64  : i32 {
        %mul3A_75 = arith.constant 1 : i32
        %mul3A_76 = arith.muli %scan3A_74, %mul3A_75 : i32
        %add3A_77 = arith.constant 0 : i32
        %add3A_78 = arith.addi %add3A_77, %mul3A_76 : i32
        %get3A = arith.index_cast %add3A_78 : i32 to index
        %get3A_79 = arith.constant 0 : index
        %get3A_80 = tpu.vector_load %arg12[%get3A, %get3A_79] {strides = array<i32>} : memref<80x128xf32, #tpu.memory_space<vmem>>, vector<16xf32>,
        %get3A_81 = arith.index_cast %add3A_78 : i32 to index
        %get3A_82 = arith.constant 0 : index
        %get3A_83 = tpu.vector_load %arg13[%get3A_81, %get3A_82] {strides = array<i32>} : memref<80x128xf32, #tpu.memory_space<vmem>>, vector<16xf32>,
        %mul3A_84 = arith.mulf %get3A_80, %get3A_83 : vector<16xf32>
        %get3A_85 = arith.index_cast %add3A_78 : i32 to index
        %get3A_86 = arith.constant 16 : index
        %get3A_87 = tpu.vector_load %arg12[%get3A_85, %get3A_86] {strides = array<i32>} : memref<80x128xf32, #tpu.memory_space<vmem>>, vector<16xf32>,
        %get3A_88 = arith.index_cast %add3A_78 : i32 to index
        %get3A_89 = arith.constant 16 : index
        %get3A_90 = tpu.vector_load %arg13[%get3A_88, %get3A_89] {strides = array<i32>} : memref<80x128xf32, #tpu.memory_space<vmem>>, vector<16xf32>,
        %mul3A_91 = arith.mulf %get3A_87, %get3A_90 : vector<16xf32>
        %add3A_92 = arith.addf %mul3A_84, %mul3A_91 : vector<16xf32>
        %get3A_93 = arith.index_cast %add3A_78 : i32 to index
        %get3A_94 = arith.constant 32 : index
        %get3A_95 = tpu.vector_load %arg12[%get3A_93, %get3A_94] {strides = array<i32>} : memref<80x128xf32, #tpu.memory_space<vmem>>, vector<16xf32>,
        %get3A_96 = arith.index_cast %add3A_78 : i32 to index
        %get3A_97 = arith.constant 32 : index
        %get3A_98 = tpu.vector_load %arg13[%get3A_96, %get3A_97] {strides = array<i32>} : memref<80x128xf32, #tpu.memory_space<vmem>>, vector<16xf32>,
        %mul3A_99 = arith.mulf %get3A_95, %get3A_98 : vector<16xf32>
        %add3A_100 = arith.addf %add3A_92, %mul3A_99 : vector<16xf32>
        %get3A_101 = arith.index_cast %add3A_78 : i32 to index
        %get3A_102 = arith.constant 48 : index
        %get3A_103 = tpu.vector_load %arg12[%get3A_101, %get3A_102] {strides = array<i32>} : memref<80x128xf32, #tpu.memory_space<vmem>>, vector<16xf32>,
        %get3A_104 = arith.index_cast %add3A_78 : i32 to index
        %get3A_105 = arith.constant 48 : index
        %get3A_106 = tpu.vector_load %arg13[%get3A_104, %get3A_105] {strides = array<i32>} : memref<80x128xf32, #tpu.memory_space<vmem>>, vector<16xf32>,
        %mul3A_107 = arith.mulf %get3A_103, %get3A_106 : vector<16xf32>
        %add3A_108 = arith.addf %add3A_100, %mul3A_107 : vector<16xf32>
        %get3A_109 = arith.index_cast %add3A_78 : i32 to index
        %get3A_110 = arith.constant 64 : index
        %get3A_111 = tpu.vector_load %arg12[%get3A_109, %get3A_110] {strides = array<i32>} : memref<80x128xf32, #tpu.memory_space<vmem>>, vector<16xf32>,
        %get3A_112 = arith.index_cast %add3A_78 : i32 to index
        %get3A_113 = arith.constant 64 : index
        %get3A_114 = tpu.vector_load %arg13[%get3A_112, %get3A_113] {strides = array<i32>} : memref<80x128xf32, #tpu.memory_space<vmem>>, vector<16xf32>,
        %mul3A_115 = arith.mulf %get3A_111, %get3A_114 : vector<16xf32>
        %add3A_116 = arith.addf %add3A_108, %mul3A_115 : vector<16xf32>
        %get3A_117 = arith.index_cast %add3A_78 : i32 to index
        %get3A_118 = arith.constant 80 : index
        %get3A_119 = tpu.vector_load %arg12[%get3A_117, %get3A_118] {strides = array<i32>} : memref<80x128xf32, #tpu.memory_space<vmem>>, vector<16xf32>,
        %get3A_120 = arith.index_cast %add3A_78 : i32 to index
        %get3A_121 = arith.constant 80 : index
        %get3A_122 = tpu.vector_load %arg13[%get3A_120, %get3A_121] {strides = array<i32>} : memref<80x128xf32, #tpu.memory_space<vmem>>, vector<16xf32>,
        %mul3A_123 = arith.mulf %get3A_119, %get3A_122 : vector<16xf32>
        %add3A_124 = arith.addf %add3A_116, %mul3A_123 : vector<16xf32>
        %get3A_125 = arith.index_cast %add3A_78 : i32 to index
        %get3A_126 = arith.constant 96 : index
        %get3A_127 = tpu.vector_load %arg12[%get3A_125, %get3A_126] {strides = array<i32>} : memref<80x128xf32, #tpu.memory_space<vmem>>, vector<16xf32>,
        %get3A_128 = arith.index_cast %add3A_78 : i32 to index
        %get3A_129 = arith.constant 96 : index
        %get3A_130 = tpu.vector_load %arg13[%get3A_128, %get3A_129] {strides = array<i32>} : memref<80x128xf32, #tpu.memory_space<vmem>>, vector<16xf32>,
        %mul3A_131 = arith.mulf %get3A_127, %get3A_130 : vector<16xf32>
        %add3A_132 = arith.addf %add3A_124, %mul3A_131 : vector<16xf32>
        %get3A_133 = arith.index_cast %add3A_78 : i32 to index
        %get3A_134 = arith.constant 112 : index
        %get3A_135 = tpu.vector_load %arg12[%get3A_133, %get3A_134] {strides = array<i32>} : memref<80x128xf32, #tpu.memory_space<vmem>>, vector<16xf32>,
        %get3A_136 = arith.index_cast %add3A_78 : i32 to index
        %get3A_137 = arith.constant 112 : index
        %get3A_138 = tpu.vector_load %arg13[%get3A_136, %get3A_137] {strides = array<i32>} : memref<80x128xf32, #tpu.memory_space<vmem>>, vector<16xf32>,
        %mul3A_139 = arith.mulf %get3A_135, %get3A_138 : vector<16xf32>
        %add3A_140 = arith.addf %add3A_132, %mul3A_139 : vector<16xf32>
        %mul3A_141 = arith.constant 16 : i32
        %mul3A_142 = arith.muli %add3A_78, %mul3A_141 : i32
        %swap3A = arith.index_cast %mul3A_142 : i32 to index
        %swap3A_143 = tpu.vector_load %arg15[%swap3A] {strides = array<i32>} : memref<1280xf32, #tpu.memory_space<vmem>>, vector<16xf32>,
        tpu.vector_store %arg15[%swap3A], %add3A_140 {strides = array<i32>} : memref<1280xf32, #tpu.memory_space<vmem>>, vector<16xf32>,
      }
      %scan3A_65 = arith.constant 80 : i32
      %dma_wait3A_66 = arith.constant 0 : i32
      %dma_wait3A_67 = arith.constant 0 : i32
      %dma_wait3A_68 = tpu.memref_slice %arg2[%dma_wait3A_66, %dma_wait3A_67] : memref<10000x128xf32, #tpu.memory_space<hbm>> -> memref<10000x128xf32, #tpu.memory_space<hbm>>
      tpu.wait_indirect_dma semaphore(%arg23 : memref<!tpu.dma_semaphore, #tpu.memory_space<semaphore_mem>>) src(%dma_wait3A_68 : memref<10000x128xf32, #tpu.memory_space<hbm>>) dst(%arg14 : memref<80x128xf32, #tpu.memory_space<vmem>>)
      %scan3A_69 = arith.constant 0 : i32
      %scan3A_70 = arith.constant 5 : i32
      %scan3A_71 = arith.addi %scan3A_69, %scan3A_70 : i32
      %scan3A_72 = arith.constant 1 : i32
      scf.for %scan3A_74 = %scan3A_69 to %scan3A_71 step %scan3A_72  : i32 {
        %mul3A_75 = arith.constant 1 : i32
        %mul3A_76 = arith.muli %scan3A_74, %mul3A_75 : i32
        %add3A_77 = arith.constant 0 : i32
        %add3A_78 = arith.addi %add3A_77, %mul3A_76 : i32
        %mul3A_79 = arith.constant 16 : i32
        %mul3A_80 = arith.muli %add3A_78, %mul3A_79 : i32
        %add3A_81 = vector.broadcast %mul3A_80 : i32 to vector<16xi32>
        %add3A_82 = arith.addi %add3A_81, %iota3A : vector<16xi32>
        %mul3A_83 = arith.constant 16 : i32
        %mul3A_84 = vector.broadcast %mul3A_83 : i32 to vector<16xi32>
        %mul3A_85 = arith.muli %add3A_82, %mul3A_84 : vector<16xi32>
        %gather3A = tpu.vector_load_idx %arg15[%mul3A_85] : memref<1280xf32, #tpu.memory_space<vmem>>[vector<16xi32>], vector<16xf32>,
        %add3A_86 = arith.constant 1 : i32
        %add3A_87 = vector.broadcast %add3A_86 : i32 to vector<16xi32>
        %add3A_88 = arith.addi %mul3A_85, %add3A_87 : vector<16xi32>
        %gather3A_89 = tpu.vector_load_idx %arg15[%add3A_88] : memref<1280xf32, #tpu.memory_space<vmem>>[vector<16xi32>], vector<16xf32>,
        %add3A_90 = arith.addf %gather3A, %gather3A_89 : vector<16xf32>
        %add3A_91 = arith.constant 2 : i32
        %add3A_92 = vector.broadcast %add3A_91 : i32 to vector<16xi32>
        %add3A_93 = arith.addi %mul3A_85, %add3A_92 : vector<16xi32>
        %gather3A_94 = tpu.vector_load_idx %arg15[%add3A_93] : memref<1280xf32, #tpu.memory_space<vmem>>[vector<16xi32>], vector<16xf32>,
        %add3A_95 = arith.addf %add3A_90, %gather3A_94 : vector<16xf32>
        %add3A_96 = arith.constant 3 : i32
        %add3A_97 = vector.broadcast %add3A_96 : i32 to vector<16xi32>
        %add3A_98 = arith.addi %mul3A_85, %add3A_97 : vector<16xi32>
        %gather3A_99 = tpu.vector_load_idx %arg15[%add3A_98] : memref<1280xf32, #tpu.memory_space<vmem>>[vector<16xi32>], vector<16xf32>,
        %add3A_100 = arith.addf %add3A_95, %gather3A_99 : vector<16xf32>
        %add3A_101 = arith.constant 4 : i32
        %add3A_102 = vector.broadcast %add3A_101 : i32 to vector<16xi32>
        %add3A_103 = arith.addi %mul3A_85, %add3A_102 : vector<16xi32>
        %gather3A_104 = tpu.vector_load_idx %arg15[%add3A_103] : memref<1280xf32, #tpu.memory_space<vmem>>[vector<16xi32>], vector<16xf32>,
        %add3A_105 = arith.addf %add3A_100, %gather3A_104 : vector<16xf32>
        %add3A_106 = arith.constant 5 : i32
        %add3A_107 = vector.broadcast %add3A_106 : i32 to vector<16xi32>
        %add3A_108 = arith.addi %mul3A_85, %add3A_107 : vector<16xi32>
        %gather3A_109 = tpu.vector_load_idx %arg15[%add3A_108] : memref<1280xf32, #tpu.memory_space<vmem>>[vector<16xi32>], vector<16xf32>,
        %add3A_110 = arith.addf %add3A_105, %gather3A_109 : vector<16xf32>
        %add3A_111 = arith.constant 6 : i32
        %add3A_112 = vector.broadcast %add3A_111 : i32 to vector<16xi32>
        %add3A_113 = arith.addi %mul3A_85, %add3A_112 : vector<16xi32>
        %gather3A_114 = tpu.vector_load_idx %arg15[%add3A_113] : memref<1280xf32, #tpu.memory_space<vmem>>[vector<16xi32>], vector<16xf32>,
        %add3A_115 = arith.addf %add3A_110, %gather3A_114 : vector<16xf32>
        %add3A_116 = arith.constant 7 : i32
        %add3A_117 = vector.broadcast %add3A_116 : i32 to vector<16xi32>
        %add3A_118 = arith.addi %mul3A_85, %add3A_117 : vector<16xi32>
        %gather3A_119 = tpu.vector_load_idx %arg15[%add3A_118] : memref<1280xf32, #tpu.memory_space<vmem>>[vector<16xi32>], vector<16xf32>,
        %add3A_120 = arith.addf %add3A_115, %gather3A_119 : vector<16xf32>
        %add3A_121 = arith.constant 8 : i32
        %add3A_122 = vector.broadcast %add3A_121 : i32 to vector<16xi32>
        %add3A_123 = arith.addi %mul3A_85, %add3A_122 : vector<16xi32>
        %gather3A_124 = tpu.vector_load_idx %arg15[%add3A_123] : memref<1280xf32, #tpu.memory_space<vmem>>[vector<16xi32>], vector<16xf32>,
        %add3A_125 = arith.addf %add3A_120, %gather3A_124 : vector<16xf32>
        %add3A_126 = arith.constant 9 : i32
        %add3A_127 = vector.broadcast %add3A_126 : i32 to vector<16xi32>
        %add3A_128 = arith.addi %mul3A_85, %add3A_127 : vector<16xi32>
        %gather3A_129 = tpu.vector_load_idx %arg15[%add3A_128] : memref<1280xf32, #tpu.memory_space<vmem>>[vector<16xi32>], vector<16xf32>,
        %add3A_130 = arith.addf %add3A_125, %gather3A_129 : vector<16xf32>
        %add3A_131 = arith.constant 10 : i32
        %add3A_132 = vector.broadcast %add3A_131 : i32 to vector<16xi32>
        %add3A_133 = arith.addi %mul3A_85, %add3A_132 : vector<16xi32>
        %gather3A_134 = tpu.vector_load_idx %arg15[%add3A_133] : memref<1280xf32, #tpu.memory_space<vmem>>[vector<16xi32>], vector<16xf32>,
        %add3A_135 = arith.addf %add3A_130, %gather3A_134 : vector<16xf32>
        %add3A_136 = arith.constant 11 : i32
        %add3A_137 = vector.broadcast %add3A_136 : i32 to vector<16xi32>
        %add3A_138 = arith.addi %mul3A_85, %add3A_137 : vector<16xi32>
        %gather3A_139 = tpu.vector_load_idx %arg15[%add3A_138] : memref<1280xf32, #tpu.memory_space<vmem>>[vector<16xi32>], vector<16xf32>,
        %add3A_140 = arith.addf %add3A_135, %gather3A_139 : vector<16xf32>
        %add3A_141 = arith.constant 12 : i32
        %add3A_142 = vector.broadcast %add3A_141 : i32 to vector<16xi32>
        %add3A_143 = arith.addi %mul3A_85, %add3A_142 : vector<16xi32>
        %gather3A_144 = tpu.vector_load_idx %arg15[%add3A_143] : memref<1280xf32, #tpu.memory_space<vmem>>[vector<16xi32>], vector<16xf32>,
        %add3A_145 = arith.addf %add3A_140, %gather3A_144 : vector<16xf32>
        %add3A_146 = arith.constant 13 : i32
        %add3A_147 = vector.broadcast %add3A_146 : i32 to vector<16xi32>
        %add3A_148 = arith.addi %mul3A_85, %add3A_147 : vector<16xi32>
        %gather3A_149 = tpu.vector_load_idx %arg15[%add3A_148] : memref<1280xf32, #tpu.memory_space<vmem>>[vector<16xi32>], vector<16xf32>,
        %add3A_150 = arith.addf %add3A_145, %gather3A_149 : vector<16xf32>
        %add3A_151 = arith.constant 14 : i32
        %add3A_152 = vector.broadcast %add3A_151 : i32 to vector<16xi32>
        %add3A_153 = arith.addi %mul3A_85, %add3A_152 : vector<16xi32>
        %gather3A_154 = tpu.vector_load_idx %arg15[%add3A_153] : memref<1280xf32, #tpu.memory_space<vmem>>[vector<16xi32>], vector<16xf32>,
        %add3A_155 = arith.addf %add3A_150, %gather3A_154 : vector<16xf32>
        %add3A_156 = arith.constant 15 : i32
        %add3A_157 = vector.broadcast %add3A_156 : i32 to vector<16xi32>
        %add3A_158 = arith.addi %mul3A_85, %add3A_157 : vector<16xi32>
        %gather3A_159 = tpu.vector_load_idx %arg15[%add3A_158] : memref<1280xf32, #tpu.memory_space<vmem>>[vector<16xi32>], vector<16xf32>,
        %add3A_160 = arith.addf %add3A_155, %gather3A_159 : vector<16xf32>
        %get3A = arith.constant 0 : index
        %get3A_161 = tpu.vector_load %arg18[%get3A] {strides = array<i32>} : memref<16xf32, #tpu.memory_space<vmem>>, vector<16xf32>,
        %mul3A_162 = arith.mulf %add3A_160, %get3A_161 : vector<16xf32>
        %exp3A = math.exp %mul3A_162 : vector<16xf32>
        %mul3A_163 = arith.constant 16 : i32
        %mul3A_164 = arith.muli %add3A_78, %mul3A_163 : i32
        %swap3A = arith.index_cast %mul3A_164 : i32 to index
        %swap3A_165 = tpu.vector_load %arg16[%swap3A] {strides = array<i32>} : memref<80xf32, #tpu.memory_space<vmem>>, vector<16xf32>,
        tpu.vector_store %arg16[%swap3A], %exp3A {strides = array<i32>} : memref<80xf32, #tpu.memory_space<vmem>>, vector<16xf32>,
        %slice3A = vector.extract_strided_slice %exp3A {offsets = [0], sizes = [1], strides = [1]} : vector<16xf32> to vector<1xf32>
        %squeeze3A = vector.extract %slice3A[0] : f32 from vector<1xf32>
        %mul3A_166 = arith.constant 16 : i32
        %mul3A_167 = arith.muli %add3A_78, %mul3A_166 : i32
        %add3A_168 = arith.constant 0 : i32
        %add3A_169 = arith.addi %mul3A_167, %add3A_168 : i32
        %get3A_170 = arith.index_cast %add3A_169 : i32 to index
        %get3A_171 = arith.constant 0 : index
        %get3A_172 = tpu.vector_load %arg14[%get3A_170, %get3A_171] {strides = array<i32>} : memref<80x128xf32, #tpu.memory_space<vmem>>, vector<16xf32>,
        %mul3A_173 = vector.broadcast %squeeze3A : f32 to vector<16xf32>
        %mul3A_174 = arith.mulf %get3A_172, %mul3A_173 : vector<16xf32>
        %swap3A_175 = arith.index_cast %add3A_169 : i32 to index
        %swap3A_176 = arith.constant 0 : index
        %swap3A_177 = tpu.vector_load %arg14[%swap3A_175, %swap3A_176] {strides = array<i32>} : memref<80x128xf32, #tpu.memory_space<vmem>>, vector<16xf32>,
        tpu.vector_store %arg14[%swap3A_175, %swap3A_176], %mul3A_174 {strides = array<i32>} : memref<80x128xf32, #tpu.memory_space<vmem>>, vector<16xf32>,
        %get3A_178 = arith.index_cast %add3A_169 : i32 to index
        %get3A_179 = arith.constant 16 : index
        %get3A_180 = tpu.vector_load %arg14[%get3A_178, %get3A_179] {strides = array<i32>} : memref<80x128xf32, #tpu.memory_space<vmem>>, vector<16xf32>,
        %mul3A_181 = vector.broadcast %squeeze3A : f32 to vector<16xf32>
        %mul3A_182 = arith.mulf %get3A_180, %mul3A_181 : vector<16xf32>
        %swap3A_183 = arith.index_cast %add3A_169 : i32 to index
        %swap3A_184 = arith.constant 16 : index
        %swap3A_185 = tpu.vector_load %arg14[%swap3A_183, %swap3A_184] {strides = array<i32>} : memref<80x128xf32, #tpu.memory_space<vmem>>, vector<16xf32>,
        tpu.vector_store %arg14[%swap3A_183, %swap3A_184], %mul3A_182 {strides = array<i32>} : memref<80x128xf32, #tpu.memory_space<vmem>>, vector<16xf32>,
        %get3A_186 = arith.index_cast %add3A_169 : i32 to index
        %get3A_187 = arith.constant 32 : index
        %get3A_188 = tpu.vector_load %arg14[%get3A_186, %get3A_187] {strides = array<i32>} : memref<80x128xf32, #tpu.memory_space<vmem>>, vector<16xf32>,
        %mul3A_189 = vector.broadcast %squeeze3A : f32 to vector<16xf32>
        %mul3A_190 = arith.mulf %get3A_188, %mul3A_189 : vector<16xf32>
        %swap3A_191 = arith.index_cast %add3A_169 : i32 to index
        %swap3A_192 = arith.constant 32 : index
        %swap3A_193 = tpu.vector_load %arg14[%swap3A_191, %swap3A_192] {strides = array<i32>} : memref<80x128xf32, #tpu.memory_space<vmem>>, vector<16xf32>,
        tpu.vector_store %arg14[%swap3A_191, %swap3A_192], %mul3A_190 {strides = array<i32>} : memref<80x128xf32, #tpu.memory_space<vmem>>, vector<16xf32>,
        %get3A_194 = arith.index_cast %add3A_169 : i32 to index
        %get3A_195 = arith.constant 48 : index
        %get3A_196 = tpu.vector_load %arg14[%get3A_194, %get3A_195] {strides = array<i32>} : memref<80x128xf32, #tpu.memory_space<vmem>>, vector<16xf32>,
        %mul3A_197 = vector.broadcast %squeeze3A : f32 to vector<16xf32>
        %mul3A_198 = arith.mulf %get3A_196, %mul3A_197 : vector<16xf32>
        %swap3A_199 = arith.index_cast %add3A_169 : i32 to index
        %swap3A_200 = arith.constant 48 : index
        %swap3A_201 = tpu.vector_load %arg14[%swap3A_199, %swap3A_200] {strides = array<i32>} : memref<80x128xf32, #tpu.memory_space<vmem>>, vector<16xf32>,
        tpu.vector_store %arg14[%swap3A_199, %swap3A_200], %mul3A_198 {strides = array<i32>} : memref<80x128xf32, #tpu.memory_space<vmem>>, vector<16xf32>,
        %get3A_202 = arith.index_cast %add3A_169 : i32 to index
        %get3A_203 = arith.constant 64 : index
        %get3A_204 = tpu.vector_load %arg14[%get3A_202, %get3A_203] {strides = array<i32>} : memref<80x128xf32, #tpu.memory_space<vmem>>, vector<16xf32>,
        %mul3A_205 = vector.broadcast %squeeze3A : f32 to vector<16xf32>
        %mul3A_206 = arith.mulf %get3A_204, %mul3A_205 : vector<16xf32>
        %swap3A_207 = arith.index_cast %add3A_169 : i32 to index
        %swap3A_208 = arith.constant 64 : index
        %swap3A_209 = tpu.vector_load %arg14[%swap3A_207, %swap3A_208] {strides = array<i32>} : memref<80x128xf32, #tpu.memory_space<vmem>>, vector<16xf32>,
        tpu.vector_store %arg14[%swap3A_207, %swap3A_208], %mul3A_206 {strides = array<i32>} : memref<80x128xf32, #tpu.memory_space<vmem>>, vector<16xf32>,
        %get3A_210 = arith.index_cast %add3A_169 : i32 to index
        %get3A_211 = arith.constant 80 : index
        %get3A_212 = tpu.vector_load %arg14[%get3A_210, %get3A_211] {strides = array<i32>} : memref<80x128xf32, #tpu.memory_space<vmem>>, vector<16xf32>,
        %mul3A_213 = vector.broadcast %squeeze3A : f32 to vector<16xf32>
        %mul3A_214 = arith.mulf %get3A_212, %mul3A_213 : vector<16xf32>
        %swap3A_215 = arith.index_cast %add3A_169 : i32 to index
        %swap3A_216 = arith.constant 80 : index
        %swap3A_217 = tpu.vector_load %arg14[%swap3A_215, %swap3A_216] {strides = array<i32>} : memref<80x128xf32, #tpu.memory_space<vmem>>, vector<16xf32>,
        tpu.vector_store %arg14[%swap3A_215, %swap3A_216], %mul3A_214 {strides = array<i32>} : memref<80x128xf32, #tpu.memory_space<vmem>>, vector<16xf32>,
        %get3A_218 = arith.index_cast %add3A_169 : i32 to index
        %get3A_219 = arith.constant 96 : index
        %get3A_220 = tpu.vector_load %arg14[%get3A_218, %get3A_219] {strides = array<i32>} : memref<80x128xf32, #tpu.memory_space<vmem>>, vector<16xf32>,
        %mul3A_221 = vector.broadcast %squeeze3A : f32 to vector<16xf32>
        %mul3A_222 = arith.mulf %get3A_220, %mul3A_221 : vector<16xf32>
        %swap3A_223 = arith.index_cast %add3A_169 : i32 to index
        %swap3A_224 = arith.constant 96 : index
        %swap3A_225 = tpu.vector_load %arg14[%swap3A_223, %swap3A_224] {strides = array<i32>} : memref<80x128xf32, #tpu.memory_space<vmem>>, vector<16xf32>,
        tpu.vector_store %arg14[%swap3A_223, %swap3A_224], %mul3A_222 {strides = array<i32>} : memref<80x128xf32, #tpu.memory_space<vmem>>, vector<16xf32>,
        %get3A_226 = arith.index_cast %add3A_169 : i32 to index
        %get3A_227 = arith.constant 112 : index
        %get3A_228 = tpu.vector_load %arg14[%get3A_226, %get3A_227] {strides = array<i32>} : memref<80x128xf32, #tpu.memory_space<vmem>>, vector<16xf32>,
        %mul3A_229 = vector.broadcast %squeeze3A : f32 to vector<16xf32>
        %mul3A_230 = arith.mulf %get3A_228, %mul3A_229 : vector<16xf32>
        %swap3A_231 = arith.index_cast %add3A_169 : i32 to index
        %swap3A_232 = arith.constant 112 : index
        %swap3A_233 = tpu.vector_load %arg14[%swap3A_231, %swap3A_232] {strides = array<i32>} : memref<80x128xf32, #tpu.memory_space<vmem>>, vector<16xf32>,
        tpu.vector_store %arg14[%swap3A_231, %swap3A_232], %mul3A_230 {strides = array<i32>} : memref<80x128xf32, #tpu.memory_space<vmem>>, vector<16xf32>,
        %slice3A_234 = vector.extract_strided_slice %exp3A {offsets = [1], sizes = [1], strides = [1]} : vector<16xf32> to vector<1xf32>
        %squeeze3A_235 = vector.extract %slice3A_234[0] : f32 from vector<1xf32>
        %mul3A_236 = arith.constant 16 : i32
        %mul3A_237 = arith.muli %add3A_78, %mul3A_236 : i32
        %add3A_238 = arith.constant 1 : i32
        %add3A_239 = arith.addi %mul3A_237, %add3A_238 : i32
        %get3A_240 = arith.index_cast %add3A_239 : i32 to index
        %get3A_241 = arith.constant 0 : index
        %get3A_242 = tpu.vector_load %arg14[%get3A_240, %get3A_241] {strides = array<i32>} : memref<80x128xf32, #tpu.memory_space<vmem>>, vector<16xf32>,
        %mul3A_243 = vector.broadcast %squeeze3A_235 : f32 to vector<16xf32>
        %mul3A_244 = arith.mulf %get3A_242, %mul3A_243 : vector<16xf32>
        %swap3A_245 = arith.index_cast %add3A_239 : i32 to index
        %swap3A_246 = arith.constant 0 : index
        %swap3A_247 = tpu.vector_load %arg14[%swap3A_245, %swap3A_246] {strides = array<i32>} : memref<80x128xf32, #tpu.memory_space<vmem>>, vector<16xf32>,
        tpu.vector_store %arg14[%swap3A_245, %swap3A_246], %mul3A_244 {strides = array<i32>} : memref<80x128xf32, #tpu.memory_space<vmem>>, vector<16xf32>,
        %get3A_248 = arith.index_cast %add3A_239 : i32 to index
        %get3A_249 = arith.constant 16 : index
        %get3A_250 = tpu.vector_load %arg14[%get3A_248, %get3A_249] {strides = array<i32>} : memref<80x128xf32, #tpu.memory_space<vmem>>, vector<16xf32>,
        %mul3A_251 = vector.broadcast %squeeze3A_235 : f32 to vector<16xf32>
        %mul3A_252 = arith.mulf %get3A_250, %mul3A_251 : vector<16xf32>
        %swap3A_253 = arith.index_cast %add3A_239 : i32 to index
        %swap3A_254 = arith.constant 16 : index
        %swap3A_255 = tpu.vector_load %arg14[%swap3A_253, %swap3A_254] {strides = array<i32>} : memref<80x128xf32, #tpu.memory_space<vmem>>, vector<16xf32>,
        tpu.vector_store %arg14[%swap3A_253, %swap3A_254], %mul3A_252 {strides = array<i32>} : memref<80x128xf32, #tpu.memory_space<vmem>>, vector<16xf32>,
        %get3A_256 = arith.index_cast %add3A_239 : i32 to index
        %get3A_257 = arith.constant 32 : index
        %get3A_258 = tpu.vector_load %arg14[%get3A_256, %get3A_257] {strides = array<i32>} : memref<80x128xf32, #tpu.memory_space<vmem>>, vector<16xf32>,
        %mul3A_259 = vector.broadcast %squeeze3A_235 : f32 to vector<16xf32>
        %mul3A_260 = arith.mulf %get3A_258, %mul3A_259 : vector<16xf32>
        %swap3A_261 = arith.index_cast %add3A_239 : i32 to index
        %swap3A_262 = arith.constant 32 : index
        %swap3A_263 = tpu.vector_load %arg14[%swap3A_261, %swap3A_262] {strides = array<i32>} : memref<80x128xf32, #tpu.memory_space<vmem>>, vector<16xf32>,
        tpu.vector_store %arg14[%swap3A_261, %swap3A_262], %mul3A_260 {strides = array<i32>} : memref<80x128xf32, #tpu.memory_space<vmem>>, vector<16xf32>,
        %get3A_264 = arith.index_cast %add3A_239 : i32 to index
        %get3A_265 = arith.constant 48 : index
        %get3A_266 = tpu.vector_load %arg14[%get3A_264, %get3A_265] {strides = array<i32>} : memref<80x128xf32, #tpu.memory_space<vmem>>, vector<16xf32>,
        %mul3A_267 = vector.broadcast %squeeze3A_235 : f32 to vector<16xf32>
        %mul3A_268 = arith.mulf %get3A_266, %mul3A_267 : vector<16xf32>
        %swap3A_269 = arith.index_cast %add3A_239 : i32 to index
        %swap3A_270 = arith.constant 48 : index
        %swap3A_271 = tpu.vector_load %arg14[%swap3A_269, %swap3A_270] {strides = array<i32>} : memref<80x128xf32, #tpu.memory_space<vmem>>, vector<16xf32>,
        tpu.vector_store %arg14[%swap3A_269, %swap3A_270], %mul3A_268 {strides = array<i32>} : memref<80x128xf32, #tpu.memory_space<vmem>>, vector<16xf32>,
        %get3A_272 = arith.index_cast %add3A_239 : i32 to index
        %get3A_273 = arith.constant 64 : index
        %get3A_274 = tpu.vector_load %arg14[%get3A_272, %get3A_273] {strides = array<i32>} : memref<80x128xf32, #tpu.memory_space<vmem>>, vector<16xf32>,
        %mul3A_275 = vector.broadcast %squeeze3A_235 : f32 to vector<16xf32>
        %mul3A_276 = arith.mulf %get3A_274, %mul3A_275 : vector<16xf32>
        %swap3A_277 = arith.index_cast %add3A_239 : i32 to index
        %swap3A_278 = arith.constant 64 : index
        %swap3A_279 = tpu.vector_load %arg14[%swap3A_277, %swap3A_278] {strides = array<i32>} : memref<80x128xf32, #tpu.memory_space<vmem>>, vector<16xf32>,
        tpu.vector_store %arg14[%swap3A_277, %swap3A_278], %mul3A_276 {strides = array<i32>} : memref<80x128xf32, #tpu.memory_space<vmem>>, vector<16xf32>,
        %get3A_280 = arith.index_cast %add3A_239 : i32 to index
        %get3A_281 = arith.constant 80 : index
        %get3A_282 = tpu.vector_load %arg14[%get3A_280, %get3A_281] {strides = array<i32>} : memref<80x128xf32, #tpu.memory_space<vmem>>, vector<16xf32>,
        %mul3A_283 = vector.broadcast %squeeze3A_235 : f32 to vector<16xf32>
        %mul3A_284 = arith.mulf %get3A_282, %mul3A_283 : vector<16xf32>
        %swap3A_285 = arith.index_cast %add3A_239 : i32 to index
        %swap3A_286 = arith.constant 80 : index
        %swap3A_287 = tpu.vector_load %arg14[%swap3A_285, %swap3A_286] {strides = array<i32>} : memref<80x128xf32, #tpu.memory_space<vmem>>, vector<16xf32>,
        tpu.vector_store %arg14[%swap3A_285, %swap3A_286], %mul3A_284 {strides = array<i32>} : memref<80x128xf32, #tpu.memory_space<vmem>>, vector<16xf32>,
        %get3A_288 = arith.index_cast %add3A_239 : i32 to index
        %get3A_289 = arith.constant 96 : index
        %get3A_290 = tpu.vector_load %arg14[%get3A_288, %get3A_289] {strides = array<i32>} : memref<80x128xf32, #tpu.memory_space<vmem>>, vector<16xf32>,
        %mul3A_291 = vector.broadcast %squeeze3A_235 : f32 to vector<16xf32>
        %mul3A_292 = arith.mulf %get3A_290, %mul3A_291 : vector<16xf32>
        %swap3A_293 = arith.index_cast %add3A_239 : i32 to index
        %swap3A_294 = arith.constant 96 : index
        %swap3A_295 = tpu.vector_load %arg14[%swap3A_293, %swap3A_294] {strides = array<i32>} : memref<80x128xf32, #tpu.memory_space<vmem>>, vector<16xf32>,
        tpu.vector_store %arg14[%swap3A_293, %swap3A_294], %mul3A_292 {strides = array<i32>} : memref<80x128xf32, #tpu.memory_space<vmem>>, vector<16xf32>,
        %get3A_296 = arith.index_cast %add3A_239 : i32 to index
        %get3A_297 = arith.constant 112 : index
        %get3A_298 = tpu.vector_load %arg14[%get3A_296, %get3A_297] {strides = array<i32>} : memref<80x128xf32, #tpu.memory_space<vmem>>, vector<16xf32>,
        %mul3A_299 = vector.broadcast %squeeze3A_235 : f32 to vector<16xf32>
        %mul3A_300 = arith.mulf %get3A_298, %mul3A_299 : vector<16xf32>
        %swap3A_301 = arith.index_cast %add3A_239 : i32 to index
        %swap3A_302 = arith.constant 112 : index
        %swap3A_303 = tpu.vector_load %arg14[%swap3A_301, %swap3A_302] {strides = array<i32>} : memref<80x128xf32, #tpu.memory_space<vmem>>, vector<16xf32>,
        tpu.vector_store %arg14[%swap3A_301, %swap3A_302], %mul3A_300 {strides = array<i32>} : memref<80x128xf32, #tpu.memory_space<vmem>>, vector<16xf32>,
        %slice3A_304 = vector.extract_strided_slice %exp3A {offsets = [2], sizes = [1], strides = [1]} : vector<16xf32> to vector<1xf32>
        %squeeze3A_305 = vector.extract %slice3A_304[0] : f32 from vector<1xf32>
        %mul3A_306 = arith.constant 16 : i32
        %mul3A_307 = arith.muli %add3A_78, %mul3A_306 : i32
        %add3A_308 = arith.constant 2 : i32
        %add3A_309 = arith.addi %mul3A_307, %add3A_308 : i32
        %get3A_310 = arith.index_cast %add3A_309 : i32 to index
        %get3A_311 = arith.constant 0 : index
        %get3A_312 = tpu.vector_load %arg14[%get3A_310, %get3A_311] {strides = array<i32>} : memref<80x128xf32, #tpu.memory_space<vmem>>, vector<16xf32>,
        %mul3A_313 = vector.broadcast %squeeze3A_305 : f32 to vector<16xf32>
        %mul3A_314 = arith.mulf %get3A_312, %mul3A_313 : vector<16xf32>
        %swap3A_315 = arith.index_cast %add3A_309 : i32 to index
        %swap3A_316 = arith.constant 0 : index
        %swap3A_317 = tpu.vector_load %arg14[%swap3A_315, %swap3A_316] {strides = array<i32>} : memref<80x128xf32, #tpu.memory_space<vmem>>, vector<16xf32>,
        tpu.vector_store %arg14[%swap3A_315, %swap3A_316], %mul3A_314 {strides = array<i32>} : memref<80x128xf32, #tpu.memory_space<vmem>>, vector<16xf32>,
        %get3A_318 = arith.index_cast %add3A_309 : i32 to index
        %get3A_319 = arith.constant 16 : index
        %get3A_320 = tpu.vector_load %arg14[%get3A_318, %get3A_319] {strides = array<i32>} : memref<80x128xf32, #tpu.memory_space<vmem>>, vector<16xf32>,
        %mul3A_321 = vector.broadcast %squeeze3A_305 : f32 to vector<16xf32>
        %mul3A_322 = arith.mulf %get3A_320, %mul3A_321 : vector<16xf32>
        %swap3A_323 = arith.index_cast %add3A_309 : i32 to index
        %swap3A_324 = arith.constant 16 : index
        %swap3A_325 = tpu.vector_load %arg14[%swap3A_323, %swap3A_324] {strides = array<i32>} : memref<80x128xf32, #tpu.memory_space<vmem>>, vector<16xf32>,
        tpu.vector_store %arg14[%swap3A_323, %swap3A_324], %mul3A_322 {strides = array<i32>} : memref<80x128xf32, #tpu.memory_space<vmem>>, vector<16xf32>,
        %get3A_326 = arith.index_cast %add3A_309 : i32 to index
        %get3A_327 = arith.constant 32 : index
        %get3A_328 = tpu.vector_load %arg14[%get3A_326, %get3A_327] {strides = array<i32>} : memref<80x128xf32, #tpu.memory_space<vmem>>, vector<16xf32>,
        %mul3A_329 = vector.broadcast %squeeze3A_305 : f32 to vector<16xf32>
        %mul3A_330 = arith.mulf %get3A_328, %mul3A_329 : vector<16xf32>
        %swap3A_331 = arith.index_cast %add3A_309 : i32 to index
        %swap3A_332 = arith.constant 32 : index
        %swap3A_333 = tpu.vector_load %arg14[%swap3A_331, %swap3A_332] {strides = array<i32>} : memref<80x128xf32, #tpu.memory_space<vmem>>, vector<16xf32>,
        tpu.vector_store %arg14[%swap3A_331, %swap3A_332], %mul3A_330 {strides = array<i32>} : memref<80x128xf32, #tpu.memory_space<vmem>>, vector<16xf32>,
        %get3A_334 = arith.index_cast %add3A_309 : i32 to index
        %get3A_335 = arith.constant 48 : index
        %get3A_336 = tpu.vector_load %arg14[%get3A_334, %get3A_335] {strides = array<i32>} : memref<80x128xf32, #tpu.memory_space<vmem>>, vector<16xf32>,
        %mul3A_337 = vector.broadcast %squeeze3A_305 : f32 to vector<16xf32>
        %mul3A_338 = arith.mulf %get3A_336, %mul3A_337 : vector<16xf32>
        %swap3A_339 = arith.index_cast %add3A_309 : i32 to index
        %swap3A_340 = arith.constant 48 : index
        %swap3A_341 = tpu.vector_load %arg14[%swap3A_339, %swap3A_340] {strides = array<i32>} : memref<80x128xf32, #tpu.memory_space<vmem>>, vector<16xf32>,
        tpu.vector_store %arg14[%swap3A_339, %swap3A_340], %mul3A_338 {strides = array<i32>} : memref<80x128xf32, #tpu.memory_space<vmem>>, vector<16xf32>,
        %get3A_342 = arith.index_cast %add3A_309 : i32 to index
        %get3A_343 = arith.constant 64 : index
        %get3A_344 = tpu.vector_load %arg14[%get3A_342, %get3A_343] {strides = array<i32>} : memref<80x128xf32, #tpu.memory_space<vmem>>, vector<16xf32>,
        %mul3A_345 = vector.broadcast %squeeze3A_305 : f32 to vector<16xf32>
        %mul3A_346 = arith.mulf %get3A_344, %mul3A_345 : vector<16xf32>
        %swap3A_347 = arith.index_cast %add3A_309 : i32 to index
        %swap3A_348 = arith.constant 64 : index
        %swap3A_349 = tpu.vector_load %arg14[%swap3A_347, %swap3A_348] {strides = array<i32>} : memref<80x128xf32, #tpu.memory_space<vmem>>, vector<16xf32>,
        tpu.vector_store %arg14[%swap3A_347, %swap3A_348], %mul3A_346 {strides = array<i32>} : memref<80x128xf32, #tpu.memory_space<vmem>>, vector<16xf32>,
        %get3A_350 = arith.index_cast %add3A_309 : i32 to index
        %get3A_351 = arith.constant 80 : index
        %get3A_352 = tpu.vector_load %arg14[%get3A_350, %get3A_351] {strides = array<i32>} : memref<80x128xf32, #tpu.memory_space<vmem>>, vector<16xf32>,
        %mul3A_353 = vector.broadcast %squeeze3A_305 : f32 to vector<16xf32>
        %mul3A_354 = arith.mulf %get3A_352, %mul3A_353 : vector<16xf32>
        %swap3A_355 = arith.index_cast %add3A_309 : i32 to index
        %swap3A_356 = arith.constant 80 : index
        %swap3A_357 = tpu.vector_load %arg14[%swap3A_355, %swap3A_356] {strides = array<i32>} : memref<80x128xf32, #tpu.memory_space<vmem>>, vector<16xf32>,
        tpu.vector_store %arg14[%swap3A_355, %swap3A_356], %mul3A_354 {strides = array<i32>} : memref<80x128xf32, #tpu.memory_space<vmem>>, vector<16xf32>,
        %get3A_358 = arith.index_cast %add3A_309 : i32 to index
        %get3A_359 = arith.constant 96 : index
        %get3A_360 = tpu.vector_load %arg14[%get3A_358, %get3A_359] {strides = array<i32>} : memref<80x128xf32, #tpu.memory_space<vmem>>, vector<16xf32>,
        %mul3A_361 = vector.broadcast %squeeze3A_305 : f32 to vector<16xf32>
        %mul3A_362 = arith.mulf %get3A_360, %mul3A_361 : vector<16xf32>
        %swap3A_363 = arith.index_cast %add3A_309 : i32 to index
        %swap3A_364 = arith.constant 96 : index
        %swap3A_365 = tpu.vector_load %arg14[%swap3A_363, %swap3A_364] {strides = array<i32>} : memref<80x128xf32, #tpu.memory_space<vmem>>, vector<16xf32>,
        tpu.vector_store %arg14[%swap3A_363, %swap3A_364], %mul3A_362 {strides = array<i32>} : memref<80x128xf32, #tpu.memory_space<vmem>>, vector<16xf32>,
        %get3A_366 = arith.index_cast %add3A_309 : i32 to index
        %get3A_367 = arith.constant 112 : index
        %get3A_368 = tpu.vector_load %arg14[%get3A_366, %get3A_367] {strides = array<i32>} : memref<80x128xf32, #tpu.memory_space<vmem>>, vector<16xf32>,
        %mul3A_369 = vector.broadcast %squeeze3A_305 : f32 to vector<16xf32>
        %mul3A_370 = arith.mulf %get3A_368, %mul3A_369 : vector<16xf32>
        %swap3A_371 = arith.index_cast %add3A_309 : i32 to index
        %swap3A_372 = arith.constant 112 : index
        %swap3A_373 = tpu.vector_load %arg14[%swap3A_371, %swap3A_372] {strides = array<i32>} : memref<80x128xf32, #tpu.memory_space<vmem>>, vector<16xf32>,
        tpu.vector_store %arg14[%swap3A_371, %swap3A_372], %mul3A_370 {strides = array<i32>} : memref<80x128xf32, #tpu.memory_space<vmem>>, vector<16xf32>,
        %slice3A_374 = vector.extract_strided_slice %exp3A {offsets = [3], sizes = [1], strides = [1]} : vector<16xf32> to vector<1xf32>
        %squeeze3A_375 = vector.extract %slice3A_374[0] : f32 from vector<1xf32>
        %mul3A_376 = arith.constant 16 : i32
        %mul3A_377 = arith.muli %add3A_78, %mul3A_376 : i32
        %add3A_378 = arith.constant 3 : i32
        %add3A_379 = arith.addi %mul3A_377, %add3A_378 : i32
        %get3A_380 = arith.index_cast %add3A_379 : i32 to index
        %get3A_381 = arith.constant 0 : index
        %get3A_382 = tpu.vector_load %arg14[%get3A_380, %get3A_381] {strides = array<i32>} : memref<80x128xf32, #tpu.memory_space<vmem>>, vector<16xf32>,
        %mul3A_383 = vector.broadcast %squeeze3A_375 : f32 to vector<16xf32>
        %mul3A_384 = arith.mulf %get3A_382, %mul3A_383 : vector<16xf32>
        %swap3A_385 = arith.index_cast %add3A_379 : i32 to index
        %swap3A_386 = arith.constant 0 : index
        %swap3A_387 = tpu.vector_load %arg14[%swap3A_385, %swap3A_386] {strides = array<i32>} : memref<80x128xf32, #tpu.memory_space<vmem>>, vector<16xf32>,
        tpu.vector_store %arg14[%swap3A_385, %swap3A_386], %mul3A_384 {strides = array<i32>} : memref<80x128xf32, #tpu.memory_space<vmem>>, vector<16xf32>,
        %get3A_388 = arith.index_cast %add3A_379 : i32 to index
        %get3A_389 = arith.constant 16 : index
        %get3A_390 = tpu.vector_load %arg14[%get3A_388, %get3A_389] {strides = array<i32>} : memref<80x128xf32, #tpu.memory_space<vmem>>, vector<16xf32>,
        %mul3A_391 = vector.broadcast %squeeze3A_375 : f32 to vector<16xf32>
        %mul3A_392 = arith.mulf %get3A_390, %mul3A_391 : vector<16xf32>
        %swap3A_393 = arith.index_cast %add3A_379 : i32 to index
        %swap3A_394 = arith.constant 16 : index
        %swap3A_395 = tpu.vector_load %arg14[%swap3A_393, %swap3A_394] {strides = array<i32>} : memref<80x128xf32, #tpu.memory_space<vmem>>, vector<16xf32>,
        tpu.vector_store %arg14[%swap3A_393, %swap3A_394], %mul3A_392 {strides = array<i32>} : memref<80x128xf32, #tpu.memory_space<vmem>>, vector<16xf32>,
        %get3A_396 = arith.index_cast %add3A_379 : i32 to index
        %get3A_397 = arith.constant 32 : index
        %get3A_398 = tpu.vector_load %arg14[%get3A_396, %get3A_397] {strides = array<i32>} : memref<80x128xf32, #tpu.memory_space<vmem>>, vector<16xf32>,
        %mul3A_399 = vector.broadcast %squeeze3A_375 : f32 to vector<16xf32>
        %mul3A_400 = arith.mulf %get3A_398, %mul3A_399 : vector<16xf32>
        %swap3A_401 = arith.index_cast %add3A_379 : i32 to index
        %swap3A_402 = arith.constant 32 : index
        %swap3A_403 = tpu.vector_load %arg14[%swap3A_401, %swap3A_402] {strides = array<i32>} : memref<80x128xf32, #tpu.memory_space<vmem>>, vector<16xf32>,
        tpu.vector_store %arg14[%swap3A_401, %swap3A_402], %mul3A_400 {strides = array<i32>} : memref<80x128xf32, #tpu.memory_space<vmem>>, vector<16xf32>,
        %get3A_404 = arith.index_cast %add3A_379 : i32 to index
        %get3A_405 = arith.constant 48 : index
        %get3A_406 = tpu.vector_load %arg14[%get3A_404, %get3A_405] {strides = array<i32>} : memref<80x128xf32, #tpu.memory_space<vmem>>, vector<16xf32>,
        %mul3A_407 = vector.broadcast %squeeze3A_375 : f32 to vector<16xf32>
        %mul3A_408 = arith.mulf %get3A_406, %mul3A_407 : vector<16xf32>
        %swap3A_409 = arith.index_cast %add3A_379 : i32 to index
        %swap3A_410 = arith.constant 48 : index
        %swap3A_411 = tpu.vector_load %arg14[%swap3A_409, %swap3A_410] {strides = array<i32>} : memref<80x128xf32, #tpu.memory_space<vmem>>, vector<16xf32>,
        tpu.vector_store %arg14[%swap3A_409, %swap3A_410], %mul3A_408 {strides = array<i32>} : memref<80x128xf32, #tpu.memory_space<vmem>>, vector<16xf32>,
        %get3A_412 = arith.index_cast %add3A_379 : i32 to index
        %get3A_413 = arith.constant 64 : index
        %get3A_414 = tpu.vector_load %arg14[%get3A_412, %get3A_413] {strides = array<i32>} : memref<80x128xf32, #tpu.memory_space<vmem>>, vector<16xf32>,
        %mul3A_415 = vector.broadcast %squeeze3A_375 : f32 to vector<16xf32>
        %mul3A_416 = arith.mulf %get3A_414, %mul3A_415 : vector<16xf32>
        %swap3A_417 = arith.index_cast %add3A_379 : i32 to index
        %swap3A_418 = arith.constant 64 : index
        %swap3A_419 = tpu.vector_load %arg14[%swap3A_417, %swap3A_418] {strides = array<i32>} : memref<80x128xf32, #tpu.memory_space<vmem>>, vector<16xf32>,
        tpu.vector_store %arg14[%swap3A_417, %swap3A_418], %mul3A_416 {strides = array<i32>} : memref<80x128xf32, #tpu.memory_space<vmem>>, vector<16xf32>,
        %get3A_420 = arith.index_cast %add3A_379 : i32 to index
        %get3A_421 = arith.constant 80 : index
        %get3A_422 = tpu.vector_load %arg14[%get3A_420, %get3A_421] {strides = array<i32>} : memref<80x128xf32, #tpu.memory_space<vmem>>, vector<16xf32>,
        %mul3A_423 = vector.broadcast %squeeze3A_375 : f32 to vector<16xf32>
        %mul3A_424 = arith.mulf %get3A_422, %mul3A_423 : vector<16xf32>
        %swap3A_425 = arith.index_cast %add3A_379 : i32 to index
        %swap3A_426 = arith.constant 80 : index
        %swap3A_427 = tpu.vector_load %arg14[%swap3A_425, %swap3A_426] {strides = array<i32>} : memref<80x128xf32, #tpu.memory_space<vmem>>, vector<16xf32>,
        tpu.vector_store %arg14[%swap3A_425, %swap3A_426], %mul3A_424 {strides = array<i32>} : memref<80x128xf32, #tpu.memory_space<vmem>>, vector<16xf32>,
        %get3A_428 = arith.index_cast %add3A_379 : i32 to index
        %get3A_429 = arith.constant 96 : index
        %get3A_430 = tpu.vector_load %arg14[%get3A_428, %get3A_429] {strides = array<i32>} : memref<80x128xf32, #tpu.memory_space<vmem>>, vector<16xf32>,
        %mul3A_431 = vector.broadcast %squeeze3A_375 : f32 to vector<16xf32>
        %mul3A_432 = arith.mulf %get3A_430, %mul3A_431 : vector<16xf32>
        %swap3A_433 = arith.index_cast %add3A_379 : i32 to index
        %swap3A_434 = arith.constant 96 : index
        %swap3A_435 = tpu.vector_load %arg14[%swap3A_433, %swap3A_434] {strides = array<i32>} : memref<80x128xf32, #tpu.memory_space<vmem>>, vector<16xf32>,
        tpu.vector_store %arg14[%swap3A_433, %swap3A_434], %mul3A_432 {strides = array<i32>} : memref<80x128xf32, #tpu.memory_space<vmem>>, vector<16xf32>,
        %get3A_436 = arith.index_cast %add3A_379 : i32 to index
        %get3A_437 = arith.constant 112 : index
        %get3A_438 = tpu.vector_load %arg14[%get3A_436, %get3A_437] {strides = array<i32>} : memref<80x128xf32, #tpu.memory_space<vmem>>, vector<16xf32>,
        %mul3A_439 = vector.broadcast %squeeze3A_375 : f32 to vector<16xf32>
        %mul3A_440 = arith.mulf %get3A_438, %mul3A_439 : vector<16xf32>
        %swap3A_441 = arith.index_cast %add3A_379 : i32 to index
        %swap3A_442 = arith.constant 112 : index
        %swap3A_443 = tpu.vector_load %arg14[%swap3A_441, %swap3A_442] {strides = array<i32>} : memref<80x128xf32, #tpu.memory_space<vmem>>, vector<16xf32>,
        tpu.vector_store %arg14[%swap3A_441, %swap3A_442], %mul3A_440 {strides = array<i32>} : memref<80x128xf32, #tpu.memory_space<vmem>>, vector<16xf32>,
        %slice3A_444 = vector.extract_strided_slice %exp3A {offsets = [4], sizes = [1], strides = [1]} : vector<16xf32> to vector<1xf32>
        %squeeze3A_445 = vector.extract %slice3A_444[0] : f32 from vector<1xf32>
        %mul3A_446 = arith.constant 16 : i32
        %mul3A_447 = arith.muli %add3A_78, %mul3A_446 : i32
        %add3A_448 = arith.constant 4 : i32
        %add3A_449 = arith.addi %mul3A_447, %add3A_448 : i32
        %get3A_450 = arith.index_cast %add3A_449 : i32 to index
        %get3A_451 = arith.constant 0 : index
        %get3A_452 = tpu.vector_load %arg14[%get3A_450, %get3A_451] {strides = array<i32>} : memref<80x128xf32, #tpu.memory_space<vmem>>, vector<16xf32>,
        %mul3A_453 = vector.broadcast %squeeze3A_445 : f32 to vector<16xf32>
        %mul3A_454 = arith.mulf %get3A_452, %mul3A_453 : vector<16xf32>
        %swap3A_455 = arith.index_cast %add3A_449 : i32 to index
        %swap3A_456 = arith.constant 0 : index
        %swap3A_457 = tpu.vector_load %arg14[%swap3A_455, %swap3A_456] {strides = array<i32>} : memref<80x128xf32, #tpu.memory_space<vmem>>, vector<16xf32>,
        tpu.vector_store %arg14[%swap3A_455, %swap3A_456], %mul3A_454 {strides = array<i32>} : memref<80x128xf32, #tpu.memory_space<vmem>>, vector<16xf32>,
        %get3A_458 = arith.index_cast %add3A_449 : i32 to index
        %get3A_459 = arith.constant 16 : index
        %get3A_460 = tpu.vector_load %arg14[%get3A_458, %get3A_459] {strides = array<i32>} : memref<80x128xf32, #tpu.memory_space<vmem>>, vector<16xf32>,
        %mul3A_461 = vector.broadcast %squeeze3A_445 : f32 to vector<16xf32>
        %mul3A_462 = arith.mulf %get3A_460, %mul3A_461 : vector<16xf32>
        %swap3A_463 = arith.index_cast %add3A_449 : i32 to index
        %swap3A_464 = arith.constant 16 : index
        %swap3A_465 = tpu.vector_load %arg14[%swap3A_463, %swap3A_464] {strides = array<i32>} : memref<80x128xf32, #tpu.memory_space<vmem>>, vector<16xf32>,
        tpu.vector_store %arg14[%swap3A_463, %swap3A_464], %mul3A_462 {strides = array<i32>} : memref<80x128xf32, #tpu.memory_space<vmem>>, vector<16xf32>,
        %get3A_466 = arith.index_cast %add3A_449 : i32 to index
        %get3A_467 = arith.constant 32 : index
        %get3A_468 = tpu.vector_load %arg14[%get3A_466, %get3A_467] {strides = array<i32>} : memref<80x128xf32, #tpu.memory_space<vmem>>, vector<16xf32>,
        %mul3A_469 = vector.broadcast %squeeze3A_445 : f32 to vector<16xf32>
        %mul3A_470 = arith.mulf %get3A_468, %mul3A_469 : vector<16xf32>
        %swap3A_471 = arith.index_cast %add3A_449 : i32 to index
        %swap3A_472 = arith.constant 32 : index
        %swap3A_473 = tpu.vector_load %arg14[%swap3A_471, %swap3A_472] {strides = array<i32>} : memref<80x128xf32, #tpu.memory_space<vmem>>, vector<16xf32>,
        tpu.vector_store %arg14[%swap3A_471, %swap3A_472], %mul3A_470 {strides = array<i32>} : memref<80x128xf32, #tpu.memory_space<vmem>>, vector<16xf32>,
        %get3A_474 = arith.index_cast %add3A_449 : i32 to index
        %get3A_475 = arith.constant 48 : index
        %get3A_476 = tpu.vector_load %arg14[%get3A_474, %get3A_475] {strides = array<i32>} : memref<80x128xf32, #tpu.memory_space<vmem>>, vector<16xf32>,
        %mul3A_477 = vector.broadcast %squeeze3A_445 : f32 to vector<16xf32>
        %mul3A_478 = arith.mulf %get3A_476, %mul3A_477 : vector<16xf32>
        %swap3A_479 = arith.index_cast %add3A_449 : i32 to index
        %swap3A_480 = arith.constant 48 : index
        %swap3A_481 = tpu.vector_load %arg14[%swap3A_479, %swap3A_480] {strides = array<i32>} : memref<80x128xf32, #tpu.memory_space<vmem>>, vector<16xf32>,
        tpu.vector_store %arg14[%swap3A_479, %swap3A_480], %mul3A_478 {strides = array<i32>} : memref<80x128xf32, #tpu.memory_space<vmem>>, vector<16xf32>,
        %get3A_482 = arith.index_cast %add3A_449 : i32 to index
        %get3A_483 = arith.constant 64 : index
        %get3A_484 = tpu.vector_load %arg14[%get3A_482, %get3A_483] {strides = array<i32>} : memref<80x128xf32, #tpu.memory_space<vmem>>, vector<16xf32>,
        %mul3A_485 = vector.broadcast %squeeze3A_445 : f32 to vector<16xf32>
        %mul3A_486 = arith.mulf %get3A_484, %mul3A_485 : vector<16xf32>
        %swap3A_487 = arith.index_cast %add3A_449 : i32 to index
        %swap3A_488 = arith.constant 64 : index
        %swap3A_489 = tpu.vector_load %arg14[%swap3A_487, %swap3A_488] {strides = array<i32>} : memref<80x128xf32, #tpu.memory_space<vmem>>, vector<16xf32>,
        tpu.vector_store %arg14[%swap3A_487, %swap3A_488], %mul3A_486 {strides = array<i32>} : memref<80x128xf32, #tpu.memory_space<vmem>>, vector<16xf32>,
        %get3A_490 = arith.index_cast %add3A_449 : i32 to index
        %get3A_491 = arith.constant 80 : index
        %get3A_492 = tpu.vector_load %arg14[%get3A_490, %get3A_491] {strides = array<i32>} : memref<80x128xf32, #tpu.memory_space<vmem>>, vector<16xf32>,
        %mul3A_493 = vector.broadcast %squeeze3A_445 : f32 to vector<16xf32>
        %mul3A_494 = arith.mulf %get3A_492, %mul3A_493 : vector<16xf32>
        %swap3A_495 = arith.index_cast %add3A_449 : i32 to index
        %swap3A_496 = arith.constant 80 : index
        %swap3A_497 = tpu.vector_load %arg14[%swap3A_495, %swap3A_496] {strides = array<i32>} : memref<80x128xf32, #tpu.memory_space<vmem>>, vector<16xf32>,
        tpu.vector_store %arg14[%swap3A_495, %swap3A_496], %mul3A_494 {strides = array<i32>} : memref<80x128xf32, #tpu.memory_space<vmem>>, vector<16xf32>,
        %get3A_498 = arith.index_cast %add3A_449 : i32 to index
        %get3A_499 = arith.constant 96 : index
        %get3A_500 = tpu.vector_load %arg14[%get3A_498, %get3A_499] {strides = array<i32>} : memref<80x128xf32, #tpu.memory_space<vmem>>, vector<16xf32>,
        %mul3A_501 = vector.broadcast %squeeze3A_445 : f32 to vector<16xf32>
        %mul3A_502 = arith.mulf %get3A_500, %mul3A_501 : vector<16xf32>
        %swap3A_503 = arith.index_cast %add3A_449 : i32 to index
        %swap3A_504 = arith.constant 96 : index
        %swap3A_505 = tpu.vector_load %arg14[%swap3A_503, %swap3A_504] {strides = array<i32>} : memref<80x128xf32, #tpu.memory_space<vmem>>, vector<16xf32>,
        tpu.vector_store %arg14[%swap3A_503, %swap3A_504], %mul3A_502 {strides = array<i32>} : memref<80x128xf32, #tpu.memory_space<vmem>>, vector<16xf32>,
        %get3A_506 = arith.index_cast %add3A_449 : i32 to index
        %get3A_507 = arith.constant 112 : index
        %get3A_508 = tpu.vector_load %arg14[%get3A_506, %get3A_507] {strides = array<i32>} : memref<80x128xf32, #tpu.memory_space<vmem>>, vector<16xf32>,
        %mul3A_509 = vector.broadcast %squeeze3A_445 : f32 to vector<16xf32>
        %mul3A_510 = arith.mulf %get3A_508, %mul3A_509 : vector<16xf32>
        %swap3A_511 = arith.index_cast %add3A_449 : i32 to index
        %swap3A_512 = arith.constant 112 : index
        %swap3A_513 = tpu.vector_load %arg14[%swap3A_511, %swap3A_512] {strides = array<i32>} : memref<80x128xf32, #tpu.memory_space<vmem>>, vector<16xf32>,
        tpu.vector_store %arg14[%swap3A_511, %swap3A_512], %mul3A_510 {strides = array<i32>} : memref<80x128xf32, #tpu.memory_space<vmem>>, vector<16xf32>,
        %slice3A_514 = vector.extract_strided_slice %exp3A {offsets = [5], sizes = [1], strides = [1]} : vector<16xf32> to vector<1xf32>
        %squeeze3A_515 = vector.extract %slice3A_514[0] : f32 from vector<1xf32>
        %mul3A_516 = arith.constant 16 : i32
        %mul3A_517 = arith.muli %add3A_78, %mul3A_516 : i32
        %add3A_518 = arith.constant 5 : i32
        %add3A_519 = arith.addi %mul3A_517, %add3A_518 : i32
        %get3A_520 = arith.index_cast %add3A_519 : i32 to index
        %get3A_521 = arith.constant 0 : index
        %get3A_522 = tpu.vector_load %arg14[%get3A_520, %get3A_521] {strides = array<i32>} : memref<80x128xf32, #tpu.memory_space<vmem>>, vector<16xf32>,
        %mul3A_523 = vector.broadcast %squeeze3A_515 : f32 to vector<16xf32>
        %mul3A_524 = arith.mulf %get3A_522, %mul3A_523 : vector<16xf32>
        %swap3A_525 = arith.index_cast %add3A_519 : i32 to index
        %swap3A_526 = arith.constant 0 : index
        %swap3A_527 = tpu.vector_load %arg14[%swap3A_525, %swap3A_526] {strides = array<i32>} : memref<80x128xf32, #tpu.memory_space<vmem>>, vector<16xf32>,
        tpu.vector_store %arg14[%swap3A_525, %swap3A_526], %mul3A_524 {strides = array<i32>} : memref<80x128xf32, #tpu.memory_space<vmem>>, vector<16xf32>,
        %get3A_528 = arith.index_cast %add3A_519 : i32 to index
        %get3A_529 = arith.constant 16 : index
        %get3A_530 = tpu.vector_load %arg14[%get3A_528, %get3A_529] {strides = array<i32>} : memref<80x128xf32, #tpu.memory_space<vmem>>, vector<16xf32>,
        %mul3A_531 = vector.broadcast %squeeze3A_515 : f32 to vector<16xf32>
        %mul3A_532 = arith.mulf %get3A_530, %mul3A_531 : vector<16xf32>
        %swap3A_533 = arith.index_cast %add3A_519 : i32 to index
        %swap3A_534 = arith.constant 16 : index
        %swap3A_535 = tpu.vector_load %arg14[%swap3A_533, %swap3A_534] {strides = array<i32>} : memref<80x128xf32, #tpu.memory_space<vmem>>, vector<16xf32>,
        tpu.vector_store %arg14[%swap3A_533, %swap3A_534], %mul3A_532 {strides = array<i32>} : memref<80x128xf32, #tpu.memory_space<vmem>>, vector<16xf32>,
        %get3A_536 = arith.index_cast %add3A_519 : i32 to index
        %get3A_537 = arith.constant 32 : index
        %get3A_538 = tpu.vector_load %arg14[%get3A_536, %get3A_537] {strides = array<i32>} : memref<80x128xf32, #tpu.memory_space<vmem>>, vector<16xf32>,
        %mul3A_539 = vector.broadcast %squeeze3A_515 : f32 to vector<16xf32>
        %mul3A_540 = arith.mulf %get3A_538, %mul3A_539 : vector<16xf32>
        %swap3A_541 = arith.index_cast %add3A_519 : i32 to index
        %swap3A_542 = arith.constant 32 : index
        %swap3A_543 = tpu.vector_load %arg14[%swap3A_541, %swap3A_542] {strides = array<i32>} : memref<80x128xf32, #tpu.memory_space<vmem>>, vector<16xf32>,
        tpu.vector_store %arg14[%swap3A_541, %swap3A_542], %mul3A_540 {strides = array<i32>} : memref<80x128xf32, #tpu.memory_space<vmem>>, vector<16xf32>,
        %get3A_544 = arith.index_cast %add3A_519 : i32 to index
        %get3A_545 = arith.constant 48 : index
        %get3A_546 = tpu.vector_load %arg14[%get3A_544, %get3A_545] {strides = array<i32>} : memref<80x128xf32, #tpu.memory_space<vmem>>, vector<16xf32>,
        %mul3A_547 = vector.broadcast %squeeze3A_515 : f32 to vector<16xf32>
        %mul3A_548 = arith.mulf %get3A_546, %mul3A_547 : vector<16xf32>
        %swap3A_549 = arith.index_cast %add3A_519 : i32 to index
        %swap3A_550 = arith.constant 48 : index
        %swap3A_551 = tpu.vector_load %arg14[%swap3A_549, %swap3A_550] {strides = array<i32>} : memref<80x128xf32, #tpu.memory_space<vmem>>, vector<16xf32>,
        tpu.vector_store %arg14[%swap3A_549, %swap3A_550], %mul3A_548 {strides = array<i32>} : memref<80x128xf32, #tpu.memory_space<vmem>>, vector<16xf32>,
        %get3A_552 = arith.index_cast %add3A_519 : i32 to index
        %get3A_553 = arith.constant 64 : index
        %get3A_554 = tpu.vector_load %arg14[%get3A_552, %get3A_553] {strides = array<i32>} : memref<80x128xf32, #tpu.memory_space<vmem>>, vector<16xf32>,
        %mul3A_555 = vector.broadcast %squeeze3A_515 : f32 to vector<16xf32>
        %mul3A_556 = arith.mulf %get3A_554, %mul3A_555 : vector<16xf32>
        %swap3A_557 = arith.index_cast %add3A_519 : i32 to index
        %swap3A_558 = arith.constant 64 : index
        %swap3A_559 = tpu.vector_load %arg14[%swap3A_557, %swap3A_558] {strides = array<i32>} : memref<80x128xf32, #tpu.memory_space<vmem>>, vector<16xf32>,
        tpu.vector_store %arg14[%swap3A_557, %swap3A_558], %mul3A_556 {strides = array<i32>} : memref<80x128xf32, #tpu.memory_space<vmem>>, vector<16xf32>,
        %get3A_560 = arith.index_cast %add3A_519 : i32 to index
        %get3A_561 = arith.constant 80 : index
        %get3A_562 = tpu.vector_load %arg14[%get3A_560, %get3A_561] {strides = array<i32>} : memref<80x128xf32, #tpu.memory_space<vmem>>, vector<16xf32>,
        %mul3A_563 = vector.broadcast %squeeze3A_515 : f32 to vector<16xf32>
        %mul3A_564 = arith.mulf %get3A_562, %mul3A_563 : vector<16xf32>
        %swap3A_565 = arith.index_cast %add3A_519 : i32 to index
        %swap3A_566 = arith.constant 80 : index
        %swap3A_567 = tpu.vector_load %arg14[%swap3A_565, %swap3A_566] {strides = array<i32>} : memref<80x128xf32, #tpu.memory_space<vmem>>, vector<16xf32>,
        tpu.vector_store %arg14[%swap3A_565, %swap3A_566], %mul3A_564 {strides = array<i32>} : memref<80x128xf32, #tpu.memory_space<vmem>>, vector<16xf32>,
        %get3A_568 = arith.index_cast %add3A_519 : i32 to index
        %get3A_569 = arith.constant 96 : index
        %get3A_570 = tpu.vector_load %arg14[%get3A_568, %get3A_569] {strides = array<i32>} : memref<80x128xf32, #tpu.memory_space<vmem>>, vector<16xf32>,
        %mul3A_571 = vector.broadcast %squeeze3A_515 : f32 to vector<16xf32>
        %mul3A_572 = arith.mulf %get3A_570, %mul3A_571 : vector<16xf32>
        %swap3A_573 = arith.index_cast %add3A_519 : i32 to index
        %swap3A_574 = arith.constant 96 : index
        %swap3A_575 = tpu.vector_load %arg14[%swap3A_573, %swap3A_574] {strides = array<i32>} : memref<80x128xf32, #tpu.memory_space<vmem>>, vector<16xf32>,
        tpu.vector_store %arg14[%swap3A_573, %swap3A_574], %mul3A_572 {strides = array<i32>} : memref<80x128xf32, #tpu.memory_space<vmem>>, vector<16xf32>,
        %get3A_576 = arith.index_cast %add3A_519 : i32 to index
        %get3A_577 = arith.constant 112 : index
        %get3A_578 = tpu.vector_load %arg14[%get3A_576, %get3A_577] {strides = array<i32>} : memref<80x128xf32, #tpu.memory_space<vmem>>, vector<16xf32>,
        %mul3A_579 = vector.broadcast %squeeze3A_515 : f32 to vector<16xf32>
        %mul3A_580 = arith.mulf %get3A_578, %mul3A_579 : vector<16xf32>
        %swap3A_581 = arith.index_cast %add3A_519 : i32 to index
        %swap3A_582 = arith.constant 112 : index
        %swap3A_583 = tpu.vector_load %arg14[%swap3A_581, %swap3A_582] {strides = array<i32>} : memref<80x128xf32, #tpu.memory_space<vmem>>, vector<16xf32>,
        tpu.vector_store %arg14[%swap3A_581, %swap3A_582], %mul3A_580 {strides = array<i32>} : memref<80x128xf32, #tpu.memory_space<vmem>>, vector<16xf32>,
        %slice3A_584 = vector.extract_strided_slice %exp3A {offsets = [6], sizes = [1], strides = [1]} : vector<16xf32> to vector<1xf32>
        %squeeze3A_585 = vector.extract %slice3A_584[0] : f32 from vector<1xf32>
        %mul3A_586 = arith.constant 16 : i32
        %mul3A_587 = arith.muli %add3A_78, %mul3A_586 : i32
        %add3A_588 = arith.constant 6 : i32
        %add3A_589 = arith.addi %mul3A_587, %add3A_588 : i32
        %get3A_590 = arith.index_cast %add3A_589 : i32 to index
        %get3A_591 = arith.constant 0 : index
        %get3A_592 = tpu.vector_load %arg14[%get3A_590, %get3A_591] {strides = array<i32>} : memref<80x128xf32, #tpu.memory_space<vmem>>, vector<16xf32>,
        %mul3A_593 = vector.broadcast %squeeze3A_585 : f32 to vector<16xf32>
        %mul3A_594 = arith.mulf %get3A_592, %mul3A_593 : vector<16xf32>
        %swap3A_595 = arith.index_cast %add3A_589 : i32 to index
        %swap3A_596 = arith.constant 0 : index
        %swap3A_597 = tpu.vector_load %arg14[%swap3A_595, %swap3A_596] {strides = array<i32>} : memref<80x128xf32, #tpu.memory_space<vmem>>, vector<16xf32>,
        tpu.vector_store %arg14[%swap3A_595, %swap3A_596], %mul3A_594 {strides = array<i32>} : memref<80x128xf32, #tpu.memory_space<vmem>>, vector<16xf32>,
        %get3A_598 = arith.index_cast %add3A_589 : i32 to index
        %get3A_599 = arith.constant 16 : index
        %get3A_600 = tpu.vector_load %arg14[%get3A_598, %get3A_599] {strides = array<i32>} : memref<80x128xf32, #tpu.memory_space<vmem>>, vector<16xf32>,
        %mul3A_601 = vector.broadcast %squeeze3A_585 : f32 to vector<16xf32>
        %mul3A_602 = arith.mulf %get3A_600, %mul3A_601 : vector<16xf32>
        %swap3A_603 = arith.index_cast %add3A_589 : i32 to index
        %swap3A_604 = arith.constant 16 : index
        %swap3A_605 = tpu.vector_load %arg14[%swap3A_603, %swap3A_604] {strides = array<i32>} : memref<80x128xf32, #tpu.memory_space<vmem>>, vector<16xf32>,
        tpu.vector_store %arg14[%swap3A_603, %swap3A_604], %mul3A_602 {strides = array<i32>} : memref<80x128xf32, #tpu.memory_space<vmem>>, vector<16xf32>,
        %get3A_606 = arith.index_cast %add3A_589 : i32 to index
        %get3A_607 = arith.constant 32 : index
        %get3A_608 = tpu.vector_load %arg14[%get3A_606, %get3A_607] {strides = array<i32>} : memref<80x128xf32, #tpu.memory_space<vmem>>, vector<16xf32>,
        %mul3A_609 = vector.broadcast %squeeze3A_585 : f32 to vector<16xf32>
        %mul3A_610 = arith.mulf %get3A_608, %mul3A_609 : vector<16xf32>
        %swap3A_611 = arith.index_cast %add3A_589 : i32 to index
        %swap3A_612 = arith.constant 32 : index
        %swap3A_613 = tpu.vector_load %arg14[%swap3A_611, %swap3A_612] {strides = array<i32>} : memref<80x128xf32, #tpu.memory_space<vmem>>, vector<16xf32>,
        tpu.vector_store %arg14[%swap3A_611, %swap3A_612], %mul3A_610 {strides = array<i32>} : memref<80x128xf32, #tpu.memory_space<vmem>>, vector<16xf32>,
        %get3A_614 = arith.index_cast %add3A_589 : i32 to index
        %get3A_615 = arith.constant 48 : index
        %get3A_616 = tpu.vector_load %arg14[%get3A_614, %get3A_615] {strides = array<i32>} : memref<80x128xf32, #tpu.memory_space<vmem>>, vector<16xf32>,
        %mul3A_617 = vector.broadcast %squeeze3A_585 : f32 to vector<16xf32>
        %mul3A_618 = arith.mulf %get3A_616, %mul3A_617 : vector<16xf32>
        %swap3A_619 = arith.index_cast %add3A_589 : i32 to index
        %swap3A_620 = arith.constant 48 : index
        %swap3A_621 = tpu.vector_load %arg14[%swap3A_619, %swap3A_620] {strides = array<i32>} : memref<80x128xf32, #tpu.memory_space<vmem>>, vector<16xf32>,
        tpu.vector_store %arg14[%swap3A_619, %swap3A_620], %mul3A_618 {strides = array<i32>} : memref<80x128xf32, #tpu.memory_space<vmem>>, vector<16xf32>,
        %get3A_622 = arith.index_cast %add3A_589 : i32 to index
        %get3A_623 = arith.constant 64 : index
        %get3A_624 = tpu.vector_load %arg14[%get3A_622, %get3A_623] {strides = array<i32>} : memref<80x128xf32, #tpu.memory_space<vmem>>, vector<16xf32>,
        %mul3A_625 = vector.broadcast %squeeze3A_585 : f32 to vector<16xf32>
        %mul3A_626 = arith.mulf %get3A_624, %mul3A_625 : vector<16xf32>
        %swap3A_627 = arith.index_cast %add3A_589 : i32 to index
        %swap3A_628 = arith.constant 64 : index
        %swap3A_629 = tpu.vector_load %arg14[%swap3A_627, %swap3A_628] {strides = array<i32>} : memref<80x128xf32, #tpu.memory_space<vmem>>, vector<16xf32>,
        tpu.vector_store %arg14[%swap3A_627, %swap3A_628], %mul3A_626 {strides = array<i32>} : memref<80x128xf32, #tpu.memory_space<vmem>>, vector<16xf32>,
        %get3A_630 = arith.index_cast %add3A_589 : i32 to index
        %get3A_631 = arith.constant 80 : index
        %get3A_632 = tpu.vector_load %arg14[%get3A_630, %get3A_631] {strides = array<i32>} : memref<80x128xf32, #tpu.memory_space<vmem>>, vector<16xf32>,
        %mul3A_633 = vector.broadcast %squeeze3A_585 : f32 to vector<16xf32>
        %mul3A_634 = arith.mulf %get3A_632, %mul3A_633 : vector<16xf32>
        %swap3A_635 = arith.index_cast %add3A_589 : i32 to index
        %swap3A_636 = arith.constant 80 : index
        %swap3A_637 = tpu.vector_load %arg14[%swap3A_635, %swap3A_636] {strides = array<i32>} : memref<80x128xf32, #tpu.memory_space<vmem>>, vector<16xf32>,
        tpu.vector_store %arg14[%swap3A_635, %swap3A_636], %mul3A_634 {strides = array<i32>} : memref<80x128xf32, #tpu.memory_space<vmem>>, vector<16xf32>,
        %get3A_638 = arith.index_cast %add3A_589 : i32 to index
        %get3A_639 = arith.constant 96 : index
        %get3A_640 = tpu.vector_load %arg14[%get3A_638, %get3A_639] {strides = array<i32>} : memref<80x128xf32, #tpu.memory_space<vmem>>, vector<16xf32>,
        %mul3A_641 = vector.broadcast %squeeze3A_585 : f32 to vector<16xf32>
        %mul3A_642 = arith.mulf %get3A_640, %mul3A_641 : vector<16xf32>
        %swap3A_643 = arith.index_cast %add3A_589 : i32 to index
        %swap3A_644 = arith.constant 96 : index
        %swap3A_645 = tpu.vector_load %arg14[%swap3A_643, %swap3A_644] {strides = array<i32>} : memref<80x128xf32, #tpu.memory_space<vmem>>, vector<16xf32>,
        tpu.vector_store %arg14[%swap3A_643, %swap3A_644], %mul3A_642 {strides = array<i32>} : memref<80x128xf32, #tpu.memory_space<vmem>>, vector<16xf32>,
        %get3A_646 = arith.index_cast %add3A_589 : i32 to index
        %get3A_647 = arith.constant 112 : index
        %get3A_648 = tpu.vector_load %arg14[%get3A_646, %get3A_647] {strides = array<i32>} : memref<80x128xf32, #tpu.memory_space<vmem>>, vector<16xf32>,
        %mul3A_649 = vector.broadcast %squeeze3A_585 : f32 to vector<16xf32>
        %mul3A_650 = arith.mulf %get3A_648, %mul3A_649 : vector<16xf32>
        %swap3A_651 = arith.index_cast %add3A_589 : i32 to index
        %swap3A_652 = arith.constant 112 : index
        %swap3A_653 = tpu.vector_load %arg14[%swap3A_651, %swap3A_652] {strides = array<i32>} : memref<80x128xf32, #tpu.memory_space<vmem>>, vector<16xf32>,
        tpu.vector_store %arg14[%swap3A_651, %swap3A_652], %mul3A_650 {strides = array<i32>} : memref<80x128xf32, #tpu.memory_space<vmem>>, vector<16xf32>,
        %slice3A_654 = vector.extract_strided_slice %exp3A {offsets = [7], sizes = [1], strides = [1]} : vector<16xf32> to vector<1xf32>
        %squeeze3A_655 = vector.extract %slice3A_654[0] : f32 from vector<1xf32>
        %mul3A_656 = arith.constant 16 : i32
        %mul3A_657 = arith.muli %add3A_78, %mul3A_656 : i32
        %add3A_658 = arith.constant 7 : i32
        %add3A_659 = arith.addi %mul3A_657, %add3A_658 : i32
        %get3A_660 = arith.index_cast %add3A_659 : i32 to index
        %get3A_661 = arith.constant 0 : index
        %get3A_662 = tpu.vector_load %arg14[%get3A_660, %get3A_661] {strides = array<i32>} : memref<80x128xf32, #tpu.memory_space<vmem>>, vector<16xf32>,
        %mul3A_663 = vector.broadcast %squeeze3A_655 : f32 to vector<16xf32>
        %mul3A_664 = arith.mulf %get3A_662, %mul3A_663 : vector<16xf32>
        %swap3A_665 = arith.index_cast %add3A_659 : i32 to index
        %swap3A_666 = arith.constant 0 : index
        %swap3A_667 = tpu.vector_load %arg14[%swap3A_665, %swap3A_666] {strides = array<i32>} : memref<80x128xf32, #tpu.memory_space<vmem>>, vector<16xf32>,
        tpu.vector_store %arg14[%swap3A_665, %swap3A_666], %mul3A_664 {strides = array<i32>} : memref<80x128xf32, #tpu.memory_space<vmem>>, vector<16xf32>,
        %get3A_668 = arith.index_cast %add3A_659 : i32 to index
        %get3A_669 = arith.constant 16 : index
        %get3A_670 = tpu.vector_load %arg14[%get3A_668, %get3A_669] {strides = array<i32>} : memref<80x128xf32, #tpu.memory_space<vmem>>, vector<16xf32>,
        %mul3A_671 = vector.broadcast %squeeze3A_655 : f32 to vector<16xf32>
        %mul3A_672 = arith.mulf %get3A_670, %mul3A_671 : vector<16xf32>
        %swap3A_673 = arith.index_cast %add3A_659 : i32 to index
        %swap3A_674 = arith.constant 16 : index
        %swap3A_675 = tpu.vector_load %arg14[%swap3A_673, %swap3A_674] {strides = array<i32>} : memref<80x128xf32, #tpu.memory_space<vmem>>, vector<16xf32>,
        tpu.vector_store %arg14[%swap3A_673, %swap3A_674], %mul3A_672 {strides = array<i32>} : memref<80x128xf32, #tpu.memory_space<vmem>>, vector<16xf32>,
        %get3A_676 = arith.index_cast %add3A_659 : i32 to index
        %get3A_677 = arith.constant 32 : index
        %get3A_678 = tpu.vector_load %arg14[%get3A_676, %get3A_677] {strides = array<i32>} : memref<80x128xf32, #tpu.memory_space<vmem>>, vector<16xf32>,
        %mul3A_679 = vector.broadcast %squeeze3A_655 : f32 to vector<16xf32>
        %mul3A_680 = arith.mulf %get3A_678, %mul3A_679 : vector<16xf32>
        %swap3A_681 = arith.index_cast %add3A_659 : i32 to index
        %swap3A_682 = arith.constant 32 : index
        %swap3A_683 = tpu.vector_load %arg14[%swap3A_681, %swap3A_682] {strides = array<i32>} : memref<80x128xf32, #tpu.memory_space<vmem>>, vector<16xf32>,
        tpu.vector_store %arg14[%swap3A_681, %swap3A_682], %mul3A_680 {strides = array<i32>} : memref<80x128xf32, #tpu.memory_space<vmem>>, vector<16xf32>,
        %get3A_684 = arith.index_cast %add3A_659 : i32 to index
        %get3A_685 = arith.constant 48 : index
        %get3A_686 = tpu.vector_load %arg14[%get3A_684, %get3A_685] {strides = array<i32>} : memref<80x128xf32, #tpu.memory_space<vmem>>, vector<16xf32>,
        %mul3A_687 = vector.broadcast %squeeze3A_655 : f32 to vector<16xf32>
        %mul3A_688 = arith.mulf %get3A_686, %mul3A_687 : vector<16xf32>
        %swap3A_689 = arith.index_cast %add3A_659 : i32 to index
        %swap3A_690 = arith.constant 48 : index
        %swap3A_691 = tpu.vector_load %arg14[%swap3A_689, %swap3A_690] {strides = array<i32>} : memref<80x128xf32, #tpu.memory_space<vmem>>, vector<16xf32>,
        tpu.vector_store %arg14[%swap3A_689, %swap3A_690], %mul3A_688 {strides = array<i32>} : memref<80x128xf32, #tpu.memory_space<vmem>>, vector<16xf32>,
        %get3A_692 = arith.index_cast %add3A_659 : i32 to index
        %get3A_693 = arith.constant 64 : index
        %get3A_694 = tpu.vector_load %arg14[%get3A_692, %get3A_693] {strides = array<i32>} : memref<80x128xf32, #tpu.memory_space<vmem>>, vector<16xf32>,
        %mul3A_695 = vector.broadcast %squeeze3A_655 : f32 to vector<16xf32>
        %mul3A_696 = arith.mulf %get3A_694, %mul3A_695 : vector<16xf32>
        %swap3A_697 = arith.index_cast %add3A_659 : i32 to index
        %swap3A_698 = arith.constant 64 : index
        %swap3A_699 = tpu.vector_load %arg14[%swap3A_697, %swap3A_698] {strides = array<i32>} : memref<80x128xf32, #tpu.memory_space<vmem>>, vector<16xf32>,
        tpu.vector_store %arg14[%swap3A_697, %swap3A_698], %mul3A_696 {strides = array<i32>} : memref<80x128xf32, #tpu.memory_space<vmem>>, vector<16xf32>,
        %get3A_700 = arith.index_cast %add3A_659 : i32 to index
        %get3A_701 = arith.constant 80 : index
        %get3A_702 = tpu.vector_load %arg14[%get3A_700, %get3A_701] {strides = array<i32>} : memref<80x128xf32, #tpu.memory_space<vmem>>, vector<16xf32>,
        %mul3A_703 = vector.broadcast %squeeze3A_655 : f32 to vector<16xf32>
        %mul3A_704 = arith.mulf %get3A_702, %mul3A_703 : vector<16xf32>
        %swap3A_705 = arith.index_cast %add3A_659 : i32 to index
        %swap3A_706 = arith.constant 80 : index
        %swap3A_707 = tpu.vector_load %arg14[%swap3A_705, %swap3A_706] {strides = array<i32>} : memref<80x128xf32, #tpu.memory_space<vmem>>, vector<16xf32>,
        tpu.vector_store %arg14[%swap3A_705, %swap3A_706], %mul3A_704 {strides = array<i32>} : memref<80x128xf32, #tpu.memory_space<vmem>>, vector<16xf32>,
        %get3A_708 = arith.index_cast %add3A_659 : i32 to index
        %get3A_709 = arith.constant 96 : index
        %get3A_710 = tpu.vector_load %arg14[%get3A_708, %get3A_709] {strides = array<i32>} : memref<80x128xf32, #tpu.memory_space<vmem>>, vector<16xf32>,
        %mul3A_711 = vector.broadcast %squeeze3A_655 : f32 to vector<16xf32>
        %mul3A_712 = arith.mulf %get3A_710, %mul3A_711 : vector<16xf32>
        %swap3A_713 = arith.index_cast %add3A_659 : i32 to index
        %swap3A_714 = arith.constant 96 : index
        %swap3A_715 = tpu.vector_load %arg14[%swap3A_713, %swap3A_714] {strides = array<i32>} : memref<80x128xf32, #tpu.memory_space<vmem>>, vector<16xf32>,
        tpu.vector_store %arg14[%swap3A_713, %swap3A_714], %mul3A_712 {strides = array<i32>} : memref<80x128xf32, #tpu.memory_space<vmem>>, vector<16xf32>,
        %get3A_716 = arith.index_cast %add3A_659 : i32 to index
        %get3A_717 = arith.constant 112 : index
        %get3A_718 = tpu.vector_load %arg14[%get3A_716, %get3A_717] {strides = array<i32>} : memref<80x128xf32, #tpu.memory_space<vmem>>, vector<16xf32>,
        %mul3A_719 = vector.broadcast %squeeze3A_655 : f32 to vector<16xf32>
        %mul3A_720 = arith.mulf %get3A_718, %mul3A_719 : vector<16xf32>
        %swap3A_721 = arith.index_cast %add3A_659 : i32 to index
        %swap3A_722 = arith.constant 112 : index
        %swap3A_723 = tpu.vector_load %arg14[%swap3A_721, %swap3A_722] {strides = array<i32>} : memref<80x128xf32, #tpu.memory_space<vmem>>, vector<16xf32>,
        tpu.vector_store %arg14[%swap3A_721, %swap3A_722], %mul3A_720 {strides = array<i32>} : memref<80x128xf32, #tpu.memory_space<vmem>>, vector<16xf32>,
        %slice3A_724 = vector.extract_strided_slice %exp3A {offsets = [8], sizes = [1], strides = [1]} : vector<16xf32> to vector<1xf32>
        %squeeze3A_725 = vector.extract %slice3A_724[0] : f32 from vector<1xf32>
        %mul3A_726 = arith.constant 16 : i32
        %mul3A_727 = arith.muli %add3A_78, %mul3A_726 : i32
        %add3A_728 = arith.constant 8 : i32
        %add3A_729 = arith.addi %mul3A_727, %add3A_728 : i32
        %get3A_730 = arith.index_cast %add3A_729 : i32 to index
        %get3A_731 = arith.constant 0 : index
        %get3A_732 = tpu.vector_load %arg14[%get3A_730, %get3A_731] {strides = array<i32>} : memref<80x128xf32, #tpu.memory_space<vmem>>, vector<16xf32>,
        %mul3A_733 = vector.broadcast %squeeze3A_725 : f32 to vector<16xf32>
        %mul3A_734 = arith.mulf %get3A_732, %mul3A_733 : vector<16xf32>
        %swap3A_735 = arith.index_cast %add3A_729 : i32 to index
        %swap3A_736 = arith.constant 0 : index
        %swap3A_737 = tpu.vector_load %arg14[%swap3A_735, %swap3A_736] {strides = array<i32>} : memref<80x128xf32, #tpu.memory_space<vmem>>, vector<16xf32>,
        tpu.vector_store %arg14[%swap3A_735, %swap3A_736], %mul3A_734 {strides = array<i32>} : memref<80x128xf32, #tpu.memory_space<vmem>>, vector<16xf32>,
        %get3A_738 = arith.index_cast %add3A_729 : i32 to index
        %get3A_739 = arith.constant 16 : index
        %get3A_740 = tpu.vector_load %arg14[%get3A_738, %get3A_739] {strides = array<i32>} : memref<80x128xf32, #tpu.memory_space<vmem>>, vector<16xf32>,
        %mul3A_741 = vector.broadcast %squeeze3A_725 : f32 to vector<16xf32>
        %mul3A_742 = arith.mulf %get3A_740, %mul3A_741 : vector<16xf32>
        %swap3A_743 = arith.index_cast %add3A_729 : i32 to index
        %swap3A_744 = arith.constant 16 : index
        %swap3A_745 = tpu.vector_load %arg14[%swap3A_743, %swap3A_744] {strides = array<i32>} : memref<80x128xf32, #tpu.memory_space<vmem>>, vector<16xf32>,
        tpu.vector_store %arg14[%swap3A_743, %swap3A_744], %mul3A_742 {strides = array<i32>} : memref<80x128xf32, #tpu.memory_space<vmem>>, vector<16xf32>,
        %get3A_746 = arith.index_cast %add3A_729 : i32 to index
        %get3A_747 = arith.constant 32 : index
        %get3A_748 = tpu.vector_load %arg14[%get3A_746, %get3A_747] {strides = array<i32>} : memref<80x128xf32, #tpu.memory_space<vmem>>, vector<16xf32>,
        %mul3A_749 = vector.broadcast %squeeze3A_725 : f32 to vector<16xf32>
        %mul3A_750 = arith.mulf %get3A_748, %mul3A_749 : vector<16xf32>
        %swap3A_751 = arith.index_cast %add3A_729 : i32 to index
        %swap3A_752 = arith.constant 32 : index
        %swap3A_753 = tpu.vector_load %arg14[%swap3A_751, %swap3A_752] {strides = array<i32>} : memref<80x128xf32, #tpu.memory_space<vmem>>, vector<16xf32>,
        tpu.vector_store %arg14[%swap3A_751, %swap3A_752], %mul3A_750 {strides = array<i32>} : memref<80x128xf32, #tpu.memory_space<vmem>>, vector<16xf32>,
        %get3A_754 = arith.index_cast %add3A_729 : i32 to index
        %get3A_755 = arith.constant 48 : index
        %get3A_756 = tpu.vector_load %arg14[%get3A_754, %get3A_755] {strides = array<i32>} : memref<80x128xf32, #tpu.memory_space<vmem>>, vector<16xf32>,
        %mul3A_757 = vector.broadcast %squeeze3A_725 : f32 to vector<16xf32>
        %mul3A_758 = arith.mulf %get3A_756, %mul3A_757 : vector<16xf32>
        %swap3A_759 = arith.index_cast %add3A_729 : i32 to index
        %swap3A_760 = arith.constant 48 : index
        %swap3A_761 = tpu.vector_load %arg14[%swap3A_759, %swap3A_760] {strides = array<i32>} : memref<80x128xf32, #tpu.memory_space<vmem>>, vector<16xf32>,
        tpu.vector_store %arg14[%swap3A_759, %swap3A_760], %mul3A_758 {strides = array<i32>} : memref<80x128xf32, #tpu.memory_space<vmem>>, vector<16xf32>,
        %get3A_762 = arith.index_cast %add3A_729 : i32 to index
        %get3A_763 = arith.constant 64 : index
        %get3A_764 = tpu.vector_load %arg14[%get3A_762, %get3A_763] {strides = array<i32>} : memref<80x128xf32, #tpu.memory_space<vmem>>, vector<16xf32>,
        %mul3A_765 = vector.broadcast %squeeze3A_725 : f32 to vector<16xf32>
        %mul3A_766 = arith.mulf %get3A_764, %mul3A_765 : vector<16xf32>
        %swap3A_767 = arith.index_cast %add3A_729 : i32 to index
        %swap3A_768 = arith.constant 64 : index
        %swap3A_769 = tpu.vector_load %arg14[%swap3A_767, %swap3A_768] {strides = array<i32>} : memref<80x128xf32, #tpu.memory_space<vmem>>, vector<16xf32>,
        tpu.vector_store %arg14[%swap3A_767, %swap3A_768], %mul3A_766 {strides = array<i32>} : memref<80x128xf32, #tpu.memory_space<vmem>>, vector<16xf32>,
        %get3A_770 = arith.index_cast %add3A_729 : i32 to index
        %get3A_771 = arith.constant 80 : index
        %get3A_772 = tpu.vector_load %arg14[%get3A_770, %get3A_771] {strides = array<i32>} : memref<80x128xf32, #tpu.memory_space<vmem>>, vector<16xf32>,
        %mul3A_773 = vector.broadcast %squeeze3A_725 : f32 to vector<16xf32>
        %mul3A_774 = arith.mulf %get3A_772, %mul3A_773 : vector<16xf32>
        %swap3A_775 = arith.index_cast %add3A_729 : i32 to index
        %swap3A_776 = arith.constant 80 : index
        %swap3A_777 = tpu.vector_load %arg14[%swap3A_775, %swap3A_776] {strides = array<i32>} : memref<80x128xf32, #tpu.memory_space<vmem>>, vector<16xf32>,
        tpu.vector_store %arg14[%swap3A_775, %swap3A_776], %mul3A_774 {strides = array<i32>} : memref<80x128xf32, #tpu.memory_space<vmem>>, vector<16xf32>,
        %get3A_778 = arith.index_cast %add3A_729 : i32 to index
        %get3A_779 = arith.constant 96 : index
        %get3A_780 = tpu.vector_load %arg14[%get3A_778, %get3A_779] {strides = array<i32>} : memref<80x128xf32, #tpu.memory_space<vmem>>, vector<16xf32>,
        %mul3A_781 = vector.broadcast %squeeze3A_725 : f32 to vector<16xf32>
        %mul3A_782 = arith.mulf %get3A_780, %mul3A_781 : vector<16xf32>
        %swap3A_783 = arith.index_cast %add3A_729 : i32 to index
        %swap3A_784 = arith.constant 96 : index
        %swap3A_785 = tpu.vector_load %arg14[%swap3A_783, %swap3A_784] {strides = array<i32>} : memref<80x128xf32, #tpu.memory_space<vmem>>, vector<16xf32>,
        tpu.vector_store %arg14[%swap3A_783, %swap3A_784], %mul3A_782 {strides = array<i32>} : memref<80x128xf32, #tpu.memory_space<vmem>>, vector<16xf32>,
        %get3A_786 = arith.index_cast %add3A_729 : i32 to index
        %get3A_787 = arith.constant 112 : index
        %get3A_788 = tpu.vector_load %arg14[%get3A_786, %get3A_787] {strides = array<i32>} : memref<80x128xf32, #tpu.memory_space<vmem>>, vector<16xf32>,
        %mul3A_789 = vector.broadcast %squeeze3A_725 : f32 to vector<16xf32>
        %mul3A_790 = arith.mulf %get3A_788, %mul3A_789 : vector<16xf32>
        %swap3A_791 = arith.index_cast %add3A_729 : i32 to index
        %swap3A_792 = arith.constant 112 : index
        %swap3A_793 = tpu.vector_load %arg14[%swap3A_791, %swap3A_792] {strides = array<i32>} : memref<80x128xf32, #tpu.memory_space<vmem>>, vector<16xf32>,
        tpu.vector_store %arg14[%swap3A_791, %swap3A_792], %mul3A_790 {strides = array<i32>} : memref<80x128xf32, #tpu.memory_space<vmem>>, vector<16xf32>,
        %slice3A_794 = vector.extract_strided_slice %exp3A {offsets = [9], sizes = [1], strides = [1]} : vector<16xf32> to vector<1xf32>
        %squeeze3A_795 = vector.extract %slice3A_794[0] : f32 from vector<1xf32>
        %mul3A_796 = arith.constant 16 : i32
        %mul3A_797 = arith.muli %add3A_78, %mul3A_796 : i32
        %add3A_798 = arith.constant 9 : i32
        %add3A_799 = arith.addi %mul3A_797, %add3A_798 : i32
        %get3A_800 = arith.index_cast %add3A_799 : i32 to index
        %get3A_801 = arith.constant 0 : index
        %get3A_802 = tpu.vector_load %arg14[%get3A_800, %get3A_801] {strides = array<i32>} : memref<80x128xf32, #tpu.memory_space<vmem>>, vector<16xf32>,
        %mul3A_803 = vector.broadcast %squeeze3A_795 : f32 to vector<16xf32>
        %mul3A_804 = arith.mulf %get3A_802, %mul3A_803 : vector<16xf32>
        %swap3A_805 = arith.index_cast %add3A_799 : i32 to index
        %swap3A_806 = arith.constant 0 : index
        %swap3A_807 = tpu.vector_load %arg14[%swap3A_805, %swap3A_806] {strides = array<i32>} : memref<80x128xf32, #tpu.memory_space<vmem>>, vector<16xf32>,
        tpu.vector_store %arg14[%swap3A_805, %swap3A_806], %mul3A_804 {strides = array<i32>} : memref<80x128xf32, #tpu.memory_space<vmem>>, vector<16xf32>,
        %get3A_808 = arith.index_cast %add3A_799 : i32 to index
        %get3A_809 = arith.constant 16 : index
        %get3A_810 = tpu.vector_load %arg14[%get3A_808, %get3A_809] {strides = array<i32>} : memref<80x128xf32, #tpu.memory_space<vmem>>, vector<16xf32>,
        %mul3A_811 = vector.broadcast %squeeze3A_795 : f32 to vector<16xf32>
        %mul3A_812 = arith.mulf %get3A_810, %mul3A_811 : vector<16xf32>
        %swap3A_813 = arith.index_cast %add3A_799 : i32 to index
        %swap3A_814 = arith.constant 16 : index
        %swap3A_815 = tpu.vector_load %arg14[%swap3A_813, %swap3A_814] {strides = array<i32>} : memref<80x128xf32, #tpu.memory_space<vmem>>, vector<16xf32>,
        tpu.vector_store %arg14[%swap3A_813, %swap3A_814], %mul3A_812 {strides = array<i32>} : memref<80x128xf32, #tpu.memory_space<vmem>>, vector<16xf32>,
        %get3A_816 = arith.index_cast %add3A_799 : i32 to index
        %get3A_817 = arith.constant 32 : index
        %get3A_818 = tpu.vector_load %arg14[%get3A_816, %get3A_817] {strides = array<i32>} : memref<80x128xf32, #tpu.memory_space<vmem>>, vector<16xf32>,
        %mul3A_819 = vector.broadcast %squeeze3A_795 : f32 to vector<16xf32>
        %mul3A_820 = arith.mulf %get3A_818, %mul3A_819 : vector<16xf32>
        %swap3A_821 = arith.index_cast %add3A_799 : i32 to index
        %swap3A_822 = arith.constant 32 : index
        %swap3A_823 = tpu.vector_load %arg14[%swap3A_821, %swap3A_822] {strides = array<i32>} : memref<80x128xf32, #tpu.memory_space<vmem>>, vector<16xf32>,
        tpu.vector_store %arg14[%swap3A_821, %swap3A_822], %mul3A_820 {strides = array<i32>} : memref<80x128xf32, #tpu.memory_space<vmem>>, vector<16xf32>,
        %get3A_824 = arith.index_cast %add3A_799 : i32 to index
        %get3A_825 = arith.constant 48 : index
        %get3A_826 = tpu.vector_load %arg14[%get3A_824, %get3A_825] {strides = array<i32>} : memref<80x128xf32, #tpu.memory_space<vmem>>, vector<16xf32>,
        %mul3A_827 = vector.broadcast %squeeze3A_795 : f32 to vector<16xf32>
        %mul3A_828 = arith.mulf %get3A_826, %mul3A_827 : vector<16xf32>
        %swap3A_829 = arith.index_cast %add3A_799 : i32 to index
        %swap3A_830 = arith.constant 48 : index
        %swap3A_831 = tpu.vector_load %arg14[%swap3A_829, %swap3A_830] {strides = array<i32>} : memref<80x128xf32, #tpu.memory_space<vmem>>, vector<16xf32>,
        tpu.vector_store %arg14[%swap3A_829, %swap3A_830], %mul3A_828 {strides = array<i32>} : memref<80x128xf32, #tpu.memory_space<vmem>>, vector<16xf32>,
        %get3A_832 = arith.index_cast %add3A_799 : i32 to index
        %get3A_833 = arith.constant 64 : index
        %get3A_834 = tpu.vector_load %arg14[%get3A_832, %get3A_833] {strides = array<i32>} : memref<80x128xf32, #tpu.memory_space<vmem>>, vector<16xf32>,
        %mul3A_835 = vector.broadcast %squeeze3A_795 : f32 to vector<16xf32>
        %mul3A_836 = arith.mulf %get3A_834, %mul3A_835 : vector<16xf32>
        %swap3A_837 = arith.index_cast %add3A_799 : i32 to index
        %swap3A_838 = arith.constant 64 : index
        %swap3A_839 = tpu.vector_load %arg14[%swap3A_837, %swap3A_838] {strides = array<i32>} : memref<80x128xf32, #tpu.memory_space<vmem>>, vector<16xf32>,
        tpu.vector_store %arg14[%swap3A_837, %swap3A_838], %mul3A_836 {strides = array<i32>} : memref<80x128xf32, #tpu.memory_space<vmem>>, vector<16xf32>,
        %get3A_840 = arith.index_cast %add3A_799 : i32 to index
        %get3A_841 = arith.constant 80 : index
        %get3A_842 = tpu.vector_load %arg14[%get3A_840, %get3A_841] {strides = array<i32>} : memref<80x128xf32, #tpu.memory_space<vmem>>, vector<16xf32>,
        %mul3A_843 = vector.broadcast %squeeze3A_795 : f32 to vector<16xf32>
        %mul3A_844 = arith.mulf %get3A_842, %mul3A_843 : vector<16xf32>
        %swap3A_845 = arith.index_cast %add3A_799 : i32 to index
        %swap3A_846 = arith.constant 80 : index
        %swap3A_847 = tpu.vector_load %arg14[%swap3A_845, %swap3A_846] {strides = array<i32>} : memref<80x128xf32, #tpu.memory_space<vmem>>, vector<16xf32>,
        tpu.vector_store %arg14[%swap3A_845, %swap3A_846], %mul3A_844 {strides = array<i32>} : memref<80x128xf32, #tpu.memory_space<vmem>>, vector<16xf32>,
        %get3A_848 = arith.index_cast %add3A_799 : i32 to index
        %get3A_849 = arith.constant 96 : index
        %get3A_850 = tpu.vector_load %arg14[%get3A_848, %get3A_849] {strides = array<i32>} : memref<80x128xf32, #tpu.memory_space<vmem>>, vector<16xf32>,
        %mul3A_851 = vector.broadcast %squeeze3A_795 : f32 to vector<16xf32>
        %mul3A_852 = arith.mulf %get3A_850, %mul3A_851 : vector<16xf32>
        %swap3A_853 = arith.index_cast %add3A_799 : i32 to index
        %swap3A_854 = arith.constant 96 : index
        %swap3A_855 = tpu.vector_load %arg14[%swap3A_853, %swap3A_854] {strides = array<i32>} : memref<80x128xf32, #tpu.memory_space<vmem>>, vector<16xf32>,
        tpu.vector_store %arg14[%swap3A_853, %swap3A_854], %mul3A_852 {strides = array<i32>} : memref<80x128xf32, #tpu.memory_space<vmem>>, vector<16xf32>,
        %get3A_856 = arith.index_cast %add3A_799 : i32 to index
        %get3A_857 = arith.constant 112 : index
        %get3A_858 = tpu.vector_load %arg14[%get3A_856, %get3A_857] {strides = array<i32>} : memref<80x128xf32, #tpu.memory_space<vmem>>, vector<16xf32>,
        %mul3A_859 = vector.broadcast %squeeze3A_795 : f32 to vector<16xf32>
        %mul3A_860 = arith.mulf %get3A_858, %mul3A_859 : vector<16xf32>
        %swap3A_861 = arith.index_cast %add3A_799 : i32 to index
        %swap3A_862 = arith.constant 112 : index
        %swap3A_863 = tpu.vector_load %arg14[%swap3A_861, %swap3A_862] {strides = array<i32>} : memref<80x128xf32, #tpu.memory_space<vmem>>, vector<16xf32>,
        tpu.vector_store %arg14[%swap3A_861, %swap3A_862], %mul3A_860 {strides = array<i32>} : memref<80x128xf32, #tpu.memory_space<vmem>>, vector<16xf32>,
        %slice3A_864 = vector.extract_strided_slice %exp3A {offsets = [10], sizes = [1], strides = [1]} : vector<16xf32> to vector<1xf32>
        %squeeze3A_865 = vector.extract %slice3A_864[0] : f32 from vector<1xf32>
        %mul3A_866 = arith.constant 16 : i32
        %mul3A_867 = arith.muli %add3A_78, %mul3A_866 : i32
        %add3A_868 = arith.constant 10 : i32
        %add3A_869 = arith.addi %mul3A_867, %add3A_868 : i32
        %get3A_870 = arith.index_cast %add3A_869 : i32 to index
        %get3A_871 = arith.constant 0 : index
        %get3A_872 = tpu.vector_load %arg14[%get3A_870, %get3A_871] {strides = array<i32>} : memref<80x128xf32, #tpu.memory_space<vmem>>, vector<16xf32>,
        %mul3A_873 = vector.broadcast %squeeze3A_865 : f32 to vector<16xf32>
        %mul3A_874 = arith.mulf %get3A_872, %mul3A_873 : vector<16xf32>
        %swap3A_875 = arith.index_cast %add3A_869 : i32 to index
        %swap3A_876 = arith.constant 0 : index
        %swap3A_877 = tpu.vector_load %arg14[%swap3A_875, %swap3A_876] {strides = array<i32>} : memref<80x128xf32, #tpu.memory_space<vmem>>, vector<16xf32>,
        tpu.vector_store %arg14[%swap3A_875, %swap3A_876], %mul3A_874 {strides = array<i32>} : memref<80x128xf32, #tpu.memory_space<vmem>>, vector<16xf32>,
        %get3A_878 = arith.index_cast %add3A_869 : i32 to index
        %get3A_879 = arith.constant 16 : index
        %get3A_880 = tpu.vector_load %arg14[%get3A_878, %get3A_879] {strides = array<i32>} : memref<80x128xf32, #tpu.memory_space<vmem>>, vector<16xf32>,
        %mul3A_881 = vector.broadcast %squeeze3A_865 : f32 to vector<16xf32>
        %mul3A_882 = arith.mulf %get3A_880, %mul3A_881 : vector<16xf32>
        %swap3A_883 = arith.index_cast %add3A_869 : i32 to index
        %swap3A_884 = arith.constant 16 : index
        %swap3A_885 = tpu.vector_load %arg14[%swap3A_883, %swap3A_884] {strides = array<i32>} : memref<80x128xf32, #tpu.memory_space<vmem>>, vector<16xf32>,
        tpu.vector_store %arg14[%swap3A_883, %swap3A_884], %mul3A_882 {strides = array<i32>} : memref<80x128xf32, #tpu.memory_space<vmem>>, vector<16xf32>,
        %get3A_886 = arith.index_cast %add3A_869 : i32 to index
        %get3A_887 = arith.constant 32 : index
        %get3A_888 = tpu.vector_load %arg14[%get3A_886, %get3A_887] {strides = array<i32>} : memref<80x128xf32, #tpu.memory_space<vmem>>, vector<16xf32>,
        %mul3A_889 = vector.broadcast %squeeze3A_865 : f32 to vector<16xf32>
        %mul3A_890 = arith.mulf %get3A_888, %mul3A_889 : vector<16xf32>
        %swap3A_891 = arith.index_cast %add3A_869 : i32 to index
        %swap3A_892 = arith.constant 32 : index
        %swap3A_893 = tpu.vector_load %arg14[%swap3A_891, %swap3A_892] {strides = array<i32>} : memref<80x128xf32, #tpu.memory_space<vmem>>, vector<16xf32>,
        tpu.vector_store %arg14[%swap3A_891, %swap3A_892], %mul3A_890 {strides = array<i32>} : memref<80x128xf32, #tpu.memory_space<vmem>>, vector<16xf32>,
        %get3A_894 = arith.index_cast %add3A_869 : i32 to index
        %get3A_895 = arith.constant 48 : index
        %get3A_896 = tpu.vector_load %arg14[%get3A_894, %get3A_895] {strides = array<i32>} : memref<80x128xf32, #tpu.memory_space<vmem>>, vector<16xf32>,
        %mul3A_897 = vector.broadcast %squeeze3A_865 : f32 to vector<16xf32>
        %mul3A_898 = arith.mulf %get3A_896, %mul3A_897 : vector<16xf32>
        %swap3A_899 = arith.index_cast %add3A_869 : i32 to index
        %swap3A_900 = arith.constant 48 : index
        %swap3A_901 = tpu.vector_load %arg14[%swap3A_899, %swap3A_900] {strides = array<i32>} : memref<80x128xf32, #tpu.memory_space<vmem>>, vector<16xf32>,
        tpu.vector_store %arg14[%swap3A_899, %swap3A_900], %mul3A_898 {strides = array<i32>} : memref<80x128xf32, #tpu.memory_space<vmem>>, vector<16xf32>,
        %get3A_902 = arith.index_cast %add3A_869 : i32 to index
        %get3A_903 = arith.constant 64 : index
        %get3A_904 = tpu.vector_load %arg14[%get3A_902, %get3A_903] {strides = array<i32>} : memref<80x128xf32, #tpu.memory_space<vmem>>, vector<16xf32>,
        %mul3A_905 = vector.broadcast %squeeze3A_865 : f32 to vector<16xf32>
        %mul3A_906 = arith.mulf %get3A_904, %mul3A_905 : vector<16xf32>
        %swap3A_907 = arith.index_cast %add3A_869 : i32 to index
        %swap3A_908 = arith.constant 64 : index
        %swap3A_909 = tpu.vector_load %arg14[%swap3A_907, %swap3A_908] {strides = array<i32>} : memref<80x128xf32, #tpu.memory_space<vmem>>, vector<16xf32>,
        tpu.vector_store %arg14[%swap3A_907, %swap3A_908], %mul3A_906 {strides = array<i32>} : memref<80x128xf32, #tpu.memory_space<vmem>>, vector<16xf32>,
        %get3A_910 = arith.index_cast %add3A_869 : i32 to index
        %get3A_911 = arith.constant 80 : index
        %get3A_912 = tpu.vector_load %arg14[%get3A_910, %get3A_911] {strides = array<i32>} : memref<80x128xf32, #tpu.memory_space<vmem>>, vector<16xf32>,
        %mul3A_913 = vector.broadcast %squeeze3A_865 : f32 to vector<16xf32>
        %mul3A_914 = arith.mulf %get3A_912, %mul3A_913 : vector<16xf32>
        %swap3A_915 = arith.index_cast %add3A_869 : i32 to index
        %swap3A_916 = arith.constant 80 : index
        %swap3A_917 = tpu.vector_load %arg14[%swap3A_915, %swap3A_916] {strides = array<i32>} : memref<80x128xf32, #tpu.memory_space<vmem>>, vector<16xf32>,
        tpu.vector_store %arg14[%swap3A_915, %swap3A_916], %mul3A_914 {strides = array<i32>} : memref<80x128xf32, #tpu.memory_space<vmem>>, vector<16xf32>,
        %get3A_918 = arith.index_cast %add3A_869 : i32 to index
        %get3A_919 = arith.constant 96 : index
        %get3A_920 = tpu.vector_load %arg14[%get3A_918, %get3A_919] {strides = array<i32>} : memref<80x128xf32, #tpu.memory_space<vmem>>, vector<16xf32>,
        %mul3A_921 = vector.broadcast %squeeze3A_865 : f32 to vector<16xf32>
        %mul3A_922 = arith.mulf %get3A_920, %mul3A_921 : vector<16xf32>
        %swap3A_923 = arith.index_cast %add3A_869 : i32 to index
        %swap3A_924 = arith.constant 96 : index
        %swap3A_925 = tpu.vector_load %arg14[%swap3A_923, %swap3A_924] {strides = array<i32>} : memref<80x128xf32, #tpu.memory_space<vmem>>, vector<16xf32>,
        tpu.vector_store %arg14[%swap3A_923, %swap3A_924], %mul3A_922 {strides = array<i32>} : memref<80x128xf32, #tpu.memory_space<vmem>>, vector<16xf32>,
        %get3A_926 = arith.index_cast %add3A_869 : i32 to index
        %get3A_927 = arith.constant 112 : index
        %get3A_928 = tpu.vector_load %arg14[%get3A_926, %get3A_927] {strides = array<i32>} : memref<80x128xf32, #tpu.memory_space<vmem>>, vector<16xf32>,
        %mul3A_929 = vector.broadcast %squeeze3A_865 : f32 to vector<16xf32>
        %mul3A_930 = arith.mulf %get3A_928, %mul3A_929 : vector<16xf32>
        %swap3A_931 = arith.index_cast %add3A_869 : i32 to index
        %swap3A_932 = arith.constant 112 : index
        %swap3A_933 = tpu.vector_load %arg14[%swap3A_931, %swap3A_932] {strides = array<i32>} : memref<80x128xf32, #tpu.memory_space<vmem>>, vector<16xf32>,
        tpu.vector_store %arg14[%swap3A_931, %swap3A_932], %mul3A_930 {strides = array<i32>} : memref<80x128xf32, #tpu.memory_space<vmem>>, vector<16xf32>,
        %slice3A_934 = vector.extract_strided_slice %exp3A {offsets = [11], sizes = [1], strides = [1]} : vector<16xf32> to vector<1xf32>
        %squeeze3A_935 = vector.extract %slice3A_934[0] : f32 from vector<1xf32>
        %mul3A_936 = arith.constant 16 : i32
        %mul3A_937 = arith.muli %add3A_78, %mul3A_936 : i32
        %add3A_938 = arith.constant 11 : i32
        %add3A_939 = arith.addi %mul3A_937, %add3A_938 : i32
        %get3A_940 = arith.index_cast %add3A_939 : i32 to index
        %get3A_941 = arith.constant 0 : index
        %get3A_942 = tpu.vector_load %arg14[%get3A_940, %get3A_941] {strides = array<i32>} : memref<80x128xf32, #tpu.memory_space<vmem>>, vector<16xf32>,
        %mul3A_943 = vector.broadcast %squeeze3A_935 : f32 to vector<16xf32>
        %mul3A_944 = arith.mulf %get3A_942, %mul3A_943 : vector<16xf32>
        %swap3A_945 = arith.index_cast %add3A_939 : i32 to index
        %swap3A_946 = arith.constant 0 : index
        %swap3A_947 = tpu.vector_load %arg14[%swap3A_945, %swap3A_946] {strides = array<i32>} : memref<80x128xf32, #tpu.memory_space<vmem>>, vector<16xf32>,
        tpu.vector_store %arg14[%swap3A_945, %swap3A_946], %mul3A_944 {strides = array<i32>} : memref<80x128xf32, #tpu.memory_space<vmem>>, vector<16xf32>,
        %get3A_948 = arith.index_cast %add3A_939 : i32 to index
        %get3A_949 = arith.constant 16 : index
        %get3A_950 = tpu.vector_load %arg14[%get3A_948, %get3A_949] {strides = array<i32>} : memref<80x128xf32, #tpu.memory_space<vmem>>, vector<16xf32>,
        %mul3A_951 = vector.broadcast %squeeze3A_935 : f32 to vector<16xf32>
        %mul3A_952 = arith.mulf %get3A_950, %mul3A_951 : vector<16xf32>
        %swap3A_953 = arith.index_cast %add3A_939 : i32 to index
        %swap3A_954 = arith.constant 16 : index
        %swap3A_955 = tpu.vector_load %arg14[%swap3A_953, %swap3A_954] {strides = array<i32>} : memref<80x128xf32, #tpu.memory_space<vmem>>, vector<16xf32>,
        tpu.vector_store %arg14[%swap3A_953, %swap3A_954], %mul3A_952 {strides = array<i32>} : memref<80x128xf32, #tpu.memory_space<vmem>>, vector<16xf32>,
        %get3A_956 = arith.index_cast %add3A_939 : i32 to index
        %get3A_957 = arith.constant 32 : index
        %get3A_958 = tpu.vector_load %arg14[%get3A_956, %get3A_957] {strides = array<i32>} : memref<80x128xf32, #tpu.memory_space<vmem>>, vector<16xf32>,
        %mul3A_959 = vector.broadcast %squeeze3A_935 : f32 to vector<16xf32>
        %mul3A_960 = arith.mulf %get3A_958, %mul3A_959 : vector<16xf32>
        %swap3A_961 = arith.index_cast %add3A_939 : i32 to index
        %swap3A_962 = arith.constant 32 : index
        %swap3A_963 = tpu.vector_load %arg14[%swap3A_961, %swap3A_962] {strides = array<i32>} : memref<80x128xf32, #tpu.memory_space<vmem>>, vector<16xf32>,
        tpu.vector_store %arg14[%swap3A_961, %swap3A_962], %mul3A_960 {strides = array<i32>} : memref<80x128xf32, #tpu.memory_space<vmem>>, vector<16xf32>,
        %get3A_964 = arith.index_cast %add3A_939 : i32 to index
        %get3A_965 = arith.constant 48 : index
        %get3A_966 = tpu.vector_load %arg14[%get3A_964, %get3A_965] {strides = array<i32>} : memref<80x128xf32, #tpu.memory_space<vmem>>, vector<16xf32>,
        %mul3A_967 = vector.broadcast %squeeze3A_935 : f32 to vector<16xf32>
        %mul3A_968 = arith.mulf %get3A_966, %mul3A_967 : vector<16xf32>
        %swap3A_969 = arith.index_cast %add3A_939 : i32 to index
        %swap3A_970 = arith.constant 48 : index
        %swap3A_971 = tpu.vector_load %arg14[%swap3A_969, %swap3A_970] {strides = array<i32>} : memref<80x128xf32, #tpu.memory_space<vmem>>, vector<16xf32>,
        tpu.vector_store %arg14[%swap3A_969, %swap3A_970], %mul3A_968 {strides = array<i32>} : memref<80x128xf32, #tpu.memory_space<vmem>>, vector<16xf32>,
        %get3A_972 = arith.index_cast %add3A_939 : i32 to index
        %get3A_973 = arith.constant 64 : index
        %get3A_974 = tpu.vector_load %arg14[%get3A_972, %get3A_973] {strides = array<i32>} : memref<80x128xf32, #tpu.memory_space<vmem>>, vector<16xf32>,
        %mul3A_975 = vector.broadcast %squeeze3A_935 : f32 to vector<16xf32>
        %mul3A_976 = arith.mulf %get3A_974, %mul3A_975 : vector<16xf32>
        %swap3A_977 = arith.index_cast %add3A_939 : i32 to index
        %swap3A_978 = arith.constant 64 : index
        %swap3A_979 = tpu.vector_load %arg14[%swap3A_977, %swap3A_978] {strides = array<i32>} : memref<80x128xf32, #tpu.memory_space<vmem>>, vector<16xf32>,
        tpu.vector_store %arg14[%swap3A_977, %swap3A_978], %mul3A_976 {strides = array<i32>} : memref<80x128xf32, #tpu.memory_space<vmem>>, vector<16xf32>,
        %get3A_980 = arith.index_cast %add3A_939 : i32 to index
        %get3A_981 = arith.constant 80 : index
        %get3A_982 = tpu.vector_load %arg14[%get3A_980, %get3A_981] {strides = array<i32>} : memref<80x128xf32, #tpu.memory_space<vmem>>, vector<16xf32>,
        %mul3A_983 = vector.broadcast %squeeze3A_935 : f32 to vector<16xf32>
        %mul3A_984 = arith.mulf %get3A_982, %mul3A_983 : vector<16xf32>
        %swap3A_985 = arith.index_cast %add3A_939 : i32 to index
        %swap3A_986 = arith.constant 80 : index
        %swap3A_987 = tpu.vector_load %arg14[%swap3A_985, %swap3A_986] {strides = array<i32>} : memref<80x128xf32, #tpu.memory_space<vmem>>, vector<16xf32>,
        tpu.vector_store %arg14[%swap3A_985, %swap3A_986], %mul3A_984 {strides = array<i32>} : memref<80x128xf32, #tpu.memory_space<vmem>>, vector<16xf32>,
        %get3A_988 = arith.index_cast %add3A_939 : i32 to index
        %get3A_989 = arith.constant 96 : index
        %get3A_990 = tpu.vector_load %arg14[%get3A_988, %get3A_989] {strides = array<i32>} : memref<80x128xf32, #tpu.memory_space<vmem>>, vector<16xf32>,
        %mul3A_991 = vector.broadcast %squeeze3A_935 : f32 to vector<16xf32>
        %mul3A_992 = arith.mulf %get3A_990, %mul3A_991 : vector<16xf32>
        %swap3A_993 = arith.index_cast %add3A_939 : i32 to index
        %swap3A_994 = arith.constant 96 : index
        %swap3A_995 = tpu.vector_load %arg14[%swap3A_993, %swap3A_994] {strides = array<i32>} : memref<80x128xf32, #tpu.memory_space<vmem>>, vector<16xf32>,
        tpu.vector_store %arg14[%swap3A_993, %swap3A_994], %mul3A_992 {strides = array<i32>} : memref<80x128xf32, #tpu.memory_space<vmem>>, vector<16xf32>,
        %get3A_996 = arith.index_cast %add3A_939 : i32 to index
        %get3A_997 = arith.constant 112 : index
        %get3A_998 = tpu.vector_load %arg14[%get3A_996, %get3A_997] {strides = array<i32>} : memref<80x128xf32, #tpu.memory_space<vmem>>, vector<16xf32>,
        %mul3A_999 = vector.broadcast %squeeze3A_935 : f32 to vector<16xf32>
        %mul3A_1000 = arith.mulf %get3A_998, %mul3A_999 : vector<16xf32>
        %swap3A_1001 = arith.index_cast %add3A_939 : i32 to index
        %swap3A_1002 = arith.constant 112 : index
        %swap3A_1003 = tpu.vector_load %arg14[%swap3A_1001, %swap3A_1002] {strides = array<i32>} : memref<80x128xf32, #tpu.memory_space<vmem>>, vector<16xf32>,
        tpu.vector_store %arg14[%swap3A_1001, %swap3A_1002], %mul3A_1000 {strides = array<i32>} : memref<80x128xf32, #tpu.memory_space<vmem>>, vector<16xf32>,
        %slice3A_1004 = vector.extract_strided_slice %exp3A {offsets = [12], sizes = [1], strides = [1]} : vector<16xf32> to vector<1xf32>
        %squeeze3A_1005 = vector.extract %slice3A_1004[0] : f32 from vector<1xf32>
        %mul3A_1006 = arith.constant 16 : i32
        %mul3A_1007 = arith.muli %add3A_78, %mul3A_1006 : i32
        %add3A_1008 = arith.constant 12 : i32
        %add3A_1009 = arith.addi %mul3A_1007, %add3A_1008 : i32
        %get3A_1010 = arith.index_cast %add3A_1009 : i32 to index
        %get3A_1011 = arith.constant 0 : index
        %get3A_1012 = tpu.vector_load %arg14[%get3A_1010, %get3A_1011] {strides = array<i32>} : memref<80x128xf32, #tpu.memory_space<vmem>>, vector<16xf32>,
        %mul3A_1013 = vector.broadcast %squeeze3A_1005 : f32 to vector<16xf32>
        %mul3A_1014 = arith.mulf %get3A_1012, %mul3A_1013 : vector<16xf32>
        %swap3A_1015 = arith.index_cast %add3A_1009 : i32 to index
        %swap3A_1016 = arith.constant 0 : index
        %swap3A_1017 = tpu.vector_load %arg14[%swap3A_1015, %swap3A_1016] {strides = array<i32>} : memref<80x128xf32, #tpu.memory_space<vmem>>, vector<16xf32>,
        tpu.vector_store %arg14[%swap3A_1015, %swap3A_1016], %mul3A_1014 {strides = array<i32>} : memref<80x128xf32, #tpu.memory_space<vmem>>, vector<16xf32>,
        %get3A_1018 = arith.index_cast %add3A_1009 : i32 to index
        %get3A_1019 = arith.constant 16 : index
        %get3A_1020 = tpu.vector_load %arg14[%get3A_1018, %get3A_1019] {strides = array<i32>} : memref<80x128xf32, #tpu.memory_space<vmem>>, vector<16xf32>,
        %mul3A_1021 = vector.broadcast %squeeze3A_1005 : f32 to vector<16xf32>
        %mul3A_1022 = arith.mulf %get3A_1020, %mul3A_1021 : vector<16xf32>
        %swap3A_1023 = arith.index_cast %add3A_1009 : i32 to index
        %swap3A_1024 = arith.constant 16 : index
        %swap3A_1025 = tpu.vector_load %arg14[%swap3A_1023, %swap3A_1024] {strides = array<i32>} : memref<80x128xf32, #tpu.memory_space<vmem>>, vector<16xf32>,
        tpu.vector_store %arg14[%swap3A_1023, %swap3A_1024], %mul3A_1022 {strides = array<i32>} : memref<80x128xf32, #tpu.memory_space<vmem>>, vector<16xf32>,
        %get3A_1026 = arith.index_cast %add3A_1009 : i32 to index
        %get3A_1027 = arith.constant 32 : index
        %get3A_1028 = tpu.vector_load %arg14[%get3A_1026, %get3A_1027] {strides = array<i32>} : memref<80x128xf32, #tpu.memory_space<vmem>>, vector<16xf32>,
        %mul3A_1029 = vector.broadcast %squeeze3A_1005 : f32 to vector<16xf32>
        %mul3A_1030 = arith.mulf %get3A_1028, %mul3A_1029 : vector<16xf32>
        %swap3A_1031 = arith.index_cast %add3A_1009 : i32 to index
        %swap3A_1032 = arith.constant 32 : index
        %swap3A_1033 = tpu.vector_load %arg14[%swap3A_1031, %swap3A_1032] {strides = array<i32>} : memref<80x128xf32, #tpu.memory_space<vmem>>, vector<16xf32>,
        tpu.vector_store %arg14[%swap3A_1031, %swap3A_1032], %mul3A_1030 {strides = array<i32>} : memref<80x128xf32, #tpu.memory_space<vmem>>, vector<16xf32>,
        %get3A_1034 = arith.index_cast %add3A_1009 : i32 to index
        %get3A_1035 = arith.constant 48 : index
        %get3A_1036 = tpu.vector_load %arg14[%get3A_1034, %get3A_1035] {strides = array<i32>} : memref<80x128xf32, #tpu.memory_space<vmem>>, vector<16xf32>,
        %mul3A_1037 = vector.broadcast %squeeze3A_1005 : f32 to vector<16xf32>
        %mul3A_1038 = arith.mulf %get3A_1036, %mul3A_1037 : vector<16xf32>
        %swap3A_1039 = arith.index_cast %add3A_1009 : i32 to index
        %swap3A_1040 = arith.constant 48 : index
        %swap3A_1041 = tpu.vector_load %arg14[%swap3A_1039, %swap3A_1040] {strides = array<i32>} : memref<80x128xf32, #tpu.memory_space<vmem>>, vector<16xf32>,
        tpu.vector_store %arg14[%swap3A_1039, %swap3A_1040], %mul3A_1038 {strides = array<i32>} : memref<80x128xf32, #tpu.memory_space<vmem>>, vector<16xf32>,
        %get3A_1042 = arith.index_cast %add3A_1009 : i32 to index
        %get3A_1043 = arith.constant 64 : index
        %get3A_1044 = tpu.vector_load %arg14[%get3A_1042, %get3A_1043] {strides = array<i32>} : memref<80x128xf32, #tpu.memory_space<vmem>>, vector<16xf32>,
        %mul3A_1045 = vector.broadcast %squeeze3A_1005 : f32 to vector<16xf32>
        %mul3A_1046 = arith.mulf %get3A_1044, %mul3A_1045 : vector<16xf32>
        %swap3A_1047 = arith.index_cast %add3A_1009 : i32 to index
        %swap3A_1048 = arith.constant 64 : index
        %swap3A_1049 = tpu.vector_load %arg14[%swap3A_1047, %swap3A_1048] {strides = array<i32>} : memref<80x128xf32, #tpu.memory_space<vmem>>, vector<16xf32>,
        tpu.vector_store %arg14[%swap3A_1047, %swap3A_1048], %mul3A_1046 {strides = array<i32>} : memref<80x128xf32, #tpu.memory_space<vmem>>, vector<16xf32>,
        %get3A_1050 = arith.index_cast %add3A_1009 : i32 to index
        %get3A_1051 = arith.constant 80 : index
        %get3A_1052 = tpu.vector_load %arg14[%get3A_1050, %get3A_1051] {strides = array<i32>} : memref<80x128xf32, #tpu.memory_space<vmem>>, vector<16xf32>,
        %mul3A_1053 = vector.broadcast %squeeze3A_1005 : f32 to vector<16xf32>
        %mul3A_1054 = arith.mulf %get3A_1052, %mul3A_1053 : vector<16xf32>
        %swap3A_1055 = arith.index_cast %add3A_1009 : i32 to index
        %swap3A_1056 = arith.constant 80 : index
        %swap3A_1057 = tpu.vector_load %arg14[%swap3A_1055, %swap3A_1056] {strides = array<i32>} : memref<80x128xf32, #tpu.memory_space<vmem>>, vector<16xf32>,
        tpu.vector_store %arg14[%swap3A_1055, %swap3A_1056], %mul3A_1054 {strides = array<i32>} : memref<80x128xf32, #tpu.memory_space<vmem>>, vector<16xf32>,
        %get3A_1058 = arith.index_cast %add3A_1009 : i32 to index
        %get3A_1059 = arith.constant 96 : index
        %get3A_1060 = tpu.vector_load %arg14[%get3A_1058, %get3A_1059] {strides = array<i32>} : memref<80x128xf32, #tpu.memory_space<vmem>>, vector<16xf32>,
        %mul3A_1061 = vector.broadcast %squeeze3A_1005 : f32 to vector<16xf32>
        %mul3A_1062 = arith.mulf %get3A_1060, %mul3A_1061 : vector<16xf32>
        %swap3A_1063 = arith.index_cast %add3A_1009 : i32 to index
        %swap3A_1064 = arith.constant 96 : index
        %swap3A_1065 = tpu.vector_load %arg14[%swap3A_1063, %swap3A_1064] {strides = array<i32>} : memref<80x128xf32, #tpu.memory_space<vmem>>, vector<16xf32>,
        tpu.vector_store %arg14[%swap3A_1063, %swap3A_1064], %mul3A_1062 {strides = array<i32>} : memref<80x128xf32, #tpu.memory_space<vmem>>, vector<16xf32>,
        %get3A_1066 = arith.index_cast %add3A_1009 : i32 to index
        %get3A_1067 = arith.constant 112 : index
        %get3A_1068 = tpu.vector_load %arg14[%get3A_1066, %get3A_1067] {strides = array<i32>} : memref<80x128xf32, #tpu.memory_space<vmem>>, vector<16xf32>,
        %mul3A_1069 = vector.broadcast %squeeze3A_1005 : f32 to vector<16xf32>
        %mul3A_1070 = arith.mulf %get3A_1068, %mul3A_1069 : vector<16xf32>
        %swap3A_1071 = arith.index_cast %add3A_1009 : i32 to index
        %swap3A_1072 = arith.constant 112 : index
        %swap3A_1073 = tpu.vector_load %arg14[%swap3A_1071, %swap3A_1072] {strides = array<i32>} : memref<80x128xf32, #tpu.memory_space<vmem>>, vector<16xf32>,
        tpu.vector_store %arg14[%swap3A_1071, %swap3A_1072], %mul3A_1070 {strides = array<i32>} : memref<80x128xf32, #tpu.memory_space<vmem>>, vector<16xf32>,
        %slice3A_1074 = vector.extract_strided_slice %exp3A {offsets = [13], sizes = [1], strides = [1]} : vector<16xf32> to vector<1xf32>
        %squeeze3A_1075 = vector.extract %slice3A_1074[0] : f32 from vector<1xf32>
        %mul3A_1076 = arith.constant 16 : i32
        %mul3A_1077 = arith.muli %add3A_78, %mul3A_1076 : i32
        %add3A_1078 = arith.constant 13 : i32
        %add3A_1079 = arith.addi %mul3A_1077, %add3A_1078 : i32
        %get3A_1080 = arith.index_cast %add3A_1079 : i32 to index
        %get3A_1081 = arith.constant 0 : index
        %get3A_1082 = tpu.vector_load %arg14[%get3A_1080, %get3A_1081] {strides = array<i32>} : memref<80x128xf32, #tpu.memory_space<vmem>>, vector<16xf32>,
        %mul3A_1083 = vector.broadcast %squeeze3A_1075 : f32 to vector<16xf32>
        %mul3A_1084 = arith.mulf %get3A_1082, %mul3A_1083 : vector<16xf32>
        %swap3A_1085 = arith.index_cast %add3A_1079 : i32 to index
        %swap3A_1086 = arith.constant 0 : index
        %swap3A_1087 = tpu.vector_load %arg14[%swap3A_1085, %swap3A_1086] {strides = array<i32>} : memref<80x128xf32, #tpu.memory_space<vmem>>, vector<16xf32>,
        tpu.vector_store %arg14[%swap3A_1085, %swap3A_1086], %mul3A_1084 {strides = array<i32>} : memref<80x128xf32, #tpu.memory_space<vmem>>, vector<16xf32>,
        %get3A_1088 = arith.index_cast %add3A_1079 : i32 to index
        %get3A_1089 = arith.constant 16 : index
        %get3A_1090 = tpu.vector_load %arg14[%get3A_1088, %get3A_1089] {strides = array<i32>} : memref<80x128xf32, #tpu.memory_space<vmem>>, vector<16xf32>,
        %mul3A_1091 = vector.broadcast %squeeze3A_1075 : f32 to vector<16xf32>
        %mul3A_1092 = arith.mulf %get3A_1090, %mul3A_1091 : vector<16xf32>
        %swap3A_1093 = arith.index_cast %add3A_1079 : i32 to index
        %swap3A_1094 = arith.constant 16 : index
        %swap3A_1095 = tpu.vector_load %arg14[%swap3A_1093, %swap3A_1094] {strides = array<i32>} : memref<80x128xf32, #tpu.memory_space<vmem>>, vector<16xf32>,
        tpu.vector_store %arg14[%swap3A_1093, %swap3A_1094], %mul3A_1092 {strides = array<i32>} : memref<80x128xf32, #tpu.memory_space<vmem>>, vector<16xf32>,
        %get3A_1096 = arith.index_cast %add3A_1079 : i32 to index
        %get3A_1097 = arith.constant 32 : index
        %get3A_1098 = tpu.vector_load %arg14[%get3A_1096, %get3A_1097] {strides = array<i32>} : memref<80x128xf32, #tpu.memory_space<vmem>>, vector<16xf32>,
        %mul3A_1099 = vector.broadcast %squeeze3A_1075 : f32 to vector<16xf32>
        %mul3A_1100 = arith.mulf %get3A_1098, %mul3A_1099 : vector<16xf32>
        %swap3A_1101 = arith.index_cast %add3A_1079 : i32 to index
        %swap3A_1102 = arith.constant 32 : index
        %swap3A_1103 = tpu.vector_load %arg14[%swap3A_1101, %swap3A_1102] {strides = array<i32>} : memref<80x128xf32, #tpu.memory_space<vmem>>, vector<16xf32>,
        tpu.vector_store %arg14[%swap3A_1101, %swap3A_1102], %mul3A_1100 {strides = array<i32>} : memref<80x128xf32, #tpu.memory_space<vmem>>, vector<16xf32>,
        %get3A_1104 = arith.index_cast %add3A_1079 : i32 to index
        %get3A_1105 = arith.constant 48 : index
        %get3A_1106 = tpu.vector_load %arg14[%get3A_1104, %get3A_1105] {strides = array<i32>} : memref<80x128xf32, #tpu.memory_space<vmem>>, vector<16xf32>,
        %mul3A_1107 = vector.broadcast %squeeze3A_1075 : f32 to vector<16xf32>
        %mul3A_1108 = arith.mulf %get3A_1106, %mul3A_1107 : vector<16xf32>
        %swap3A_1109 = arith.index_cast %add3A_1079 : i32 to index
        %swap3A_1110 = arith.constant 48 : index
        %swap3A_1111 = tpu.vector_load %arg14[%swap3A_1109, %swap3A_1110] {strides = array<i32>} : memref<80x128xf32, #tpu.memory_space<vmem>>, vector<16xf32>,
        tpu.vector_store %arg14[%swap3A_1109, %swap3A_1110], %mul3A_1108 {strides = array<i32>} : memref<80x128xf32, #tpu.memory_space<vmem>>, vector<16xf32>,
        %get3A_1112 = arith.index_cast %add3A_1079 : i32 to index
        %get3A_1113 = arith.constant 64 : index
        %get3A_1114 = tpu.vector_load %arg14[%get3A_1112, %get3A_1113] {strides = array<i32>} : memref<80x128xf32, #tpu.memory_space<vmem>>, vector<16xf32>,
        %mul3A_1115 = vector.broadcast %squeeze3A_1075 : f32 to vector<16xf32>
        %mul3A_1116 = arith.mulf %get3A_1114, %mul3A_1115 : vector<16xf32>
        %swap3A_1117 = arith.index_cast %add3A_1079 : i32 to index
        %swap3A_1118 = arith.constant 64 : index
        %swap3A_1119 = tpu.vector_load %arg14[%swap3A_1117, %swap3A_1118] {strides = array<i32>} : memref<80x128xf32, #tpu.memory_space<vmem>>, vector<16xf32>,
        tpu.vector_store %arg14[%swap3A_1117, %swap3A_1118], %mul3A_1116 {strides = array<i32>} : memref<80x128xf32, #tpu.memory_space<vmem>>, vector<16xf32>,
        %get3A_1120 = arith.index_cast %add3A_1079 : i32 to index
        %get3A_1121 = arith.constant 80 : index
        %get3A_1122 = tpu.vector_load %arg14[%get3A_1120, %get3A_1121] {strides = array<i32>} : memref<80x128xf32, #tpu.memory_space<vmem>>, vector<16xf32>,
        %mul3A_1123 = vector.broadcast %squeeze3A_1075 : f32 to vector<16xf32>
        %mul3A_1124 = arith.mulf %get3A_1122, %mul3A_1123 : vector<16xf32>
        %swap3A_1125 = arith.index_cast %add3A_1079 : i32 to index
        %swap3A_1126 = arith.constant 80 : index
        %swap3A_1127 = tpu.vector_load %arg14[%swap3A_1125, %swap3A_1126] {strides = array<i32>} : memref<80x128xf32, #tpu.memory_space<vmem>>, vector<16xf32>,
        tpu.vector_store %arg14[%swap3A_1125, %swap3A_1126], %mul3A_1124 {strides = array<i32>} : memref<80x128xf32, #tpu.memory_space<vmem>>, vector<16xf32>,
        %get3A_1128 = arith.index_cast %add3A_1079 : i32 to index
        %get3A_1129 = arith.constant 96 : index
        %get3A_1130 = tpu.vector_load %arg14[%get3A_1128, %get3A_1129] {strides = array<i32>} : memref<80x128xf32, #tpu.memory_space<vmem>>, vector<16xf32>,
        %mul3A_1131 = vector.broadcast %squeeze3A_1075 : f32 to vector<16xf32>
        %mul3A_1132 = arith.mulf %get3A_1130, %mul3A_1131 : vector<16xf32>
        %swap3A_1133 = arith.index_cast %add3A_1079 : i32 to index
        %swap3A_1134 = arith.constant 96 : index
        %swap3A_1135 = tpu.vector_load %arg14[%swap3A_1133, %swap3A_1134] {strides = array<i32>} : memref<80x128xf32, #tpu.memory_space<vmem>>, vector<16xf32>,
        tpu.vector_store %arg14[%swap3A_1133, %swap3A_1134], %mul3A_1132 {strides = array<i32>} : memref<80x128xf32, #tpu.memory_space<vmem>>, vector<16xf32>,
        %get3A_1136 = arith.index_cast %add3A_1079 : i32 to index
        %get3A_1137 = arith.constant 112 : index
        %get3A_1138 = tpu.vector_load %arg14[%get3A_1136, %get3A_1137] {strides = array<i32>} : memref<80x128xf32, #tpu.memory_space<vmem>>, vector<16xf32>,
        %mul3A_1139 = vector.broadcast %squeeze3A_1075 : f32 to vector<16xf32>
        %mul3A_1140 = arith.mulf %get3A_1138, %mul3A_1139 : vector<16xf32>
        %swap3A_1141 = arith.index_cast %add3A_1079 : i32 to index
        %swap3A_1142 = arith.constant 112 : index
        %swap3A_1143 = tpu.vector_load %arg14[%swap3A_1141, %swap3A_1142] {strides = array<i32>} : memref<80x128xf32, #tpu.memory_space<vmem>>, vector<16xf32>,
        tpu.vector_store %arg14[%swap3A_1141, %swap3A_1142], %mul3A_1140 {strides = array<i32>} : memref<80x128xf32, #tpu.memory_space<vmem>>, vector<16xf32>,
        %slice3A_1144 = vector.extract_strided_slice %exp3A {offsets = [14], sizes = [1], strides = [1]} : vector<16xf32> to vector<1xf32>
        %squeeze3A_1145 = vector.extract %slice3A_1144[0] : f32 from vector<1xf32>
        %mul3A_1146 = arith.constant 16 : i32
        %mul3A_1147 = arith.muli %add3A_78, %mul3A_1146 : i32
        %add3A_1148 = arith.constant 14 : i32
        %add3A_1149 = arith.addi %mul3A_1147, %add3A_1148 : i32
        %get3A_1150 = arith.index_cast %add3A_1149 : i32 to index
        %get3A_1151 = arith.constant 0 : index
        %get3A_1152 = tpu.vector_load %arg14[%get3A_1150, %get3A_1151] {strides = array<i32>} : memref<80x128xf32, #tpu.memory_space<vmem>>, vector<16xf32>,
        %mul3A_1153 = vector.broadcast %squeeze3A_1145 : f32 to vector<16xf32>
        %mul3A_1154 = arith.mulf %get3A_1152, %mul3A_1153 : vector<16xf32>
        %swap3A_1155 = arith.index_cast %add3A_1149 : i32 to index
        %swap3A_1156 = arith.constant 0 : index
        %swap3A_1157 = tpu.vector_load %arg14[%swap3A_1155, %swap3A_1156] {strides = array<i32>} : memref<80x128xf32, #tpu.memory_space<vmem>>, vector<16xf32>,
        tpu.vector_store %arg14[%swap3A_1155, %swap3A_1156], %mul3A_1154 {strides = array<i32>} : memref<80x128xf32, #tpu.memory_space<vmem>>, vector<16xf32>,
        %get3A_1158 = arith.index_cast %add3A_1149 : i32 to index
        %get3A_1159 = arith.constant 16 : index
        %get3A_1160 = tpu.vector_load %arg14[%get3A_1158, %get3A_1159] {strides = array<i32>} : memref<80x128xf32, #tpu.memory_space<vmem>>, vector<16xf32>,
        %mul3A_1161 = vector.broadcast %squeeze3A_1145 : f32 to vector<16xf32>
        %mul3A_1162 = arith.mulf %get3A_1160, %mul3A_1161 : vector<16xf32>
        %swap3A_1163 = arith.index_cast %add3A_1149 : i32 to index
        %swap3A_1164 = arith.constant 16 : index
        %swap3A_1165 = tpu.vector_load %arg14[%swap3A_1163, %swap3A_1164] {strides = array<i32>} : memref<80x128xf32, #tpu.memory_space<vmem>>, vector<16xf32>,
        tpu.vector_store %arg14[%swap3A_1163, %swap3A_1164], %mul3A_1162 {strides = array<i32>} : memref<80x128xf32, #tpu.memory_space<vmem>>, vector<16xf32>,
        %get3A_1166 = arith.index_cast %add3A_1149 : i32 to index
        %get3A_1167 = arith.constant 32 : index
        %get3A_1168 = tpu.vector_load %arg14[%get3A_1166, %get3A_1167] {strides = array<i32>} : memref<80x128xf32, #tpu.memory_space<vmem>>, vector<16xf32>,
        %mul3A_1169 = vector.broadcast %squeeze3A_1145 : f32 to vector<16xf32>
        %mul3A_1170 = arith.mulf %get3A_1168, %mul3A_1169 : vector<16xf32>
        %swap3A_1171 = arith.index_cast %add3A_1149 : i32 to index
        %swap3A_1172 = arith.constant 32 : index
        %swap3A_1173 = tpu.vector_load %arg14[%swap3A_1171, %swap3A_1172] {strides = array<i32>} : memref<80x128xf32, #tpu.memory_space<vmem>>, vector<16xf32>,
        tpu.vector_store %arg14[%swap3A_1171, %swap3A_1172], %mul3A_1170 {strides = array<i32>} : memref<80x128xf32, #tpu.memory_space<vmem>>, vector<16xf32>,
        %get3A_1174 = arith.index_cast %add3A_1149 : i32 to index
        %get3A_1175 = arith.constant 48 : index
        %get3A_1176 = tpu.vector_load %arg14[%get3A_1174, %get3A_1175] {strides = array<i32>} : memref<80x128xf32, #tpu.memory_space<vmem>>, vector<16xf32>,
        %mul3A_1177 = vector.broadcast %squeeze3A_1145 : f32 to vector<16xf32>
        %mul3A_1178 = arith.mulf %get3A_1176, %mul3A_1177 : vector<16xf32>
        %swap3A_1179 = arith.index_cast %add3A_1149 : i32 to index
        %swap3A_1180 = arith.constant 48 : index
        %swap3A_1181 = tpu.vector_load %arg14[%swap3A_1179, %swap3A_1180] {strides = array<i32>} : memref<80x128xf32, #tpu.memory_space<vmem>>, vector<16xf32>,
        tpu.vector_store %arg14[%swap3A_1179, %swap3A_1180], %mul3A_1178 {strides = array<i32>} : memref<80x128xf32, #tpu.memory_space<vmem>>, vector<16xf32>,
        %get3A_1182 = arith.index_cast %add3A_1149 : i32 to index
        %get3A_1183 = arith.constant 64 : index
        %get3A_1184 = tpu.vector_load %arg14[%get3A_1182, %get3A_1183] {strides = array<i32>} : memref<80x128xf32, #tpu.memory_space<vmem>>, vector<16xf32>,
        %mul3A_1185 = vector.broadcast %squeeze3A_1145 : f32 to vector<16xf32>
        %mul3A_1186 = arith.mulf %get3A_1184, %mul3A_1185 : vector<16xf32>
        %swap3A_1187 = arith.index_cast %add3A_1149 : i32 to index
        %swap3A_1188 = arith.constant 64 : index
        %swap3A_1189 = tpu.vector_load %arg14[%swap3A_1187, %swap3A_1188] {strides = array<i32>} : memref<80x128xf32, #tpu.memory_space<vmem>>, vector<16xf32>,
        tpu.vector_store %arg14[%swap3A_1187, %swap3A_1188], %mul3A_1186 {strides = array<i32>} : memref<80x128xf32, #tpu.memory_space<vmem>>, vector<16xf32>,
        %get3A_1190 = arith.index_cast %add3A_1149 : i32 to index
        %get3A_1191 = arith.constant 80 : index
        %get3A_1192 = tpu.vector_load %arg14[%get3A_1190, %get3A_1191] {strides = array<i32>} : memref<80x128xf32, #tpu.memory_space<vmem>>, vector<16xf32>,
        %mul3A_1193 = vector.broadcast %squeeze3A_1145 : f32 to vector<16xf32>
        %mul3A_1194 = arith.mulf %get3A_1192, %mul3A_1193 : vector<16xf32>
        %swap3A_1195 = arith.index_cast %add3A_1149 : i32 to index
        %swap3A_1196 = arith.constant 80 : index
        %swap3A_1197 = tpu.vector_load %arg14[%swap3A_1195, %swap3A_1196] {strides = array<i32>} : memref<80x128xf32, #tpu.memory_space<vmem>>, vector<16xf32>,
        tpu.vector_store %arg14[%swap3A_1195, %swap3A_1196], %mul3A_1194 {strides = array<i32>} : memref<80x128xf32, #tpu.memory_space<vmem>>, vector<16xf32>,
        %get3A_1198 = arith.index_cast %add3A_1149 : i32 to index
        %get3A_1199 = arith.constant 96 : index
        %get3A_1200 = tpu.vector_load %arg14[%get3A_1198, %get3A_1199] {strides = array<i32>} : memref<80x128xf32, #tpu.memory_space<vmem>>, vector<16xf32>,
        %mul3A_1201 = vector.broadcast %squeeze3A_1145 : f32 to vector<16xf32>
        %mul3A_1202 = arith.mulf %get3A_1200, %mul3A_1201 : vector<16xf32>
        %swap3A_1203 = arith.index_cast %add3A_1149 : i32 to index
        %swap3A_1204 = arith.constant 96 : index
        %swap3A_1205 = tpu.vector_load %arg14[%swap3A_1203, %swap3A_1204] {strides = array<i32>} : memref<80x128xf32, #tpu.memory_space<vmem>>, vector<16xf32>,
        tpu.vector_store %arg14[%swap3A_1203, %swap3A_1204], %mul3A_1202 {strides = array<i32>} : memref<80x128xf32, #tpu.memory_space<vmem>>, vector<16xf32>,
        %get3A_1206 = arith.index_cast %add3A_1149 : i32 to index
        %get3A_1207 = arith.constant 112 : index
        %get3A_1208 = tpu.vector_load %arg14[%get3A_1206, %get3A_1207] {strides = array<i32>} : memref<80x128xf32, #tpu.memory_space<vmem>>, vector<16xf32>,
        %mul3A_1209 = vector.broadcast %squeeze3A_1145 : f32 to vector<16xf32>
        %mul3A_1210 = arith.mulf %get3A_1208, %mul3A_1209 : vector<16xf32>
        %swap3A_1211 = arith.index_cast %add3A_1149 : i32 to index
        %swap3A_1212 = arith.constant 112 : index
        %swap3A_1213 = tpu.vector_load %arg14[%swap3A_1211, %swap3A_1212] {strides = array<i32>} : memref<80x128xf32, #tpu.memory_space<vmem>>, vector<16xf32>,
        tpu.vector_store %arg14[%swap3A_1211, %swap3A_1212], %mul3A_1210 {strides = array<i32>} : memref<80x128xf32, #tpu.memory_space<vmem>>, vector<16xf32>,
        %slice3A_1214 = vector.extract_strided_slice %exp3A {offsets = [15], sizes = [1], strides = [1]} : vector<16xf32> to vector<1xf32>
        %squeeze3A_1215 = vector.extract %slice3A_1214[0] : f32 from vector<1xf32>
        %mul3A_1216 = arith.constant 16 : i32
        %mul3A_1217 = arith.muli %add3A_78, %mul3A_1216 : i32
        %add3A_1218 = arith.constant 15 : i32
        %add3A_1219 = arith.addi %mul3A_1217, %add3A_1218 : i32
        %get3A_1220 = arith.index_cast %add3A_1219 : i32 to index
        %get3A_1221 = arith.constant 0 : index
        %get3A_1222 = tpu.vector_load %arg14[%get3A_1220, %get3A_1221] {strides = array<i32>} : memref<80x128xf32, #tpu.memory_space<vmem>>, vector<16xf32>,
        %mul3A_1223 = vector.broadcast %squeeze3A_1215 : f32 to vector<16xf32>
        %mul3A_1224 = arith.mulf %get3A_1222, %mul3A_1223 : vector<16xf32>
        %swap3A_1225 = arith.index_cast %add3A_1219 : i32 to index
        %swap3A_1226 = arith.constant 0 : index
        %swap3A_1227 = tpu.vector_load %arg14[%swap3A_1225, %swap3A_1226] {strides = array<i32>} : memref<80x128xf32, #tpu.memory_space<vmem>>, vector<16xf32>,
        tpu.vector_store %arg14[%swap3A_1225, %swap3A_1226], %mul3A_1224 {strides = array<i32>} : memref<80x128xf32, #tpu.memory_space<vmem>>, vector<16xf32>,
        %get3A_1228 = arith.index_cast %add3A_1219 : i32 to index
        %get3A_1229 = arith.constant 16 : index
        %get3A_1230 = tpu.vector_load %arg14[%get3A_1228, %get3A_1229] {strides = array<i32>} : memref<80x128xf32, #tpu.memory_space<vmem>>, vector<16xf32>,
        %mul3A_1231 = vector.broadcast %squeeze3A_1215 : f32 to vector<16xf32>
        %mul3A_1232 = arith.mulf %get3A_1230, %mul3A_1231 : vector<16xf32>
        %swap3A_1233 = arith.index_cast %add3A_1219 : i32 to index
        %swap3A_1234 = arith.constant 16 : index
        %swap3A_1235 = tpu.vector_load %arg14[%swap3A_1233, %swap3A_1234] {strides = array<i32>} : memref<80x128xf32, #tpu.memory_space<vmem>>, vector<16xf32>,
        tpu.vector_store %arg14[%swap3A_1233, %swap3A_1234], %mul3A_1232 {strides = array<i32>} : memref<80x128xf32, #tpu.memory_space<vmem>>, vector<16xf32>,
        %get3A_1236 = arith.index_cast %add3A_1219 : i32 to index
        %get3A_1237 = arith.constant 32 : index
        %get3A_1238 = tpu.vector_load %arg14[%get3A_1236, %get3A_1237] {strides = array<i32>} : memref<80x128xf32, #tpu.memory_space<vmem>>, vector<16xf32>,
        %mul3A_1239 = vector.broadcast %squeeze3A_1215 : f32 to vector<16xf32>
        %mul3A_1240 = arith.mulf %get3A_1238, %mul3A_1239 : vector<16xf32>
        %swap3A_1241 = arith.index_cast %add3A_1219 : i32 to index
        %swap3A_1242 = arith.constant 32 : index
        %swap3A_1243 = tpu.vector_load %arg14[%swap3A_1241, %swap3A_1242] {strides = array<i32>} : memref<80x128xf32, #tpu.memory_space<vmem>>, vector<16xf32>,
        tpu.vector_store %arg14[%swap3A_1241, %swap3A_1242], %mul3A_1240 {strides = array<i32>} : memref<80x128xf32, #tpu.memory_space<vmem>>, vector<16xf32>,
        %get3A_1244 = arith.index_cast %add3A_1219 : i32 to index
        %get3A_1245 = arith.constant 48 : index
        %get3A_1246 = tpu.vector_load %arg14[%get3A_1244, %get3A_1245] {strides = array<i32>} : memref<80x128xf32, #tpu.memory_space<vmem>>, vector<16xf32>,
        %mul3A_1247 = vector.broadcast %squeeze3A_1215 : f32 to vector<16xf32>
        %mul3A_1248 = arith.mulf %get3A_1246, %mul3A_1247 : vector<16xf32>
        %swap3A_1249 = arith.index_cast %add3A_1219 : i32 to index
        %swap3A_1250 = arith.constant 48 : index
        %swap3A_1251 = tpu.vector_load %arg14[%swap3A_1249, %swap3A_1250] {strides = array<i32>} : memref<80x128xf32, #tpu.memory_space<vmem>>, vector<16xf32>,
        tpu.vector_store %arg14[%swap3A_1249, %swap3A_1250], %mul3A_1248 {strides = array<i32>} : memref<80x128xf32, #tpu.memory_space<vmem>>, vector<16xf32>,
        %get3A_1252 = arith.index_cast %add3A_1219 : i32 to index
        %get3A_1253 = arith.constant 64 : index
        %get3A_1254 = tpu.vector_load %arg14[%get3A_1252, %get3A_1253] {strides = array<i32>} : memref<80x128xf32, #tpu.memory_space<vmem>>, vector<16xf32>,
        %mul3A_1255 = vector.broadcast %squeeze3A_1215 : f32 to vector<16xf32>
        %mul3A_1256 = arith.mulf %get3A_1254, %mul3A_1255 : vector<16xf32>
        %swap3A_1257 = arith.index_cast %add3A_1219 : i32 to index
        %swap3A_1258 = arith.constant 64 : index
        %swap3A_1259 = tpu.vector_load %arg14[%swap3A_1257, %swap3A_1258] {strides = array<i32>} : memref<80x128xf32, #tpu.memory_space<vmem>>, vector<16xf32>,
        tpu.vector_store %arg14[%swap3A_1257, %swap3A_1258], %mul3A_1256 {strides = array<i32>} : memref<80x128xf32, #tpu.memory_space<vmem>>, vector<16xf32>,
        %get3A_1260 = arith.index_cast %add3A_1219 : i32 to index
        %get3A_1261 = arith.constant 80 : index
        %get3A_1262 = tpu.vector_load %arg14[%get3A_1260, %get3A_1261] {strides = array<i32>} : memref<80x128xf32, #tpu.memory_space<vmem>>, vector<16xf32>,
        %mul3A_1263 = vector.broadcast %squeeze3A_1215 : f32 to vector<16xf32>
        %mul3A_1264 = arith.mulf %get3A_1262, %mul3A_1263 : vector<16xf32>
        %swap3A_1265 = arith.index_cast %add3A_1219 : i32 to index
        %swap3A_1266 = arith.constant 80 : index
        %swap3A_1267 = tpu.vector_load %arg14[%swap3A_1265, %swap3A_1266] {strides = array<i32>} : memref<80x128xf32, #tpu.memory_space<vmem>>, vector<16xf32>,
        tpu.vector_store %arg14[%swap3A_1265, %swap3A_1266], %mul3A_1264 {strides = array<i32>} : memref<80x128xf32, #tpu.memory_space<vmem>>, vector<16xf32>,
        %get3A_1268 = arith.index_cast %add3A_1219 : i32 to index
        %get3A_1269 = arith.constant 96 : index
        %get3A_1270 = tpu.vector_load %arg14[%get3A_1268, %get3A_1269] {strides = array<i32>} : memref<80x128xf32, #tpu.memory_space<vmem>>, vector<16xf32>,
        %mul3A_1271 = vector.broadcast %squeeze3A_1215 : f32 to vector<16xf32>
        %mul3A_1272 = arith.mulf %get3A_1270, %mul3A_1271 : vector<16xf32>
        %swap3A_1273 = arith.index_cast %add3A_1219 : i32 to index
        %swap3A_1274 = arith.constant 96 : index
        %swap3A_1275 = tpu.vector_load %arg14[%swap3A_1273, %swap3A_1274] {strides = array<i32>} : memref<80x128xf32, #tpu.memory_space<vmem>>, vector<16xf32>,
        tpu.vector_store %arg14[%swap3A_1273, %swap3A_1274], %mul3A_1272 {strides = array<i32>} : memref<80x128xf32, #tpu.memory_space<vmem>>, vector<16xf32>,
        %get3A_1276 = arith.index_cast %add3A_1219 : i32 to index
        %get3A_1277 = arith.constant 112 : index
        %get3A_1278 = tpu.vector_load %arg14[%get3A_1276, %get3A_1277] {strides = array<i32>} : memref<80x128xf32, #tpu.memory_space<vmem>>, vector<16xf32>,
        %mul3A_1279 = vector.broadcast %squeeze3A_1215 : f32 to vector<16xf32>
        %mul3A_1280 = arith.mulf %get3A_1278, %mul3A_1279 : vector<16xf32>
        %swap3A_1281 = arith.index_cast %add3A_1219 : i32 to index
        %swap3A_1282 = arith.constant 112 : index
        %swap3A_1283 = tpu.vector_load %arg14[%swap3A_1281, %swap3A_1282] {strides = array<i32>} : memref<80x128xf32, #tpu.memory_space<vmem>>, vector<16xf32>,
        tpu.vector_store %arg14[%swap3A_1281, %swap3A_1282], %mul3A_1280 {strides = array<i32>} : memref<80x128xf32, #tpu.memory_space<vmem>>, vector<16xf32>,
      }
      %scan3A_73 = arith.constant 5 : i32
      "tpu.region"() ({
        %run_scoped3A = tpu.sem_alloc : memref<!tpu.dma_semaphore, #tpu.memory_space<semaphore_mem>>
        %dma_start3A_74 = arith.constant 0 : i32
        %dma_start3A_75 = arith.constant 0 : i32
        %dma_start3A_76 = tpu.memref_slice %arg19[%dma_start3A_74, %dma_start3A_75] : memref<10240x128xf32, #tpu.memory_space<vmem_shared>> -> memref<10240x128xf32, #tpu.memory_space<vmem_shared>>
        tpu.enqueue_indirect_dma source(%arg14 : memref<80x128xf32, #tpu.memory_space<vmem>>) target(%dma_start3A_76 : memref<10240x128xf32, #tpu.memory_space<vmem_shared>>) offsets(%arg11 : memref<80xi32, #tpu.memory_space<vmem>>) semaphore(%run_scoped3A : memref<!tpu.dma_semaphore, #tpu.memory_space<semaphore_mem>>) {add = true}
        %dma_wait3A_77 = arith.constant 0 : i32
        %dma_wait3A_78 = arith.constant 0 : i32
        %dma_wait3A_79 = tpu.memref_slice %arg19[%dma_wait3A_77, %dma_wait3A_78] : memref<10240x128xf32, #tpu.memory_space<vmem_shared>> -> memref<10240x128xf32, #tpu.memory_space<vmem_shared>>
        tpu.wait_indirect_dma semaphore(%run_scoped3A : memref<!tpu.dma_semaphore, #tpu.memory_space<semaphore_mem>>) src(%arg14 : memref<80x128xf32, #tpu.memory_space<vmem>>) dst(%dma_wait3A_79 : memref<10240x128xf32, #tpu.memory_space<vmem_shared>>)
        tpu.yield
      }) : () -> ()
      "tpu.region"() ({
        %run_scoped3A = tpu.sem_alloc : memref<!tpu.dma_semaphore, #tpu.memory_space<semaphore_mem>>
        %dma_start3A_74 = arith.constant 0 : i32
        %dma_start3A_75 = tpu.memref_slice %arg20[%dma_start3A_74] : memref<10240xf32, #tpu.memory_space<vmem_shared>> -> memref<10240xf32, #tpu.memory_space<vmem_shared>>
        tpu.enqueue_indirect_dma source(%arg16 : memref<80xf32, #tpu.memory_space<vmem>>) target(%dma_start3A_75 : memref<10240xf32, #tpu.memory_space<vmem_shared>>) offsets(%arg11 : memref<80xi32, #tpu.memory_space<vmem>>) semaphore(%run_scoped3A : memref<!tpu.dma_semaphore, #tpu.memory_space<semaphore_mem>>) {add = true}
        %dma_wait3A_76 = arith.constant 0 : i32
        %dma_wait3A_77 = tpu.memref_slice %arg20[%dma_wait3A_76] : memref<10240xf32, #tpu.memory_space<vmem_shared>> -> memref<10240xf32, #tpu.memory_space<vmem_shared>>
        tpu.wait_indirect_dma semaphore(%run_scoped3A : memref<!tpu.dma_semaphore, #tpu.memory_space<semaphore_mem>>) src(%arg16 : memref<80xf32, #tpu.memory_space<vmem>>) dst(%dma_wait3A_77 : memref<10240xf32, #tpu.memory_space<vmem_shared>>)
        tpu.yield
      }) : () -> ()
    }
    %scan3A_22 = arith.constant 125 : i32
    %barrier3A_23 = arith.constant 0 : index
    tpu.barrier barrier_id(%barrier3A_23)
    %scan3A_24 = arith.constant 0 : i32
    %scan3A_25 = arith.constant 8 : i32
    %scan3A_26 = arith.addi %scan3A_24, %scan3A_25 : i32
    %scan3A_27 = arith.constant 1 : i32
    scf.for %scan3A_38 = %scan3A_24 to %scan3A_26 step %scan3A_27  : i32 {
      %mul3A_39 = arith.constant 1 : i32
      %mul3A_40 = arith.muli %scan3A_38, %mul3A_39 : i32
      %add3A_41 = arith.constant 0 : i32
      %add3A_42 = arith.addi %add3A_41, %mul3A_40 : i32
      %mul3A_43 = arith.constant 640 : i32
      %mul3A_44 = arith.muli %arg1, %mul3A_43 : i32
      %mul3A_45 = arith.constant 80 : i32
      %mul3A_46 = arith.muli %add3A_42, %mul3A_45 : i32
      %add3A_47 = arith.addi %mul3A_44, %mul3A_46 : i32
      "tpu.region"() ({
        %run_scoped3A = tpu.sem_alloc : memref<!tpu.dma_semaphore, #tpu.memory_space<semaphore_mem>>
        %dma_start3A = arith.constant 0 : i32
        %dma_start3A_48 = tpu.memref_slice %arg19[%add3A_47, %dma_start3A] : memref<10240x128xf32, #tpu.memory_space<vmem_shared>> -> memref<80x128xf32, #tpu.memory_space<vmem_shared>>
        %dma_start3A_49 = arith.constant 0 : i32
        %dma_start3A_50 = tpu.memref_slice %arg19[%add3A_47, %dma_start3A_49] : memref<10240x128xf32, #tpu.memory_space<vmem_shared>> -> memref<80x128xf32, #tpu.memory_space<vmem_shared>>
        tpu.enqueue_dma source(%dma_start3A_50 : memref<80x128xf32, #tpu.memory_space<vmem_shared>>) target(%arg12 : memref<80x128xf32, #tpu.memory_space<vmem>>) target_semaphore(%run_scoped3A : memref<!tpu.dma_semaphore, #tpu.memory_space<semaphore_mem>>)
        %dma_wait3A = arith.constant 0 : i32
        %dma_wait3A_51 = tpu.memref_slice %arg19[%add3A_47, %dma_wait3A] : memref<10240x128xf32, #tpu.memory_space<vmem_shared>> -> memref<80x128xf32, #tpu.memory_space<vmem_shared>>
        %dma_wait3A_52 = arith.constant 0 : i32
        %dma_wait3A_53 = tpu.memref_slice %arg19[%add3A_47, %dma_wait3A_52] : memref<10240x128xf32, #tpu.memory_space<vmem_shared>> -> memref<80x128xf32, #tpu.memory_space<vmem_shared>>
        tpu.wait_dma2 semaphore(%run_scoped3A : memref<!tpu.dma_semaphore, #tpu.memory_space<semaphore_mem>>) src(%dma_wait3A_53 : memref<80x128xf32, #tpu.memory_space<vmem_shared>>) dst(%arg12 : memref<80x128xf32, #tpu.memory_space<vmem>>)
        tpu.yield
      }) : () -> ()
      "tpu.region"() ({
        %run_scoped3A = tpu.sem_alloc : memref<!tpu.dma_semaphore, #tpu.memory_space<semaphore_mem>>
        %dma_start3A = arith.constant 0 : i32
        %dma_start3A_48 = tpu.memref_slice %arg7[%arg0, %add3A_47, %dma_start3A] : memref<2x10240x128xf32, #tpu.memory_space<hbm>> -> memref<1x80x128xf32, #tpu.memory_space<hbm>>
        %dma_start3A_49 = tpu.memref_squeeze %dma_start3A_48 : memref<1x80x128xf32, #tpu.memory_space<hbm>> -> memref<80x128xf32, #tpu.memory_space<hbm>>
        %dma_start3A_50 = arith.constant 0 : i32
        %dma_start3A_51 = tpu.memref_slice %arg7[%arg0, %add3A_47, %dma_start3A_50] : memref<2x10240x128xf32, #tpu.memory_space<hbm>> -> memref<1x80x128xf32, #tpu.memory_space<hbm>>
        %dma_start3A_52 = tpu.memref_squeeze %dma_start3A_51 : memref<1x80x128xf32, #tpu.memory_space<hbm>> -> memref<80x128xf32, #tpu.memory_space<hbm>>
        tpu.enqueue_dma source(%arg12 : memref<80x128xf32, #tpu.memory_space<vmem>>) target(%dma_start3A_52 : memref<80x128xf32, #tpu.memory_space<hbm>>) target_semaphore(%run_scoped3A : memref<!tpu.dma_semaphore, #tpu.memory_space<semaphore_mem>>)
        %dma_wait3A = arith.constant 0 : i32
        %dma_wait3A_53 = tpu.memref_slice %arg7[%arg0, %add3A_47, %dma_wait3A] : memref<2x10240x128xf32, #tpu.memory_space<hbm>> -> memref<1x80x128xf32, #tpu.memory_space<hbm>>
        %dma_wait3A_54 = tpu.memref_squeeze %dma_wait3A_53 : memref<1x80x128xf32, #tpu.memory_space<hbm>> -> memref<80x128xf32, #tpu.memory_space<hbm>>
        %dma_wait3A_55 = arith.constant 0 : i32
        %dma_wait3A_56 = tpu.memref_slice %arg7[%arg0, %add3A_47, %dma_wait3A_55] : memref<2x10240x128xf32, #tpu.memory_space<hbm>> -> memref<1x80x128xf32, #tpu.memory_space<hbm>>
        %dma_wait3A_57 = tpu.memref_squeeze %dma_wait3A_56 : memref<1x80x128xf32, #tpu.memory_space<hbm>> -> memref<80x128xf32, #tpu.memory_space<hbm>>
        tpu.wait_dma2 semaphore(%run_scoped3A : memref<!tpu.dma_semaphore, #tpu.memory_space<semaphore_mem>>) src(%arg12 : memref<80x128xf32, #tpu.memory_space<vmem>>) dst(%dma_wait3A_57 : memref<80x128xf32, #tpu.memory_space<hbm>>)
        tpu.yield
      }) : () -> ()
    }
    %scan3A_28 = arith.constant 8 : i32
    %mul3A_29 = arith.constant 640 : i32
    %mul3A_30 = arith.muli %arg1, %mul3A_29 : i32
    "tpu.region"() ({
      %run_scoped3A = tpu.sem_alloc : memref<!tpu.dma_semaphore, #tpu.memory_space<semaphore_mem>>
      %dma_start3A = tpu.memref_slice %arg20[%mul3A_30] : memref<10240xf32, #tpu.memory_space<vmem_shared>> -> memref<640xf32, #tpu.memory_space<vmem_shared>>
      %dma_start3A_38 = tpu.memref_slice %arg20[%mul3A_30] : memref<10240xf32, #tpu.memory_space<vmem_shared>> -> memref<640xf32, #tpu.memory_space<vmem_shared>>
      tpu.enqueue_dma source(%dma_start3A_38 : memref<640xf32, #tpu.memory_space<vmem_shared>>) target(%arg17 : memref<640xf32, #tpu.memory_space<vmem>>) target_semaphore(%run_scoped3A : memref<!tpu.dma_semaphore, #tpu.memory_space<semaphore_mem>>)
      %dma_wait3A = tpu.memref_slice %arg20[%mul3A_30] : memref<10240xf32, #tpu.memory_space<vmem_shared>> -> memref<640xf32, #tpu.memory_space<vmem_shared>>
      %dma_wait3A_39 = tpu.memref_slice %arg20[%mul3A_30] : memref<10240xf32, #tpu.memory_space<vmem_shared>> -> memref<640xf32, #tpu.memory_space<vmem_shared>>
      tpu.wait_dma2 semaphore(%run_scoped3A : memref<!tpu.dma_semaphore, #tpu.memory_space<semaphore_mem>>) src(%dma_wait3A_39 : memref<640xf32, #tpu.memory_space<vmem_shared>>) dst(%arg17 : memref<640xf32, #tpu.memory_space<vmem>>)
      tpu.yield
    }) : () -> ()
    %eq3A = arith.constant 0 : i32
    %eq3A_31 = arith.cmpi eq, %arg0, %eq3A : i32
    %convert_element_type3A = arith.extui %eq3A_31 : i1 to i32
    %cond3A = arith.constant 0 : i32
    %cond3A_32 = arith.cmpi ne, %convert_element_type3A, %cond3A : i32
    scf.if %cond3A_32 {
      %mul3A_38 = arith.constant 640 : i32
      %mul3A_39 = arith.muli %arg1, %mul3A_38 : i32
      "tpu.region"() ({
        %run_scoped3A = tpu.sem_alloc : memref<!tpu.dma_semaphore, #tpu.memory_space<semaphore_mem>>
        %dma_start3A = tpu.memref_slice %arg8[%mul3A_39] : memref<10240xf32, #tpu.memory_space<hbm>> -> memref<640xf32, #tpu.memory_space<hbm>>
        %dma_start3A_40 = tpu.memref_slice %arg8[%mul3A_39] : memref<10240xf32, #tpu.memory_space<hbm>> -> memref<640xf32, #tpu.memory_space<hbm>>
        tpu.enqueue_dma source(%arg17 : memref<640xf32, #tpu.memory_space<vmem>>) target(%dma_start3A_40 : memref<640xf32, #tpu.memory_space<hbm>>) target_semaphore(%run_scoped3A : memref<!tpu.dma_semaphore, #tpu.memory_space<semaphore_mem>>)
        %dma_wait3A = tpu.memref_slice %arg8[%mul3A_39] : memref<10240xf32, #tpu.memory_space<hbm>> -> memref<640xf32, #tpu.memory_space<hbm>>
        %dma_wait3A_41 = tpu.memref_slice %arg8[%mul3A_39] : memref<10240xf32, #tpu.memory_space<hbm>> -> memref<640xf32, #tpu.memory_space<hbm>>
        tpu.wait_dma2 semaphore(%run_scoped3A : memref<!tpu.dma_semaphore, #tpu.memory_space<semaphore_mem>>) src(%arg17 : memref<640xf32, #tpu.memory_space<vmem>>) dst(%dma_wait3A_41 : memref<640xf32, #tpu.memory_space<hbm>>)
        tpu.yield
      }) : () -> ()
    } else {
    }
    %eq3A_33 = arith.constant 1 : i32
    %eq3A_34 = arith.cmpi eq, %arg0, %eq3A_33 : i32
    %convert_element_type3A_35 = arith.extui %eq3A_34 : i1 to i32
    %cond3A_36 = arith.constant 0 : i32
    %cond3A_37 = arith.cmpi ne, %convert_element_type3A_35, %cond3A_36 : i32
    scf.if %cond3A_37 {
      %mul3A_38 = arith.constant 640 : i32
      %mul3A_39 = arith.muli %arg1, %mul3A_38 : i32
      "tpu.region"() ({
        %run_scoped3A = tpu.sem_alloc : memref<!tpu.dma_semaphore, #tpu.memory_space<semaphore_mem>>
        %dma_start3A = tpu.memref_slice %arg9[%mul3A_39] : memref<10240xf32, #tpu.memory_space<hbm>> -> memref<640xf32, #tpu.memory_space<hbm>>
        %dma_start3A_40 = tpu.memref_slice %arg9[%mul3A_39] : memref<10240xf32, #tpu.memory_space<hbm>> -> memref<640xf32, #tpu.memory_space<hbm>>
        tpu.enqueue_dma source(%arg17 : memref<640xf32, #tpu.memory_space<vmem>>) target(%dma_start3A_40 : memref<640xf32, #tpu.memory_space<hbm>>) target_semaphore(%run_scoped3A : memref<!tpu.dma_semaphore, #tpu.memory_space<semaphore_mem>>)
        %dma_wait3A = tpu.memref_slice %arg9[%mul3A_39] : memref<10240xf32, #tpu.memory_space<hbm>> -> memref<640xf32, #tpu.memory_space<hbm>>
        %dma_wait3A_41 = tpu.memref_slice %arg9[%mul3A_39] : memref<10240xf32, #tpu.memory_space<hbm>> -> memref<640xf32, #tpu.memory_space<hbm>>
        tpu.wait_dma2 semaphore(%run_scoped3A : memref<!tpu.dma_semaphore, #tpu.memory_space<semaphore_mem>>) src(%arg17 : memref<640xf32, #tpu.memory_space<vmem>>) dst(%dma_wait3A_41 : memref<640xf32, #tpu.memory_space<hbm>>)
        tpu.yield
      }) : () -> ()
    } else {
    }
    return
  }
}

module attributes {stable_mosaic.version = 14 : i64} {
  func.func @_lin_body(%arg0: i32, %arg1: memref<1000x128xf32, #tpu.memory_space<vmem>>, %arg2: memref<128x128xf32, #tpu.memory_space<vmem>>, %arg3: memref<1x128xf32, #tpu.memory_space<vmem>>, %arg4: memref<1000x128xf32, #tpu.memory_space<vmem>>, %arg5: memref<1000x128xf32, #tpu.memory_space<vmem>>) attributes {dimension_semantics = [#tpu.dimension_semantics<arbitrary>], iteration_bounds = array<i64: 10>, scalar_prefetch = 0 : i64, scratch_operands = 0 : i64, tpu.core_type = #tpu.core_type<tc>, window_params = [{transform_indices = @transform_0, window_bounds = array<i64: 1000, 128>}, {pipeline_mode = #tpu.pipeline_mode<synchronous>, transform_indices = @transform_1, window_bounds = array<i64: 128, 128>}, {pipeline_mode = #tpu.pipeline_mode<synchronous>, transform_indices = @transform_2, window_bounds = array<i64: 1, 128>}, {transform_indices = @transform_3, window_bounds = array<i64: 1000, 128>}, {transform_indices = @transform_4, window_bounds = array<i64: 1000, 128>}]} {
    %get3A = arith.constant 0 : index
    %get3A_0 = arith.constant 0 : index
    %get3A_1 = vector.load %arg1[%get3A, %get3A_0] : memref<1000x128xf32, #tpu.memory_space<vmem>>, vector<1000x128xf32>
    %get3A_2 = arith.constant 0 : index
    %get3A_3 = arith.constant 0 : index
    %get3A_4 = vector.load %arg2[%get3A_2, %get3A_3] : memref<128x128xf32, #tpu.memory_space<vmem>>, vector<128x128xf32>
    %dot_general3A = arith.constant dense<0.000000e+00> : vector<1000x128xf32>
    %dot_general3A_5 = tpu.matmul %get3A_1, %get3A_4, %dot_general3A {dimension_numbers = #tpu.dot_dimension_numbers<[1], [1], [0], [0], [0, 0, 1, 0], [], []>, transpose_lhs_hint = false} : vector<1000x128xf32>, vector<128x128xf32>, vector<1000x128xf32> -> vector<1000x128xf32>
    %get3A_6 = arith.constant 0 : index
    %get3A_7 = arith.constant 0 : index
    %get3A_8 = vector.load %arg3[%get3A_6, %get3A_7] : memref<1x128xf32, #tpu.memory_space<vmem>>, vector<1x128xf32>
    %add3A = vector.broadcast %get3A_8 : vector<1x128xf32> to vector<1000x128xf32>
    %add3A_9 = arith.addf %dot_general3A_5, %add3A : vector<1000x128xf32>
    %swap3A = arith.constant 0 : index
    %swap3A_10 = arith.constant 0 : index
    %swap3A_11 = vector.load %arg4[%swap3A, %swap3A_10] : memref<1000x128xf32, #tpu.memory_space<vmem>>, vector<1000x128xf32>
    tpu.vector_store %arg4[%swap3A, %swap3A_10], %add3A_9 {strides = array<i32>} : memref<1000x128xf32, #tpu.memory_space<vmem>>, vector<1000x128xf32>,
    %mul3A = arith.mulf %add3A_9, %add3A_9 : vector<1000x128xf32>
    %reduce_sum3A = arith.constant dense<0.000000e+00> : vector<1000xf32>
    %reduce_sum3A_12 = vector.multi_reduction <add>, %mul3A, %reduce_sum3A [1] : vector<1000x128xf32> to vector<1000xf32>
    %broadcast_in_dim3A = vector.shape_cast %reduce_sum3A_12 : vector<1000xf32> to vector<1000x1xf32>
    %sqrt3A = math.sqrt %broadcast_in_dim3A : vector<1000x1xf32>
    %max3A = arith.constant 9.99999996E-13 : f32
    %max3A_13 = vector.broadcast %max3A : f32 to vector<1000x1xf32>
    %max3A_14 = arith.maximumf %sqrt3A, %max3A_13 : vector<1000x1xf32>
    %div3A = vector.broadcast %max3A_14 : vector<1000x1xf32> to vector<1000x128xf32>
    %div3A_15 = arith.divf %add3A_9, %div3A : vector<1000x128xf32>
    %swap3A_16 = arith.constant 0 : index
    %swap3A_17 = arith.constant 0 : index
    %swap3A_18 = vector.load %arg5[%swap3A_16, %swap3A_17] : memref<1000x128xf32, #tpu.memory_space<vmem>>, vector<1000x128xf32>
    tpu.vector_store %arg5[%swap3A_16, %swap3A_17], %div3A_15 {strides = array<i32>} : memref<1000x128xf32, #tpu.memory_space<vmem>>, vector<1000x128xf32>,
    return
  }
  func.func @transform_0(%arg0: i32) -> (i32, i32) {
    %c0_i32 = arith.constant 0 : i32
    %c0_i32_0 = arith.constant 0 : i32
    return %arg0, %c0_i32 : i32, i32
  }
  func.func @transform_1(%arg0: i32) -> (i32, i32) {
    %c0_i32 = arith.constant 0 : i32
    %c0_i32_0 = arith.constant 0 : i32
    %c0_i32_1 = arith.constant 0 : i32
    return %c0_i32, %c0_i32_0 : i32, i32
  }
  func.func @transform_2(%arg0: i32) -> (i32, i32) {
    %c0_i32 = arith.constant 0 : i32
    %c0_i32_0 = arith.constant 0 : i32
    %c0_i32_1 = arith.constant 0 : i32
    return %c0_i32, %c0_i32_0 : i32, i32
  }
  func.func @transform_3(%arg0: i32) -> (i32, i32) {
    %c0_i32 = arith.constant 0 : i32
    %c0_i32_0 = arith.constant 0 : i32
    return %arg0, %c0_i32 : i32, i32
  }
  func.func @transform_4(%arg0: i32) -> (i32, i32) {
    %c0_i32 = arith.constant 0 : i32
    %c0_i32_0 = arith.constant 0 : i32
    return %arg0, %c0_i32 : i32, i32
  }
}

module attributes {stable_mosaic.version = 14 : i64} {
  func.func @_merge_norm_body(%arg0: i32, %arg1: memref<2x1000x128xf32, #tpu.memory_space<vmem>>, %arg2: memref<1000x1xf32, #tpu.memory_space<vmem>>, %arg3: memref<1000x1xf32, #tpu.memory_space<vmem>>, %arg4: memref<1000x128xf32, #tpu.memory_space<vmem>>, %arg5: memref<1000x128xf32, #tpu.memory_space<vmem>>) attributes {dimension_semantics = [#tpu.dimension_semantics<arbitrary>], iteration_bounds = array<i64: 10>, scalar_prefetch = 0 : i64, scratch_operands = 0 : i64, tpu.core_type = #tpu.core_type<tc>, window_params = [{transform_indices = @transform_0, window_bounds = array<i64: 2, 1000, 128>}, {transform_indices = @transform_1, window_bounds = array<i64: 1000, 1>}, {transform_indices = @transform_2, window_bounds = array<i64: 1000, 1>}, {transform_indices = @transform_3, window_bounds = array<i64: 1000, 128>}, {transform_indices = @transform_4, window_bounds = array<i64: 1000, 128>}]} {
    %get3A = arith.constant 0 : index
    %get3A_0 = arith.constant 0 : index
    %get3A_1 = arith.constant 0 : index
    %get3A_2 = vector.load %arg1[%get3A, %get3A_0, %get3A_1] : memref<2x1000x128xf32, #tpu.memory_space<vmem>>, vector<1x1000x128xf32>
    %get3A_3 = vector.shape_cast %get3A_2 : vector<1x1000x128xf32> to vector<1000x128xf32>
    %get3A_4 = arith.constant 1 : index
    %get3A_5 = arith.constant 0 : index
    %get3A_6 = arith.constant 0 : index
    %get3A_7 = vector.load %arg1[%get3A_4, %get3A_5, %get3A_6] : memref<2x1000x128xf32, #tpu.memory_space<vmem>>, vector<1x1000x128xf32>
    %get3A_8 = vector.shape_cast %get3A_7 : vector<1x1000x128xf32> to vector<1000x128xf32>
    %add3A = arith.addf %get3A_3, %get3A_8 : vector<1000x128xf32>
    %get3A_9 = arith.constant 0 : index
    %get3A_10 = arith.constant 0 : index
    %get3A_11 = vector.load %arg2[%get3A_9, %get3A_10] : memref<1000x1xf32, #tpu.memory_space<vmem>>, vector<1000x1xf32>
    %get3A_12 = arith.constant 0 : index
    %get3A_13 = arith.constant 0 : index
    %get3A_14 = vector.load %arg3[%get3A_12, %get3A_13] : memref<1000x1xf32, #tpu.memory_space<vmem>>, vector<1000x1xf32>
    %add3A_15 = arith.addf %get3A_11, %get3A_14 : vector<1000x1xf32>
    %add3A_16 = arith.constant 1.000000e-16 : f32
    %add3A_17 = vector.broadcast %add3A_16 : f32 to vector<1000x1xf32>
    %add3A_18 = arith.addf %add3A_15, %add3A_17 : vector<1000x1xf32>
    %div3A = vector.broadcast %add3A_18 : vector<1000x1xf32> to vector<1000x128xf32>
    %div3A_19 = arith.divf %add3A, %div3A : vector<1000x128xf32>
    %swap3A = arith.constant 0 : index
    %swap3A_20 = arith.constant 0 : index
    %swap3A_21 = vector.load %arg4[%swap3A, %swap3A_20] : memref<1000x128xf32, #tpu.memory_space<vmem>>, vector<1000x128xf32>
    tpu.vector_store %arg4[%swap3A, %swap3A_20], %div3A_19 {strides = array<i32>} : memref<1000x128xf32, #tpu.memory_space<vmem>>, vector<1000x128xf32>,
    %mul3A = arith.mulf %div3A_19, %div3A_19 : vector<1000x128xf32>
    %reduce_sum3A = arith.constant dense<0.000000e+00> : vector<1000xf32>
    %reduce_sum3A_22 = vector.multi_reduction <add>, %mul3A, %reduce_sum3A [1] : vector<1000x128xf32> to vector<1000xf32>
    %broadcast_in_dim3A = vector.shape_cast %reduce_sum3A_22 : vector<1000xf32> to vector<1000x1xf32>
    %sqrt3A = math.sqrt %broadcast_in_dim3A : vector<1000x1xf32>
    %max3A = arith.constant 9.99999996E-13 : f32
    %max3A_23 = vector.broadcast %max3A : f32 to vector<1000x1xf32>
    %max3A_24 = arith.maximumf %sqrt3A, %max3A_23 : vector<1000x1xf32>
    %div3A_25 = vector.broadcast %max3A_24 : vector<1000x1xf32> to vector<1000x128xf32>
    %div3A_26 = arith.divf %div3A_19, %div3A_25 : vector<1000x128xf32>
    %swap3A_27 = arith.constant 0 : index
    %swap3A_28 = arith.constant 0 : index
    %swap3A_29 = vector.load %arg5[%swap3A_27, %swap3A_28] : memref<1000x128xf32, #tpu.memory_space<vmem>>, vector<1000x128xf32>
    tpu.vector_store %arg5[%swap3A_27, %swap3A_28], %div3A_26 {strides = array<i32>} : memref<1000x128xf32, #tpu.memory_space<vmem>>, vector<1000x128xf32>,
    return
  }
  func.func @transform_0(%arg0: i32) -> (i32, i32, i32) {
    %c0_i32 = arith.constant 0 : i32
    %c0_i32_0 = arith.constant 0 : i32
    %c0_i32_1 = arith.constant 0 : i32
    return %c0_i32, %arg0, %c0_i32_0 : i32, i32, i32
  }
  func.func @transform_1(%arg0: i32) -> (i32, i32) {
    %c0_i32 = arith.constant 0 : i32
    %c0_i32_0 = arith.constant 0 : i32
    return %arg0, %c0_i32 : i32, i32
  }
  func.func @transform_2(%arg0: i32) -> (i32, i32) {
    %c0_i32 = arith.constant 0 : i32
    %c0_i32_0 = arith.constant 0 : i32
    return %arg0, %c0_i32 : i32, i32
  }
  func.func @transform_3(%arg0: i32) -> (i32, i32) {
    %c0_i32 = arith.constant 0 : i32
    %c0_i32_0 = arith.constant 0 : i32
    return %arg0, %c0_i32 : i32, i32
  }
  func.func @transform_4(%arg0: i32) -> (i32, i32) {
    %c0_i32 = arith.constant 0 : i32
    %c0_i32_0 = arith.constant 0 : i32
    return %arg0, %c0_i32 : i32, i32
  }
}

module attributes {stable_mosaic.version = 14 : i64} {
  func.func @_merge_lsm_body(%arg0: i32, %arg1: memref<2x1000x128xf32, #tpu.memory_space<vmem>>, %arg2: memref<1000x1xf32, #tpu.memory_space<vmem>>, %arg3: memref<1000x1xf32, #tpu.memory_space<vmem>>, %arg4: memref<1000x128xf32, #tpu.memory_space<vmem>>) attributes {dimension_semantics = [#tpu.dimension_semantics<arbitrary>], iteration_bounds = array<i64: 10>, scalar_prefetch = 0 : i64, scratch_operands = 0 : i64, tpu.core_type = #tpu.core_type<tc>, window_params = [{transform_indices = @transform_0, window_bounds = array<i64: 2, 1000, 128>}, {transform_indices = @transform_1, window_bounds = array<i64: 1000, 1>}, {transform_indices = @transform_2, window_bounds = array<i64: 1000, 1>}, {transform_indices = @transform_3, window_bounds = array<i64: 1000, 128>}]} {
    %get3A = arith.constant 0 : index
    %get3A_0 = arith.constant 0 : index
    %get3A_1 = arith.constant 0 : index
    %get3A_2 = vector.load %arg1[%get3A, %get3A_0, %get3A_1] : memref<2x1000x128xf32, #tpu.memory_space<vmem>>, vector<1x1000x128xf32>
    %get3A_3 = vector.shape_cast %get3A_2 : vector<1x1000x128xf32> to vector<1000x128xf32>
    %get3A_4 = arith.constant 1 : index
    %get3A_5 = arith.constant 0 : index
    %get3A_6 = arith.constant 0 : index
    %get3A_7 = vector.load %arg1[%get3A_4, %get3A_5, %get3A_6] : memref<2x1000x128xf32, #tpu.memory_space<vmem>>, vector<1x1000x128xf32>
    %get3A_8 = vector.shape_cast %get3A_7 : vector<1x1000x128xf32> to vector<1000x128xf32>
    %add3A = arith.addf %get3A_3, %get3A_8 : vector<1000x128xf32>
    %get3A_9 = arith.constant 0 : index
    %get3A_10 = arith.constant 0 : index
    %get3A_11 = vector.load %arg2[%get3A_9, %get3A_10] : memref<1000x1xf32, #tpu.memory_space<vmem>>, vector<1000x1xf32>
    %get3A_12 = arith.constant 0 : index
    %get3A_13 = arith.constant 0 : index
    %get3A_14 = vector.load %arg3[%get3A_12, %get3A_13] : memref<1000x1xf32, #tpu.memory_space<vmem>>, vector<1000x1xf32>
    %add3A_15 = arith.addf %get3A_11, %get3A_14 : vector<1000x1xf32>
    %add3A_16 = arith.constant 1.000000e-16 : f32
    %add3A_17 = vector.broadcast %add3A_16 : f32 to vector<1000x1xf32>
    %add3A_18 = arith.addf %add3A_15, %add3A_17 : vector<1000x1xf32>
    %div3A = vector.broadcast %add3A_18 : vector<1000x1xf32> to vector<1000x128xf32>
    %div3A_19 = arith.divf %add3A, %div3A : vector<1000x128xf32>
    %reduce_max3A = arith.constant dense<0xFF800000> : vector<1000xf32>
    %reduce_max3A_20 = vector.multi_reduction <maximumf>, %div3A_19, %reduce_max3A [1] : vector<1000x128xf32> to vector<1000xf32>
    %broadcast_in_dim3A = vector.shape_cast %reduce_max3A_20 : vector<1000xf32> to vector<1000x1xf32>
    %sub3A = vector.broadcast %broadcast_in_dim3A : vector<1000x1xf32> to vector<1000x128xf32>
    %sub3A_21 = arith.subf %div3A_19, %sub3A : vector<1000x128xf32>
    %exp3A = math.exp %sub3A_21 : vector<1000x128xf32>
    %reduce_sum3A = arith.constant dense<0.000000e+00> : vector<1000xf32>
    %reduce_sum3A_22 = vector.multi_reduction <add>, %exp3A, %reduce_sum3A [1] : vector<1000x128xf32> to vector<1000xf32>
    %broadcast_in_dim3A_23 = vector.shape_cast %reduce_sum3A_22 : vector<1000xf32> to vector<1000x1xf32>
    %log3A = math.log %broadcast_in_dim3A_23 : vector<1000x1xf32>
    %sub3A_24 = vector.broadcast %broadcast_in_dim3A : vector<1000x1xf32> to vector<1000x128xf32>
    %sub3A_25 = arith.subf %div3A_19, %sub3A_24 : vector<1000x128xf32>
    %sub3A_26 = vector.broadcast %log3A : vector<1000x1xf32> to vector<1000x128xf32>
    %sub3A_27 = arith.subf %sub3A_25, %sub3A_26 : vector<1000x128xf32>
    %swap3A = arith.constant 0 : index
    %swap3A_28 = arith.constant 0 : index
    %swap3A_29 = vector.load %arg4[%swap3A, %swap3A_28] : memref<1000x128xf32, #tpu.memory_space<vmem>>, vector<1000x128xf32>
    tpu.vector_store %arg4[%swap3A, %swap3A_28], %sub3A_27 {strides = array<i32>} : memref<1000x128xf32, #tpu.memory_space<vmem>>, vector<1000x128xf32>,
    return
  }
  func.func @transform_0(%arg0: i32) -> (i32, i32, i32) {
    %c0_i32 = arith.constant 0 : i32
    %c0_i32_0 = arith.constant 0 : i32
    %c0_i32_1 = arith.constant 0 : i32
    return %c0_i32, %arg0, %c0_i32_0 : i32, i32, i32
  }
  func.func @transform_1(%arg0: i32) -> (i32, i32) {
    %c0_i32 = arith.constant 0 : i32
    %c0_i32_0 = arith.constant 0 : i32
    return %arg0, %c0_i32 : i32, i32
  }
  func.func @transform_2(%arg0: i32) -> (i32, i32) {
    %c0_i32 = arith.constant 0 : i32
    %c0_i32_0 = arith.constant 0 : i32
    return %arg0, %c0_i32 : i32, i32
  }
  func.func @transform_3(%arg0: i32) -> (i32, i32) {
    %c0_i32 = arith.constant 0 : i32
    %c0_i32_0 = arith.constant 0 : i32
    return %arg0, %c0_i32 : i32, i32
  }
}

</mosaic_0001>

<sc_bundles>
// kernel: kernel.10.cloned.1.call-start
scs
__scs_entry_jumppad:
0x0: {  	(pc) =	sbr.rel $0x88, $3  }
0x1: {  	(tag) =	ssettag $0x0;
	lr =	simm.s32 $0x1  }
0x2: {  	[smem:$0x3F9C] =	sst lr;
	_ =	strace $0xD0000000  }
0x3: {  	_ = 	snop  }
0x4: {  	_ = 	snop  }
0x5: {  	_ = 	snop  }
0x6: {  	_ = 	snop  }
0x7: {  	_ = 	snop  }
__scs_overlays_trampoline_lowered:
0x8: {  	[smem:$0x3FAB] =	sst s0  }
0x9: {  	[smem:$0x3FAC] =	sst s1  }
0xa: {  	[smem:$0x3FAD] =	sst s2  }
0xb: {  	[smem:$0x3FAE] =	sst s3  }
0xc: {  	[smem:$0x3FAF] =	sst s4  }
0xd: {  	[smem:$0x3FB0] =	sst s5  }
0xe: {  	[smem:$0x3FB1] =	sst s6  }
0xf: {  	[smem:$0x3FB2] =	sst s7  }
0x10: {  	[smem:$0x3FB3] =	sst s8  }
0x11: {  	[smem:$0x3FB4] =	sst s9;
	s0 =	simm.s32 @!p0 $0x0  }
0x12: {  	s1 =	sld [smem:$0x3F9A];
	s0 =	simm.s32 @p0 $0x1  }
0x13: {  	[smem:$0x3FB5] =	sst s0;
	s0 =	simm.s32 @!p1 $0x0  }
0x14: {  	s2 =	sld [smem:$0x3F99];
	s0 =	simm.s32 @p1 $0x1  }
0x15: {  	[smem:$0x3FB6] =	sst s0;
	s0 =	simm.s32 @!p2 $0x0  }
0x16: {  	s3 =	sld [smem:$0x3FDB];
	s0 =	simm.s32 @p2 $0x1  }
0x17: {  	s4 =	simm.s32 $0x1BF5;
	[smem:$0x3FB8] =	sst s0  }
0x18: {  	s0 =	sld [smem:$0x3F9B];
	_ =	swait.ge [sflag:s4], $0x0  }
0x19: {  	s7 =	sld [smem:$0x3F9C]  }
0x1a: {  	s8 =	sadd.s32 $0xFFFFE003, lr  }
0x1b: {  	s9 =	sadd.s32 $0xFFFFFEF7, lr;
	s5 =	simm.s32 $0xFFFFFFFF;
	p2 =	slt.u32 s8, $0xFFFFF086  }
0x1c: {  	p1 =	slt.u32 s9, $0xF7A;
	s5 =	simm.s32 @!p2 $0x0  }
0x1d: {  	s5 =	simm.s32 @p1 $0x1;
	p0 =	seq.s32 s7, s2  }
0x1e: {  	s7 =	smul.u32 @!p0 $0xF7A, s2;
	p2 =	seq.s32 @!p0 s5, $0x0  }
0x1f: {  	s9 =	smul.u32 $0xF7A, s1;
	s8 =	simm.s32 @!p0 $0x1BF5;
	p2 =	por !p2, p0  }
0x20: {  	[sflag:s8] =	ssyncset.s32 @!p0 $0xFFFFF086;
	s6 =	sadd.s32 @!p0 s3, s7;
	s7 =	simm.s32 @!p0 $0x108  }
0x21: {  	s3 =	sadd.s32 s3, s9;
	s6 =	sadd.s32 @!p0 $0x88, s6;
	s7 =	simm.s32 @p2 $0x1082  }
0x22: {  	[simem:s7], [sflag:s8] =	dma.local @!p0 [hbm:s6], $0xF7A  }
0x23: {  	s9 =	sor.u32 $0xD0000000, s2;
	s6 =	simm.s32 $0x108;
	_ =	swait.ge @!p0 [sflag:s8], $0x0  }
0x24: {  	s3 =	sadd.s32 $0x88, s3;
	s6 =	simm.s32 @!p1 $0x1082;
	[sflag:s4] =	ssyncset.s32 $0xFFFFF086  }
0x25: {  	[simem:s6], [sflag:s4] =	dma.local [hbm:s3], $0xF7A  }
0x26: {  	[smem:$0x3F9C] =	sst s1;
	(tag) =	ssettag s2;
	_ =	strace s9  }
0x27: {  	s1 =	sld [smem:$0x3FAC]  }
0x28: {  	s2 =	sld [smem:$0x3FAD]  }
0x29: {  	s4 =	sld [smem:$0x3FAF]  }
0x2a: {  	p0 =	seq.s32 s5, $0x0;
	s5 =	sld [smem:$0x3FB0]  }
0x2b: {  	s6 =	sld [smem:$0x3FB1]  }
0x2c: {  	s7 =	sld [smem:$0x3FB2]  }
0x2d: {  	s3 =	simm.s32 $0x108;
	s8 =	sld [smem:$0x3FB3]  }
0x2e: {  	s3 =	simm.s32 @!p0 $0x1082;
	s9 =	sld [smem:$0x3FB4]  }
0x2f: {  	lr =	sadd.s32 s0, s3;
	s0 =	sld [smem:$0x3FAB]  }
0x30: {  	s3 =	sld [smem:$0x3FAE]  }
0x31: {  	[smem:$0x3FB7] =	sst s10  }
0x32: {  	s10 =	sld [smem:$0x3FB5];
	_ =	sdelay $0x3  }
0x33: {  	p0 =	seq.s32 s10, $0x1;
	s10 =	sld [smem:$0x3FB7];
	_ =	sdelay $0x3  }
0x34: {  	[smem:$0x3FB7] =	sst s10  }
0x35: {  	s10 =	sld [smem:$0x3FB6];
	_ =	sdelay $0x3  }
0x36: {  	p1 =	seq.s32 s10, $0x1;
	s10 =	sld [smem:$0x3FB7];
	_ =	sdelay $0x3  }
0x37: {  	[smem:$0x3FB7] =	sst s10  }
0x38: {  	s10 =	sld [smem:$0x3FB8]  }
0x39: {  	_ = 	snop;
	(pc) =	sbr.ind lr, $3  }
0x3a: {  	_ = 	snop  }
0x3b: {  	_ = 	snop  }
0x3c: {  	p2 =	seq.s32 s10, $0x1;
	s10 =	sld [smem:$0x3FB7]  }
0x3d: {  	_ =	shalt  }
0x3e: {  	_ =	shalt  }
0x3f: {  	_ =	shalt  }
0x40: {  	_ =	shalt  }
0x41: {  	_ =	shalt  }
0x42: {  	_ =	shalt  }
0x43: {  	_ =	shalt  }
0x44: {  	_ =	shalt  }
0x45: {  	_ =	shalt  }
0x46: {  	_ =	shalt  }
0x47: {  	_ =	shalt  }
0x48: {  	_ =	shalt  }
0x49: {  	_ =	shalt  }
0x4a: {  	_ =	shalt  }
0x4b: {  	_ =	shalt  }
0x4c: {  	_ =	shalt  }
0x4d: {  	_ =	shalt  }
0x4e: {  	_ =	shalt  }
0x4f: {  	_ =	shalt  }
0x50: {  	_ =	shalt  }
0x51: {  	_ =	shalt  }
0x52: {  	_ =	shalt  }
0x53: {  	_ =	shalt  }
0x54: {  	_ =	shalt  }
0x55: {  	_ =	shalt  }
0x56: {  	_ =	shalt  }
0x57: {  	_ =	shalt  }
0x58: {  	_ =	shalt  }
0x59: {  	_ =	shalt  }
0x5a: {  	_ =	shalt  }
0x5b: {  	_ =	shalt  }
0x5c: {  	_ =	shalt  }
0x5d: {  	_ =	shalt  }
0x5e: {  	_ =	shalt  }
0x5f: {  	_ =	shalt  }
0x60: {  	_ =	shalt  }
0x61: {  	_ =	shalt  }
0x62: {  	_ =	shalt  }
0x63: {  	_ =	shalt  }
0x64: {  	_ =	shalt  }
0x65: {  	_ =	shalt  }
0x66: {  	_ =	shalt  }
0x67: {  	_ =	shalt  }
0x68: {  	_ =	shalt  }
0x69: {  	_ =	shalt  }
0x6a: {  	_ =	shalt  }
0x6b: {  	_ =	shalt  }
0x6c: {  	_ =	shalt  }
0x6d: {  	_ =	shalt  }
0x6e: {  	_ =	shalt  }
0x6f: {  	_ =	shalt  }
0x70: {  	_ =	shalt  }
0x71: {  	_ =	shalt  }
0x72: {  	_ =	shalt  }
0x73: {  	_ =	shalt  }
0x74: {  	_ =	shalt  }
0x75: {  	_ =	shalt  }
0x76: {  	_ =	shalt  }
0x77: {  	_ =	shalt  }
0x78: {  	_ =	shalt  }
0x79: {  	_ =	shalt  }
0x7a: {  	_ =	shalt  }
0x7b: {  	_ =	shalt  }
0x7c: {  	_ =	shalt  }
0x7d: {  	_ =	shalt  }
0x7e: {  	_ =	shalt  }
0x7f: {  	_ =	shalt  }
0x80: {  	_ =	shalt  }
0x81: {  	_ =	shalt  }
0x82: {  	_ =	shalt  }
0x83: {  	_ =	shalt  }
0x84: {  	_ =	shalt  }
0x85: {  	_ =	shalt  }
0x86: {  	_ =	shalt  }
0x87: {  	_ =	shalt  }
.Lfunc_end0:
.L_simem_size_0:
called_computation.1_lowered:
.L_overlay_start_0:
0x88: {  	s2 =	sld [smem:$0x3FD9]  }
0x89: {  	s3 =	sld [smem:$0x3FFE];
	_ =	sdelay $0x1  }
0x8a: {  	s1 =	srdreg.scid  }
0x8b: {  	s0 =	sand.u32 $0x1, s1  }
0x8c: {  	s17 =	sshll.u32 s0, $0xA;
	s2 =	sadd.s32 s3, s2  }
0x8d: {  	s2 =	sadd.s32 s2, s17  }
0x8e: {  	[smem:$0x3FC3] =	sst s2  }
0x8f: {  	_ = 	snop  }
0x90: {  	s2 =	sld [smem:$0x3FD0];
	(tm) =	ssettm $0x1  }
0x91: {  	s18 =	sld [smem:$0x3FFB];
	_ =	sdelay $0x3  }
0x92: {  	_ =	strace s18  }
0x93: {  	s3 =	sld [smem:$0x3FFC];
	_ =	sdelay $0x3  }
0x94: {  	_ =	strace s3  }
0x95: {  	s3 =	sld [smem:$0x3FFD];
	_ =	sdelay $0x3  }
0x96: {  	_ =	strace s3  }
0x97: {  	_ =	strace $0x8FFFFFFF  }
0x98: {  	s19 =	sld [smem:$0x3FDB];
	_ =	sdelay $0x1  }
0x99: {  	s4 =	simm.s32 $_scs_section_size  }
0x9a: {  	s5 =	simm.s32 $_size__tile_overlayer_lowered;
	s6 =	simm.s32 $_tile_overlayer_lowered  }
0x9b: {  	s22 =	simm.s32 $0x1BFF;
	s21 =	sshll.u32 s6, $0x1;
	s3 =	sadd.s32 s4, s19  }
0x9c: {  	s7 =	simm.s32 $0x0;
	s20 =	sshll.u32 s5, $0x1;
	s5 =	sadd.s32 s21, s3  }
0x9d: {  	[timem:s7], [sflag:s22] =	dma.local [hbm:s5], s20  }
0x9e: {  	_ =	swait.ge [sflag:s22], s20  }
0x9f: {  	s4 =	ssub.s32 $0x0, s20;
	[sflag:s22] =	ssyncset.done $0x0  }
0xa0: {  	[sflag:s22] =	ssyncadd.s32 s4;
	_ =	sdelay $0x1  }
0xa1: {  	s23 =	simm.s32 $0x1B8B  }
0xa2: {  	_ =	swait.ge [sflag:s23], $0x1  }
0xa3: {  	[sflag:s23] =	ssyncset.done $0x0  }
0xa4: {  	s25 =	simm.s32 $0x1B8E;
	s24 =	sld [smem:$0x3FFE];
	[sflag:s23] =	ssyncadd.s32 $0xFFFFFFFF  }
0xa5: {  	s26 =	simm.s32 $execute0_lowered;
	[smem:$0x3FD2] =	sst s25  }
0xa6: {  	s5 =	sshll.u32 s26, $0x1;
	_ =	strace $0x80000049;
	[dreg:$0x1] =	wrdreg $0xFFFFFFFF  }
0xa7: {  	s28 =	simm.s32 $_size_execute0_lowered;
	s3 =	sadd.s32 s3, s5;
	[dreg:$0x0] =	wrdreg $0x0  }
0xa8: {  	s5 =	sshll.u32 s28, $0x1;
	[dreg:$0x2] =	wrdreg s3  }
0xa9: {  	[dreg:$0x3] =	wrdreg s5  }
0xaa: {  	[dreg:$0x4] =	wrdreg $0xC0  }
0xab: {  	_ =	task [dreg:s7], $0x5FFFF  }
0xac: {  	[dreg:$0x1] =	wrdreg $0xFFFFFFFF  }
0xad: {  	[dreg:$0x0] =	wrdreg $0x60  }
0xae: {  	[dreg:$0x2] =	wrdreg s2  }
0xaf: {  	[dreg:$0x3] =	wrdreg s24  }
0xb0: {  	[dreg:$0x4] =	wrdreg $0x81800  }
0xb1: {  	[dreg:$0x5] =	wrdreg $0x1C1800  }
0xb2: {  	[dreg:$0x6] =	wrdreg $0x9  }
0xb3: {  	_ =	task.clear_ibuf [dreg:s7], $0x7FFFF;
	_ =	strace $0x90000049  }
0xb4: {  	s29 =	simm.s32 $0x9;
	_ =	strace $0x8000004B  }
0xb5: {  	_ =	swait.ge [sflag:s29], $0x1  }
0xb6: {  	[sflag:s29] =	ssyncadd.s32 $0xFFFFFFFF  }
0xb7: {  	_ =	strace $0x9000004B  }
0xb8: {  	_ =	sfence  }
0xb9: {  	s30 =	sld [smem:$0x0];
	_ =	sdelay $0x2  }
0xba: {  	s31 =	sshll.u32 s1, $0xD;
	s1 =	sshrl.u32 s1, $0x2  }
0xbb: {  	s3 =	sand.u32 $0x4000, s31;
	s1 =	sadd.s32 s1, s30  }
0xbc: {  	s0 =	sor.u32 s3, s0;
	s1 =	sshll.u32 s1, $0x11  }
0xbd: {  	s0 =	sor.u32 s1, s0  }
0xbe: {  	s0 =	sadd.s32 $0x8F2B, s0  }
0xbf: {  	[sflag:s0] =	ssyncadd.remote.s32 $0x1  }
0xc0: {  	_ =	sfence.sel $0xFFFF  }
0xc1: {  	[dreg:$0x0] =	wrdreg $0xFFFFFFFF;
	(pc) =	sbr.abs _section_cstart, $3  }
0xc2: {  	[dreg:$0x1] =	wrdreg $0xFFFFFFFF  }
0xc3: {  	_ =	task.clear_ibuf [dreg:s7], $0x2FFFF;
	_ =	strace $0x9FFFFFFF  }
0xc4: {  	(tm) =	ssettm $0x7FFFFFFF  }
0xc5: {  	_ =	shalt  }
tec
execute0_lowered:
.L_overlay_start_1:
0x0: {  	(tag) =	ssettag $0x1  }
0x1: {  	s0 =	rddreg [dreg:$0x0]  }
0x2: {  	s1 =	rddreg [dreg:$0x1];
	s2 =	srdreg.scid  }
0x3: {  	s3 =	rddreg [dreg:$0x2];
	s15 =	stileid.u32  }
0x4: {  	s4 =	rddreg [dreg:$0x3];
	s31 =	simm.s32 $0x100;
	s7 =	smul.u32 $0x280, s15  }
0x5: {  	s2 =	sand.u32 $0x1, s2;
	s8 =	sadd.s32 $0x3DC00, s1;
	s11 =	smul.u32 $0x14000, s15  }
0x6: {  	s24 =	sshll.u32 s15, $0x1;
	s5 =	ssub.s32 $0x2, s2;
	s9 =	smul.u32 $0x140000, s2  }
0x7: {  	p0 =	seq.s32 s2, $0x1;
	s6 =	sshrl.u32 s5, $0x1;
	s10 =	sshll.u32 s7, $0x7  }
0x8: {  	s5 =	ssub.s32 s5, s6;
	s6 =	sor.u32 s2, s24;
	s2 =	sor.u32 $0x2800, s10  }
0x9: {  	s12 =	sadd.s32 $0x5000, s10;
	s14 =	sadd.s32 $0x7800, s10;
	s18 =	sadd.s32 $0xA000, s10  }
0xa: {  	s19 =	sadd.s32 $0xC800, s10;
	s21 =	sadd.s32 $0xF000, s10;
	s11 =	sadd.s32 s9, s11  }
0xb: {  	s10 =	sadd.s32 $0x11800, s10;
	s11 =	sshrl.u32 s11, $0x3;
	s13 =	sadd.s32 s9, s2  }
0xc: {  	s26 =	sadd.s32 s9, s12;
	s17 =	sadd.s32 s9, s14;
	s22 =	sadd.s32 s9, s18  }
0xd: {  	s24 =	sadd.s32 s9, s19;
	s5 =	smax.u32 s5, $0x1;
	s28 =	sadd.s32 s19, s3  }
0xe: {  	s29 =	sadd.s32 s21, s3;
	s30 =	sadd.s32 s10, s3;
	s11 =	sadd.s32 s8, s11  }
0xf: {  	s25 =	sshrl.u32 s13, $0x3;
	s16 =	sshrl.u32 s26, $0x3;
	s20 =	sshrl.u32 s17, $0x3  }
0x10: {  	s23 =	sshrl.u32 s22, $0x3;
	s26 =	sadd.s32 s9, s21;
	s9 =	sadd.s32 s9, s10  }
0x11: {  	s17 =	sshrl.u32 s7, $0x3;
	s22 =	sadd.s32 s7, s4;
	s21 =	simm.s32 $0x7E80  }
0x12: {  	s7 =	simm.s32 $0x2900;
	s10 =	simm.s32 $0x2;
	[dreg:$0x5] =	wrdreg s11  }
0x13: {  	s11 =	sadd.s32 s8, s25;
	s25 =	sshrl.u32 s24, $0x3;
	s13 =	sshrl.u32 s26, $0x3  }
0x14: {  	s9 =	sshrl.u32 s9, $0x3;
	[dreg:$0x6] =	wrdreg s11;
	s11 =	sadd.s32 s8, s16  }
0x15: {  	s24 =	sadd.s32 s2, s3;
	[dreg:$0x7] =	wrdreg s11;
	s11 =	sadd.s32 s8, s20  }
0x16: {  	s26 =	sadd.s32 s14, s3;
	[dreg:$0x8] =	wrdreg s11;
	s11 =	sadd.s32 s8, s23  }
0x17: {  	s14 =	simm.s32 $0x7E00;
	[dreg:$0x9] =	wrdreg s11;
	s11 =	sadd.s32 s8, s25  }
0x18: {  	s20 =	smul.u32 $0x50000, s15;
	[dreg:$0xa] =	wrdreg s11;
	s11 =	sadd.s32 s8, s13  }
0x19: {  	s15 =	sadd.s32 $0x15C00, s1;
	[dreg:$0xb] =	wrdreg s11;
	s11 =	simm.s32 $0x3D600  }
0x1a: {  	s23 =	sshrl.u32 s20, $0x2;
	s8 =	sadd.s32 s8, s9;
	s11 =	simm.s32 @!p0 $0x3D000  }
0x1b: {  	s13 =	simm.s32 $0x0;
	[dreg:$0xc] =	wrdreg s8;
	s16 =	sadd.s32 s11, s1  }
0x1c: {  	[smem:$0x7FF] =	sst s13;
	s8 =	sadd.s32 s16, s17;
	s16 =	sadd.s32 $0xBE00, s1  }
0x1d: {  	s17 =	sadd.s32 $0x2000, s1;
	s1 =	sadd.s32 $0x3CE00, s1;
	[dreg:$0xd] =	wrdreg s8  }
0x1e: {  	s20 =	smul.u32 $0x2710, s6;
	_ =	strace $0x8000004A;
	[dreg:$0xe] =	wrdreg s1  }
0x1f: {  	s25 =	sadd.s32 s12, s3;
	s6 =	simm.s32 $0x50;
	[dreg:$0xf] =	wrdreg s5  }
0x20: {  	s12 =	simm.s32 $0x7900;
	s23 =	sadd.s32 s23, s3;
	[dreg:$0x10] =	wrdreg s24  }
0x21: {  	s9 =	simm.s32 $0x1;
	s11 =	simm.s32 $0x3;
	[dreg:$0x11] =	wrdreg s25  }
0x22: {  	v1 =	vlaneseq.u32;
	s8 =	simm.s32 $0x5100;
	[dreg:$0x12] =	wrdreg s26;
	s26 =	sadd.s32 s18, s3  }
0x23: {  	v0 =	vimm.f32 $0.0e+00;
	v1 =	vmul.u32 $0x10, v1;
	s1 =	simm.s32 $0x4;
	s5 =	simm.s32 $0x80;
	s18 =	simm.s32 $0x0  }
.LBB2_1:
0x24: {  	s2 =	rddreg [dreg:$0xe];
	s19 =	simm.s32 $0x8100  }
0x25: {  	[tilespmem:s19], [sflag:$0x4] =	stream.linear.gather [hbm4b:s2+s13], $0x80, $0x38;
	[tilespmem:$0x1C400] =	vst v63  }
0x26: {  	_ =	swait.ge [sflag:s1], $0x80  }
0x27: {  	[sflag:s1] =	ssyncset.done $0x0  }
0x28: {  	s2 =	simm.s32 $0x0;
	s19 =	simm.s32 $0x200;
	[sflag:s1] =	ssyncadd.s32 $0xFFFFFF80  }
.LBB2_2:
0x29: {  	p0 =	sne.s32 s19, $0x9E00;
	[tilespmem:s2+$0x170] =	vst v0  }
0x2a: {  	[tilespmem:s2+$0x100] =	vst v0  }
0x2b: {  	[tilespmem:s2+$0x110] =	vst v0  }
.Ltmp0:
0x2c: {  	[tilespmem:s2+$0x120] =	vst v0;
	(pc) =	sbr.rel @p0 .LBB2_2-.Ltmp0, $4  }
0x2d: {  	[tilespmem:s2+$0x130] =	vst v0  }
0x2e: {  	[tilespmem:s2+$0x140] =	vst v0  }
0x2f: {  	[tilespmem:s2+$0x150] =	vst v0  }
0x30: {  	[tilespmem:s2+$0x160] =	vst v0;
	s2 =	sshra.s32 s19, $0x2;
	s19 =	sadd.s32 $0x200, s19  }
0x31: {  	[tilespmem:s2+$0x170] =	vst v0  }
0x32: {  	[tilespmem:s2+$0x100] =	vst v0  }
0x33: {  	[tilespmem:s2+$0x110] =	vst v0  }
0x34: {  	[tilespmem:s2+$0x120] =	vst v0  }
0x35: {  	[tilespmem:s2+$0x130] =	vst v0  }
0x36: {  	[tilespmem:s2+$0x140] =	vst v0  }
0x37: {  	[tilespmem:s2+$0x150] =	vst v0  }
0x38: {  	[tilespmem:s2+$0x160] =	vst v0  }
0x39: {  	[tilespmem:$0x7E80] =	vst v0  }
0x3a: {  	[tilespmem:$0x7E90] =	vst v0  }
0x3b: {  	[tilespmem:$0x7EA0] =	vst v0  }
0x3c: {  	[tilespmem:$0x7EB0] =	vst v0  }
0x3d: {  	[tilespmem:$0x7EC0] =	vst v0  }
0x3e: {  	[tilespmem:$0x7ED0] =	vst v0  }
0x3f: {  	[tilespmem:$0x7EE0] =	vst v0  }
0x40: {  	[tilespmem:$0x7EF0] =	vst v0  }
0x41: {  	[tilespmem:$0x7F00] =	vst v0  }
0x42: {  	[tilespmem:$0x7F10] =	vst v0  }
0x43: {  	[tilespmem:$0x7F20] =	vst v0  }
0x44: {  	[tilespmem:$0x7F30] =	vst v0  }
0x45: {  	[tilespmem:$0x7F40] =	vst v0  }
0x46: {  	[tilespmem:$0x7F50] =	vst v0  }
0x47: {  	[tilespmem:$0x7F60] =	vst v0  }
0x48: {  	[tilespmem:$0x7F70] =	vst v0  }
0x49: {  	[tilespmem:$0x7F80] =	vst v0  }
0x4a: {  	[tilespmem:$0x7F90] =	vst v0  }
0x4b: {  	[tilespmem:$0x7FA0] =	vst v0  }
0x4c: {  	[tilespmem:$0x7FB0] =	vst v0  }
0x4d: {  	[tilespmem:$0x7FC0] =	vst v0  }
0x4e: {  	[tilespmem:$0x7FD0] =	vst v0  }
0x4f: {  	[tilespmem:$0x7FE0] =	vst v0  }
0x50: {  	[tilespmem:$0x7FF0] =	vst v0  }
0x51: {  	[tilespmem:$0x8000] =	vst v0  }
0x52: {  	[tilespmem:$0x8010] =	vst v0  }
0x53: {  	[tilespmem:$0x8020] =	vst v0  }
0x54: {  	[tilespmem:$0x8030] =	vst v0  }
0x55: {  	[tilespmem:$0x8040] =	vst v0  }
0x56: {  	[tilespmem:$0x8050] =	vst v0  }
0x57: {  	[tilespmem:$0x8060] =	vst v0  }
0x58: {  	[tilespmem:$0x8070] =	vst v0  }
0x59: {  	[tilespmem:$0x8080] =	vst v0  }
0x5a: {  	[tilespmem:$0x8090] =	vst v0  }
0x5b: {  	[tilespmem:$0x80A0] =	vst v0  }
0x5c: {  	[tilespmem:$0x80B0] =	vst v0  }
0x5d: {  	[tilespmem:$0x80C0] =	vst v0  }
0x5e: {  	[tilespmem:$0x80D0] =	vst v0  }
0x5f: {  	[tilespmem:$0x80E0] =	vst v0  }
0x60: {  	[tilespmem:$0x80F0] =	vst v0  }
0x61: {  	[spmem:s22] =	stream.linear.scatter [tilespmem:s21], [sflag:$0x4], $0x280, $0x38;
	[tilespmem:$0x1C400] =	vst v63  }
0x62: {  	_ =	swait.ge [sflag:s1], $0x280  }
0x63: {  	[sflag:s1] =	ssyncset.done $0x0  }
0x64: {  	[sflag:s1] =	ssyncadd.s32 $0xFFFFFD80  }
0x65: {  	[spmem:s23] =	stream.linear.scatter [tilespmem:s31], [sflag:$0x4], $0x2800, $0x38;
	[tilespmem:$0x1C400] =	vst v63  }
0x66: {  	_ =	swait.ge [sflag:s1], $0x2800  }
0x67: {  	[sflag:s1] =	ssyncset.done $0x0  }
0x68: {  	s21 =	rddreg [dreg:$0x10];
	[sflag:s1] =	ssyncadd.s32 $0xFFFFD800  }
0x69: {  	[spmem:s21] =	stream.linear.scatter [tilespmem:s31], [sflag:$0x4], $0x2800, $0x38;
	[tilespmem:$0x1C400] =	vst v63  }
0x6a: {  	_ =	swait.ge [sflag:s1], $0x2800  }
0x6b: {  	[sflag:s1] =	ssyncset.done $0x0  }
0x6c: {  	s24 =	smov.u32 s22;
	s22 =	rddreg [dreg:$0x11];
	[sflag:s1] =	ssyncadd.s32 $0xFFFFD800  }
0x6d: {  	[spmem:s22] =	stream.linear.scatter [tilespmem:s31], [sflag:$0x4], $0x2800, $0x38;
	[tilespmem:$0x1C400] =	vst v63  }
0x6e: {  	_ =	swait.ge [sflag:s1], $0x2800  }
0x6f: {  	[sflag:s1] =	ssyncset.done $0x0  }
0x70: {  	s25 =	smov.u32 s23;
	s23 =	rddreg [dreg:$0x12];
	[sflag:s1] =	ssyncadd.s32 $0xFFFFD800  }
0x71: {  	[spmem:s23] =	stream.linear.scatter [tilespmem:s31], [sflag:$0x4], $0x2800, $0x38;
	[tilespmem:$0x1C400] =	vst v63  }
0x72: {  	_ =	swait.ge [sflag:s1], $0x2800  }
0x73: {  	[sflag:s1] =	ssyncset.done $0x0  }
0x74: {  	[sflag:s1] =	ssyncadd.s32 $0xFFFFD800  }
0x75: {  	[spmem:s26] =	stream.linear.scatter [tilespmem:s31], [sflag:$0x4], $0x2800, $0x38;
	[tilespmem:$0x1C400] =	vst v63  }
0x76: {  	_ =	swait.ge [sflag:s1], $0x2800  }
0x77: {  	[sflag:s1] =	ssyncset.done $0x0  }
0x78: {  	[sflag:s1] =	ssyncadd.s32 $0xFFFFD800  }
0x79: {  	[spmem:s28] =	stream.linear.scatter [tilespmem:s31], [sflag:$0x4], $0x2800, $0x38;
	[tilespmem:$0x1C400] =	vst v63  }
0x7a: {  	_ =	swait.ge [sflag:s1], $0x2800  }
0x7b: {  	[sflag:s1] =	ssyncset.done $0x0  }
0x7c: {  	[sflag:s1] =	ssyncadd.s32 $0xFFFFD800  }
0x7d: {  	[spmem:s29] =	stream.linear.scatter [tilespmem:s31], [sflag:$0x4], $0x2800, $0x38;
	[tilespmem:$0x1C400] =	vst v63  }
0x7e: {  	_ =	swait.ge [sflag:s1], $0x2800  }
0x7f: {  	[sflag:s1] =	ssyncset.done $0x0  }
0x80: {  	[sflag:s1] =	ssyncadd.s32 $0xFFFFD800  }
0x81: {  	[spmem:s30] =	stream.linear.scatter [tilespmem:s31], [sflag:$0x4], $0x2800, $0x38;
	[tilespmem:$0x1C400] =	vst v63  }
0x82: {  	_ =	swait.ge [sflag:s1], $0x2800  }
0x83: {  	[sflag:s1] =	ssyncset.done $0x0  }
0x84: {  	[sflag:s1] =	ssyncadd.s32 $0xFFFFD800  }
0x85: {  	s2 =	simm.s32 $0x0;
	s21 =	simm.s32 $0x0;
	[bflag:$0x0] =	sbarrier.arrive $0xFFFF  }
.LBB2_4:
0x86: {  	s19 =	smul.u32 $0x50, s2;
	_ =	sdelay $0x1  }
0x87: {  	s19 =	sadd.s32 s20, s19  }
0x88: {  	s19 =	sshrl.u32 s19, $0x3  }
0x89: {  	s22 =	sadd.s32 s16, s19  }
0x8a: {  	[tilespmem:s21], [sflag:$0x4] =	stream.linear.gather [hbm4b:s22+s21], $0x50, $0x38;
	[tilespmem:$0x1C400] =	vst v63  }
0x8b: {  	_ =	swait.ge [sflag:s1], $0x50  }
0x8c: {  	[sflag:s1] =	ssyncset.done $0x0  }
0x8d: {  	s19 =	sadd.s32 s17, s19;
	[sflag:s1] =	ssyncadd.s32 $0xFFFFFFB0  }
0x8e: {  	[tilespmem:s5], [sflag:$0x4] =	stream.linear.gather [hbm4b:s19+s21], $0x50, $0x38;
	[tilespmem:$0x1C400] =	vst v63  }
0x8f: {  	_ =	swait.ge [sflag:s1], $0x50  }
0x90: {  	[sflag:s1] =	ssyncset.done $0x0  }
0x91: {  	[sflag:s1] =	ssyncadd.s32 $0xFFFFFFB0  }
0x92: {  	[tilespmem:s31], [sflag:$0x1] =	stream.indirect.gather [hbm4b:s15+s6], $0x80, s5, s6, $0xb8;
	[tilespmem:$0x1C400] =	vst v63  }
0x93: {  	_ = 	snop  }
0x94: {  	[tilespmem:s7], [sflag:$0x2] =	stream.indirect.gather [hbm4b:s15+s6], $0x80, s21, s6, $0xb8;
	[tilespmem:$0x1C400] =	vst v63  }
0x95: {  	_ = 	snop  }
0x96: {  	[tilespmem:s8], [sflag:$0x3] =	stream.indirect.gather [hbm4b:s0+s6], $0x80, s21, s6, $0xb8;
	[tilespmem:$0x1C400] =	vst v63  }
0x97: {  	_ =	swait.ge [sflag:s9], $0x2800  }
0x98: {  	[sflag:s9] =	ssyncset.done $0x0  }
0x99: {  	[sflag:s9] =	ssyncadd.s32 $0xFFFFD800  }
0x9a: {  	_ =	swait.ge [sflag:s10], $0x2800  }
0x9b: {  	[sflag:s10] =	ssyncset.done $0x0  }
0x9c: {  	s23 =	simm.s32 $0x0;
	[sflag:s10] =	ssyncadd.s32 $0xFFFFD800  }
0x9d: {  	v2 =	vld [tilespmem:s23+$0x2900]  }
0x9e: {  	v3 =	vld [tilespmem:s23+$0x100]  }
0x9f: {  	v4 =	vld [tilespmem:s23+$0x110]  }
0xa0: {  	v5 =	vld [tilespmem:s23+$0x2910]  }
0xa1: {  	v6 =	vld [tilespmem:s23+$0x120]  }
0xa2: {  	v7 =	vld [tilespmem:s23+$0x2920]  }
0xa3: {  	v8 =	vld [tilespmem:s23+$0x130]  }
0xa4: {  	v9 =	vld [tilespmem:s23+$0x2930]  }
0xa5: {  	v2 =	vmul.f32 v2, v3;
	v3 =	vmul.f32 v5, v4;
	v4 =	vld [tilespmem:s23+$0x140]  }
0xa6: {  	v5 =	vld [tilespmem:s23+$0x2940]  }
0xa7: {  	v2 =	vadd.f32 v3, v2;
	v3 =	vmul.f32 v7, v6;
	v6 =	vld [tilespmem:s23+$0x150]  }
0xa8: {  	v7 =	vld [tilespmem:s23+$0x2950]  }
0xa9: {  	v62 =	vld [tilespmem:s23+$0x160];
	v2 =	vadd.f32 v3, v2;
	v3 =	vmul.f32 v9, v8  }
0xaa: {  	v63 =	vld [tilespmem:s23+$0x2960]  }
0xab: {  	v2 =	vadd.f32 v3, v2;
	v3 =	vmul.f32 v5, v4;
	v4 =	vld [tilespmem:s23+$0x170]  }
0xac: {  	v5 =	vld [tilespmem:s23+$0x2970]  }
0xad: {  	v2 =	vadd.f32 v3, v2;
	v3 =	vmul.f32 v7, v6;
	_ =	sdelay $0x1  }
0xae: {  	v2 =	vadd.f32 v3, v2;
	v3 =	vmul.f32 v63, v62;
	_ =	sdelay $0x1  }
0xaf: {  	v2 =	vadd.f32 v3, v2;
	v3 =	vmul.f32 v5, v4;
	_ =	sdelay $0x1  }
0xb0: {  	v2 =	vadd.f32 v3, v2  }
0xb1: {  	s19 =	simm.s32 $0x7900  }
0xb2: {  	s22 =	simm.s32 $0x80;
	[tilespmem:s19+$0x0] =	vst v2  }
0xb3: {  	v2 =	vld [tilespmem:s22+$0x2900]  }
0xb4: {  	v3 =	vld [tilespmem:s22+$0x100]  }
0xb5: {  	s23 =	simm.s32 $0x400;
	v4 =	vld [tilespmem:s22+$0x110]  }
.LBB2_5:
0xb6: {  	p0 =	sne.s32 s23, $0x9E00;
	v5 =	vld [tilespmem:s22+$0x2910]  }
0xb7: {  	v6 =	vld [tilespmem:s22+$0x120]  }
0xb8: {  	v7 =	vld [tilespmem:s22+$0x2920]  }
0xb9: {  	v8 =	vld [tilespmem:s22+$0x130]  }
0xba: {  	v9 =	vld [tilespmem:s22+$0x2930]  }
0xbb: {  	v2 =	vmul.f32 v2, v3;
	v3 =	vmul.f32 v5, v4;
	v4 =	vld [tilespmem:s22+$0x140]  }
0xbc: {  	v5 =	vld [tilespmem:s22+$0x2940]  }
0xbd: {  	v2 =	vadd.f32 v3, v2;
	v3 =	vmul.f32 v7, v6;
	v6 =	vld [tilespmem:s22+$0x150]  }
0xbe: {  	v7 =	vld [tilespmem:s22+$0x2950]  }
0xbf: {  	v2 =	vadd.f32 v3, v2;
	v3 =	vmul.f32 v9, v8;
	v8 =	vld [tilespmem:s22+$0x160]  }
0xc0: {  	v9 =	vld [tilespmem:s22+$0x2960]  }
0xc1: {  	v2 =	vadd.f32 v3, v2;
	v3 =	vmul.f32 v5, v4;
	v4 =	vld [tilespmem:s22+$0x170]  }
0xc2: {  	v5 =	vld [tilespmem:s22+$0x2970]  }
0xc3: {  	v2 =	vadd.f32 v3, v2;
	v3 =	vmul.f32 v7, v6;
	_ =	sdelay $0x1  }
0xc4: {  	v2 =	vadd.f32 v3, v2;
	v3 =	vmul.f32 v9, v8;
	_ =	sdelay $0x1  }
0xc5: {  	v2 =	vadd.f32 v3, v2;
	v3 =	vmul.f32 v5, v4;
	_ =	sdelay $0x1  }
0xc6: {  	v2 =	vadd.f32 v3, v2  }
.Ltmp1:
0xc7: {  	s19 =	sadd.s32 $0x10, s19;
	(pc) =	sbr.rel @p0 .LBB2_5-.Ltmp1, $4  }
0xc8: {  	s22 =	sshra.s32 s23, $0x2;
	[tilespmem:s19+$0x0] =	vst v2  }
0xc9: {  	v2 =	vld [tilespmem:s22+$0x2900]  }
0xca: {  	v3 =	vld [tilespmem:s22+$0x100]  }
0xcb: {  	s23 =	sadd.s32 $0x200, s23;
	v4 =	vld [tilespmem:s22+$0x110]  }
0xcc: {  	v5 =	vld [tilespmem:s22+$0x2910]  }
0xcd: {  	v6 =	vld [tilespmem:s22+$0x120]  }
0xce: {  	v7 =	vld [tilespmem:s22+$0x2920]  }
0xcf: {  	v8 =	vld [tilespmem:s22+$0x130]  }
0xd0: {  	v9 =	vld [tilespmem:s22+$0x2930]  }
0xd1: {  	v56 =	vld [tilespmem:s22+$0x140];
	v2 =	vmul.f32 v2, v3;
	v3 =	vmul.f32 v5, v4  }
0xd2: {  	v57 =	vld [tilespmem:s22+$0x2940]  }
0xd3: {  	v58 =	vld [tilespmem:s22+$0x150];
	v2 =	vadd.f32 v3, v2;
	v3 =	vmul.f32 v7, v6  }
0xd4: {  	v59 =	vld [tilespmem:s22+$0x2950]  }
0xd5: {  	v60 =	vld [tilespmem:s22+$0x160];
	v2 =	vadd.f32 v3, v2;
	v3 =	vmul.f32 v9, v8  }
0xd6: {  	v61 =	vld [tilespmem:s22+$0x2960]  }
0xd7: {  	v62 =	vld [tilespmem:s22+$0x170];
	v2 =	vadd.f32 v3, v2;
	v3 =	vmul.f32 v57, v56  }
0xd8: {  	v63 =	vld [tilespmem:s22+$0x2970]  }
0xd9: {  	v2 =	vadd.f32 v3, v2;
	v3 =	vmul.f32 v59, v58;
	_ =	sdelay $0x1  }
0xda: {  	v2 =	vadd.f32 v3, v2;
	v3 =	vmul.f32 v61, v60;
	_ =	sdelay $0x1  }
0xdb: {  	v2 =	vadd.f32 v3, v2;
	v3 =	vmul.f32 v63, v62;
	_ =	sdelay $0x1  }
0xdc: {  	v2 =	vadd.f32 v3, v2  }
0xdd: {  	s19 =	sadd.s32 $0x10, s19  }
0xde: {  	[tilespmem:s19+$0x0] =	vst v2  }
0xdf: {  	_ =	swait.ge [sflag:s11], $0x2800  }
0xe0: {  	[sflag:s11] =	ssyncset.done $0x0  }
0xe1: {  	s19 =	simm.s32 $0x0;
	[sflag:s11] =	ssyncadd.s32 $0xFFFFD800  }
.LBB2_7:
0xe2: {  	s22 =	sshll.u32 s19, $0x4  }
0xe3: {  	v2 =	vmov s22  }
0xe4: {  	v2 =	vshll.u32 v2, $0x4  }
0xe5: {  	v2 =	vor.u32 v1, v2  }
0xe6: {  	v3 =	vor.u32 $0x1, v2;
	_ =	sdelay $0x1  }
0xe7: {  	v4 =	vor.u32 $0x2, v2;
	_ =	sdelay $0x1  }
0xe8: {  	v6 =	vor.u32 $0x3, v2;
	v5 =	vld.idx.msk [tilespmem:v2+s12+$0x0], $0xffff  }
0xe9: {  	v3 =	vld.idx.msk [tilespmem:v3+s12+$0x0], $0xffff  }
0xea: {  	v7 =	vor.u32 $0x4, v2  }
0xeb: {  	v4 =	vld.idx.msk [tilespmem:v4+s12+$0x0], $0xffff  }
0xec: {  	v8 =	vor.u32 $0x5, v2  }
0xed: {  	v6 =	vld.idx.msk [tilespmem:v6+s12+$0x0], $0xffff  }
0xee: {  	v60 =	vor.u32 $0x6, v2;
	v3 =	vadd.f32 v3, v5  }
0xef: {  	v7 =	vld.idx.msk [tilespmem:v7+s12+$0x0], $0xffff  }
0xf0: {  	v61 =	vor.u32 $0x7, v2;
	v3 =	vadd.f32 v4, v3  }
0xf1: {  	v8 =	vld.idx.msk [tilespmem:v8+s12+$0x0], $0xffff  }
0xf2: {  	v62 =	vor.u32 $0x8, v2;
	v3 =	vadd.f32 v6, v3  }
0xf3: {  	v5 =	vld.idx.msk [tilespmem:v60+s12+$0x0], $0xffff  }
0xf4: {  	v63 =	vor.u32 $0x9, v2;
	v3 =	vadd.f32 v7, v3  }
0xf5: {  	v4 =	vld.idx.msk [tilespmem:v61+s12+$0x0], $0xffff  }
0xf6: {  	v12 =	vor.u32 $0xA, v2;
	v3 =	vadd.f32 v8, v3  }
0xf7: {  	v6 =	vld.idx.msk [tilespmem:v62+s12+$0x0], $0xffff  }
0xf8: {  	v13 =	vor.u32 $0xB, v2;
	v3 =	vadd.f32 v5, v3  }
0xf9: {  	v7 =	vld.idx.msk [tilespmem:v63+s12+$0x0], $0xffff  }
0xfa: {  	v14 =	vor.u32 $0xC, v2;
	v3 =	vadd.f32 v4, v3  }
0xfb: {  	v8 =	vld.idx.msk [tilespmem:v12+s12+$0x0], $0xffff  }
0xfc: {  	v15 =	vor.u32 $0xD, v2;
	v3 =	vadd.f32 v6, v3  }
0xfd: {  	v5 =	vld.idx.msk [tilespmem:v13+s12+$0x0], $0xffff  }
0xfe: {  	v16 =	vor.u32 $0xE, v2;
	v3 =	vadd.f32 v7, v3  }
0xff: {  	v4 =	vld.idx.msk [tilespmem:v14+s12+$0x0], $0xffff  }
0x100: {  	v2 =	vor.u32 $0xF, v2;
	v3 =	vadd.f32 v8, v3  }
0x101: {  	v6 =	vld.idx.msk [tilespmem:v15+s12+$0x0], $0xffff  }
0x102: {  	v3 =	vadd.f32 v5, v3  }
0x103: {  	v17 =	vld.idx.msk [tilespmem:v16+s12+$0x0], $0xffff  }
0x104: {  	v3 =	vadd.f32 v4, v3  }
0x105: {  	v2 =	vld.idx.msk [tilespmem:v2+s12+$0x0], $0xffff  }
0x106: {  	v3 =	vadd.f32 v6, v3  }
0x107: {  	v18 =	vld [tilespmem:$0x8100]  }
0x108: {  	v3 =	vadd.f32 v17, v3;
	_ =	sdelay $0x1  }
0x109: {  	v2 =	vadd.f32 v2, v3;
	_ =	sdelay $0x1  }
0x10a: {  	v2 =	vmul.f32 v18, v2;
	_ =	sdelay $0x1  }
0x10b: {  	v2 =	vmul.f32 $1.442695020e+00, v2;
	_ =	sdelay $0x1  }
0x10c: {  	(erf) = vpow2.f32 v2;
	_ =	sdelay $0x8  }
0x10d: {  	s23 =	sshll.u32 s19, $0xB;
	v2 =	vpop (erf)  }
0x10e: {  	s23 =	sand.u32 $0x3FFFF800, s23;
	[tilespmem:s22+$0x7E00] =	vst v2  }
0x10f: {  	v3 =	vld [tilespmem:s23+$0x5100]  }
0x110: {  	v19 =	vld [tilespmem:s23+$0x5110]  }
0x111: {  	v20 =	vld [tilespmem:s23+$0x5120]  }
0x112: {  	v21 =	vbroadcast v2, $0x0;
	v22 =	vld [tilespmem:s23+$0x5130]  }
0x113: {  	v23 =	vld [tilespmem:s23+$0x5140]  }
0x114: {  	v9 =	vld [tilespmem:s23+$0x5150];
	v3 =	vmul.f32 v21, v3  }
0x115: {  	v10 =	vld [tilespmem:s23+$0x5160];
	v4 =	vmul.f32 v21, v19  }
0x116: {  	v24 =	vld [tilespmem:s23+$0x5170];
	[tilespmem:s23+$0x5100] =	vst v3;
	v3 =	vmul.f32 v20, v21  }
0x117: {  	v26 =	vld [tilespmem:s23+$0x5180];
	v25 =	vmul.f32 v22, v21;
	[tilespmem:s23+$0x5110] =	vst v4  }
0x118: {  	v27 =	vld [tilespmem:s23+$0x5190];
	[tilespmem:s23+$0x5120] =	vst v3;
	v3 =	vmul.f32 v23, v21  }
0x119: {  	v29 =	vld [tilespmem:s23+$0x51A0];
	v28 =	vmul.f32 v9, v21;
	[tilespmem:s23+$0x5130] =	vst v25  }
0x11a: {  	v30 =	vbroadcast v2, $0x1;
	v11 =	vld [tilespmem:s23+$0x51B0];
	[tilespmem:s23+$0x5140] =	vst v3;
	v3 =	vmul.f32 v10, v21  }
0x11b: {  	v32 =	vld [tilespmem:s23+$0x51C0];
	v31 =	vmul.f32 v24, v21;
	[tilespmem:s23+$0x5150] =	vst v28  }
0x11c: {  	v33 =	vld [tilespmem:s23+$0x51D0];
	[tilespmem:s23+$0x5160] =	vst v3;
	v3 =	vmul.f32 v26, v30  }
0x11d: {  	v35 =	vld [tilespmem:s23+$0x51E0];
	v34 =	vmul.f32 v27, v30;
	[tilespmem:s23+$0x5170] =	vst v31  }
0x11e: {  	v36 =	vld [tilespmem:s23+$0x51F0];
	[tilespmem:s23+$0x5180] =	vst v3;
	v3 =	vmul.f32 v29, v30  }
0x11f: {  	v38 =	vld [tilespmem:s23+$0x5200];
	v37 =	vmul.f32 v11, v30;
	[tilespmem:s23+$0x5190] =	vst v34  }
0x120: {  	v39 =	vld [tilespmem:s23+$0x5210];
	[tilespmem:s23+$0x51A0] =	vst v3;
	v3 =	vmul.f32 v32, v30  }
0x121: {  	v41 =	vld [tilespmem:s23+$0x5220];
	v40 =	vmul.f32 v33, v30;
	[tilespmem:s23+$0x51B0] =	vst v37  }
0x122: {  	v42 =	vbroadcast v2, $0x2;
	v43 =	vld [tilespmem:s23+$0x5230];
	[tilespmem:s23+$0x51C0] =	vst v3;
	v3 =	vmul.f32 v35, v30  }
0x123: {  	v45 =	vld [tilespmem:s23+$0x5240];
	v44 =	vmul.f32 v36, v30;
	[tilespmem:s23+$0x51D0] =	vst v40  }
0x124: {  	v46 =	vld [tilespmem:s23+$0x5250];
	[tilespmem:s23+$0x51E0] =	vst v3;
	v3 =	vmul.f32 v38, v42  }
0x125: {  	v48 =	vld [tilespmem:s23+$0x5260];
	v47 =	vmul.f32 v39, v42;
	[tilespmem:s23+$0x51F0] =	vst v44  }
0x126: {  	v49 =	vld [tilespmem:s23+$0x5270];
	[tilespmem:s23+$0x5200] =	vst v3;
	v3 =	vmul.f32 v41, v42  }
0x127: {  	v51 =	vld [tilespmem:s23+$0x5280];
	v50 =	vmul.f32 v43, v42;
	[tilespmem:s23+$0x5210] =	vst v47  }
0x128: {  	v52 =	vld [tilespmem:s23+$0x5290];
	[tilespmem:s23+$0x5220] =	vst v3;
	v3 =	vmul.f32 v45, v42  }
0x129: {  	v54 =	vld [tilespmem:s23+$0x52A0];
	v53 =	vmul.f32 v46, v42;
	[tilespmem:s23+$0x5230] =	vst v50  }
0x12a: {  	v55 =	vbroadcast v2, $0x3;
	v56 =	vld [tilespmem:s23+$0x52B0];
	[tilespmem:s23+$0x5240] =	vst v3;
	v3 =	vmul.f32 v48, v42  }
0x12b: {  	v58 =	vld [tilespmem:s23+$0x52C0];
	v57 =	vmul.f32 v49, v42;
	[tilespmem:s23+$0x5250] =	vst v53  }
0x12c: {  	v59 =	vld [tilespmem:s23+$0x52D0];
	[tilespmem:s23+$0x5260] =	vst v3;
	v3 =	vmul.f32 v51, v55  }
0x12d: {  	v61 =	vld [tilespmem:s23+$0x52E0];
	v60 =	vmul.f32 v52, v55;
	[tilespmem:s23+$0x5270] =	vst v57  }
0x12e: {  	v62 =	vld [tilespmem:s23+$0x52F0];
	[tilespmem:s23+$0x5280] =	vst v3;
	v3 =	vmul.f32 v54, v55  }
0x12f: {  	v12 =	vld [tilespmem:s23+$0x5300];
	v63 =	vmul.f32 v56, v55;
	[tilespmem:s23+$0x5290] =	vst v60  }
0x130: {  	v17 =	vld [tilespmem:s23+$0x5330];
	[tilespmem:s23+$0x52A0] =	vst v3;
	v3 =	vmul.f32 v58, v55  }
0x131: {  	v15 =	vld [tilespmem:s23+$0x5320];
	v14 =	vmul.f32 v59, v55;
	[tilespmem:s23+$0x52B0] =	vst v63  }
0x132: {  	v16 =	vbroadcast v2, $0x4;
	v13 =	vld [tilespmem:s23+$0x5310];
	[tilespmem:s23+$0x52C0] =	vst v3;
	v3 =	vmul.f32 v61, v55  }
0x133: {  	v18 =	vmul.f32 v62, v55;
	v19 =	vld [tilespmem:s23+$0x5340];
	[tilespmem:s23+$0x52D0] =	vst v14  }
0x134: {  	v20 =	vld [tilespmem:s23+$0x5350];
	[tilespmem:s23+$0x52E0] =	vst v3;
	v3 =	vmul.f32 v12, v16  }
0x135: {  	v22 =	vld [tilespmem:s23+$0x5360];
	v24 =	vmul.f32 v17, v16;
	[tilespmem:s23+$0x52F0] =	vst v18  }
0x136: {  	v23 =	vld [tilespmem:s23+$0x5370];
	[tilespmem:s23+$0x5300] =	vst v3;
	v3 =	vmul.f32 v15, v16  }
0x137: {  	v25 =	vld [tilespmem:s23+$0x5380];
	[tilespmem:s23+$0x5330] =	vst v24;
	v21 =	vmul.f32 v13, v16  }
0x138: {  	v33 =	vld [tilespmem:s23+$0x53D0];
	[tilespmem:s23+$0x5320] =	vst v3;
	v3 =	vmul.f32 v19, v16  }
0x139: {  	v28 =	vld [tilespmem:s23+$0x53A0];
	v27 =	vmul.f32 v20, v16;
	[tilespmem:s23+$0x5310] =	vst v21  }
0x13a: {  	v36 =	vld [tilespmem:s23+$0x53F0];
	v29 =	vbroadcast v2, $0x5;
	[tilespmem:s23+$0x5340] =	vst v3;
	v3 =	vmul.f32 v22, v16  }
0x13b: {  	[tilespmem:s23+$0x5350] =	vst v27;
	v31 =	vmul.f32 v23, v16;
	v32 =	vld [tilespmem:s23+$0x53C0]  }
0x13c: {  	v26 =	vld [tilespmem:s23+$0x5390];
	[tilespmem:s23+$0x5360] =	vst v3;
	v3 =	vmul.f32 v25, v29  }
0x13d: {  	[tilespmem:s23+$0x5370] =	vst v31;
	v40 =	vmul.f32 v33, v29;
	v35 =	vld [tilespmem:s23+$0x53E0]  }
0x13e: {  	v30 =	vld [tilespmem:s23+$0x53B0];
	[tilespmem:s23+$0x5380] =	vst v3;
	v3 =	vmul.f32 v28, v29  }
0x13f: {  	v44 =	vmul.f32 v36, v29;
	[tilespmem:s23+$0x53D0] =	vst v40;
	v38 =	vld [tilespmem:s23+$0x5400]  }
0x140: {  	v39 =	vld [tilespmem:s23+$0x5410];
	[tilespmem:s23+$0x53A0] =	vst v3;
	v3 =	vmul.f32 v32, v29  }
0x141: {  	v34 =	vmul.f32 v26, v29;
	[tilespmem:s23+$0x53F0] =	vst v44;
	v41 =	vld [tilespmem:s23+$0x5420]  }
0x142: {  	v43 =	vld [tilespmem:s23+$0x5430];
	v42 =	vbroadcast v2, $0x6;
	[tilespmem:s23+$0x53C0] =	vst v3;
	v3 =	vmul.f32 v35, v29  }
0x143: {  	[tilespmem:s23+$0x5390] =	vst v34;
	v37 =	vmul.f32 v30, v29;
	v45 =	vld [tilespmem:s23+$0x5440]  }
0x144: {  	v46 =	vld [tilespmem:s23+$0x5450];
	[tilespmem:s23+$0x53E0] =	vst v3;
	v3 =	vmul.f32 v38, v42  }
0x145: {  	[tilespmem:s23+$0x53B0] =	vst v37;
	v48 =	vld [tilespmem:s23+$0x5460];
	v47 =	vmul.f32 v39, v42  }
0x146: {  	v49 =	vld [tilespmem:s23+$0x5470];
	[tilespmem:s23+$0x5400] =	vst v3;
	v3 =	vmul.f32 v41, v42  }
0x147: {  	v50 =	vmul.f32 v43, v42;
	v51 =	vld [tilespmem:s23+$0x5480];
	[tilespmem:s23+$0x5410] =	vst v47  }
0x148: {  	v52 =	vld [tilespmem:s23+$0x5490];
	[tilespmem:s23+$0x5420] =	vst v3;
	v3 =	vmul.f32 v45, v42  }
0x149: {  	v53 =	vmul.f32 v46, v42;
	[tilespmem:s23+$0x5430] =	vst v50;
	v54 =	vld [tilespmem:s23+$0x54A0]  }
0x14a: {  	v56 =	vld [tilespmem:s23+$0x54B0];
	v55 =	vbroadcast v2, $0x7;
	[tilespmem:s23+$0x5440] =	vst v3;
	v3 =	vmul.f32 v48, v42  }
0x14b: {  	v57 =	vmul.f32 v49, v42;
	[tilespmem:s23+$0x5450] =	vst v53;
	v58 =	vld [tilespmem:s23+$0x54C0]  }
0x14c: {  	v59 =	vld [tilespmem:s23+$0x54D0];
	[tilespmem:s23+$0x5460] =	vst v3;
	v3 =	vmul.f32 v51, v55  }
0x14d: {  	[tilespmem:s23+$0x5470] =	vst v57;
	v61 =	vld [tilespmem:s23+$0x54E0];
	v60 =	vmul.f32 v52, v55  }
0x14e: {  	v62 =	vld [tilespmem:s23+$0x54F0];
	[tilespmem:s23+$0x5480] =	vst v3;
	v3 =	vmul.f32 v54, v55  }
0x14f: {  	v63 =	vmul.f32 v56, v55;
	v12 =	vld [tilespmem:s23+$0x5500];
	[tilespmem:s23+$0x5490] =	vst v60  }
0x150: {  	v13 =	vld [tilespmem:s23+$0x5510];
	[tilespmem:s23+$0x54A0] =	vst v3;
	v3 =	vmul.f32 v58, v55  }
0x151: {  	v14 =	vmul.f32 v59, v55;
	[tilespmem:s23+$0x54B0] =	vst v63;
	v15 =	vld [tilespmem:s23+$0x5520]  }
0x152: {  	v17 =	vld [tilespmem:s23+$0x5530];
	v16 =	vbroadcast v2, $0x8;
	[tilespmem:s23+$0x54C0] =	vst v3;
	v3 =	vmul.f32 v61, v55  }
0x153: {  	v18 =	vmul.f32 v62, v55;
	[tilespmem:s23+$0x54D0] =	vst v14;
	v19 =	vld [tilespmem:s23+$0x5540]  }
0x154: {  	v20 =	vld [tilespmem:s23+$0x5550];
	[tilespmem:s23+$0x54E0] =	vst v3;
	v3 =	vmul.f32 v12, v16  }
0x155: {  	[tilespmem:s23+$0x54F0] =	vst v18;
	v22 =	vld [tilespmem:s23+$0x5560];
	v21 =	vmul.f32 v13, v16  }
0x156: {  	v23 =	vld [tilespmem:s23+$0x5570];
	[tilespmem:s23+$0x5500] =	vst v3;
	v3 =	vmul.f32 v15, v16  }
0x157: {  	v24 =	vmul.f32 v17, v16;
	v25 =	vld [tilespmem:s23+$0x5580];
	[tilespmem:s23+$0x5510] =	vst v21  }
0x158: {  	v26 =	vld [tilespmem:s23+$0x5590];
	[tilespmem:s23+$0x5520] =	vst v3;
	v3 =	vmul.f32 v19, v16  }
0x159: {  	v27 =	vmul.f32 v20, v16;
	[tilespmem:s23+$0x5530] =	vst v24;
	v28 =	vld [tilespmem:s23+$0x55A0]  }
0x15a: {  	v30 =	vld [tilespmem:s23+$0x55B0];
	v29 =	vbroadcast v2, $0x9;
	[tilespmem:s23+$0x5540] =	vst v3;
	v3 =	vmul.f32 v22, v16  }
0x15b: {  	v31 =	vmul.f32 v23, v16;
	[tilespmem:s23+$0x5550] =	vst v27;
	v32 =	vld [tilespmem:s23+$0x55C0]  }
0x15c: {  	v33 =	vld [tilespmem:s23+$0x55D0];
	[tilespmem:s23+$0x5560] =	vst v3;
	v3 =	vmul.f32 v25, v29  }
0x15d: {  	[tilespmem:s23+$0x5570] =	vst v31;
	v35 =	vld [tilespmem:s23+$0x55E0];
	v34 =	vmul.f32 v26, v29  }
0x15e: {  	v36 =	vld [tilespmem:s23+$0x55F0];
	[tilespmem:s23+$0x5580] =	vst v3;
	v3 =	vmul.f32 v28, v29  }
0x15f: {  	v37 =	vmul.f32 v30, v29;
	v38 =	vld [tilespmem:s23+$0x5600];
	[tilespmem:s23+$0x5590] =	vst v34  }
0x160: {  	v39 =	vld [tilespmem:s23+$0x5610];
	[tilespmem:s23+$0x55A0] =	vst v3;
	v3 =	vmul.f32 v32, v29  }
0x161: {  	v40 =	vmul.f32 v33, v29;
	[tilespmem:s23+$0x55B0] =	vst v37;
	v41 =	vld [tilespmem:s23+$0x5620]  }
0x162: {  	v43 =	vld [tilespmem:s23+$0x5630];
	v42 =	vbroadcast v2, $0xA;
	[tilespmem:s23+$0x55C0] =	vst v3;
	v3 =	vmul.f32 v35, v29  }
0x163: {  	v44 =	vmul.f32 v36, v29;
	[tilespmem:s23+$0x55D0] =	vst v40;
	v45 =	vld [tilespmem:s23+$0x5640]  }
0x164: {  	v46 =	vld [tilespmem:s23+$0x5650];
	[tilespmem:s23+$0x55E0] =	vst v3;
	v3 =	vmul.f32 v38, v42  }
0x165: {  	[tilespmem:s23+$0x55F0] =	vst v44;
	v48 =	vld [tilespmem:s23+$0x5660];
	v47 =	vmul.f32 v39, v42  }
0x166: {  	v49 =	vld [tilespmem:s23+$0x5670];
	[tilespmem:s23+$0x5600] =	vst v3;
	v3 =	vmul.f32 v41, v42  }
0x167: {  	v50 =	vmul.f32 v43, v42;
	v51 =	vld [tilespmem:s23+$0x5680];
	[tilespmem:s23+$0x5610] =	vst v47  }
0x168: {  	v52 =	vld [tilespmem:s23+$0x5690];
	[tilespmem:s23+$0x5620] =	vst v3;
	v3 =	vmul.f32 v45, v42  }
0x169: {  	v53 =	vmul.f32 v46, v42;
	[tilespmem:s23+$0x5630] =	vst v50;
	v54 =	vld [tilespmem:s23+$0x56A0]  }
0x16a: {  	v56 =	vld [tilespmem:s23+$0x56B0];
	v55 =	vbroadcast v2, $0xB;
	[tilespmem:s23+$0x5640] =	vst v3;
	v3 =	vmul.f32 v48, v42  }
0x16b: {  	v57 =	vmul.f32 v49, v42;
	[tilespmem:s23+$0x5650] =	vst v53;
	v58 =	vld [tilespmem:s23+$0x56C0]  }
0x16c: {  	v59 =	vld [tilespmem:s23+$0x56D0];
	[tilespmem:s23+$0x5660] =	vst v3;
	v3 =	vmul.f32 v51, v55  }
0x16d: {  	[tilespmem:s23+$0x5670] =	vst v57;
	v61 =	vld [tilespmem:s23+$0x56E0];
	v60 =	vmul.f32 v52, v55  }
0x16e: {  	v62 =	vld [tilespmem:s23+$0x56F0];
	[tilespmem:s23+$0x5680] =	vst v3;
	v3 =	vmul.f32 v54, v55  }
0x16f: {  	v63 =	vmul.f32 v56, v55;
	v12 =	vld [tilespmem:s23+$0x5700];
	[tilespmem:s23+$0x5690] =	vst v60  }
0x170: {  	v13 =	vld [tilespmem:s23+$0x5710];
	[tilespmem:s23+$0x56A0] =	vst v3;
	v3 =	vmul.f32 v58, v55  }
0x171: {  	v14 =	vmul.f32 v59, v55;
	[tilespmem:s23+$0x56B0] =	vst v63;
	v15 =	vld [tilespmem:s23+$0x5720]  }
0x172: {  	v17 =	vld [tilespmem:s23+$0x5730];
	v16 =	vbroadcast v2, $0xC;
	[tilespmem:s23+$0x56C0] =	vst v3;
	v3 =	vmul.f32 v61, v55  }
0x173: {  	v18 =	vmul.f32 v62, v55;
	[tilespmem:s23+$0x56D0] =	vst v14;
	v19 =	vld [tilespmem:s23+$0x5740]  }
0x174: {  	v20 =	vld [tilespmem:s23+$0x5750];
	[tilespmem:s23+$0x56E0] =	vst v3;
	v3 =	vmul.f32 v12, v16  }
0x175: {  	[tilespmem:s23+$0x56F0] =	vst v18;
	v22 =	vld [tilespmem:s23+$0x5760];
	v21 =	vmul.f32 v13, v16  }
0x176: {  	v23 =	vld [tilespmem:s23+$0x5770];
	[tilespmem:s23+$0x5700] =	vst v3;
	v3 =	vmul.f32 v15, v16  }
0x177: {  	v24 =	vmul.f32 v17, v16;
	v25 =	vld [tilespmem:s23+$0x5780];
	[tilespmem:s23+$0x5710] =	vst v21  }
0x178: {  	v26 =	vld [tilespmem:s23+$0x5790];
	[tilespmem:s23+$0x5720] =	vst v3;
	v3 =	vmul.f32 v19, v16  }
0x179: {  	v27 =	vmul.f32 v20, v16;
	[tilespmem:s23+$0x5730] =	vst v24;
	v28 =	vld [tilespmem:s23+$0x57A0]  }
0x17a: {  	v30 =	vld [tilespmem:s23+$0x57B0];
	v29 =	vbroadcast v2, $0xD;
	[tilespmem:s23+$0x5740] =	vst v3;
	v3 =	vmul.f32 v22, v16  }
0x17b: {  	v31 =	vmul.f32 v23, v16;
	[tilespmem:s23+$0x5750] =	vst v27;
	v32 =	vld [tilespmem:s23+$0x57C0]  }
0x17c: {  	v33 =	vld [tilespmem:s23+$0x57D0];
	[tilespmem:s23+$0x5760] =	vst v3;
	v3 =	vmul.f32 v25, v29  }
0x17d: {  	[tilespmem:s23+$0x5770] =	vst v31;
	v35 =	vld [tilespmem:s23+$0x57E0];
	v34 =	vmul.f32 v26, v29  }
0x17e: {  	v36 =	vld [tilespmem:s23+$0x57F0];
	[tilespmem:s23+$0x5780] =	vst v3;
	v3 =	vmul.f32 v28, v29  }
0x17f: {  	v37 =	vmul.f32 v30, v29;
	v38 =	vld [tilespmem:s23+$0x5800];
	[tilespmem:s23+$0x5790] =	vst v34  }
0x180: {  	v39 =	vld [tilespmem:s23+$0x5810];
	[tilespmem:s23+$0x57A0] =	vst v3;
	v3 =	vmul.f32 v32, v29  }
0x181: {  	v40 =	vmul.f32 v33, v29;
	[tilespmem:s23+$0x57B0] =	vst v37;
	v41 =	vld [tilespmem:s23+$0x5820]  }
0x182: {  	v43 =	vld [tilespmem:s23+$0x5830];
	v42 =	vbroadcast v2, $0xE;
	[tilespmem:s23+$0x57C0] =	vst v3;
	v3 =	vmul.f32 v35, v29  }
0x183: {  	v44 =	vmul.f32 v36, v29;
	[tilespmem:s23+$0x57D0] =	vst v40;
	v45 =	vld [tilespmem:s23+$0x5840]  }
0x184: {  	v46 =	vld [tilespmem:s23+$0x5850];
	[tilespmem:s23+$0x57E0] =	vst v3;
	v3 =	vmul.f32 v38, v42  }
0x185: {  	[tilespmem:s23+$0x57F0] =	vst v44;
	v48 =	vld [tilespmem:s23+$0x5860];
	v47 =	vmul.f32 v39, v42  }
0x186: {  	v49 =	vld [tilespmem:s23+$0x5870];
	[tilespmem:s23+$0x5800] =	vst v3;
	v3 =	vmul.f32 v41, v42  }
0x187: {  	v50 =	vmul.f32 v43, v42;
	v51 =	vld [tilespmem:s23+$0x5880];
	[tilespmem:s23+$0x5810] =	vst v47  }
0x188: {  	v52 =	vld [tilespmem:s23+$0x5890];
	[tilespmem:s23+$0x5820] =	vst v3;
	v3 =	vmul.f32 v45, v42  }
0x189: {  	v53 =	vmul.f32 v46, v42;
	[tilespmem:s23+$0x5830] =	vst v50;
	v54 =	vld [tilespmem:s23+$0x58A0]  }
0x18a: {  	v2 =	vbroadcast v2, $0xF;
	v58 =	vld [tilespmem:s23+$0x58D0];
	[tilespmem:s23+$0x5840] =	vst v3;
	v3 =	vmul.f32 v48, v42  }
0x18b: {  	v57 =	vld [tilespmem:s23+$0x58C0];
	v56 =	vmul.f32 v49, v42;
	[tilespmem:s23+$0x5850] =	vst v53  }
0x18c: {  	v55 =	vld [tilespmem:s23+$0x58B0];
	[tilespmem:s23+$0x5860] =	vst v3;
	v3 =	vmul.f32 v51, v2  }
0x18d: {  	v60 =	vld [tilespmem:s23+$0x58E0];
	v59 =	vmul.f32 v52, v2;
	[tilespmem:s23+$0x5870] =	vst v56  }
0x18e: {  	v61 =	vld [tilespmem:s23+$0x58F0];
	[tilespmem:s23+$0x5880] =	vst v3;
	v3 =	vmul.f32 v54, v2  }
0x18f: {  	[tilespmem:s23+$0x5890] =	vst v59;
	v63 =	vmul.f32 v58, v2  }
0x190: {  	p0 =	sne.s32 s19, $0x4;
	[tilespmem:s23+$0x58A0] =	vst v3;
	v3 =	vmul.f32 v57, v2  }
.Ltmp2:
0x191: {  	v62 =	vmul.f32 v55, v2;
	[tilespmem:s23+$0x58D0] =	vst v63;
	(pc) =	sbr.rel @p0 .LBB2_7-.Ltmp2, $4  }
0x192: {  	[tilespmem:s23+$0x58C0] =	vst v3;
	v3 =	vmul.f32 v60, v2  }
0x193: {  	[tilespmem:s23+$0x58B0] =	vst v62;
	v2 =	vmul.f32 v61, v2  }
0x194: {  	[tilespmem:s23+$0x58E0] =	vst v3  }
0x195: {  	s19 =	sadd.s32 $0x1, s19;
	[tilespmem:s23+$0x58F0] =	vst v2  }
0x196: {  	[spmem:s3] =	stream.indirect.scatter.add.f32 [tilespmem:s8], [sflag:$0x4], $0x80, s5, s6, $0xb8;
	[tilespmem:$0x1C400] =	vst v63  }
0x197: {  	s2 =	sadd.s32 $0x1, s2;
	_ =	swait.ge [sflag:s1], $0x2800  }
0x198: {  	p0 =	sne.s32 s2, $0x7D;
	[sflag:s1] =	ssyncset.done $0x0  }
.Ltmp3:
0x199: {  	[sflag:s1] =	ssyncadd.s32 $0xFFFFD800;
	(pc) =	sbr.rel @p0 .LBB2_4-.Ltmp3, $4  }
0x19a: {  	[spmem:s4] =	stream.indirect.scatter.add.f32 [tilespmem:s14], [sflag:$0x4], $0x1, s5, s6, $0xb8;
	[tilespmem:$0x1C400] =	vst v63  }
0x19b: {  	_ =	swait.ge [sflag:s1], $0x50  }
0x19c: {  	[sflag:s1] =	ssyncset.done $0x0  }
0x19d: {  	[sflag:s1] =	ssyncadd.s32 $0xFFFFFFB0  }
0x19e: {  	[bflag:$0x0] =	sbarrier.arrive $0xFFFF  }
0x19f: {  	[tilespmem:s31], [sflag:$0x4] =	stream.linear.gather [spmem:s25], $0x2800, $0x38;
	[tilespmem:$0x1C400] =	vst v63  }
0x1a0: {  	_ =	swait.ge [sflag:s1], $0x2800  }
0x1a1: {  	[sflag:s1] =	ssyncset.done $0x0  }
0x1a2: {  	s2 =	rddreg [dreg:$0x5];
	[sflag:s1] =	ssyncadd.s32 $0xFFFFD800  }
0x1a3: {  	[hbm4b:s2+s13] =	stream.linear.scatter [tilespmem:s31], [sflag:$0x4], $0x2800, $0x38;
	[tilespmem:$0x1C400] =	vst v63  }
0x1a4: {  	_ =	swait.ge [sflag:s1], $0x2800  }
0x1a5: {  	[sflag:s1] =	ssyncset.done $0x0  }
0x1a6: {  	s21 =	rddreg [dreg:$0x10];
	[sflag:s1] =	ssyncadd.s32 $0xFFFFD800  }
0x1a7: {  	[tilespmem:s31], [sflag:$0x4] =	stream.linear.gather [spmem:s21], $0x2800, $0x38;
	[tilespmem:$0x1C400] =	vst v63  }
0x1a8: {  	_ =	swait.ge [sflag:s1], $0x2800  }
0x1a9: {  	[sflag:s1] =	ssyncset.done $0x0  }
0x1aa: {  	s22 =	rddreg [dreg:$0x6];
	[sflag:s1] =	ssyncadd.s32 $0xFFFFD800  }
0x1ab: {  	[hbm4b:s22+s13] =	stream.linear.scatter [tilespmem:s31], [sflag:$0x4], $0x2800, $0x38;
	[tilespmem:$0x1C400] =	vst v63  }
0x1ac: {  	_ =	swait.ge [sflag:s1], $0x2800  }
0x1ad: {  	[sflag:s1] =	ssyncset.done $0x0  }
0x1ae: {  	s23 =	smov.u32 s25;
	s25 =	rddreg [dreg:$0x11];
	[sflag:s1] =	ssyncadd.s32 $0xFFFFD800  }
0x1af: {  	[tilespmem:s31], [sflag:$0x4] =	stream.linear.gather [spmem:s25], $0x2800, $0x38;
	[tilespmem:$0x1C400] =	vst v63  }
0x1b0: {  	_ =	swait.ge [sflag:s1], $0x2800  }
0x1b1: {  	[sflag:s1] =	ssyncset.done $0x0  }
0x1b2: {  	s19 =	rddreg [dreg:$0x7];
	[sflag:s1] =	ssyncadd.s32 $0xFFFFD800  }
0x1b3: {  	[hbm4b:s19+s13] =	stream.linear.scatter [tilespmem:s31], [sflag:$0x4], $0x2800, $0x38;
	[tilespmem:$0x1C400] =	vst v63  }
0x1b4: {  	_ =	swait.ge [sflag:s1], $0x2800  }
0x1b5: {  	[sflag:s1] =	ssyncset.done $0x0  }
0x1b6: {  	s21 =	rddreg [dreg:$0x12];
	[sflag:s1] =	ssyncadd.s32 $0xFFFFD800  }
0x1b7: {  	[tilespmem:s31], [sflag:$0x4] =	stream.linear.gather [spmem:s21], $0x2800, $0x38;
	[tilespmem:$0x1C400] =	vst v63  }
0x1b8: {  	_ =	swait.ge [sflag:s1], $0x2800  }
0x1b9: {  	[sflag:s1] =	ssyncset.done $0x0  }
0x1ba: {  	s22 =	rddreg [dreg:$0x8];
	[sflag:s1] =	ssyncadd.s32 $0xFFFFD800  }
0x1bb: {  	[hbm4b:s22+s13] =	stream.linear.scatter [tilespmem:s31], [sflag:$0x4], $0x2800, $0x38;
	[tilespmem:$0x1C400] =	vst v63  }
0x1bc: {  	_ =	swait.ge [sflag:s1], $0x2800  }
0x1bd: {  	[sflag:s1] =	ssyncset.done $0x0  }
0x1be: {  	[sflag:s1] =	ssyncadd.s32 $0xFFFFD800  }
0x1bf: {  	[tilespmem:s31], [sflag:$0x4] =	stream.linear.gather [spmem:s26], $0x2800, $0x38;
	[tilespmem:$0x1C400] =	vst v63  }
0x1c0: {  	_ =	swait.ge [sflag:s1], $0x2800  }
0x1c1: {  	[sflag:s1] =	ssyncset.done $0x0  }
0x1c2: {  	s25 =	rddreg [dreg:$0x9];
	[sflag:s1] =	ssyncadd.s32 $0xFFFFD800  }
0x1c3: {  	[hbm4b:s25+s13] =	stream.linear.scatter [tilespmem:s31], [sflag:$0x4], $0x2800, $0x38;
	[tilespmem:$0x1C400] =	vst v63  }
0x1c4: {  	_ =	swait.ge [sflag:s1], $0x2800  }
0x1c5: {  	[sflag:s1] =	ssyncset.done $0x0  }
0x1c6: {  	[sflag:s1] =	ssyncadd.s32 $0xFFFFD800  }
0x1c7: {  	[tilespmem:s31], [sflag:$0x4] =	stream.linear.gather [spmem:s28], $0x2800, $0x38;
	[tilespmem:$0x1C400] =	vst v63  }
0x1c8: {  	_ =	swait.ge [sflag:s1], $0x2800  }
0x1c9: {  	[sflag:s1] =	ssyncset.done $0x0  }
0x1ca: {  	s19 =	rddreg [dreg:$0xa];
	[sflag:s1] =	ssyncadd.s32 $0xFFFFD800  }
0x1cb: {  	[hbm4b:s19+s13] =	stream.linear.scatter [tilespmem:s31], [sflag:$0x4], $0x2800, $0x38;
	[tilespmem:$0x1C400] =	vst v63  }
0x1cc: {  	_ =	swait.ge [sflag:s1], $0x2800  }
0x1cd: {  	[sflag:s1] =	ssyncset.done $0x0  }
0x1ce: {  	[sflag:s1] =	ssyncadd.s32 $0xFFFFD800  }
0x1cf: {  	[tilespmem:s31], [sflag:$0x4] =	stream.linear.gather [spmem:s29], $0x2800, $0x38;
	[tilespmem:$0x1C400] =	vst v63  }
0x1d0: {  	_ =	swait.ge [sflag:s1], $0x2800  }
0x1d1: {  	[sflag:s1] =	ssyncset.done $0x0  }
0x1d2: {  	s21 =	rddreg [dreg:$0xb];
	[sflag:s1] =	ssyncadd.s32 $0xFFFFD800  }
0x1d3: {  	[hbm4b:s21+s13] =	stream.linear.scatter [tilespmem:s31], [sflag:$0x4], $0x2800, $0x38;
	[tilespmem:$0x1C400] =	vst v63  }
0x1d4: {  	_ =	swait.ge [sflag:s1], $0x2800  }
0x1d5: {  	[sflag:s1] =	ssyncset.done $0x0  }
0x1d6: {  	[sflag:s1] =	ssyncadd.s32 $0xFFFFD800  }
0x1d7: {  	[tilespmem:s31], [sflag:$0x4] =	stream.linear.gather [spmem:s30], $0x2800, $0x38;
	[tilespmem:$0x1C400] =	vst v63  }
0x1d8: {  	_ =	swait.ge [sflag:s1], $0x2800  }
0x1d9: {  	[sflag:s1] =	ssyncset.done $0x0  }
0x1da: {  	s22 =	rddreg [dreg:$0xc];
	[sflag:s1] =	ssyncadd.s32 $0xFFFFD800  }
0x1db: {  	[hbm4b:s22+s13] =	stream.linear.scatter [tilespmem:s31], [sflag:$0x4], $0x2800, $0x38;
	[tilespmem:$0x1C400] =	vst v63  }
0x1dc: {  	_ =	swait.ge [sflag:s1], $0x2800  }
0x1dd: {  	[sflag:s1] =	ssyncset.done $0x0  }
0x1de: {  	s21 =	simm.s32 $0x7E80;
	[sflag:s1] =	ssyncadd.s32 $0xFFFFD800  }
0x1df: {  	[tilespmem:s21], [sflag:$0x4] =	stream.linear.gather [spmem:s24], $0x280, $0x38;
	[tilespmem:$0x1C400] =	vst v63  }
0x1e0: {  	_ =	swait.ge [sflag:s1], $0x280  }
0x1e1: {  	[sflag:s1] =	ssyncset.done $0x0  }
0x1e2: {  	s22 =	smov.u32 s24;
	s24 =	rddreg [dreg:$0xd];
	[sflag:s1] =	ssyncadd.s32 $0xFFFFFD80  }
0x1e3: {  	[hbm4b:s24+s13] =	stream.linear.scatter [tilespmem:s21], [sflag:$0x4], $0x280, $0x38;
	[tilespmem:$0x1C400] =	vst v63  }
0x1e4: {  	_ =	swait.ge [sflag:s1], $0x280  }
0x1e5: {  	s18 =	sadd.s32 $0x1, s18;
	s25 =	rddreg [dreg:$0xf]  }
0x1e6: {  	p0 =	sne.s32 s18, s25  }
.Ltmp4:
0x1e7: {  	_ = 	snop;
	(pc) =	sbr.rel @p0 .LBB2_1-.Ltmp4, $3  }
0x1e8: {  	_ =	sdelay $0x1  }
0x1e9: {  	[sflag:s1] =	ssyncset.done $0x0  }
0x1ea: {  	[sflag:s1] =	ssyncadd.s32 $0xFFFFFD80  }
0x1eb: {  	_ =	sfence.sel $0x180000  }
0x1ec: {  	[bflag:$0x0] =	sbarrier.arrive $0xFFFF  }
0x1ed: {  	_ =	strace $0x9000004A  }
0x1ee: {  	s0 =	stileid.u32;
	[bflag:$0x2] =	sbarrier.arrive $0xFFFF  }
0x1ef: {  	p0 =	sne.s32 s0, $0x0;
	s0 =	rddreg [dreg:$0x4]  }
0x1f0: {  	s0 =	sadd.s32 @!p0 $0x100000, s0  }
0x1f1: {  	[sflag:s0] =	ssyncadd.tile.s32 @!p0 $0x1;
	_ =	shalt  }
.Lfunc_end2:
_tile_overlayer_lowered:
.L_overlay_start_2:
0x1f2: {  	(tag) =	ssettag $0x2  }
0x1f3: {  	s0 =	rddreg [dreg:$0x0];
	s2 =	stileid.u32  }
0x1f4: {  	s1 =	rddreg [dreg:$0x1];
	p0 =	sne.s32 s2, $0x0  }
0x1f5: {  	s3 =	rddreg [dreg:$0x2];
	[bflag:$0x3] =	sbarrier.arrive $0xFFFF;
	s2 =	simm.s32 @!p0 $0x1C04  }
0x1f6: {  	[timem:s3], [sflag:s2] =	dma.local @!p0 [hbm:s0], s1  }
0x1f7: {  	s0 =	simm.s32 @!p0 $0x4  }
0x1f8: {  	_ =	swait.ge @!p0 [sflag:s0], s1  }
0x1f9: {  	s1 =	ssub.s32 @!p0 $0x0, s1;
	[sflag:s0] =	ssyncset.done @!p0 $0x0  }
0x1fa: {  	[sflag:s0] =	ssyncadd.s32 @!p0 s1  }
0x1fb: {  	[bflag:$0x3] =	sbarrier.arrive $0xFFFF  }
0x1fc: {  	_ =	shalt  }

// kernel: kernel.7.cloned.1.call-start
scs
__scs_entry_jumppad:
0x0: {  	(pc) =	sbr.rel $0x88, $3  }
0x1: {  	(tag) =	ssettag $0x0;
	lr =	simm.s32 $0x1  }
0x2: {  	[smem:$0x3F9C] =	sst lr;
	_ =	strace $0xD0000000  }
0x3: {  	_ = 	snop  }
0x4: {  	_ = 	snop  }
0x5: {  	_ = 	snop  }
0x6: {  	_ = 	snop  }
0x7: {  	_ = 	snop  }
__scs_overlays_trampoline_lowered:
0x8: {  	[smem:$0x3FAB] =	sst s0  }
0x9: {  	[smem:$0x3FAC] =	sst s1  }
0xa: {  	[smem:$0x3FAD] =	sst s2  }
0xb: {  	[smem:$0x3FAE] =	sst s3  }
0xc: {  	[smem:$0x3FAF] =	sst s4  }
0xd: {  	[smem:$0x3FB0] =	sst s5  }
0xe: {  	[smem:$0x3FB1] =	sst s6  }
0xf: {  	[smem:$0x3FB2] =	sst s7  }
0x10: {  	[smem:$0x3FB3] =	sst s8  }
0x11: {  	[smem:$0x3FB4] =	sst s9;
	s0 =	simm.s32 @!p0 $0x0  }
0x12: {  	s1 =	sld [smem:$0x3F9A];
	s0 =	simm.s32 @p0 $0x1  }
0x13: {  	[smem:$0x3FB5] =	sst s0;
	s0 =	simm.s32 @!p1 $0x0  }
0x14: {  	s2 =	sld [smem:$0x3F99];
	s0 =	simm.s32 @p1 $0x1  }
0x15: {  	[smem:$0x3FB6] =	sst s0;
	s0 =	simm.s32 @!p2 $0x0  }
0x16: {  	s3 =	sld [smem:$0x3FDB];
	s0 =	simm.s32 @p2 $0x1  }
0x17: {  	s4 =	simm.s32 $0x1BF5;
	[smem:$0x3FB8] =	sst s0  }
0x18: {  	s0 =	sld [smem:$0x3F9B];
	_ =	swait.ge [sflag:s4], $0x0  }
0x19: {  	s7 =	sld [smem:$0x3F9C]  }
0x1a: {  	s8 =	sadd.s32 $0xFFFFE003, lr  }
0x1b: {  	s9 =	sadd.s32 $0xFFFFFEF7, lr;
	s5 =	simm.s32 $0xFFFFFFFF;
	p2 =	slt.u32 s8, $0xFFFFF086  }
0x1c: {  	p1 =	slt.u32 s9, $0xF7A;
	s5 =	simm.s32 @!p2 $0x0  }
0x1d: {  	s5 =	simm.s32 @p1 $0x1;
	p0 =	seq.s32 s7, s2  }
0x1e: {  	s7 =	smul.u32 @!p0 $0xF7A, s2;
	p2 =	seq.s32 @!p0 s5, $0x0  }
0x1f: {  	s9 =	smul.u32 $0xF7A, s1;
	s8 =	simm.s32 @!p0 $0x1BF5;
	p2 =	por !p2, p0  }
0x20: {  	[sflag:s8] =	ssyncset.s32 @!p0 $0xFFFFF086;
	s6 =	sadd.s32 @!p0 s3, s7;
	s7 =	simm.s32 @!p0 $0x108  }
0x21: {  	s3 =	sadd.s32 s3, s9;
	s6 =	sadd.s32 @!p0 $0x88, s6;
	s7 =	simm.s32 @p2 $0x1082  }
0x22: {  	[simem:s7], [sflag:s8] =	dma.local @!p0 [hbm:s6], $0xF7A  }
0x23: {  	s9 =	sor.u32 $0xD0000000, s2;
	s6 =	simm.s32 $0x108;
	_ =	swait.ge @!p0 [sflag:s8], $0x0  }
0x24: {  	s3 =	sadd.s32 $0x88, s3;
	s6 =	simm.s32 @!p1 $0x1082;
	[sflag:s4] =	ssyncset.s32 $0xFFFFF086  }
0x25: {  	[simem:s6], [sflag:s4] =	dma.local [hbm:s3], $0xF7A  }
0x26: {  	[smem:$0x3F9C] =	sst s1;
	(tag) =	ssettag s2;
	_ =	strace s9  }
0x27: {  	s1 =	sld [smem:$0x3FAC]  }
0x28: {  	s2 =	sld [smem:$0x3FAD]  }
0x29: {  	s4 =	sld [smem:$0x3FAF]  }
0x2a: {  	p0 =	seq.s32 s5, $0x0;
	s5 =	sld [smem:$0x3FB0]  }
0x2b: {  	s6 =	sld [smem:$0x3FB1]  }
0x2c: {  	s7 =	sld [smem:$0x3FB2]  }
0x2d: {  	s3 =	simm.s32 $0x108;
	s8 =	sld [smem:$0x3FB3]  }
0x2e: {  	s3 =	simm.s32 @!p0 $0x1082;
	s9 =	sld [smem:$0x3FB4]  }
0x2f: {  	lr =	sadd.s32 s0, s3;
	s0 =	sld [smem:$0x3FAB]  }
0x30: {  	s3 =	sld [smem:$0x3FAE]  }
0x31: {  	[smem:$0x3FB7] =	sst s10  }
0x32: {  	s10 =	sld [smem:$0x3FB5];
	_ =	sdelay $0x3  }
0x33: {  	p0 =	seq.s32 s10, $0x1;
	s10 =	sld [smem:$0x3FB7];
	_ =	sdelay $0x3  }
0x34: {  	[smem:$0x3FB7] =	sst s10  }
0x35: {  	s10 =	sld [smem:$0x3FB6];
	_ =	sdelay $0x3  }
0x36: {  	p1 =	seq.s32 s10, $0x1;
	s10 =	sld [smem:$0x3FB7];
	_ =	sdelay $0x3  }
0x37: {  	[smem:$0x3FB7] =	sst s10  }
0x38: {  	s10 =	sld [smem:$0x3FB8]  }
0x39: {  	_ = 	snop;
	(pc) =	sbr.ind lr, $3  }
0x3a: {  	_ = 	snop  }
0x3b: {  	_ = 	snop  }
0x3c: {  	p2 =	seq.s32 s10, $0x1;
	s10 =	sld [smem:$0x3FB7]  }
0x3d: {  	_ =	shalt  }
0x3e: {  	_ =	shalt  }
0x3f: {  	_ =	shalt  }
0x40: {  	_ =	shalt  }
0x41: {  	_ =	shalt  }
0x42: {  	_ =	shalt  }
0x43: {  	_ =	shalt  }
0x44: {  	_ =	shalt  }
0x45: {  	_ =	shalt  }
0x46: {  	_ =	shalt  }
0x47: {  	_ =	shalt  }
0x48: {  	_ =	shalt  }
0x49: {  	_ =	shalt  }
0x4a: {  	_ =	shalt  }
0x4b: {  	_ =	shalt  }
0x4c: {  	_ =	shalt  }
0x4d: {  	_ =	shalt  }
0x4e: {  	_ =	shalt  }
0x4f: {  	_ =	shalt  }
0x50: {  	_ =	shalt  }
0x51: {  	_ =	shalt  }
0x52: {  	_ =	shalt  }
0x53: {  	_ =	shalt  }
0x54: {  	_ =	shalt  }
0x55: {  	_ =	shalt  }
0x56: {  	_ =	shalt  }
0x57: {  	_ =	shalt  }
0x58: {  	_ =	shalt  }
0x59: {  	_ =	shalt  }
0x5a: {  	_ =	shalt  }
0x5b: {  	_ =	shalt  }
0x5c: {  	_ =	shalt  }
0x5d: {  	_ =	shalt  }
0x5e: {  	_ =	shalt  }
0x5f: {  	_ =	shalt  }
0x60: {  	_ =	shalt  }
0x61: {  	_ =	shalt  }
0x62: {  	_ =	shalt  }
0x63: {  	_ =	shalt  }
0x64: {  	_ =	shalt  }
0x65: {  	_ =	shalt  }
0x66: {  	_ =	shalt  }
0x67: {  	_ =	shalt  }
0x68: {  	_ =	shalt  }
0x69: {  	_ =	shalt  }
0x6a: {  	_ =	shalt  }
0x6b: {  	_ =	shalt  }
0x6c: {  	_ =	shalt  }
0x6d: {  	_ =	shalt  }
0x6e: {  	_ =	shalt  }
0x6f: {  	_ =	shalt  }
0x70: {  	_ =	shalt  }
0x71: {  	_ =	shalt  }
0x72: {  	_ =	shalt  }
0x73: {  	_ =	shalt  }
0x74: {  	_ =	shalt  }
0x75: {  	_ =	shalt  }
0x76: {  	_ =	shalt  }
0x77: {  	_ =	shalt  }
0x78: {  	_ =	shalt  }
0x79: {  	_ =	shalt  }
0x7a: {  	_ =	shalt  }
0x7b: {  	_ =	shalt  }
0x7c: {  	_ =	shalt  }
0x7d: {  	_ =	shalt  }
0x7e: {  	_ =	shalt  }
0x7f: {  	_ =	shalt  }
0x80: {  	_ =	shalt  }
0x81: {  	_ =	shalt  }
0x82: {  	_ =	shalt  }
0x83: {  	_ =	shalt  }
0x84: {  	_ =	shalt  }
0x85: {  	_ =	shalt  }
0x86: {  	_ =	shalt  }
0x87: {  	_ =	shalt  }
.Lfunc_end0:
.L_simem_size_0:
called_computation_lowered:
.L_overlay_start_0:
0x88: {  	s2 =	sld [smem:$0x3FD9]  }
0x89: {  	s3 =	sld [smem:$0x3FFE];
	_ =	sdelay $0x1  }
0x8a: {  	s1 =	srdreg.scid  }
0x8b: {  	s0 =	sand.u32 $0x1, s1  }
0x8c: {  	s17 =	sshll.u32 s0, $0xA;
	s2 =	sadd.s32 s3, s2  }
0x8d: {  	s2 =	sadd.s32 s2, s17  }
0x8e: {  	[smem:$0x3FC3] =	sst s2  }
0x8f: {  	_ = 	snop  }
0x90: {  	s2 =	sld [smem:$0x3FD0];
	(tm) =	ssettm $0x1  }
0x91: {  	s18 =	sld [smem:$0x3FFB];
	_ =	sdelay $0x3  }
0x92: {  	_ =	strace s18  }
0x93: {  	s3 =	sld [smem:$0x3FFC];
	_ =	sdelay $0x3  }
0x94: {  	_ =	strace s3  }
0x95: {  	s3 =	sld [smem:$0x3FFD];
	_ =	sdelay $0x3  }
0x96: {  	_ =	strace s3  }
0x97: {  	_ =	strace $0x8FFFFFFF  }
0x98: {  	s19 =	sld [smem:$0x3FDB];
	_ =	sdelay $0x1  }
0x99: {  	s4 =	simm.s32 $_scs_section_size  }
0x9a: {  	s5 =	simm.s32 $_size__tile_overlayer_lowered;
	s6 =	simm.s32 $_tile_overlayer_lowered  }
0x9b: {  	s22 =	simm.s32 $0x1BFF;
	s21 =	sshll.u32 s6, $0x1;
	s3 =	sadd.s32 s4, s19  }
0x9c: {  	s7 =	simm.s32 $0x0;
	s20 =	sshll.u32 s5, $0x1;
	s5 =	sadd.s32 s21, s3  }
0x9d: {  	[timem:s7], [sflag:s22] =	dma.local [hbm:s5], s20  }
0x9e: {  	_ =	swait.ge [sflag:s22], s20  }
0x9f: {  	s4 =	ssub.s32 $0x0, s20;
	[sflag:s22] =	ssyncset.done $0x0  }
0xa0: {  	[sflag:s22] =	ssyncadd.s32 s4;
	_ =	sdelay $0x1  }
0xa1: {  	s23 =	simm.s32 $0x1B8B  }
0xa2: {  	_ =	swait.ge [sflag:s23], $0x1  }
0xa3: {  	[sflag:s23] =	ssyncset.done $0x0  }
0xa4: {  	s25 =	simm.s32 $0x1B8E;
	s24 =	sld [smem:$0x3FFE];
	[sflag:s23] =	ssyncadd.s32 $0xFFFFFFFF  }
0xa5: {  	s26 =	simm.s32 $execute0_lowered;
	[smem:$0x3FD2] =	sst s25  }
0xa6: {  	s5 =	sshll.u32 s26, $0x1;
	_ =	strace $0x80000046;
	[dreg:$0x1] =	wrdreg $0xFFFFFFFF  }
0xa7: {  	s28 =	simm.s32 $_size_execute0_lowered;
	s3 =	sadd.s32 s3, s5;
	[dreg:$0x0] =	wrdreg $0x0  }
0xa8: {  	s5 =	sshll.u32 s28, $0x1;
	[dreg:$0x2] =	wrdreg s3  }
0xa9: {  	[dreg:$0x3] =	wrdreg s5  }
0xaa: {  	[dreg:$0x4] =	wrdreg $0xC0  }
0xab: {  	_ =	task [dreg:s7], $0x5FFFF  }
0xac: {  	[dreg:$0x1] =	wrdreg $0xFFFFFFFF  }
0xad: {  	[dreg:$0x0] =	wrdreg $0x60  }
0xae: {  	[dreg:$0x2] =	wrdreg s2  }
0xaf: {  	[dreg:$0x3] =	wrdreg s24  }
0xb0: {  	[dreg:$0x4] =	wrdreg $0x81800  }
0xb1: {  	[dreg:$0x5] =	wrdreg $0x1C1800  }
0xb2: {  	[dreg:$0x6] =	wrdreg $0x9  }
0xb3: {  	_ =	task.clear_ibuf [dreg:s7], $0x7FFFF;
	_ =	strace $0x90000046  }
0xb4: {  	s29 =	simm.s32 $0x9;
	_ =	strace $0x80000048  }
0xb5: {  	_ =	swait.ge [sflag:s29], $0x1  }
0xb6: {  	[sflag:s29] =	ssyncadd.s32 $0xFFFFFFFF  }
0xb7: {  	_ =	strace $0x90000048  }
0xb8: {  	_ =	sfence  }
0xb9: {  	s30 =	sld [smem:$0x0];
	_ =	sdelay $0x2  }
0xba: {  	s31 =	sshll.u32 s1, $0xD;
	s1 =	sshrl.u32 s1, $0x2  }
0xbb: {  	s3 =	sand.u32 $0x4000, s31;
	s1 =	sadd.s32 s1, s30  }
0xbc: {  	s0 =	sor.u32 s3, s0;
	s1 =	sshll.u32 s1, $0x11  }
0xbd: {  	s0 =	sor.u32 s1, s0  }
0xbe: {  	s0 =	sadd.s32 $0x8F2B, s0  }
0xbf: {  	[sflag:s0] =	ssyncadd.remote.s32 $0x1  }
0xc0: {  	_ =	sfence.sel $0xFFFF  }
0xc1: {  	[dreg:$0x0] =	wrdreg $0xFFFFFFFF;
	(pc) =	sbr.abs _section_cstart, $3  }
0xc2: {  	[dreg:$0x1] =	wrdreg $0xFFFFFFFF  }
0xc3: {  	_ =	task.clear_ibuf [dreg:s7], $0x2FFFF;
	_ =	strace $0x9FFFFFFF  }
0xc4: {  	(tm) =	ssettm $0x7FFFFFFF  }
0xc5: {  	_ =	shalt  }
tec
execute0_lowered:
.L_overlay_start_1:
0x0: {  	(tag) =	ssettag $0x1  }
0x1: {  	s0 =	rddreg [dreg:$0x0]  }
0x2: {  	s1 =	rddreg [dreg:$0x1];
	s2 =	srdreg.scid  }
0x3: {  	s3 =	rddreg [dreg:$0x2];
	s15 =	stileid.u32  }
0x4: {  	s4 =	rddreg [dreg:$0x3];
	s31 =	simm.s32 $0x100;
	s7 =	smul.u32 $0x280, s15  }
0x5: {  	s2 =	sand.u32 $0x1, s2;
	s8 =	sadd.s32 $0x3DC00, s1;
	s11 =	smul.u32 $0x14000, s15  }
0x6: {  	s24 =	sshll.u32 s15, $0x1;
	s5 =	ssub.s32 $0x2, s2;
	s9 =	smul.u32 $0x140000, s2  }
0x7: {  	p0 =	seq.s32 s2, $0x1;
	s6 =	sshrl.u32 s5, $0x1;
	s10 =	sshll.u32 s7, $0x7  }
0x8: {  	s5 =	ssub.s32 s5, s6;
	s6 =	sor.u32 s2, s24;
	s2 =	sor.u32 $0x2800, s10  }
0x9: {  	s12 =	sadd.s32 $0x5000, s10;
	s14 =	sadd.s32 $0x7800, s10;
	s18 =	sadd.s32 $0xA000, s10  }
0xa: {  	s19 =	sadd.s32 $0xC800, s10;
	s21 =	sadd.s32 $0xF000, s10;
	s11 =	sadd.s32 s9, s11  }
0xb: {  	s10 =	sadd.s32 $0x11800, s10;
	s11 =	sshrl.u32 s11, $0x3;
	s13 =	sadd.s32 s9, s2  }
0xc: {  	s26 =	sadd.s32 s9, s12;
	s17 =	sadd.s32 s9, s14;
	s22 =	sadd.s32 s9, s18  }
0xd: {  	s24 =	sadd.s32 s9, s19;
	s5 =	smax.u32 s5, $0x1;
	s28 =	sadd.s32 s19, s3  }
0xe: {  	s29 =	sadd.s32 s21, s3;
	s30 =	sadd.s32 s10, s3;
	s11 =	sadd.s32 s8, s11  }
0xf: {  	s25 =	sshrl.u32 s13, $0x3;
	s16 =	sshrl.u32 s26, $0x3;
	s20 =	sshrl.u32 s17, $0x3  }
0x10: {  	s23 =	sshrl.u32 s22, $0x3;
	s26 =	sadd.s32 s9, s21;
	s9 =	sadd.s32 s9, s10  }
0x11: {  	s17 =	sshrl.u32 s7, $0x3;
	s22 =	sadd.s32 s7, s4;
	s21 =	simm.s32 $0x7E80  }
0x12: {  	s7 =	simm.s32 $0x2900;
	s10 =	simm.s32 $0x2;
	[dreg:$0x5] =	wrdreg s11  }
0x13: {  	s11 =	sadd.s32 s8, s25;
	s25 =	sshrl.u32 s24, $0x3;
	s13 =	sshrl.u32 s26, $0x3  }
0x14: {  	s9 =	sshrl.u32 s9, $0x3;
	[dreg:$0x6] =	wrdreg s11;
	s11 =	sadd.s32 s8, s16  }
0x15: {  	s24 =	sadd.s32 s2, s3;
	[dreg:$0x7] =	wrdreg s11;
	s11 =	sadd.s32 s8, s20  }
0x16: {  	s26 =	sadd.s32 s14, s3;
	[dreg:$0x8] =	wrdreg s11;
	s11 =	sadd.s32 s8, s23  }
0x17: {  	s14 =	simm.s32 $0x7E00;
	[dreg:$0x9] =	wrdreg s11;
	s11 =	sadd.s32 s8, s25  }
0x18: {  	s20 =	smul.u32 $0x50000, s15;
	[dreg:$0xa] =	wrdreg s11;
	s11 =	sadd.s32 s8, s13  }
0x19: {  	s15 =	sadd.s32 $0x15C00, s1;
	[dreg:$0xb] =	wrdreg s11;
	s11 =	simm.s32 $0x3D600  }
0x1a: {  	s23 =	sshrl.u32 s20, $0x2;
	s8 =	sadd.s32 s8, s9;
	s11 =	simm.s32 @!p0 $0x3D000  }
0x1b: {  	s13 =	simm.s32 $0x0;
	[dreg:$0xc] =	wrdreg s8;
	s16 =	sadd.s32 s11, s1  }
0x1c: {  	[smem:$0x7FF] =	sst s13;
	s8 =	sadd.s32 s16, s17;
	s16 =	sadd.s32 $0xBE00, s1  }
0x1d: {  	s17 =	sadd.s32 $0x2000, s1;
	s1 =	sadd.s32 $0x3CE00, s1;
	[dreg:$0xd] =	wrdreg s8  }
0x1e: {  	s20 =	smul.u32 $0x2710, s6;
	_ =	strace $0x80000047;
	[dreg:$0xe] =	wrdreg s1  }
0x1f: {  	s25 =	sadd.s32 s12, s3;
	s6 =	simm.s32 $0x50;
	[dreg:$0xf] =	wrdreg s5  }
0x20: {  	s12 =	simm.s32 $0x7900;
	s23 =	sadd.s32 s23, s3;
	[dreg:$0x10] =	wrdreg s24  }
0x21: {  	s9 =	simm.s32 $0x1;
	s11 =	simm.s32 $0x3;
	[dreg:$0x11] =	wrdreg s25  }
0x22: {  	v1 =	vlaneseq.u32;
	s8 =	simm.s32 $0x5100;
	[dreg:$0x12] =	wrdreg s26;
	s26 =	sadd.s32 s18, s3  }
0x23: {  	v0 =	vimm.f32 $0.0e+00;
	v1 =	vmul.u32 $0x10, v1;
	s1 =	simm.s32 $0x4;
	s5 =	simm.s32 $0x80;
	s18 =	simm.s32 $0x0  }
.LBB2_1:
0x24: {  	s2 =	rddreg [dreg:$0xe];
	s19 =	simm.s32 $0x8100  }
0x25: {  	[tilespmem:s19], [sflag:$0x4] =	stream.linear.gather [hbm4b:s2+s13], $0x80, $0x38;
	[tilespmem:$0x1C400] =	vst v63  }
0x26: {  	_ =	swait.ge [sflag:s1], $0x80  }
0x27: {  	[sflag:s1] =	ssyncset.done $0x0  }
0x28: {  	s2 =	simm.s32 $0x0;
	s19 =	simm.s32 $0x200;
	[sflag:s1] =	ssyncadd.s32 $0xFFFFFF80  }
.LBB2_2:
0x29: {  	p0 =	sne.s32 s19, $0x9E00;
	[tilespmem:s2+$0x170] =	vst v0  }
0x2a: {  	[tilespmem:s2+$0x100] =	vst v0  }
0x2b: {  	[tilespmem:s2+$0x110] =	vst v0  }
.Ltmp0:
0x2c: {  	[tilespmem:s2+$0x120] =	vst v0;
	(pc) =	sbr.rel @p0 .LBB2_2-.Ltmp0, $4  }
0x2d: {  	[tilespmem:s2+$0x130] =	vst v0  }
0x2e: {  	[tilespmem:s2+$0x140] =	vst v0  }
0x2f: {  	[tilespmem:s2+$0x150] =	vst v0  }
0x30: {  	[tilespmem:s2+$0x160] =	vst v0;
	s2 =	sshra.s32 s19, $0x2;
	s19 =	sadd.s32 $0x200, s19  }
0x31: {  	[tilespmem:s2+$0x170] =	vst v0  }
0x32: {  	[tilespmem:s2+$0x100] =	vst v0  }
0x33: {  	[tilespmem:s2+$0x110] =	vst v0  }
0x34: {  	[tilespmem:s2+$0x120] =	vst v0  }
0x35: {  	[tilespmem:s2+$0x130] =	vst v0  }
0x36: {  	[tilespmem:s2+$0x140] =	vst v0  }
0x37: {  	[tilespmem:s2+$0x150] =	vst v0  }
0x38: {  	[tilespmem:s2+$0x160] =	vst v0  }
0x39: {  	[tilespmem:$0x7E80] =	vst v0  }
0x3a: {  	[tilespmem:$0x7E90] =	vst v0  }
0x3b: {  	[tilespmem:$0x7EA0] =	vst v0  }
0x3c: {  	[tilespmem:$0x7EB0] =	vst v0  }
0x3d: {  	[tilespmem:$0x7EC0] =	vst v0  }
0x3e: {  	[tilespmem:$0x7ED0] =	vst v0  }
0x3f: {  	[tilespmem:$0x7EE0] =	vst v0  }
0x40: {  	[tilespmem:$0x7EF0] =	vst v0  }
0x41: {  	[tilespmem:$0x7F00] =	vst v0  }
0x42: {  	[tilespmem:$0x7F10] =	vst v0  }
0x43: {  	[tilespmem:$0x7F20] =	vst v0  }
0x44: {  	[tilespmem:$0x7F30] =	vst v0  }
0x45: {  	[tilespmem:$0x7F40] =	vst v0  }
0x46: {  	[tilespmem:$0x7F50] =	vst v0  }
0x47: {  	[tilespmem:$0x7F60] =	vst v0  }
0x48: {  	[tilespmem:$0x7F70] =	vst v0  }
0x49: {  	[tilespmem:$0x7F80] =	vst v0  }
0x4a: {  	[tilespmem:$0x7F90] =	vst v0  }
0x4b: {  	[tilespmem:$0x7FA0] =	vst v0  }
0x4c: {  	[tilespmem:$0x7FB0] =	vst v0  }
0x4d: {  	[tilespmem:$0x7FC0] =	vst v0  }
0x4e: {  	[tilespmem:$0x7FD0] =	vst v0  }
0x4f: {  	[tilespmem:$0x7FE0] =	vst v0  }
0x50: {  	[tilespmem:$0x7FF0] =	vst v0  }
0x51: {  	[tilespmem:$0x8000] =	vst v0  }
0x52: {  	[tilespmem:$0x8010] =	vst v0  }
0x53: {  	[tilespmem:$0x8020] =	vst v0  }
0x54: {  	[tilespmem:$0x8030] =	vst v0  }
0x55: {  	[tilespmem:$0x8040] =	vst v0  }
0x56: {  	[tilespmem:$0x8050] =	vst v0  }
0x57: {  	[tilespmem:$0x8060] =	vst v0  }
0x58: {  	[tilespmem:$0x8070] =	vst v0  }
0x59: {  	[tilespmem:$0x8080] =	vst v0  }
0x5a: {  	[tilespmem:$0x8090] =	vst v0  }
0x5b: {  	[tilespmem:$0x80A0] =	vst v0  }
0x5c: {  	[tilespmem:$0x80B0] =	vst v0  }
0x5d: {  	[tilespmem:$0x80C0] =	vst v0  }
0x5e: {  	[tilespmem:$0x80D0] =	vst v0  }
0x5f: {  	[tilespmem:$0x80E0] =	vst v0  }
0x60: {  	[tilespmem:$0x80F0] =	vst v0  }
0x61: {  	[spmem:s22] =	stream.linear.scatter [tilespmem:s21], [sflag:$0x4], $0x280, $0x38;
	[tilespmem:$0x1C400] =	vst v63  }
0x62: {  	_ =	swait.ge [sflag:s1], $0x280  }
0x63: {  	[sflag:s1] =	ssyncset.done $0x0  }
0x64: {  	[sflag:s1] =	ssyncadd.s32 $0xFFFFFD80  }
0x65: {  	[spmem:s23] =	stream.linear.scatter [tilespmem:s31], [sflag:$0x4], $0x2800, $0x38;
	[tilespmem:$0x1C400] =	vst v63  }
0x66: {  	_ =	swait.ge [sflag:s1], $0x2800  }
0x67: {  	[sflag:s1] =	ssyncset.done $0x0  }
0x68: {  	s21 =	rddreg [dreg:$0x10];
	[sflag:s1] =	ssyncadd.s32 $0xFFFFD800  }
0x69: {  	[spmem:s21] =	stream.linear.scatter [tilespmem:s31], [sflag:$0x4], $0x2800, $0x38;
	[tilespmem:$0x1C400] =	vst v63  }
0x6a: {  	_ =	swait.ge [sflag:s1], $0x2800  }
0x6b: {  	[sflag:s1] =	ssyncset.done $0x0  }
0x6c: {  	s24 =	smov.u32 s22;
	s22 =	rddreg [dreg:$0x11];
	[sflag:s1] =	ssyncadd.s32 $0xFFFFD800  }
0x6d: {  	[spmem:s22] =	stream.linear.scatter [tilespmem:s31], [sflag:$0x4], $0x2800, $0x38;
	[tilespmem:$0x1C400] =	vst v63  }
0x6e: {  	_ =	swait.ge [sflag:s1], $0x2800  }
0x6f: {  	[sflag:s1] =	ssyncset.done $0x0  }
0x70: {  	s25 =	smov.u32 s23;
	s23 =	rddreg [dreg:$0x12];
	[sflag:s1] =	ssyncadd.s32 $0xFFFFD800  }
0x71: {  	[spmem:s23] =	stream.linear.scatter [tilespmem:s31], [sflag:$0x4], $0x2800, $0x38;
	[tilespmem:$0x1C400] =	vst v63  }
0x72: {  	_ =	swait.ge [sflag:s1], $0x2800  }
0x73: {  	[sflag:s1] =	ssyncset.done $0x0  }
0x74: {  	[sflag:s1] =	ssyncadd.s32 $0xFFFFD800  }
0x75: {  	[spmem:s26] =	stream.linear.scatter [tilespmem:s31], [sflag:$0x4], $0x2800, $0x38;
	[tilespmem:$0x1C400] =	vst v63  }
0x76: {  	_ =	swait.ge [sflag:s1], $0x2800  }
0x77: {  	[sflag:s1] =	ssyncset.done $0x0  }
0x78: {  	[sflag:s1] =	ssyncadd.s32 $0xFFFFD800  }
0x79: {  	[spmem:s28] =	stream.linear.scatter [tilespmem:s31], [sflag:$0x4], $0x2800, $0x38;
	[tilespmem:$0x1C400] =	vst v63  }
0x7a: {  	_ =	swait.ge [sflag:s1], $0x2800  }
0x7b: {  	[sflag:s1] =	ssyncset.done $0x0  }
0x7c: {  	[sflag:s1] =	ssyncadd.s32 $0xFFFFD800  }
0x7d: {  	[spmem:s29] =	stream.linear.scatter [tilespmem:s31], [sflag:$0x4], $0x2800, $0x38;
	[tilespmem:$0x1C400] =	vst v63  }
0x7e: {  	_ =	swait.ge [sflag:s1], $0x2800  }
0x7f: {  	[sflag:s1] =	ssyncset.done $0x0  }
0x80: {  	[sflag:s1] =	ssyncadd.s32 $0xFFFFD800  }
0x81: {  	[spmem:s30] =	stream.linear.scatter [tilespmem:s31], [sflag:$0x4], $0x2800, $0x38;
	[tilespmem:$0x1C400] =	vst v63  }
0x82: {  	_ =	swait.ge [sflag:s1], $0x2800  }
0x83: {  	[sflag:s1] =	ssyncset.done $0x0  }
0x84: {  	[sflag:s1] =	ssyncadd.s32 $0xFFFFD800  }
0x85: {  	s2 =	simm.s32 $0x0;
	s21 =	simm.s32 $0x0;
	[bflag:$0x0] =	sbarrier.arrive $0xFFFF  }
.LBB2_4:
0x86: {  	s19 =	smul.u32 $0x50, s2;
	_ =	sdelay $0x1  }
0x87: {  	s19 =	sadd.s32 s20, s19  }
0x88: {  	s19 =	sshrl.u32 s19, $0x3  }
0x89: {  	s22 =	sadd.s32 s16, s19  }
0x8a: {  	[tilespmem:s21], [sflag:$0x4] =	stream.linear.gather [hbm4b:s22+s21], $0x50, $0x38;
	[tilespmem:$0x1C400] =	vst v63  }
0x8b: {  	_ =	swait.ge [sflag:s1], $0x50  }
0x8c: {  	[sflag:s1] =	ssyncset.done $0x0  }
0x8d: {  	s19 =	sadd.s32 s17, s19;
	[sflag:s1] =	ssyncadd.s32 $0xFFFFFFB0  }
0x8e: {  	[tilespmem:s5], [sflag:$0x4] =	stream.linear.gather [hbm4b:s19+s21], $0x50, $0x38;
	[tilespmem:$0x1C400] =	vst v63  }
0x8f: {  	_ =	swait.ge [sflag:s1], $0x50  }
0x90: {  	[sflag:s1] =	ssyncset.done $0x0  }
0x91: {  	[sflag:s1] =	ssyncadd.s32 $0xFFFFFFB0  }
0x92: {  	[tilespmem:s31], [sflag:$0x1] =	stream.indirect.gather [hbm4b:s15+s6], $0x80, s5, s6, $0xb8;
	[tilespmem:$0x1C400] =	vst v63  }
0x93: {  	_ = 	snop  }
0x94: {  	[tilespmem:s7], [sflag:$0x2] =	stream.indirect.gather [hbm4b:s15+s6], $0x80, s21, s6, $0xb8;
	[tilespmem:$0x1C400] =	vst v63  }
0x95: {  	_ = 	snop  }
0x96: {  	[tilespmem:s8], [sflag:$0x3] =	stream.indirect.gather [hbm4b:s0+s6], $0x80, s21, s6, $0xb8;
	[tilespmem:$0x1C400] =	vst v63  }
0x97: {  	_ =	swait.ge [sflag:s9], $0x2800  }
0x98: {  	[sflag:s9] =	ssyncset.done $0x0  }
0x99: {  	[sflag:s9] =	ssyncadd.s32 $0xFFFFD800  }
0x9a: {  	_ =	swait.ge [sflag:s10], $0x2800  }
0x9b: {  	[sflag:s10] =	ssyncset.done $0x0  }
0x9c: {  	s23 =	simm.s32 $0x0;
	[sflag:s10] =	ssyncadd.s32 $0xFFFFD800  }
0x9d: {  	v2 =	vld [tilespmem:s23+$0x2900]  }
0x9e: {  	v3 =	vld [tilespmem:s23+$0x100]  }
0x9f: {  	v4 =	vld [tilespmem:s23+$0x110]  }
0xa0: {  	v5 =	vld [tilespmem:s23+$0x2910]  }
0xa1: {  	v6 =	vld [tilespmem:s23+$0x120]  }
0xa2: {  	v7 =	vld [tilespmem:s23+$0x2920]  }
0xa3: {  	v8 =	vld [tilespmem:s23+$0x130]  }
0xa4: {  	v9 =	vld [tilespmem:s23+$0x2930]  }
0xa5: {  	v2 =	vmul.f32 v2, v3;
	v3 =	vmul.f32 v5, v4;
	v4 =	vld [tilespmem:s23+$0x140]  }
0xa6: {  	v5 =	vld [tilespmem:s23+$0x2940]  }
0xa7: {  	v2 =	vadd.f32 v3, v2;
	v3 =	vmul.f32 v7, v6;
	v6 =	vld [tilespmem:s23+$0x150]  }
0xa8: {  	v7 =	vld [tilespmem:s23+$0x2950]  }
0xa9: {  	v62 =	vld [tilespmem:s23+$0x160];
	v2 =	vadd.f32 v3, v2;
	v3 =	vmul.f32 v9, v8  }
0xaa: {  	v63 =	vld [tilespmem:s23+$0x2960]  }
0xab: {  	v2 =	vadd.f32 v3, v2;
	v3 =	vmul.f32 v5, v4;
	v4 =	vld [tilespmem:s23+$0x170]  }
0xac: {  	v5 =	vld [tilespmem:s23+$0x2970]  }
0xad: {  	v2 =	vadd.f32 v3, v2;
	v3 =	vmul.f32 v7, v6;
	_ =	sdelay $0x1  }
0xae: {  	v2 =	vadd.f32 v3, v2;
	v3 =	vmul.f32 v63, v62;
	_ =	sdelay $0x1  }
0xaf: {  	v2 =	vadd.f32 v3, v2;
	v3 =	vmul.f32 v5, v4;
	_ =	sdelay $0x1  }
0xb0: {  	v2 =	vadd.f32 v3, v2  }
0xb1: {  	s19 =	simm.s32 $0x7900  }
0xb2: {  	s22 =	simm.s32 $0x80;
	[tilespmem:s19+$0x0] =	vst v2  }
0xb3: {  	v2 =	vld [tilespmem:s22+$0x2900]  }
0xb4: {  	v3 =	vld [tilespmem:s22+$0x100]  }
0xb5: {  	s23 =	simm.s32 $0x400;
	v4 =	vld [tilespmem:s22+$0x110]  }
.LBB2_5:
0xb6: {  	p0 =	sne.s32 s23, $0x9E00;
	v5 =	vld [tilespmem:s22+$0x2910]  }
0xb7: {  	v6 =	vld [tilespmem:s22+$0x120]  }
0xb8: {  	v7 =	vld [tilespmem:s22+$0x2920]  }
0xb9: {  	v8 =	vld [tilespmem:s22+$0x130]  }
0xba: {  	v9 =	vld [tilespmem:s22+$0x2930]  }
0xbb: {  	v2 =	vmul.f32 v2, v3;
	v3 =	vmul.f32 v5, v4;
	v4 =	vld [tilespmem:s22+$0x140]  }
0xbc: {  	v5 =	vld [tilespmem:s22+$0x2940]  }
0xbd: {  	v2 =	vadd.f32 v3, v2;
	v3 =	vmul.f32 v7, v6;
	v6 =	vld [tilespmem:s22+$0x150]  }
0xbe: {  	v7 =	vld [tilespmem:s22+$0x2950]  }
0xbf: {  	v2 =	vadd.f32 v3, v2;
	v3 =	vmul.f32 v9, v8;
	v8 =	vld [tilespmem:s22+$0x160]  }
0xc0: {  	v9 =	vld [tilespmem:s22+$0x2960]  }
0xc1: {  	v2 =	vadd.f32 v3, v2;
	v3 =	vmul.f32 v5, v4;
	v4 =	vld [tilespmem:s22+$0x170]  }
0xc2: {  	v5 =	vld [tilespmem:s22+$0x2970]  }
0xc3: {  	v2 =	vadd.f32 v3, v2;
	v3 =	vmul.f32 v7, v6;
	_ =	sdelay $0x1  }
0xc4: {  	v2 =	vadd.f32 v3, v2;
	v3 =	vmul.f32 v9, v8;
	_ =	sdelay $0x1  }
0xc5: {  	v2 =	vadd.f32 v3, v2;
	v3 =	vmul.f32 v5, v4;
	_ =	sdelay $0x1  }
0xc6: {  	v2 =	vadd.f32 v3, v2  }
.Ltmp1:
0xc7: {  	s19 =	sadd.s32 $0x10, s19;
	(pc) =	sbr.rel @p0 .LBB2_5-.Ltmp1, $4  }
0xc8: {  	s22 =	sshra.s32 s23, $0x2;
	[tilespmem:s19+$0x0] =	vst v2  }
0xc9: {  	v2 =	vld [tilespmem:s22+$0x2900]  }
0xca: {  	v3 =	vld [tilespmem:s22+$0x100]  }
0xcb: {  	s23 =	sadd.s32 $0x200, s23;
	v4 =	vld [tilespmem:s22+$0x110]  }
0xcc: {  	v5 =	vld [tilespmem:s22+$0x2910]  }
0xcd: {  	v6 =	vld [tilespmem:s22+$0x120]  }
0xce: {  	v7 =	vld [tilespmem:s22+$0x2920]  }
0xcf: {  	v8 =	vld [tilespmem:s22+$0x130]  }
0xd0: {  	v9 =	vld [tilespmem:s22+$0x2930]  }
0xd1: {  	v56 =	vld [tilespmem:s22+$0x140];
	v2 =	vmul.f32 v2, v3;
	v3 =	vmul.f32 v5, v4  }
0xd2: {  	v57 =	vld [tilespmem:s22+$0x2940]  }
0xd3: {  	v58 =	vld [tilespmem:s22+$0x150];
	v2 =	vadd.f32 v3, v2;
	v3 =	vmul.f32 v7, v6  }
0xd4: {  	v59 =	vld [tilespmem:s22+$0x2950]  }
0xd5: {  	v60 =	vld [tilespmem:s22+$0x160];
	v2 =	vadd.f32 v3, v2;
	v3 =	vmul.f32 v9, v8  }
0xd6: {  	v61 =	vld [tilespmem:s22+$0x2960]  }
0xd7: {  	v62 =	vld [tilespmem:s22+$0x170];
	v2 =	vadd.f32 v3, v2;
	v3 =	vmul.f32 v57, v56  }
0xd8: {  	v63 =	vld [tilespmem:s22+$0x2970]  }
0xd9: {  	v2 =	vadd.f32 v3, v2;
	v3 =	vmul.f32 v59, v58;
	_ =	sdelay $0x1  }
0xda: {  	v2 =	vadd.f32 v3, v2;
	v3 =	vmul.f32 v61, v60;
	_ =	sdelay $0x1  }
0xdb: {  	v2 =	vadd.f32 v3, v2;
	v3 =	vmul.f32 v63, v62;
	_ =	sdelay $0x1  }
0xdc: {  	v2 =	vadd.f32 v3, v2  }
0xdd: {  	s19 =	sadd.s32 $0x10, s19  }
0xde: {  	[tilespmem:s19+$0x0] =	vst v2  }
0xdf: {  	_ =	swait.ge [sflag:s11], $0x2800  }
0xe0: {  	[sflag:s11] =	ssyncset.done $0x0  }
0xe1: {  	s19 =	simm.s32 $0x0;
	[sflag:s11] =	ssyncadd.s32 $0xFFFFD800  }
.LBB2_7:
0xe2: {  	s22 =	sshll.u32 s19, $0x4  }
0xe3: {  	v2 =	vmov s22  }
0xe4: {  	v2 =	vshll.u32 v2, $0x4  }
0xe5: {  	v2 =	vor.u32 v1, v2  }
0xe6: {  	v3 =	vor.u32 $0x1, v2;
	_ =	sdelay $0x1  }
0xe7: {  	v4 =	vor.u32 $0x2, v2;
	_ =	sdelay $0x1  }
0xe8: {  	v6 =	vor.u32 $0x3, v2;
	v5 =	vld.idx.msk [tilespmem:v2+s12+$0x0], $0xffff  }
0xe9: {  	v3 =	vld.idx.msk [tilespmem:v3+s12+$0x0], $0xffff  }
0xea: {  	v7 =	vor.u32 $0x4, v2  }
0xeb: {  	v4 =	vld.idx.msk [tilespmem:v4+s12+$0x0], $0xffff  }
0xec: {  	v8 =	vor.u32 $0x5, v2  }
0xed: {  	v6 =	vld.idx.msk [tilespmem:v6+s12+$0x0], $0xffff  }
0xee: {  	v60 =	vor.u32 $0x6, v2;
	v3 =	vadd.f32 v3, v5  }
0xef: {  	v7 =	vld.idx.msk [tilespmem:v7+s12+$0x0], $0xffff  }
0xf0: {  	v61 =	vor.u32 $0x7, v2;
	v3 =	vadd.f32 v4, v3  }
0xf1: {  	v8 =	vld.idx.msk [tilespmem:v8+s12+$0x0], $0xffff  }
0xf2: {  	v62 =	vor.u32 $0x8, v2;
	v3 =	vadd.f32 v6, v3  }
0xf3: {  	v5 =	vld.idx.msk [tilespmem:v60+s12+$0x0], $0xffff  }
0xf4: {  	v63 =	vor.u32 $0x9, v2;
	v3 =	vadd.f32 v7, v3  }
0xf5: {  	v4 =	vld.idx.msk [tilespmem:v61+s12+$0x0], $0xffff  }
0xf6: {  	v12 =	vor.u32 $0xA, v2;
	v3 =	vadd.f32 v8, v3  }
0xf7: {  	v6 =	vld.idx.msk [tilespmem:v62+s12+$0x0], $0xffff  }
0xf8: {  	v13 =	vor.u32 $0xB, v2;
	v3 =	vadd.f32 v5, v3  }
0xf9: {  	v7 =	vld.idx.msk [tilespmem:v63+s12+$0x0], $0xffff  }
0xfa: {  	v14 =	vor.u32 $0xC, v2;
	v3 =	vadd.f32 v4, v3  }
0xfb: {  	v8 =	vld.idx.msk [tilespmem:v12+s12+$0x0], $0xffff  }
0xfc: {  	v15 =	vor.u32 $0xD, v2;
	v3 =	vadd.f32 v6, v3  }
0xfd: {  	v5 =	vld.idx.msk [tilespmem:v13+s12+$0x0], $0xffff  }
0xfe: {  	v16 =	vor.u32 $0xE, v2;
	v3 =	vadd.f32 v7, v3  }
0xff: {  	v4 =	vld.idx.msk [tilespmem:v14+s12+$0x0], $0xffff  }
0x100: {  	v2 =	vor.u32 $0xF, v2;
	v3 =	vadd.f32 v8, v3  }
0x101: {  	v6 =	vld.idx.msk [tilespmem:v15+s12+$0x0], $0xffff  }
0x102: {  	v3 =	vadd.f32 v5, v3  }
0x103: {  	v17 =	vld.idx.msk [tilespmem:v16+s12+$0x0], $0xffff  }
0x104: {  	v3 =	vadd.f32 v4, v3  }
0x105: {  	v2 =	vld.idx.msk [tilespmem:v2+s12+$0x0], $0xffff  }
0x106: {  	v3 =	vadd.f32 v6, v3  }
0x107: {  	v18 =	vld [tilespmem:$0x8100]  }
0x108: {  	v3 =	vadd.f32 v17, v3;
	_ =	sdelay $0x1  }
0x109: {  	v2 =	vadd.f32 v2, v3;
	_ =	sdelay $0x1  }
0x10a: {  	v2 =	vmul.f32 v18, v2;
	_ =	sdelay $0x1  }
0x10b: {  	v2 =	vmul.f32 $1.442695020e+00, v2;
	_ =	sdelay $0x1  }
0x10c: {  	(erf) = vpow2.f32 v2;
	_ =	sdelay $0x8  }
0x10d: {  	s23 =	sshll.u32 s19, $0xB;
	v2 =	vpop (erf)  }
0x10e: {  	s23 =	sand.u32 $0x3FFFF800, s23;
	[tilespmem:s22+$0x7E00] =	vst v2  }
0x10f: {  	v3 =	vld [tilespmem:s23+$0x5100]  }
0x110: {  	v19 =	vld [tilespmem:s23+$0x5110]  }
0x111: {  	v20 =	vld [tilespmem:s23+$0x5120]  }
0x112: {  	v21 =	vbroadcast v2, $0x0;
	v22 =	vld [tilespmem:s23+$0x5130]  }
0x113: {  	v23 =	vld [tilespmem:s23+$0x5140]  }
0x114: {  	v9 =	vld [tilespmem:s23+$0x5150];
	v3 =	vmul.f32 v21, v3  }
0x115: {  	v10 =	vld [tilespmem:s23+$0x5160];
	v4 =	vmul.f32 v21, v19  }
0x116: {  	v24 =	vld [tilespmem:s23+$0x5170];
	[tilespmem:s23+$0x5100] =	vst v3;
	v3 =	vmul.f32 v20, v21  }
0x117: {  	v26 =	vld [tilespmem:s23+$0x5180];
	v25 =	vmul.f32 v22, v21;
	[tilespmem:s23+$0x5110] =	vst v4  }
0x118: {  	v27 =	vld [tilespmem:s23+$0x5190];
	[tilespmem:s23+$0x5120] =	vst v3;
	v3 =	vmul.f32 v23, v21  }
0x119: {  	v29 =	vld [tilespmem:s23+$0x51A0];
	v28 =	vmul.f32 v9, v21;
	[tilespmem:s23+$0x5130] =	vst v25  }
0x11a: {  	v30 =	vbroadcast v2, $0x1;
	v11 =	vld [tilespmem:s23+$0x51B0];
	[tilespmem:s23+$0x5140] =	vst v3;
	v3 =	vmul.f32 v10, v21  }
0x11b: {  	v32 =	vld [tilespmem:s23+$0x51C0];
	v31 =	vmul.f32 v24, v21;
	[tilespmem:s23+$0x5150] =	vst v28  }
0x11c: {  	v33 =	vld [tilespmem:s23+$0x51D0];
	[tilespmem:s23+$0x5160] =	vst v3;
	v3 =	vmul.f32 v26, v30  }
0x11d: {  	v35 =	vld [tilespmem:s23+$0x51E0];
	v34 =	vmul.f32 v27, v30;
	[tilespmem:s23+$0x5170] =	vst v31  }
0x11e: {  	v36 =	vld [tilespmem:s23+$0x51F0];
	[tilespmem:s23+$0x5180] =	vst v3;
	v3 =	vmul.f32 v29, v30  }
0x11f: {  	v38 =	vld [tilespmem:s23+$0x5200];
	v37 =	vmul.f32 v11, v30;
	[tilespmem:s23+$0x5190] =	vst v34  }
0x120: {  	v39 =	vld [tilespmem:s23+$0x5210];
	[tilespmem:s23+$0x51A0] =	vst v3;
	v3 =	vmul.f32 v32, v30  }
0x121: {  	v41 =	vld [tilespmem:s23+$0x5220];
	v40 =	vmul.f32 v33, v30;
	[tilespmem:s23+$0x51B0] =	vst v37  }
0x122: {  	v42 =	vbroadcast v2, $0x2;
	v43 =	vld [tilespmem:s23+$0x5230];
	[tilespmem:s23+$0x51C0] =	vst v3;
	v3 =	vmul.f32 v35, v30  }
0x123: {  	v45 =	vld [tilespmem:s23+$0x5240];
	v44 =	vmul.f32 v36, v30;
	[tilespmem:s23+$0x51D0] =	vst v40  }
0x124: {  	v46 =	vld [tilespmem:s23+$0x5250];
	[tilespmem:s23+$0x51E0] =	vst v3;
	v3 =	vmul.f32 v38, v42  }
0x125: {  	v48 =	vld [tilespmem:s23+$0x5260];
	v47 =	vmul.f32 v39, v42;
	[tilespmem:s23+$0x51F0] =	vst v44  }
0x126: {  	v49 =	vld [tilespmem:s23+$0x5270];
	[tilespmem:s23+$0x5200] =	vst v3;
	v3 =	vmul.f32 v41, v42  }
0x127: {  	v51 =	vld [tilespmem:s23+$0x5280];
	v50 =	vmul.f32 v43, v42;
	[tilespmem:s23+$0x5210] =	vst v47  }
0x128: {  	v52 =	vld [tilespmem:s23+$0x5290];
	[tilespmem:s23+$0x5220] =	vst v3;
	v3 =	vmul.f32 v45, v42  }
0x129: {  	v54 =	vld [tilespmem:s23+$0x52A0];
	v53 =	vmul.f32 v46, v42;
	[tilespmem:s23+$0x5230] =	vst v50  }
0x12a: {  	v55 =	vbroadcast v2, $0x3;
	v56 =	vld [tilespmem:s23+$0x52B0];
	[tilespmem:s23+$0x5240] =	vst v3;
	v3 =	vmul.f32 v48, v42  }
0x12b: {  	v58 =	vld [tilespmem:s23+$0x52C0];
	v57 =	vmul.f32 v49, v42;
	[tilespmem:s23+$0x5250] =	vst v53  }
0x12c: {  	v59 =	vld [tilespmem:s23+$0x52D0];
	[tilespmem:s23+$0x5260] =	vst v3;
	v3 =	vmul.f32 v51, v55  }
0x12d: {  	v61 =	vld [tilespmem:s23+$0x52E0];
	v60 =	vmul.f32 v52, v55;
	[tilespmem:s23+$0x5270] =	vst v57  }
0x12e: {  	v62 =	vld [tilespmem:s23+$0x52F0];
	[tilespmem:s23+$0x5280] =	vst v3;
	v3 =	vmul.f32 v54, v55  }
0x12f: {  	v12 =	vld [tilespmem:s23+$0x5300];
	v63 =	vmul.f32 v56, v55;
	[tilespmem:s23+$0x5290] =	vst v60  }
0x130: {  	v17 =	vld [tilespmem:s23+$0x5330];
	[tilespmem:s23+$0x52A0] =	vst v3;
	v3 =	vmul.f32 v58, v55  }
0x131: {  	v15 =	vld [tilespmem:s23+$0x5320];
	v14 =	vmul.f32 v59, v55;
	[tilespmem:s23+$0x52B0] =	vst v63  }
0x132: {  	v16 =	vbroadcast v2, $0x4;
	v13 =	vld [tilespmem:s23+$0x5310];
	[tilespmem:s23+$0x52C0] =	vst v3;
	v3 =	vmul.f32 v61, v55  }
0x133: {  	v18 =	vmul.f32 v62, v55;
	v19 =	vld [tilespmem:s23+$0x5340];
	[tilespmem:s23+$0x52D0] =	vst v14  }
0x134: {  	v20 =	vld [tilespmem:s23+$0x5350];
	[tilespmem:s23+$0x52E0] =	vst v3;
	v3 =	vmul.f32 v12, v16  }
0x135: {  	v22 =	vld [tilespmem:s23+$0x5360];
	v24 =	vmul.f32 v17, v16;
	[tilespmem:s23+$0x52F0] =	vst v18  }
0x136: {  	v23 =	vld [tilespmem:s23+$0x5370];
	[tilespmem:s23+$0x5300] =	vst v3;
	v3 =	vmul.f32 v15, v16  }
0x137: {  	v25 =	vld [tilespmem:s23+$0x5380];
	[tilespmem:s23+$0x5330] =	vst v24;
	v21 =	vmul.f32 v13, v16  }
0x138: {  	v33 =	vld [tilespmem:s23+$0x53D0];
	[tilespmem:s23+$0x5320] =	vst v3;
	v3 =	vmul.f32 v19, v16  }
0x139: {  	v28 =	vld [tilespmem:s23+$0x53A0];
	v27 =	vmul.f32 v20, v16;
	[tilespmem:s23+$0x5310] =	vst v21  }
0x13a: {  	v36 =	vld [tilespmem:s23+$0x53F0];
	v29 =	vbroadcast v2, $0x5;
	[tilespmem:s23+$0x5340] =	vst v3;
	v3 =	vmul.f32 v22, v16  }
0x13b: {  	[tilespmem:s23+$0x5350] =	vst v27;
	v31 =	vmul.f32 v23, v16;
	v32 =	vld [tilespmem:s23+$0x53C0]  }
0x13c: {  	v26 =	vld [tilespmem:s23+$0x5390];
	[tilespmem:s23+$0x5360] =	vst v3;
	v3 =	vmul.f32 v25, v29  }
0x13d: {  	[tilespmem:s23+$0x5370] =	vst v31;
	v40 =	vmul.f32 v33, v29;
	v35 =	vld [tilespmem:s23+$0x53E0]  }
0x13e: {  	v30 =	vld [tilespmem:s23+$0x53B0];
	[tilespmem:s23+$0x5380] =	vst v3;
	v3 =	vmul.f32 v28, v29  }
0x13f: {  	v44 =	vmul.f32 v36, v29;
	[tilespmem:s23+$0x53D0] =	vst v40;
	v38 =	vld [tilespmem:s23+$0x5400]  }
0x140: {  	v39 =	vld [tilespmem:s23+$0x5410];
	[tilespmem:s23+$0x53A0] =	vst v3;
	v3 =	vmul.f32 v32, v29  }
0x141: {  	v34 =	vmul.f32 v26, v29;
	[tilespmem:s23+$0x53F0] =	vst v44;
	v41 =	vld [tilespmem:s23+$0x5420]  }
0x142: {  	v43 =	vld [tilespmem:s23+$0x5430];
	v42 =	vbroadcast v2, $0x6;
	[tilespmem:s23+$0x53C0] =	vst v3;
	v3 =	vmul.f32 v35, v29  }
0x143: {  	[tilespmem:s23+$0x5390] =	vst v34;
	v37 =	vmul.f32 v30, v29;
	v45 =	vld [tilespmem:s23+$0x5440]  }
0x144: {  	v46 =	vld [tilespmem:s23+$0x5450];
	[tilespmem:s23+$0x53E0] =	vst v3;
	v3 =	vmul.f32 v38, v42  }
0x145: {  	[tilespmem:s23+$0x53B0] =	vst v37;
	v48 =	vld [tilespmem:s23+$0x5460];
	v47 =	vmul.f32 v39, v42  }
0x146: {  	v49 =	vld [tilespmem:s23+$0x5470];
	[tilespmem:s23+$0x5400] =	vst v3;
	v3 =	vmul.f32 v41, v42  }
0x147: {  	v50 =	vmul.f32 v43, v42;
	v51 =	vld [tilespmem:s23+$0x5480];
	[tilespmem:s23+$0x5410] =	vst v47  }
0x148: {  	v52 =	vld [tilespmem:s23+$0x5490];
	[tilespmem:s23+$0x5420] =	vst v3;
	v3 =	vmul.f32 v45, v42  }
0x149: {  	v53 =	vmul.f32 v46, v42;
	[tilespmem:s23+$0x5430] =	vst v50;
	v54 =	vld [tilespmem:s23+$0x54A0]  }
0x14a: {  	v56 =	vld [tilespmem:s23+$0x54B0];
	v55 =	vbroadcast v2, $0x7;
	[tilespmem:s23+$0x5440] =	vst v3;
	v3 =	vmul.f32 v48, v42  }
0x14b: {  	v57 =	vmul.f32 v49, v42;
	[tilespmem:s23+$0x5450] =	vst v53;
	v58 =	vld [tilespmem:s23+$0x54C0]  }
0x14c: {  	v59 =	vld [tilespmem:s23+$0x54D0];
	[tilespmem:s23+$0x5460] =	vst v3;
	v3 =	vmul.f32 v51, v55  }
0x14d: {  	[tilespmem:s23+$0x5470] =	vst v57;
	v61 =	vld [tilespmem:s23+$0x54E0];
	v60 =	vmul.f32 v52, v55  }
0x14e: {  	v62 =	vld [tilespmem:s23+$0x54F0];
	[tilespmem:s23+$0x5480] =	vst v3;
	v3 =	vmul.f32 v54, v55  }
0x14f: {  	v63 =	vmul.f32 v56, v55;
	v12 =	vld [tilespmem:s23+$0x5500];
	[tilespmem:s23+$0x5490] =	vst v60  }
0x150: {  	v13 =	vld [tilespmem:s23+$0x5510];
	[tilespmem:s23+$0x54A0] =	vst v3;
	v3 =	vmul.f32 v58, v55  }
0x151: {  	v14 =	vmul.f32 v59, v55;
	[tilespmem:s23+$0x54B0] =	vst v63;
	v15 =	vld [tilespmem:s23+$0x5520]  }
0x152: {  	v17 =	vld [tilespmem:s23+$0x5530];
	v16 =	vbroadcast v2, $0x8;
	[tilespmem:s23+$0x54C0] =	vst v3;
	v3 =	vmul.f32 v61, v55  }
0x153: {  	v18 =	vmul.f32 v62, v55;
	[tilespmem:s23+$0x54D0] =	vst v14;
	v19 =	vld [tilespmem:s23+$0x5540]  }
0x154: {  	v20 =	vld [tilespmem:s23+$0x5550];
	[tilespmem:s23+$0x54E0] =	vst v3;
	v3 =	vmul.f32 v12, v16  }
0x155: {  	[tilespmem:s23+$0x54F0] =	vst v18;
	v22 =	vld [tilespmem:s23+$0x5560];
	v21 =	vmul.f32 v13, v16  }
0x156: {  	v23 =	vld [tilespmem:s23+$0x5570];
	[tilespmem:s23+$0x5500] =	vst v3;
	v3 =	vmul.f32 v15, v16  }
0x157: {  	v24 =	vmul.f32 v17, v16;
	v25 =	vld [tilespmem:s23+$0x5580];
	[tilespmem:s23+$0x5510] =	vst v21  }
0x158: {  	v26 =	vld [tilespmem:s23+$0x5590];
	[tilespmem:s23+$0x5520] =	vst v3;
	v3 =	vmul.f32 v19, v16  }
0x159: {  	v27 =	vmul.f32 v20, v16;
	[tilespmem:s23+$0x5530] =	vst v24;
	v28 =	vld [tilespmem:s23+$0x55A0]  }
0x15a: {  	v30 =	vld [tilespmem:s23+$0x55B0];
	v29 =	vbroadcast v2, $0x9;
	[tilespmem:s23+$0x5540] =	vst v3;
	v3 =	vmul.f32 v22, v16  }
0x15b: {  	v31 =	vmul.f32 v23, v16;
	[tilespmem:s23+$0x5550] =	vst v27;
	v32 =	vld [tilespmem:s23+$0x55C0]  }
0x15c: {  	v33 =	vld [tilespmem:s23+$0x55D0];
	[tilespmem:s23+$0x5560] =	vst v3;
	v3 =	vmul.f32 v25, v29  }
0x15d: {  	[tilespmem:s23+$0x5570] =	vst v31;
	v35 =	vld [tilespmem:s23+$0x55E0];
	v34 =	vmul.f32 v26, v29  }
0x15e: {  	v36 =	vld [tilespmem:s23+$0x55F0];
	[tilespmem:s23+$0x5580] =	vst v3;
	v3 =	vmul.f32 v28, v29  }
0x15f: {  	v37 =	vmul.f32 v30, v29;
	v38 =	vld [tilespmem:s23+$0x5600];
	[tilespmem:s23+$0x5590] =	vst v34  }
0x160: {  	v39 =	vld [tilespmem:s23+$0x5610];
	[tilespmem:s23+$0x55A0] =	vst v3;
	v3 =	vmul.f32 v32, v29  }
0x161: {  	v40 =	vmul.f32 v33, v29;
	[tilespmem:s23+$0x55B0] =	vst v37;
	v41 =	vld [tilespmem:s23+$0x5620]  }
0x162: {  	v43 =	vld [tilespmem:s23+$0x5630];
	v42 =	vbroadcast v2, $0xA;
	[tilespmem:s23+$0x55C0] =	vst v3;
	v3 =	vmul.f32 v35, v29  }
0x163: {  	v44 =	vmul.f32 v36, v29;
	[tilespmem:s23+$0x55D0] =	vst v40;
	v45 =	vld [tilespmem:s23+$0x5640]  }
0x164: {  	v46 =	vld [tilespmem:s23+$0x5650];
	[tilespmem:s23+$0x55E0] =	vst v3;
	v3 =	vmul.f32 v38, v42  }
0x165: {  	[tilespmem:s23+$0x55F0] =	vst v44;
	v48 =	vld [tilespmem:s23+$0x5660];
	v47 =	vmul.f32 v39, v42  }
0x166: {  	v49 =	vld [tilespmem:s23+$0x5670];
	[tilespmem:s23+$0x5600] =	vst v3;
	v3 =	vmul.f32 v41, v42  }
0x167: {  	v50 =	vmul.f32 v43, v42;
	v51 =	vld [tilespmem:s23+$0x5680];
	[tilespmem:s23+$0x5610] =	vst v47  }
0x168: {  	v52 =	vld [tilespmem:s23+$0x5690];
	[tilespmem:s23+$0x5620] =	vst v3;
	v3 =	vmul.f32 v45, v42  }
0x169: {  	v53 =	vmul.f32 v46, v42;
	[tilespmem:s23+$0x5630] =	vst v50;
	v54 =	vld [tilespmem:s23+$0x56A0]  }
0x16a: {  	v56 =	vld [tilespmem:s23+$0x56B0];
	v55 =	vbroadcast v2, $0xB;
	[tilespmem:s23+$0x5640] =	vst v3;
	v3 =	vmul.f32 v48, v42  }
0x16b: {  	v57 =	vmul.f32 v49, v42;
	[tilespmem:s23+$0x5650] =	vst v53;
	v58 =	vld [tilespmem:s23+$0x56C0]  }
0x16c: {  	v59 =	vld [tilespmem:s23+$0x56D0];
	[tilespmem:s23+$0x5660] =	vst v3;
	v3 =	vmul.f32 v51, v55  }
0x16d: {  	[tilespmem:s23+$0x5670] =	vst v57;
	v61 =	vld [tilespmem:s23+$0x56E0];
	v60 =	vmul.f32 v52, v55  }
0x16e: {  	v62 =	vld [tilespmem:s23+$0x56F0];
	[tilespmem:s23+$0x5680] =	vst v3;
	v3 =	vmul.f32 v54, v55  }
0x16f: {  	v63 =	vmul.f32 v56, v55;
	v12 =	vld [tilespmem:s23+$0x5700];
	[tilespmem:s23+$0x5690] =	vst v60  }
0x170: {  	v13 =	vld [tilespmem:s23+$0x5710];
	[tilespmem:s23+$0x56A0] =	vst v3;
	v3 =	vmul.f32 v58, v55  }
0x171: {  	v14 =	vmul.f32 v59, v55;
	[tilespmem:s23+$0x56B0] =	vst v63;
	v15 =	vld [tilespmem:s23+$0x5720]  }
0x172: {  	v17 =	vld [tilespmem:s23+$0x5730];
	v16 =	vbroadcast v2, $0xC;
	[tilespmem:s23+$0x56C0] =	vst v3;
	v3 =	vmul.f32 v61, v55  }
0x173: {  	v18 =	vmul.f32 v62, v55;
	[tilespmem:s23+$0x56D0] =	vst v14;
	v19 =	vld [tilespmem:s23+$0x5740]  }
0x174: {  	v20 =	vld [tilespmem:s23+$0x5750];
	[tilespmem:s23+$0x56E0] =	vst v3;
	v3 =	vmul.f32 v12, v16  }
0x175: {  	[tilespmem:s23+$0x56F0] =	vst v18;
	v22 =	vld [tilespmem:s23+$0x5760];
	v21 =	vmul.f32 v13, v16  }
0x176: {  	v23 =	vld [tilespmem:s23+$0x5770];
	[tilespmem:s23+$0x5700] =	vst v3;
	v3 =	vmul.f32 v15, v16  }
0x177: {  	v24 =	vmul.f32 v17, v16;
	v25 =	vld [tilespmem:s23+$0x5780];
	[tilespmem:s23+$0x5710] =	vst v21  }
0x178: {  	v26 =	vld [tilespmem:s23+$0x5790];
	[tilespmem:s23+$0x5720] =	vst v3;
	v3 =	vmul.f32 v19, v16  }
0x179: {  	v27 =	vmul.f32 v20, v16;
	[tilespmem:s23+$0x5730] =	vst v24;
	v28 =	vld [tilespmem:s23+$0x57A0]  }
0x17a: {  	v30 =	vld [tilespmem:s23+$0x57B0];
	v29 =	vbroadcast v2, $0xD;
	[tilespmem:s23+$0x5740] =	vst v3;
	v3 =	vmul.f32 v22, v16  }
0x17b: {  	v31 =	vmul.f32 v23, v16;
	[tilespmem:s23+$0x5750] =	vst v27;
	v32 =	vld [tilespmem:s23+$0x57C0]  }
0x17c: {  	v33 =	vld [tilespmem:s23+$0x57D0];
	[tilespmem:s23+$0x5760] =	vst v3;
	v3 =	vmul.f32 v25, v29  }
0x17d: {  	[tilespmem:s23+$0x5770] =	vst v31;
	v35 =	vld [tilespmem:s23+$0x57E0];
	v34 =	vmul.f32 v26, v29  }
0x17e: {  	v36 =	vld [tilespmem:s23+$0x57F0];
	[tilespmem:s23+$0x5780] =	vst v3;
	v3 =	vmul.f32 v28, v29  }
0x17f: {  	v37 =	vmul.f32 v30, v29;
	v38 =	vld [tilespmem:s23+$0x5800];
	[tilespmem:s23+$0x5790] =	vst v34  }
0x180: {  	v39 =	vld [tilespmem:s23+$0x5810];
	[tilespmem:s23+$0x57A0] =	vst v3;
	v3 =	vmul.f32 v32, v29  }
0x181: {  	v40 =	vmul.f32 v33, v29;
	[tilespmem:s23+$0x57B0] =	vst v37;
	v41 =	vld [tilespmem:s23+$0x5820]  }
0x182: {  	v43 =	vld [tilespmem:s23+$0x5830];
	v42 =	vbroadcast v2, $0xE;
	[tilespmem:s23+$0x57C0] =	vst v3;
	v3 =	vmul.f32 v35, v29  }
0x183: {  	v44 =	vmul.f32 v36, v29;
	[tilespmem:s23+$0x57D0] =	vst v40;
	v45 =	vld [tilespmem:s23+$0x5840]  }
0x184: {  	v46 =	vld [tilespmem:s23+$0x5850];
	[tilespmem:s23+$0x57E0] =	vst v3;
	v3 =	vmul.f32 v38, v42  }
0x185: {  	[tilespmem:s23+$0x57F0] =	vst v44;
	v48 =	vld [tilespmem:s23+$0x5860];
	v47 =	vmul.f32 v39, v42  }
0x186: {  	v49 =	vld [tilespmem:s23+$0x5870];
	[tilespmem:s23+$0x5800] =	vst v3;
	v3 =	vmul.f32 v41, v42  }
0x187: {  	v50 =	vmul.f32 v43, v42;
	v51 =	vld [tilespmem:s23+$0x5880];
	[tilespmem:s23+$0x5810] =	vst v47  }
0x188: {  	v52 =	vld [tilespmem:s23+$0x5890];
	[tilespmem:s23+$0x5820] =	vst v3;
	v3 =	vmul.f32 v45, v42  }
0x189: {  	v53 =	vmul.f32 v46, v42;
	[tilespmem:s23+$0x5830] =	vst v50;
	v54 =	vld [tilespmem:s23+$0x58A0]  }
0x18a: {  	v2 =	vbroadcast v2, $0xF;
	v58 =	vld [tilespmem:s23+$0x58D0];
	[tilespmem:s23+$0x5840] =	vst v3;
	v3 =	vmul.f32 v48, v42  }
0x18b: {  	v57 =	vld [tilespmem:s23+$0x58C0];
	v56 =	vmul.f32 v49, v42;
	[tilespmem:s23+$0x5850] =	vst v53  }
0x18c: {  	v55 =	vld [tilespmem:s23+$0x58B0];
	[tilespmem:s23+$0x5860] =	vst v3;
	v3 =	vmul.f32 v51, v2  }
0x18d: {  	v60 =	vld [tilespmem:s23+$0x58E0];
	v59 =	vmul.f32 v52, v2;
	[tilespmem:s23+$0x5870] =	vst v56  }
0x18e: {  	v61 =	vld [tilespmem:s23+$0x58F0];
	[tilespmem:s23+$0x5880] =	vst v3;
	v3 =	vmul.f32 v54, v2  }
0x18f: {  	[tilespmem:s23+$0x5890] =	vst v59;
	v63 =	vmul.f32 v58, v2  }
0x190: {  	p0 =	sne.s32 s19, $0x4;
	[tilespmem:s23+$0x58A0] =	vst v3;
	v3 =	vmul.f32 v57, v2  }
.Ltmp2:
0x191: {  	v62 =	vmul.f32 v55, v2;
	[tilespmem:s23+$0x58D0] =	vst v63;
	(pc) =	sbr.rel @p0 .LBB2_7-.Ltmp2, $4  }
0x192: {  	[tilespmem:s23+$0x58C0] =	vst v3;
	v3 =	vmul.f32 v60, v2  }
0x193: {  	[tilespmem:s23+$0x58B0] =	vst v62;
	v2 =	vmul.f32 v61, v2  }
0x194: {  	[tilespmem:s23+$0x58E0] =	vst v3  }
0x195: {  	s19 =	sadd.s32 $0x1, s19;
	[tilespmem:s23+$0x58F0] =	vst v2  }
0x196: {  	[spmem:s3] =	stream.indirect.scatter.add.f32 [tilespmem:s8], [sflag:$0x4], $0x80, s5, s6, $0xb8;
	[tilespmem:$0x1C400] =	vst v63  }
0x197: {  	s2 =	sadd.s32 $0x1, s2;
	_ =	swait.ge [sflag:s1], $0x2800  }
0x198: {  	p0 =	sne.s32 s2, $0x7D;
	[sflag:s1] =	ssyncset.done $0x0  }
.Ltmp3:
0x199: {  	[sflag:s1] =	ssyncadd.s32 $0xFFFFD800;
	(pc) =	sbr.rel @p0 .LBB2_4-.Ltmp3, $4  }
0x19a: {  	[spmem:s4] =	stream.indirect.scatter.add.f32 [tilespmem:s14], [sflag:$0x4], $0x1, s5, s6, $0xb8;
	[tilespmem:$0x1C400] =	vst v63  }
0x19b: {  	_ =	swait.ge [sflag:s1], $0x50  }
0x19c: {  	[sflag:s1] =	ssyncset.done $0x0  }
0x19d: {  	[sflag:s1] =	ssyncadd.s32 $0xFFFFFFB0  }
0x19e: {  	[bflag:$0x0] =	sbarrier.arrive $0xFFFF  }
0x19f: {  	[tilespmem:s31], [sflag:$0x4] =	stream.linear.gather [spmem:s25], $0x2800, $0x38;
	[tilespmem:$0x1C400] =	vst v63  }
0x1a0: {  	_ =	swait.ge [sflag:s1], $0x2800  }
0x1a1: {  	[sflag:s1] =	ssyncset.done $0x0  }
0x1a2: {  	s2 =	rddreg [dreg:$0x5];
	[sflag:s1] =	ssyncadd.s32 $0xFFFFD800  }
0x1a3: {  	[hbm4b:s2+s13] =	stream.linear.scatter [tilespmem:s31], [sflag:$0x4], $0x2800, $0x38;
	[tilespmem:$0x1C400] =	vst v63  }
0x1a4: {  	_ =	swait.ge [sflag:s1], $0x2800  }
0x1a5: {  	[sflag:s1] =	ssyncset.done $0x0  }
0x1a6: {  	s21 =	rddreg [dreg:$0x10];
	[sflag:s1] =	ssyncadd.s32 $0xFFFFD800  }
0x1a7: {  	[tilespmem:s31], [sflag:$0x4] =	stream.linear.gather [spmem:s21], $0x2800, $0x38;
	[tilespmem:$0x1C400] =	vst v63  }
0x1a8: {  	_ =	swait.ge [sflag:s1], $0x2800  }
0x1a9: {  	[sflag:s1] =	ssyncset.done $0x0  }
0x1aa: {  	s22 =	rddreg [dreg:$0x6];
	[sflag:s1] =	ssyncadd.s32 $0xFFFFD800  }
0x1ab: {  	[hbm4b:s22+s13] =	stream.linear.scatter [tilespmem:s31], [sflag:$0x4], $0x2800, $0x38;
	[tilespmem:$0x1C400] =	vst v63  }
0x1ac: {  	_ =	swait.ge [sflag:s1], $0x2800  }
0x1ad: {  	[sflag:s1] =	ssyncset.done $0x0  }
0x1ae: {  	s23 =	smov.u32 s25;
	s25 =	rddreg [dreg:$0x11];
	[sflag:s1] =	ssyncadd.s32 $0xFFFFD800  }
0x1af: {  	[tilespmem:s31], [sflag:$0x4] =	stream.linear.gather [spmem:s25], $0x2800, $0x38;
	[tilespmem:$0x1C400] =	vst v63  }
0x1b0: {  	_ =	swait.ge [sflag:s1], $0x2800  }
0x1b1: {  	[sflag:s1] =	ssyncset.done $0x0  }
0x1b2: {  	s19 =	rddreg [dreg:$0x7];
	[sflag:s1] =	ssyncadd.s32 $0xFFFFD800  }
0x1b3: {  	[hbm4b:s19+s13] =	stream.linear.scatter [tilespmem:s31], [sflag:$0x4], $0x2800, $0x38;
	[tilespmem:$0x1C400] =	vst v63  }
0x1b4: {  	_ =	swait.ge [sflag:s1], $0x2800  }
0x1b5: {  	[sflag:s1] =	ssyncset.done $0x0  }
0x1b6: {  	s21 =	rddreg [dreg:$0x12];
	[sflag:s1] =	ssyncadd.s32 $0xFFFFD800  }
0x1b7: {  	[tilespmem:s31], [sflag:$0x4] =	stream.linear.gather [spmem:s21], $0x2800, $0x38;
	[tilespmem:$0x1C400] =	vst v63  }
0x1b8: {  	_ =	swait.ge [sflag:s1], $0x2800  }
0x1b9: {  	[sflag:s1] =	ssyncset.done $0x0  }
0x1ba: {  	s22 =	rddreg [dreg:$0x8];
	[sflag:s1] =	ssyncadd.s32 $0xFFFFD800  }
0x1bb: {  	[hbm4b:s22+s13] =	stream.linear.scatter [tilespmem:s31], [sflag:$0x4], $0x2800, $0x38;
	[tilespmem:$0x1C400] =	vst v63  }
0x1bc: {  	_ =	swait.ge [sflag:s1], $0x2800  }
0x1bd: {  	[sflag:s1] =	ssyncset.done $0x0  }
0x1be: {  	[sflag:s1] =	ssyncadd.s32 $0xFFFFD800  }
0x1bf: {  	[tilespmem:s31], [sflag:$0x4] =	stream.linear.gather [spmem:s26], $0x2800, $0x38;
	[tilespmem:$0x1C400] =	vst v63  }
0x1c0: {  	_ =	swait.ge [sflag:s1], $0x2800  }
0x1c1: {  	[sflag:s1] =	ssyncset.done $0x0  }
0x1c2: {  	s25 =	rddreg [dreg:$0x9];
	[sflag:s1] =	ssyncadd.s32 $0xFFFFD800  }
0x1c3: {  	[hbm4b:s25+s13] =	stream.linear.scatter [tilespmem:s31], [sflag:$0x4], $0x2800, $0x38;
	[tilespmem:$0x1C400] =	vst v63  }
0x1c4: {  	_ =	swait.ge [sflag:s1], $0x2800  }
0x1c5: {  	[sflag:s1] =	ssyncset.done $0x0  }
0x1c6: {  	[sflag:s1] =	ssyncadd.s32 $0xFFFFD800  }
0x1c7: {  	[tilespmem:s31], [sflag:$0x4] =	stream.linear.gather [spmem:s28], $0x2800, $0x38;
	[tilespmem:$0x1C400] =	vst v63  }
0x1c8: {  	_ =	swait.ge [sflag:s1], $0x2800  }
0x1c9: {  	[sflag:s1] =	ssyncset.done $0x0  }
0x1ca: {  	s19 =	rddreg [dreg:$0xa];
	[sflag:s1] =	ssyncadd.s32 $0xFFFFD800  }
0x1cb: {  	[hbm4b:s19+s13] =	stream.linear.scatter [tilespmem:s31], [sflag:$0x4], $0x2800, $0x38;
	[tilespmem:$0x1C400] =	vst v63  }
0x1cc: {  	_ =	swait.ge [sflag:s1], $0x2800  }
0x1cd: {  	[sflag:s1] =	ssyncset.done $0x0  }
0x1ce: {  	[sflag:s1] =	ssyncadd.s32 $0xFFFFD800  }
0x1cf: {  	[tilespmem:s31], [sflag:$0x4] =	stream.linear.gather [spmem:s29], $0x2800, $0x38;
	[tilespmem:$0x1C400] =	vst v63  }
0x1d0: {  	_ =	swait.ge [sflag:s1], $0x2800  }
0x1d1: {  	[sflag:s1] =	ssyncset.done $0x0  }
0x1d2: {  	s21 =	rddreg [dreg:$0xb];
	[sflag:s1] =	ssyncadd.s32 $0xFFFFD800  }
0x1d3: {  	[hbm4b:s21+s13] =	stream.linear.scatter [tilespmem:s31], [sflag:$0x4], $0x2800, $0x38;
	[tilespmem:$0x1C400] =	vst v63  }
0x1d4: {  	_ =	swait.ge [sflag:s1], $0x2800  }
0x1d5: {  	[sflag:s1] =	ssyncset.done $0x0  }
0x1d6: {  	[sflag:s1] =	ssyncadd.s32 $0xFFFFD800  }
0x1d7: {  	[tilespmem:s31], [sflag:$0x4] =	stream.linear.gather [spmem:s30], $0x2800, $0x38;
	[tilespmem:$0x1C400] =	vst v63  }
0x1d8: {  	_ =	swait.ge [sflag:s1], $0x2800  }
0x1d9: {  	[sflag:s1] =	ssyncset.done $0x0  }
0x1da: {  	s22 =	rddreg [dreg:$0xc];
	[sflag:s1] =	ssyncadd.s32 $0xFFFFD800  }
0x1db: {  	[hbm4b:s22+s13] =	stream.linear.scatter [tilespmem:s31], [sflag:$0x4], $0x2800, $0x38;
	[tilespmem:$0x1C400] =	vst v63  }
0x1dc: {  	_ =	swait.ge [sflag:s1], $0x2800  }
0x1dd: {  	[sflag:s1] =	ssyncset.done $0x0  }
0x1de: {  	s21 =	simm.s32 $0x7E80;
	[sflag:s1] =	ssyncadd.s32 $0xFFFFD800  }
0x1df: {  	[tilespmem:s21], [sflag:$0x4] =	stream.linear.gather [spmem:s24], $0x280, $0x38;
	[tilespmem:$0x1C400] =	vst v63  }
0x1e0: {  	_ =	swait.ge [sflag:s1], $0x280  }
0x1e1: {  	[sflag:s1] =	ssyncset.done $0x0  }
0x1e2: {  	s22 =	smov.u32 s24;
	s24 =	rddreg [dreg:$0xd];
	[sflag:s1] =	ssyncadd.s32 $0xFFFFFD80  }
0x1e3: {  	[hbm4b:s24+s13] =	stream.linear.scatter [tilespmem:s21], [sflag:$0x4], $0x280, $0x38;
	[tilespmem:$0x1C400] =	vst v63  }
0x1e4: {  	_ =	swait.ge [sflag:s1], $0x280  }
0x1e5: {  	s18 =	sadd.s32 $0x1, s18;
	s25 =	rddreg [dreg:$0xf]  }
0x1e6: {  	p0 =	sne.s32 s18, s25  }
.Ltmp4:
0x1e7: {  	_ = 	snop;
	(pc) =	sbr.rel @p0 .LBB2_1-.Ltmp4, $3  }
0x1e8: {  	_ =	sdelay $0x1  }
0x1e9: {  	[sflag:s1] =	ssyncset.done $0x0  }
0x1ea: {  	[sflag:s1] =	ssyncadd.s32 $0xFFFFFD80  }
0x1eb: {  	_ =	sfence.sel $0x180000  }
0x1ec: {  	[bflag:$0x0] =	sbarrier.arrive $0xFFFF  }
0x1ed: {  	_ =	strace $0x90000047  }
0x1ee: {  	s0 =	stileid.u32;
	[bflag:$0x2] =	sbarrier.arrive $0xFFFF  }
0x1ef: {  	p0 =	sne.s32 s0, $0x0;
	s0 =	rddreg [dreg:$0x4]  }
0x1f0: {  	s0 =	sadd.s32 @!p0 $0x100000, s0  }
0x1f1: {  	[sflag:s0] =	ssyncadd.tile.s32 @!p0 $0x1;
	_ =	shalt  }
.Lfunc_end2:
_tile_overlayer_lowered:
.L_overlay_start_2:
0x1f2: {  	(tag) =	ssettag $0x2  }
0x1f3: {  	s0 =	rddreg [dreg:$0x0];
	s2 =	stileid.u32  }
0x1f4: {  	s1 =	rddreg [dreg:$0x1];
	p0 =	sne.s32 s2, $0x0  }
0x1f5: {  	s3 =	rddreg [dreg:$0x2];
	[bflag:$0x3] =	sbarrier.arrive $0xFFFF;
	s2 =	simm.s32 @!p0 $0x1C04  }
0x1f6: {  	[timem:s3], [sflag:s2] =	dma.local @!p0 [hbm:s0], s1  }
0x1f7: {  	s0 =	simm.s32 @!p0 $0x4  }
0x1f8: {  	_ =	swait.ge @!p0 [sflag:s0], s1  }
0x1f9: {  	s1 =	ssub.s32 @!p0 $0x0, s1;
	[sflag:s0] =	ssyncset.done @!p0 $0x0  }
0x1fa: {  	[sflag:s0] =	ssyncadd.s32 @!p0 s1  }
0x1fb: {  	[bflag:$0x3] =	sbarrier.arrive $0xFFFF  }
0x1fc: {  	_ =	shalt  }

</sc_bundles>
